<compile_context>
chip_gen: v7x
topology: tpu7x:2x2x1
jax: 0.10.2.dev20260603
libtpu: 0.0.44.dev20260713+nightly
codegen_flags: <defaults>
</compile_context>

<pallas_src>
import functools

import jax
import jax.numpy as jnp
from jax import lax
from jax.experimental import pallas as pl
from jax.experimental.pallas import tpu as pltpu
from jax.experimental.pallas import tpu_sc as plsc

_B, _P, _G = 16, 20000, 50
_ROWS, _LANES = 160, 128
_PPAD = _ROWS * _LANES
_NEGPOS = 3
_THRESH = 0.5
_V0, _V1 = 0.1, 0.2


def _body(tgt_ref, loc_ref, conf_ref, pri_ref, out_ref, pool_ref, bp_ref):
    b = pl.program_id(0)
    f32 = jnp.float32
    riota = lax.broadcasted_iota(jnp.int32, (_ROWS, _LANES), 0)
    ciota = lax.broadcasted_iota(jnp.int32, (_ROWS, _LANES), 1)
    fiota = riota * _LANES + ciota

    pcx = pri_ref[0]
    pcy = pri_ref[1]
    pw = pri_ref[2]
    ph = pri_ref[3]
    px1 = pcx - pw / 2
    py1 = pcy - ph / 2
    px2 = pcx + pw / 2
    py2 = pcy + ph / 2
    parea = (px2 - px1) * (py2 - py1)

    def tgt(g, c):
        return tgt_ref[0, 0, g * 5 + c]

    def iou_row(g):
        gx1, gy1, gx2, gy2 = tgt(g, 0), tgt(g, 1), tgt(g, 2), tgt(g, 3)
        ga = (gx2 - gx1) * (gy2 - gy1)
        iw = jnp.maximum(jnp.minimum(px2, gx2) - jnp.maximum(px1, gx1), 0.0)
        ih = jnp.maximum(jnp.minimum(py2, gy2) - jnp.maximum(py1, gy1), 0.0)
        inter = iw * ih
        return inter / (ga + parea - inter)

    bov = jnp.full((_ROWS, _LANES), -1.0, f32)
    bidx = jnp.zeros((_ROWS, _LANES), jnp.int32)
    for g in range(0, _G, 2):
        iou_a = iou_row(g)
        iou_b = iou_row(g + 1)
        m_a = jnp.max(iou_a)
        bp_ref[g] = jnp.min(jnp.where(iou_a == m_a, fiota, jnp.int32(2**30)))
        m_b = jnp.max(iou_b)
        bp_ref[g + 1] = jnp.min(
            jnp.where(iou_b == m_b, fiota, jnp.int32(2**30)))
        bwins = iou_b > iou_a
        mval = jnp.where(bwins, iou_b, iou_a)
        midx = jnp.where(bwins, g + 1, g)
        upd = mval > bov
        bov = jnp.where(upd, mval, bov)
        bidx = jnp.where(upd, midx, bidx)

    for g in range(_G):
        mk = fiota == bp_ref[g]
        bov = jnp.where(mk, 2.0, bov)
        bidx = jnp.where(mk, g, bidx)

    z = jnp.zeros((_ROWS, _LANES), f32)
    mx1, my1, mx2, my2 = z, z, z, z
    for g in range(_G):
        mk = bidx == g
        mx1 = jnp.where(mk, tgt(g, 0), mx1)
        my1 = jnp.where(mk, tgt(g, 1), my1)
        mx2 = jnp.where(mk, tgt(g, 2), mx2)
        my2 = jnp.where(mk, tgt(g, 3), my2)

    pos = bov >= _THRESH

    gcx = ((mx1 + mx2) / 2 - pcx) / (_V0 * pw)
    gcy = ((my1 + my2) / 2 - pcy) / (_V0 * ph)
    gw = jnp.log((mx2 - mx1) / pw) / _V1
    gh = jnp.log((my2 - my1) / ph) / _V1
    l0 = loc_ref[0, 0]
    l1 = loc_ref[0, 1]
    l2 = loc_ref[0, 2]

    def sl1(d):
        ad = jnp.abs(d)
        return jnp.where(ad < 1.0, 0.5 * d * d, ad - 0.5)

    sl = sl1(l0 - gcx) + sl1(l1 - gcy) + sl1(l2 - gw) + sl1(l2 - gh)
    loss_l_b = jnp.sum(jnp.where(pos, sl, 0.0))

    c0 = conf_ref[0, 0]
    c1 = conf_ref[0, 1]
    mm = jnp.maximum(c0, c1)
    lse = jnp.log(jnp.exp(c0 - mm) + jnp.exp(c1 - mm)) + mm
    ce = lse - jnp.where(pos, c1, c0)
    npos_b = jnp.sum(jnp.where(pos, 1, 0).astype(jnp.int32))
    ce_pos_b = jnp.sum(jnp.where(pos, ce, 0.0))
    valid = fiota < _P
    pool_ref[...] = jnp.where(pos | (~valid), 0.0, ce).reshape(1, _ROWS, _LANES)

    r8 = lax.broadcasted_iota(jnp.int32, (8, 128), 0)
    c8 = lax.broadcasted_iota(jnp.int32, (8, 128), 1)
    contrib = (jnp.where((r8 == 0) & (c8 == 0), loss_l_b, 0.0)
               + jnp.where((r8 == 0) & (c8 == 1), ce_pos_b, 0.0)
               + jnp.where((r8 == 0) & (c8 == 2), npos_b.astype(f32), 0.0)
               + jnp.where((r8 == 1) & (c8 == b), npos_b.astype(f32), 0.0))

    @pl.when(b == 0)
    def _():
        out_ref[...] = jnp.zeros((8, 128), f32)

    out_ref[...] = out_ref[...] + contrib


_CHUNKS = _PPAD // 16


def _topk_sc_body(pool_f_hbm, pool_i_hbm, k_hbm, out_hbm, lo_hbm,
                  buf_f, buf_i, kv, red, outv, lov):
    wid = lax.axis_index("s") * 2 + lax.axis_index("c")

    @pl.when(wid < _B)
    def _():
        pltpu.sync_copy(pool_f_hbm.at[wid], buf_f)
        pltpu.sync_copy(pool_i_hbm.at[wid], buf_i)
        pltpu.sync_copy(k_hbm.at[wid], kv)
        kvec = kv[...]

        def csum16(x):
            for sh in (8, 4, 2, 1):
                red[pl.ds(0, 16)] = x
                red[pl.ds(16, 16)] = x
                x = x + red[pl.ds(sh, 16)]
            return x

        def count_ge(cand):
            def cbody(j, acc):
                v = buf_i[pl.ds(j * 16, 16)]
                return acc + jnp.where(v >= cand, 1, 0)
            acc = lax.fori_loop(0, _CHUNKS, cbody,
                                jnp.zeros((16,), jnp.int32), unroll=8)
            return csum16(acc)

        def bs(i, lo):
            cand = lo + (jnp.int32(1) << (jnp.int32(30) - i))
            return jnp.where(count_ge(cand) >= kvec, cand, lo)

        lo = lax.fori_loop(0, 31, bs, jnp.zeros((16,), jnp.int32))

        def fbody(j, carry):
            fs, cnt = carry
            m = buf_i[pl.ds(j * 16, 16)] > lo
            fs = fs + jnp.where(m, buf_f[pl.ds(j * 16, 16)], 0.0)
            cnt = cnt + jnp.where(m, 1.0, 0.0)
            return fs, cnt

        fs, cnt = lax.fori_loop(
            0, _CHUNKS, fbody,
            (jnp.zeros((16,), jnp.float32), jnp.zeros((16,), jnp.float32)),
            unroll=8)
        outv[0] = fs
        outv[1] = cnt
        lov[...] = lo
        pltpu.sync_copy(outv, out_hbm.at[wid])
        pltpu.sync_copy(lov, lo_hbm.at[wid])


@functools.cache
def _make_topk_sc():
    return functools.partial(
        pl.kernel,
        mesh=plsc.VectorSubcoreMesh(core_axis_name="c", subcore_axis_name="s"),
        out_type=[
            jax.ShapeDtypeStruct((_B, 2, 16), jnp.float32),
            jax.ShapeDtypeStruct((_B, 16), jnp.int32),
        ],
        scratch_types=[
            pltpu.VMEM((_PPAD,), jnp.float32),
            pltpu.VMEM((_PPAD,), jnp.int32),
            pltpu.VMEM((16,), jnp.int32),
            pltpu.VMEM((32,), jnp.int32),
            pltpu.VMEM((2, 16), jnp.float32),
            pltpu.VMEM((16,), jnp.int32),
        ],
    )(_topk_sc_body)


def kernel(loc_data, conf_data, priors, targets):
    pad = _PPAD - _P
    locp = jnp.pad(loc_data, ((0, 0), (0, pad), (0, 0)))
    locp = locp.transpose(0, 2, 1).reshape(_B, 3, _ROWS, _LANES)
    confp = jnp.pad(conf_data, ((0, 0), (0, pad), (0, 0)))
    confp = confp.transpose(0, 2, 1).reshape(_B, 2, _ROWS, _LANES)
    dummy = jnp.tile(jnp.array([[2.0, 2.0, 0.1, 0.1]], jnp.float32), (pad, 1))
    prip = jnp.concatenate([priors, dummy], axis=0).T.reshape(4, _ROWS, _LANES)
    tgt = targets.reshape(_B, 1, _G * 5)

    out, pool = pl.pallas_call(
        _body,
        grid=(_B,),
        in_specs=[
            pl.BlockSpec((1, 1, _G * 5), lambda b: (b, 0, 0),
                         memory_space=pltpu.SMEM),
            pl.BlockSpec((1, 3, _ROWS, _LANES), lambda b: (b, 0, 0, 0)),
            pl.BlockSpec((1, 2, _ROWS, _LANES), lambda b: (b, 0, 0, 0)),
            pl.BlockSpec((4, _ROWS, _LANES), lambda b: (0, 0, 0)),
        ],
        out_specs=[
            pl.BlockSpec((8, 128), lambda b: (0, 0)),
            pl.BlockSpec((1, _ROWS, _LANES), lambda b: (b, 0, 0)),
        ],
        out_shape=[
            jax.ShapeDtypeStruct((8, 128), jnp.float32),
            jax.ShapeDtypeStruct((_B, _ROWS, _LANES), jnp.float32),
        ],
        scratch_shapes=[pltpu.SMEM((_G,), jnp.int32)],
    )(tgt, locp, confp, prip)

    pool_f = pool.reshape(_B, _PPAD)
    pool_i = lax.bitcast_convert_type(pool_f, jnp.int32)
    npos_vec = out[1, :_B].astype(jnp.int32)
    kvec = jnp.minimum(_NEGPOS * npos_vec, _P - 1)
    kmat = jnp.broadcast_to(kvec[:, None], (_B, 16))
    res, lo = _make_topk_sc()(pool_f, pool_i, kmat)
    sum_gt = jnp.sum(res[:, 0, :], axis=1)
    cnt_gt = jnp.sum(res[:, 1, :], axis=1)
    t = lax.bitcast_convert_type(lo[:, 0], jnp.float32)
    topk = sum_gt + (kvec.astype(jnp.float32) - cnt_gt) * t

    n = out[0, 2]
    return (out[0, 0] / n, (out[0, 1] + jnp.sum(topk)) / n)

# --- scband reference (transcript-rebuilt; emitter-appended) ---
"""Pipeline reference for scband-multi-box-head-loss-90091234000967 (READ-ONLY COPY).

The authoritative reference and input builder live on the scoring server;
editing this copy changes nothing except your own understanding.
"""

import jax, jax.numpy as jnp
import numpy as np

THRESHOLD = 0.5
NEGPOS = 3
NUM_CLASSES = 2
VAR0, VAR1 = 0.1, 0.2


def setup_inputs(seed: int = 0) -> dict:
    key = jax.random.key(seed)
    k1, k2, k3, k4, k5, k6 = jax.random.split(key, 6)
    B, P, G = 16, 20000, 50
    loc_data = jax.random.normal(k1, (B, P, 3), dtype=jnp.float32)
    conf_data = jax.random.normal(k2, (B, P, 2), dtype=jnp.float32)
    # priors in (cx, cy, w, h) form, valid sizes
    cxcy = jax.random.uniform(k3, (P, 2), minval=0.05, maxval=0.95)
    wh = jax.random.uniform(k4, (P, 2), minval=0.05, maxval=0.3)
    priors = jnp.concatenate([cxcy, wh], axis=1).astype(jnp.float32)
    # GT boxes in corner form with label==1 (head) so all rows are selected
    xy1 = jax.random.uniform(k5, (B, G, 2), minval=0.0, maxval=0.7)
    twh = jax.random.uniform(k6, (B, G, 2), minval=0.05, maxval=0.25)
    boxes = jnp.concatenate([xy1, xy1 + twh], axis=-1)
    labels = jnp.ones((B, G, 1), jnp.float32)
    targets = jnp.concatenate([boxes, labels], axis=-1).astype(jnp.float32)
    return {"loc_data": loc_data, "conf_data": conf_data, "priors": priors, "targets": targets}


def point_form(p):
    return jnp.concatenate([p[:, :2] - p[:, 2:] / 2, p[:, :2] + p[:, 2:] / 2], axis=1)


def jaccard(a, b):
    lt = jnp.maximum(a[:, None, :2], b[None, :, :2])
    rb = jnp.minimum(a[:, None, 2:], b[None, :, 2:])
    wh = jnp.clip(rb - lt, 0.0, None)
    inter = wh[..., 0] * wh[..., 1]
    area_a = ((a[:, 2] - a[:, 0]) * (a[:, 3] - a[:, 1]))[:, None]
    area_b = ((b[:, 2] - b[:, 0]) * (b[:, 3] - b[:, 1]))[None, :]
    return inter / (area_a + area_b - inter)


def encode(matched, priors):
    g_cxcy = ((matched[:, :2] + matched[:, 2:]) / 2 - priors[:, :2]) / (VAR0 * priors[:, 2:])
    g_wh = jnp.log((matched[:, 2:] - matched[:, :2]) / priors[:, 2:]) / VAR1
    return jnp.concatenate([g_cxcy, g_wh], axis=1)


def match_one(truths, labels, priors):
    ov = jaccard(truths, point_form(priors))  # [G, P]
    best_prior_idx = jnp.argmax(ov, axis=1)   # [G]
    best_truth_overlap = jnp.max(ov, axis=0)  # [P]
    best_truth_idx = jnp.argmax(ov, axis=0)   # [P]
    best_truth_overlap = best_truth_overlap.at[best_prior_idx].set(2.0)
    best_truth_idx = best_truth_idx.at[best_prior_idx].set(jnp.arange(truths.shape[0]))
    matched = truths[best_truth_idx]
    conf = labels[best_truth_idx].astype(jnp.int32)
    conf = jnp.where(best_truth_overlap < THRESHOLD, 0, conf)
    return encode(matched, priors), conf


def log_sum_exp(x):
    m = jnp.max(x)
    return jnp.log(jnp.sum(jnp.exp(x - m), axis=1, keepdims=True)) + m


def reference(loc_data, conf_data, priors, targets):
    # convert_coord: [cx, cy, gw] -> [cx, cy, gw, gw]
    loc4 = jnp.concatenate([loc_data, loc_data[..., 2:3]], axis=-1)
    B, P = loc4.shape[0], loc4.shape[1]
    loc_t, conf_t = jax.vmap(lambda t: match_one(t[:, :4], t[:, 4], priors))(targets)
    pos = conf_t > 0  # [B, P]
    # localization loss (smooth L1, sum over positives)
    diff = loc4 - loc_t
    ad = jnp.abs(diff)
    sl1 = jnp.where(ad < 1.0, 0.5 * diff * diff, ad - 0.5)
    loss_l = jnp.sum(sl1 * pos[..., None].astype(jnp.float32))
    # hard negative mining
    batch_conf = conf_data.reshape(-1, NUM_CLASSES)
    conf_flat = conf_t.reshape(-1)
    lse = log_sum_exp(batch_conf)
    picked = jnp.take_along_axis(batch_conf, conf_flat[:, None], axis=1)
    loss_c_all = (lse - picked).reshape(-1)
    loss_c_all = jnp.where(pos.reshape(-1), 0.0, loss_c_all)
    loss_c_mat = loss_c_all.reshape(B, P)
    loss_idx = jnp.argsort(-loss_c_mat, axis=1)
    idx_rank = jnp.argsort(loss_idx, axis=1)
    num_pos = jnp.sum(pos.astype(jnp.int32), axis=1, keepdims=True)
    num_neg = jnp.minimum(NEGPOS * num_pos, P - 1)
    neg = idx_rank < num_neg
    sel = (pos | neg)
    ce = (lse - picked).reshape(B, P)
    loss_c = jnp.sum(ce * sel.astype(jnp.float32))
    N = jnp.sum(num_pos).astype(jnp.float32)
    return (loss_l / N, loss_c / N)

if __name__ == "__main__":
    import jax
    _d = setup_inputs()
    print(jax.jit(kernel)(*tuple(_d.values())))

</pallas_src>

<mosaic_0001>
#map = affine_map<(d0, d1) -> (0, 0)>
#map1 = affine_map<(d0, d1) -> (0, 0, 0)>
module attributes {stable_mosaic.version = 14 : i64} {
  func.func @_topk_sc_body(%arg0: i32, %arg1: i32, %arg2: memref<16x20480xf32, #tpu.memory_space<hbm>>, %arg3: memref<16x20480xi32, #tpu.memory_space<hbm>>, %arg4: memref<16x16xi32, #tpu.memory_space<hbm>>, %arg5: memref<16x2x16xf32, #tpu.memory_space<hbm>>, %arg6: memref<16x16xi32, #tpu.memory_space<hbm>>, %arg7: memref<20480xf32, #tpu.memory_space<vmem>>, %arg8: memref<20480xi32, #tpu.memory_space<vmem>>, %arg9: memref<16xi32, #tpu.memory_space<vmem>>, %arg10: memref<32xi32, #tpu.memory_space<vmem>>, %arg11: memref<2x16xf32, #tpu.memory_space<vmem>>, %arg12: memref<16xi32, #tpu.memory_space<vmem>>) attributes {dimension_semantics = [#tpu.dimension_semantics<core_parallel>, #tpu.dimension_semantics<subcore_parallel>], iteration_bounds = array<i64: 2, 16>, scalar_prefetch = 0 : i64, scratch_operands = 6 : i64, tpu.core_type = #tpu.core_type<sc_vector_subcore>, window_params = [{transform_indices = #map}, {transform_indices = #map}, {transform_indices = #map}, {transform_indices = #map1}, {transform_indices = #map}]} {
    %mul3A = arith.constant 2 : i32
    %mul3A_0 = arith.muli %arg1, %mul3A : i32
    %add3A = arith.addi %mul3A_0, %arg0 : i32
    %lt3A = arith.constant 16 : i32
    %lt3A_1 = arith.cmpi slt, %add3A, %lt3A : i32
    %convert_element_type3A = arith.extui %lt3A_1 : i1 to i32
    %cond3A = arith.constant 0 : i32
    %cond3A_2 = arith.cmpi ne, %convert_element_type3A, %cond3A : i32
    scf.if %cond3A_2 {
      "tpu.region"() ({
        %run_scoped3A = tpu.sem_alloc : memref<!tpu.dma_semaphore, #tpu.memory_space<semaphore_mem>>
        %dma_start3A = arith.constant 0 : i32
        %dma_start3A_36 = tpu.memref_slice %arg2[%add3A, %dma_start3A] : memref<16x20480xf32, #tpu.memory_space<hbm>> -> memref<1x20480xf32, #tpu.memory_space<hbm>>
        %dma_start3A_37 = tpu.memref_squeeze %dma_start3A_36 : memref<1x20480xf32, #tpu.memory_space<hbm>> -> memref<20480xf32, #tpu.memory_space<hbm>>
        %dma_start3A_38 = arith.constant 0 : i32
        %dma_start3A_39 = tpu.memref_slice %arg2[%add3A, %dma_start3A_38] : memref<16x20480xf32, #tpu.memory_space<hbm>> -> memref<1x20480xf32, #tpu.memory_space<hbm>>
        %dma_start3A_40 = tpu.memref_squeeze %dma_start3A_39 : memref<1x20480xf32, #tpu.memory_space<hbm>> -> memref<20480xf32, #tpu.memory_space<hbm>>
        tpu.enqueue_dma source(%dma_start3A_40 : memref<20480xf32, #tpu.memory_space<hbm>>) target(%arg7 : memref<20480xf32, #tpu.memory_space<vmem>>) target_semaphore(%run_scoped3A : memref<!tpu.dma_semaphore, #tpu.memory_space<semaphore_mem>>)
        %dma_wait3A = arith.constant 0 : i32
        %dma_wait3A_41 = tpu.memref_slice %arg2[%add3A, %dma_wait3A] : memref<16x20480xf32, #tpu.memory_space<hbm>> -> memref<1x20480xf32, #tpu.memory_space<hbm>>
        %dma_wait3A_42 = tpu.memref_squeeze %dma_wait3A_41 : memref<1x20480xf32, #tpu.memory_space<hbm>> -> memref<20480xf32, #tpu.memory_space<hbm>>
        %dma_wait3A_43 = arith.constant 0 : i32
        %dma_wait3A_44 = tpu.memref_slice %arg2[%add3A, %dma_wait3A_43] : memref<16x20480xf32, #tpu.memory_space<hbm>> -> memref<1x20480xf32, #tpu.memory_space<hbm>>
        %dma_wait3A_45 = tpu.memref_squeeze %dma_wait3A_44 : memref<1x20480xf32, #tpu.memory_space<hbm>> -> memref<20480xf32, #tpu.memory_space<hbm>>
        tpu.wait_dma2 semaphore(%run_scoped3A : memref<!tpu.dma_semaphore, #tpu.memory_space<semaphore_mem>>) src(%dma_wait3A_45 : memref<20480xf32, #tpu.memory_space<hbm>>) dst(%arg7 : memref<20480xf32, #tpu.memory_space<vmem>>)
        tpu.yield
      }) : () -> ()
      "tpu.region"() ({
        %run_scoped3A = tpu.sem_alloc : memref<!tpu.dma_semaphore, #tpu.memory_space<semaphore_mem>>
        %dma_start3A = arith.constant 0 : i32
        %dma_start3A_36 = tpu.memref_slice %arg3[%add3A, %dma_start3A] : memref<16x20480xi32, #tpu.memory_space<hbm>> -> memref<1x20480xi32, #tpu.memory_space<hbm>>
        %dma_start3A_37 = tpu.memref_squeeze %dma_start3A_36 : memref<1x20480xi32, #tpu.memory_space<hbm>> -> memref<20480xi32, #tpu.memory_space<hbm>>
        %dma_start3A_38 = arith.constant 0 : i32
        %dma_start3A_39 = tpu.memref_slice %arg3[%add3A, %dma_start3A_38] : memref<16x20480xi32, #tpu.memory_space<hbm>> -> memref<1x20480xi32, #tpu.memory_space<hbm>>
        %dma_start3A_40 = tpu.memref_squeeze %dma_start3A_39 : memref<1x20480xi32, #tpu.memory_space<hbm>> -> memref<20480xi32, #tpu.memory_space<hbm>>
        tpu.enqueue_dma source(%dma_start3A_40 : memref<20480xi32, #tpu.memory_space<hbm>>) target(%arg8 : memref<20480xi32, #tpu.memory_space<vmem>>) target_semaphore(%run_scoped3A : memref<!tpu.dma_semaphore, #tpu.memory_space<semaphore_mem>>)
        %dma_wait3A = arith.constant 0 : i32
        %dma_wait3A_41 = tpu.memref_slice %arg3[%add3A, %dma_wait3A] : memref<16x20480xi32, #tpu.memory_space<hbm>> -> memref<1x20480xi32, #tpu.memory_space<hbm>>
        %dma_wait3A_42 = tpu.memref_squeeze %dma_wait3A_41 : memref<1x20480xi32, #tpu.memory_space<hbm>> -> memref<20480xi32, #tpu.memory_space<hbm>>
        %dma_wait3A_43 = arith.constant 0 : i32
        %dma_wait3A_44 = tpu.memref_slice %arg3[%add3A, %dma_wait3A_43] : memref<16x20480xi32, #tpu.memory_space<hbm>> -> memref<1x20480xi32, #tpu.memory_space<hbm>>
        %dma_wait3A_45 = tpu.memref_squeeze %dma_wait3A_44 : memref<1x20480xi32, #tpu.memory_space<hbm>> -> memref<20480xi32, #tpu.memory_space<hbm>>
        tpu.wait_dma2 semaphore(%run_scoped3A : memref<!tpu.dma_semaphore, #tpu.memory_space<semaphore_mem>>) src(%dma_wait3A_45 : memref<20480xi32, #tpu.memory_space<hbm>>) dst(%arg8 : memref<20480xi32, #tpu.memory_space<vmem>>)
        tpu.yield
      }) : () -> ()
      "tpu.region"() ({
        %run_scoped3A = tpu.sem_alloc : memref<!tpu.dma_semaphore, #tpu.memory_space<semaphore_mem>>
        %dma_start3A = arith.constant 0 : i32
        %dma_start3A_36 = tpu.memref_slice %arg4[%add3A, %dma_start3A] : memref<16x16xi32, #tpu.memory_space<hbm>> -> memref<1x16xi32, #tpu.memory_space<hbm>>
        %dma_start3A_37 = tpu.memref_squeeze %dma_start3A_36 : memref<1x16xi32, #tpu.memory_space<hbm>> -> memref<16xi32, #tpu.memory_space<hbm>>
        %dma_start3A_38 = arith.constant 0 : i32
        %dma_start3A_39 = tpu.memref_slice %arg4[%add3A, %dma_start3A_38] : memref<16x16xi32, #tpu.memory_space<hbm>> -> memref<1x16xi32, #tpu.memory_space<hbm>>
        %dma_start3A_40 = tpu.memref_squeeze %dma_start3A_39 : memref<1x16xi32, #tpu.memory_space<hbm>> -> memref<16xi32, #tpu.memory_space<hbm>>
        tpu.enqueue_dma source(%dma_start3A_40 : memref<16xi32, #tpu.memory_space<hbm>>) target(%arg9 : memref<16xi32, #tpu.memory_space<vmem>>) target_semaphore(%run_scoped3A : memref<!tpu.dma_semaphore, #tpu.memory_space<semaphore_mem>>)
        %dma_wait3A = arith.constant 0 : i32
        %dma_wait3A_41 = tpu.memref_slice %arg4[%add3A, %dma_wait3A] : memref<16x16xi32, #tpu.memory_space<hbm>> -> memref<1x16xi32, #tpu.memory_space<hbm>>
        %dma_wait3A_42 = tpu.memref_squeeze %dma_wait3A_41 : memref<1x16xi32, #tpu.memory_space<hbm>> -> memref<16xi32, #tpu.memory_space<hbm>>
        %dma_wait3A_43 = arith.constant 0 : i32
        %dma_wait3A_44 = tpu.memref_slice %arg4[%add3A, %dma_wait3A_43] : memref<16x16xi32, #tpu.memory_space<hbm>> -> memref<1x16xi32, #tpu.memory_space<hbm>>
        %dma_wait3A_45 = tpu.memref_squeeze %dma_wait3A_44 : memref<1x16xi32, #tpu.memory_space<hbm>> -> memref<16xi32, #tpu.memory_space<hbm>>
        tpu.wait_dma2 semaphore(%run_scoped3A : memref<!tpu.dma_semaphore, #tpu.memory_space<semaphore_mem>>) src(%dma_wait3A_45 : memref<16xi32, #tpu.memory_space<hbm>>) dst(%arg9 : memref<16xi32, #tpu.memory_space<vmem>>)
        tpu.yield
      }) : () -> ()
      %get3A = arith.constant 0 : index
      %get3A_3 = tpu.vector_load %arg9[%get3A] {strides = array<i32>} : memref<16xi32, #tpu.memory_space<vmem>>, vector<16xi32>,
      %get3A_4 = vector.shape_cast %get3A_3 : vector<16xi32> to vector<16xi32>
      %broadcast_in_dim3A = arith.constant 0 : i32
      %broadcast_in_dim3A_5 = vector.broadcast %broadcast_in_dim3A : i32 to vector<16xi32>
      %scan3A = arith.constant 0 : i32
      %scan3A_6 = arith.constant 31 : i32
      %scan3A_7 = arith.addi %scan3A, %scan3A_6 : i32
      %scan3A_8 = arith.constant 1 : i32
      %scan3A_9 = scf.for %scan3A_36 = %scan3A to %scan3A_7 step %scan3A_8 iter_args(%scan3A_37 = %broadcast_in_dim3A_5) -> (vector<16xi32>)  : i32 {
        %sub3A = arith.constant 30 : i32
        %sub3A_38 = arith.subi %sub3A, %scan3A_36 : i32
        %shift_left3A = arith.constant 1 : i32
        %shift_left3A_39 = arith.shli %shift_left3A, %sub3A_38 : i32
        %add3A_40 = vector.broadcast %shift_left3A_39 : i32 to vector<16xi32>
        %add3A_41 = arith.addi %scan3A_37, %add3A_40 : vector<16xi32>
        %broadcast_in_dim3A_42 = arith.constant 0 : i32
        %broadcast_in_dim3A_43 = vector.broadcast %broadcast_in_dim3A_42 : i32 to vector<16xi32>
        %scan3A_44 = arith.constant 0 : i32
        %scan3A_45 = arith.constant 1280 : i32
        %scan3A_46 = arith.addi %scan3A_44, %scan3A_45 : i32
        %scan3A_47 = arith.constant 8 : i32
        %scan3A_48 = scf.for %scan3A_98 = %scan3A_44 to %scan3A_46 step %scan3A_47 iter_args(%scan3A_99 = %broadcast_in_dim3A_43) -> (vector<16xi32>)  : i32 {
          %mul3A_100 = arith.constant 16 : i32
          %mul3A_101 = arith.muli %scan3A_98, %mul3A_100 : i32
          %get3A_102 = arith.index_cast %mul3A_101 : i32 to index
          %get3A_103 = tpu.vector_load %arg8[%get3A_102] {strides = array<i32>} : memref<20480xi32, #tpu.memory_space<vmem>>, vector<16xi32>,
          %get3A_104 = vector.shape_cast %get3A_103 : vector<16xi32> to vector<16xi32>
          %ge3A_105 = arith.cmpi sge, %get3A_104, %add3A_41 : vector<16xi32>
          %jit3A = arith.constant 1 : i32
          %jit3A_106 = arith.constant 0 : i32
          %broadcast_in_dim3A_107 = vector.broadcast %jit3A : i32 to vector<16xi32>
          %broadcast_in_dim3A_108 = vector.broadcast %jit3A_106 : i32 to vector<16xi32>
          %select_n3A_109 = arith.select %ge3A_105, %broadcast_in_dim3A_107, %broadcast_in_dim3A_108 : vector<16xi1>, vector<16xi32>
          %add3A_110 = arith.addi %scan3A_99, %select_n3A_109 : vector<16xi32>
          %scan3A_111 = arith.constant 1 : i32
          %scan3A_112 = arith.addi %scan3A_98, %scan3A_111 : i32
          %mul3A_113 = arith.constant 16 : i32
          %mul3A_114 = arith.muli %scan3A_112, %mul3A_113 : i32
          %get3A_115 = arith.index_cast %mul3A_114 : i32 to index
          %get3A_116 = tpu.vector_load %arg8[%get3A_115] {strides = array<i32>} : memref<20480xi32, #tpu.memory_space<vmem>>, vector<16xi32>,
          %get3A_117 = vector.shape_cast %get3A_116 : vector<16xi32> to vector<16xi32>
          %ge3A_118 = arith.cmpi sge, %get3A_117, %add3A_41 : vector<16xi32>
          %jit3A_119 = arith.constant 1 : i32
          %jit3A_120 = arith.constant 0 : i32
          %broadcast_in_dim3A_121 = vector.broadcast %jit3A_119 : i32 to vector<16xi32>
          %broadcast_in_dim3A_122 = vector.broadcast %jit3A_120 : i32 to vector<16xi32>
          %select_n3A_123 = arith.select %ge3A_118, %broadcast_in_dim3A_121, %broadcast_in_dim3A_122 : vector<16xi1>, vector<16xi32>
          %add3A_124 = arith.addi %add3A_110, %select_n3A_123 : vector<16xi32>
          %scan3A_125 = arith.constant 2 : i32
          %scan3A_126 = arith.addi %scan3A_98, %scan3A_125 : i32
          %mul3A_127 = arith.constant 16 : i32
          %mul3A_128 = arith.muli %scan3A_126, %mul3A_127 : i32
          %get3A_129 = arith.index_cast %mul3A_128 : i32 to index
          %get3A_130 = tpu.vector_load %arg8[%get3A_129] {strides = array<i32>} : memref<20480xi32, #tpu.memory_space<vmem>>, vector<16xi32>,
          %get3A_131 = vector.shape_cast %get3A_130 : vector<16xi32> to vector<16xi32>
          %ge3A_132 = arith.cmpi sge, %get3A_131, %add3A_41 : vector<16xi32>
          %jit3A_133 = arith.constant 1 : i32
          %jit3A_134 = arith.constant 0 : i32
          %broadcast_in_dim3A_135 = vector.broadcast %jit3A_133 : i32 to vector<16xi32>
          %broadcast_in_dim3A_136 = vector.broadcast %jit3A_134 : i32 to vector<16xi32>
          %select_n3A_137 = arith.select %ge3A_132, %broadcast_in_dim3A_135, %broadcast_in_dim3A_136 : vector<16xi1>, vector<16xi32>
          %add3A_138 = arith.addi %add3A_124, %select_n3A_137 : vector<16xi32>
          %scan3A_139 = arith.constant 3 : i32
          %scan3A_140 = arith.addi %scan3A_98, %scan3A_139 : i32
          %mul3A_141 = arith.constant 16 : i32
          %mul3A_142 = arith.muli %scan3A_140, %mul3A_141 : i32
          %get3A_143 = arith.index_cast %mul3A_142 : i32 to index
          %get3A_144 = tpu.vector_load %arg8[%get3A_143] {strides = array<i32>} : memref<20480xi32, #tpu.memory_space<vmem>>, vector<16xi32>,
          %get3A_145 = vector.shape_cast %get3A_144 : vector<16xi32> to vector<16xi32>
          %ge3A_146 = arith.cmpi sge, %get3A_145, %add3A_41 : vector<16xi32>
          %jit3A_147 = arith.constant 1 : i32
          %jit3A_148 = arith.constant 0 : i32
          %broadcast_in_dim3A_149 = vector.broadcast %jit3A_147 : i32 to vector<16xi32>
          %broadcast_in_dim3A_150 = vector.broadcast %jit3A_148 : i32 to vector<16xi32>
          %select_n3A_151 = arith.select %ge3A_146, %broadcast_in_dim3A_149, %broadcast_in_dim3A_150 : vector<16xi1>, vector<16xi32>
          %add3A_152 = arith.addi %add3A_138, %select_n3A_151 : vector<16xi32>
          %scan3A_153 = arith.constant 4 : i32
          %scan3A_154 = arith.addi %scan3A_98, %scan3A_153 : i32
          %mul3A_155 = arith.constant 16 : i32
          %mul3A_156 = arith.muli %scan3A_154, %mul3A_155 : i32
          %get3A_157 = arith.index_cast %mul3A_156 : i32 to index
          %get3A_158 = tpu.vector_load %arg8[%get3A_157] {strides = array<i32>} : memref<20480xi32, #tpu.memory_space<vmem>>, vector<16xi32>,
          %get3A_159 = vector.shape_cast %get3A_158 : vector<16xi32> to vector<16xi32>
          %ge3A_160 = arith.cmpi sge, %get3A_159, %add3A_41 : vector<16xi32>
          %jit3A_161 = arith.constant 1 : i32
          %jit3A_162 = arith.constant 0 : i32
          %broadcast_in_dim3A_163 = vector.broadcast %jit3A_161 : i32 to vector<16xi32>
          %broadcast_in_dim3A_164 = vector.broadcast %jit3A_162 : i32 to vector<16xi32>
          %select_n3A_165 = arith.select %ge3A_160, %broadcast_in_dim3A_163, %broadcast_in_dim3A_164 : vector<16xi1>, vector<16xi32>
          %add3A_166 = arith.addi %add3A_152, %select_n3A_165 : vector<16xi32>
          %scan3A_167 = arith.constant 5 : i32
          %scan3A_168 = arith.addi %scan3A_98, %scan3A_167 : i32
          %mul3A_169 = arith.constant 16 : i32
          %mul3A_170 = arith.muli %scan3A_168, %mul3A_169 : i32
          %get3A_171 = arith.index_cast %mul3A_170 : i32 to index
          %get3A_172 = tpu.vector_load %arg8[%get3A_171] {strides = array<i32>} : memref<20480xi32, #tpu.memory_space<vmem>>, vector<16xi32>,
          %get3A_173 = vector.shape_cast %get3A_172 : vector<16xi32> to vector<16xi32>
          %ge3A_174 = arith.cmpi sge, %get3A_173, %add3A_41 : vector<16xi32>
          %jit3A_175 = arith.constant 1 : i32
          %jit3A_176 = arith.constant 0 : i32
          %broadcast_in_dim3A_177 = vector.broadcast %jit3A_175 : i32 to vector<16xi32>
          %broadcast_in_dim3A_178 = vector.broadcast %jit3A_176 : i32 to vector<16xi32>
          %select_n3A_179 = arith.select %ge3A_174, %broadcast_in_dim3A_177, %broadcast_in_dim3A_178 : vector<16xi1>, vector<16xi32>
          %add3A_180 = arith.addi %add3A_166, %select_n3A_179 : vector<16xi32>
          %scan3A_181 = arith.constant 6 : i32
          %scan3A_182 = arith.addi %scan3A_98, %scan3A_181 : i32
          %mul3A_183 = arith.constant 16 : i32
          %mul3A_184 = arith.muli %scan3A_182, %mul3A_183 : i32
          %get3A_185 = arith.index_cast %mul3A_184 : i32 to index
          %get3A_186 = tpu.vector_load %arg8[%get3A_185] {strides = array<i32>} : memref<20480xi32, #tpu.memory_space<vmem>>, vector<16xi32>,
          %get3A_187 = vector.shape_cast %get3A_186 : vector<16xi32> to vector<16xi32>
          %ge3A_188 = arith.cmpi sge, %get3A_187, %add3A_41 : vector<16xi32>
          %jit3A_189 = arith.constant 1 : i32
          %jit3A_190 = arith.constant 0 : i32
          %broadcast_in_dim3A_191 = vector.broadcast %jit3A_189 : i32 to vector<16xi32>
          %broadcast_in_dim3A_192 = vector.broadcast %jit3A_190 : i32 to vector<16xi32>
          %select_n3A_193 = arith.select %ge3A_188, %broadcast_in_dim3A_191, %broadcast_in_dim3A_192 : vector<16xi1>, vector<16xi32>
          %add3A_194 = arith.addi %add3A_180, %select_n3A_193 : vector<16xi32>
          %scan3A_195 = arith.constant 7 : i32
          %scan3A_196 = arith.addi %scan3A_98, %scan3A_195 : i32
          %mul3A_197 = arith.constant 16 : i32
          %mul3A_198 = arith.muli %scan3A_196, %mul3A_197 : i32
          %get3A_199 = arith.index_cast %mul3A_198 : i32 to index
          %get3A_200 = tpu.vector_load %arg8[%get3A_199] {strides = array<i32>} : memref<20480xi32, #tpu.memory_space<vmem>>, vector<16xi32>,
          %get3A_201 = vector.shape_cast %get3A_200 : vector<16xi32> to vector<16xi32>
          %ge3A_202 = arith.cmpi sge, %get3A_201, %add3A_41 : vector<16xi32>
          %jit3A_203 = arith.constant 1 : i32
          %jit3A_204 = arith.constant 0 : i32
          %broadcast_in_dim3A_205 = vector.broadcast %jit3A_203 : i32 to vector<16xi32>
          %broadcast_in_dim3A_206 = vector.broadcast %jit3A_204 : i32 to vector<16xi32>
          %select_n3A_207 = arith.select %ge3A_202, %broadcast_in_dim3A_205, %broadcast_in_dim3A_206 : vector<16xi1>, vector<16xi32>
          %add3A_208 = arith.addi %add3A_194, %select_n3A_207 : vector<16xi32>
          scf.yield %add3A_208 : vector<16xi32>
        }
        %scan3A_49 = arith.constant 1280 : i32
        %swap3A_50 = arith.constant 0 : index
        %swap3A_51 = tpu.vector_load %arg10[%swap3A_50] {strides = array<i32>} : memref<32xi32, #tpu.memory_space<vmem>>, vector<16xi32>,
        %swap3A_52 = vector.shape_cast %swap3A_51 : vector<16xi32> to vector<16xi32>
        %swap3A_53 = vector.shape_cast %scan3A_48 : vector<16xi32> to vector<16xi32>
        tpu.vector_store %arg10[%swap3A_50], %swap3A_53 {strides = array<i32>} : memref<32xi32, #tpu.memory_space<vmem>>, vector<16xi32>,
        %swap3A_54 = arith.constant 16 : index
        %swap3A_55 = tpu.vector_load %arg10[%swap3A_54] {strides = array<i32>} : memref<32xi32, #tpu.memory_space<vmem>>, vector<16xi32>,
        %swap3A_56 = vector.shape_cast %swap3A_55 : vector<16xi32> to vector<16xi32>
        %swap3A_57 = vector.shape_cast %scan3A_48 : vector<16xi32> to vector<16xi32>
        tpu.vector_store %arg10[%swap3A_54], %swap3A_57 {strides = array<i32>} : memref<32xi32, #tpu.memory_space<vmem>>, vector<16xi32>,
        %get3A_58 = arith.constant 8 : index
        %get3A_59 = tpu.vector_load %arg10[%get3A_58] {strides = array<i32>} : memref<32xi32, #tpu.memory_space<vmem>>, vector<16xi32>,
        %get3A_60 = vector.shape_cast %get3A_59 : vector<16xi32> to vector<16xi32>
        %add3A_61 = arith.addi %scan3A_48, %get3A_60 : vector<16xi32>
        %swap3A_62 = arith.constant 0 : index
        %swap3A_63 = tpu.vector_load %arg10[%swap3A_62] {strides = array<i32>} : memref<32xi32, #tpu.memory_space<vmem>>, vector<16xi32>,
        %swap3A_64 = vector.shape_cast %swap3A_63 : vector<16xi32> to vector<16xi32>
        %swap3A_65 = vector.shape_cast %add3A_61 : vector<16xi32> to vector<16xi32>
        tpu.vector_store %arg10[%swap3A_62], %swap3A_65 {strides = array<i32>} : memref<32xi32, #tpu.memory_space<vmem>>, vector<16xi32>,
        %swap3A_66 = arith.constant 16 : index
        %swap3A_67 = tpu.vector_load %arg10[%swap3A_66] {strides = array<i32>} : memref<32xi32, #tpu.memory_space<vmem>>, vector<16xi32>,
        %swap3A_68 = vector.shape_cast %swap3A_67 : vector<16xi32> to vector<16xi32>
        %swap3A_69 = vector.shape_cast %add3A_61 : vector<16xi32> to vector<16xi32>
        tpu.vector_store %arg10[%swap3A_66], %swap3A_69 {strides = array<i32>} : memref<32xi32, #tpu.memory_space<vmem>>, vector<16xi32>,
        %get3A_70 = arith.constant 4 : index
        %get3A_71 = tpu.vector_load %arg10[%get3A_70] {strides = array<i32>} : memref<32xi32, #tpu.memory_space<vmem>>, vector<16xi32>,
        %get3A_72 = vector.shape_cast %get3A_71 : vector<16xi32> to vector<16xi32>
        %add3A_73 = arith.addi %add3A_61, %get3A_72 : vector<16xi32>
        %swap3A_74 = arith.constant 0 : index
        %swap3A_75 = tpu.vector_load %arg10[%swap3A_74] {strides = array<i32>} : memref<32xi32, #tpu.memory_space<vmem>>, vector<16xi32>,
        %swap3A_76 = vector.shape_cast %swap3A_75 : vector<16xi32> to vector<16xi32>
        %swap3A_77 = vector.shape_cast %add3A_73 : vector<16xi32> to vector<16xi32>
        tpu.vector_store %arg10[%swap3A_74], %swap3A_77 {strides = array<i32>} : memref<32xi32, #tpu.memory_space<vmem>>, vector<16xi32>,
        %swap3A_78 = arith.constant 16 : index
        %swap3A_79 = tpu.vector_load %arg10[%swap3A_78] {strides = array<i32>} : memref<32xi32, #tpu.memory_space<vmem>>, vector<16xi32>,
        %swap3A_80 = vector.shape_cast %swap3A_79 : vector<16xi32> to vector<16xi32>
        %swap3A_81 = vector.shape_cast %add3A_73 : vector<16xi32> to vector<16xi32>
        tpu.vector_store %arg10[%swap3A_78], %swap3A_81 {strides = array<i32>} : memref<32xi32, #tpu.memory_space<vmem>>, vector<16xi32>,
        %get3A_82 = arith.constant 2 : index
        %get3A_83 = tpu.vector_load %arg10[%get3A_82] {strides = array<i32>} : memref<32xi32, #tpu.memory_space<vmem>>, vector<16xi32>,
        %get3A_84 = vector.shape_cast %get3A_83 : vector<16xi32> to vector<16xi32>
        %add3A_85 = arith.addi %add3A_73, %get3A_84 : vector<16xi32>
        %swap3A_86 = arith.constant 0 : index
        %swap3A_87 = tpu.vector_load %arg10[%swap3A_86] {strides = array<i32>} : memref<32xi32, #tpu.memory_space<vmem>>, vector<16xi32>,
        %swap3A_88 = vector.shape_cast %swap3A_87 : vector<16xi32> to vector<16xi32>
        %swap3A_89 = vector.shape_cast %add3A_85 : vector<16xi32> to vector<16xi32>
        tpu.vector_store %arg10[%swap3A_86], %swap3A_89 {strides = array<i32>} : memref<32xi32, #tpu.memory_space<vmem>>, vector<16xi32>,
        %swap3A_90 = arith.constant 16 : index
        %swap3A_91 = tpu.vector_load %arg10[%swap3A_90] {strides = array<i32>} : memref<32xi32, #tpu.memory_space<vmem>>, vector<16xi32>,
        %swap3A_92 = vector.shape_cast %swap3A_91 : vector<16xi32> to vector<16xi32>
        %swap3A_93 = vector.shape_cast %add3A_85 : vector<16xi32> to vector<16xi32>
        tpu.vector_store %arg10[%swap3A_90], %swap3A_93 {strides = array<i32>} : memref<32xi32, #tpu.memory_space<vmem>>, vector<16xi32>,
        %get3A_94 = arith.constant 1 : index
        %get3A_95 = tpu.vector_load %arg10[%get3A_94] {strides = array<i32>} : memref<32xi32, #tpu.memory_space<vmem>>, vector<16xi32>,
        %get3A_96 = vector.shape_cast %get3A_95 : vector<16xi32> to vector<16xi32>
        %add3A_97 = arith.addi %add3A_85, %get3A_96 : vector<16xi32>
        %ge3A = arith.cmpi sge, %add3A_97, %get3A_4 : vector<16xi32>
        %select_n3A = arith.select %ge3A, %add3A_41, %scan3A_37 : vector<16xi1>, vector<16xi32>
        scf.yield %select_n3A : vector<16xi32>
      }
      %scan3A_10 = arith.constant 31 : i32
      %broadcast_in_dim3A_11 = arith.constant 0.000000e+00 : f32
      %broadcast_in_dim3A_12 = vector.broadcast %broadcast_in_dim3A_11 : f32 to vector<16xf32>
      %broadcast_in_dim3A_13 = arith.constant 0.000000e+00 : f32
      %broadcast_in_dim3A_14 = vector.broadcast %broadcast_in_dim3A_13 : f32 to vector<16xf32>
      %scan3A_15 = arith.constant 0 : i32
      %scan3A_16 = arith.constant 1280 : i32
      %scan3A_17 = arith.addi %scan3A_15, %scan3A_16 : i32
      %scan3A_18 = arith.constant 8 : i32
      %scan3A_19:2 = scf.for %scan3A_36 = %scan3A_15 to %scan3A_17 step %scan3A_18 iter_args(%scan3A_37 = %broadcast_in_dim3A_12, %scan3A_38 = %broadcast_in_dim3A_14) -> (vector<16xf32>, vector<16xf32>)  : i32 {
        %mul3A_39 = arith.constant 16 : i32
        %mul3A_40 = arith.muli %scan3A_36, %mul3A_39 : i32
        %get3A_41 = arith.index_cast %mul3A_40 : i32 to index
        %get3A_42 = tpu.vector_load %arg8[%get3A_41] {strides = array<i32>} : memref<20480xi32, #tpu.memory_space<vmem>>, vector<16xi32>,
        %get3A_43 = vector.shape_cast %get3A_42 : vector<16xi32> to vector<16xi32>
        %gt3A = arith.cmpi sgt, %get3A_43, %scan3A_9 : vector<16xi32>
        %mul3A_44 = arith.constant 16 : i32
        %mul3A_45 = arith.muli %scan3A_36, %mul3A_44 : i32
        %get3A_46 = arith.index_cast %mul3A_45 : i32 to index
        %get3A_47 = tpu.vector_load %arg7[%get3A_46] {strides = array<i32>} : memref<20480xf32, #tpu.memory_space<vmem>>, vector<16xf32>,
        %get3A_48 = vector.shape_cast %get3A_47 : vector<16xf32> to vector<16xf32>
        %jit3A = arith.constant 0.000000e+00 : f32
        %broadcast_in_dim3A_49 = vector.broadcast %jit3A : f32 to vector<16xf32>
        %select_n3A = arith.select %gt3A, %get3A_48, %broadcast_in_dim3A_49 : vector<16xi1>, vector<16xf32>
        %add3A_50 = arith.addf %scan3A_37, %select_n3A : vector<16xf32>
        %jit3A_51 = arith.constant 1.000000e+00 : f32
        %jit3A_52 = arith.constant 0.000000e+00 : f32
        %broadcast_in_dim3A_53 = vector.broadcast %jit3A_51 : f32 to vector<16xf32>
        %broadcast_in_dim3A_54 = vector.broadcast %jit3A_52 : f32 to vector<16xf32>
        %select_n3A_55 = arith.select %gt3A, %broadcast_in_dim3A_53, %broadcast_in_dim3A_54 : vector<16xi1>, vector<16xf32>
        %add3A_56 = arith.addf %scan3A_38, %select_n3A_55 : vector<16xf32>
        %scan3A_57 = arith.constant 1 : i32
        %scan3A_58 = arith.addi %scan3A_36, %scan3A_57 : i32
        %mul3A_59 = arith.constant 16 : i32
        %mul3A_60 = arith.muli %scan3A_58, %mul3A_59 : i32
        %get3A_61 = arith.index_cast %mul3A_60 : i32 to index
        %get3A_62 = tpu.vector_load %arg8[%get3A_61] {strides = array<i32>} : memref<20480xi32, #tpu.memory_space<vmem>>, vector<16xi32>,
        %get3A_63 = vector.shape_cast %get3A_62 : vector<16xi32> to vector<16xi32>
        %gt3A_64 = arith.cmpi sgt, %get3A_63, %scan3A_9 : vector<16xi32>
        %mul3A_65 = arith.constant 16 : i32
        %mul3A_66 = arith.muli %scan3A_58, %mul3A_65 : i32
        %get3A_67 = arith.index_cast %mul3A_66 : i32 to index
        %get3A_68 = tpu.vector_load %arg7[%get3A_67] {strides = array<i32>} : memref<20480xf32, #tpu.memory_space<vmem>>, vector<16xf32>,
        %get3A_69 = vector.shape_cast %get3A_68 : vector<16xf32> to vector<16xf32>
        %jit3A_70 = arith.constant 0.000000e+00 : f32
        %broadcast_in_dim3A_71 = vector.broadcast %jit3A_70 : f32 to vector<16xf32>
        %select_n3A_72 = arith.select %gt3A_64, %get3A_69, %broadcast_in_dim3A_71 : vector<16xi1>, vector<16xf32>
        %add3A_73 = arith.addf %add3A_50, %select_n3A_72 : vector<16xf32>
        %jit3A_74 = arith.constant 1.000000e+00 : f32
        %jit3A_75 = arith.constant 0.000000e+00 : f32
        %broadcast_in_dim3A_76 = vector.broadcast %jit3A_74 : f32 to vector<16xf32>
        %broadcast_in_dim3A_77 = vector.broadcast %jit3A_75 : f32 to vector<16xf32>
        %select_n3A_78 = arith.select %gt3A_64, %broadcast_in_dim3A_76, %broadcast_in_dim3A_77 : vector<16xi1>, vector<16xf32>
        %add3A_79 = arith.addf %add3A_56, %select_n3A_78 : vector<16xf32>
        %scan3A_80 = arith.constant 2 : i32
        %scan3A_81 = arith.addi %scan3A_36, %scan3A_80 : i32
        %mul3A_82 = arith.constant 16 : i32
        %mul3A_83 = arith.muli %scan3A_81, %mul3A_82 : i32
        %get3A_84 = arith.index_cast %mul3A_83 : i32 to index
        %get3A_85 = tpu.vector_load %arg8[%get3A_84] {strides = array<i32>} : memref<20480xi32, #tpu.memory_space<vmem>>, vector<16xi32>,
        %get3A_86 = vector.shape_cast %get3A_85 : vector<16xi32> to vector<16xi32>
        %gt3A_87 = arith.cmpi sgt, %get3A_86, %scan3A_9 : vector<16xi32>
        %mul3A_88 = arith.constant 16 : i32
        %mul3A_89 = arith.muli %scan3A_81, %mul3A_88 : i32
        %get3A_90 = arith.index_cast %mul3A_89 : i32 to index
        %get3A_91 = tpu.vector_load %arg7[%get3A_90] {strides = array<i32>} : memref<20480xf32, #tpu.memory_space<vmem>>, vector<16xf32>,
        %get3A_92 = vector.shape_cast %get3A_91 : vector<16xf32> to vector<16xf32>
        %jit3A_93 = arith.constant 0.000000e+00 : f32
        %broadcast_in_dim3A_94 = vector.broadcast %jit3A_93 : f32 to vector<16xf32>
        %select_n3A_95 = arith.select %gt3A_87, %get3A_92, %broadcast_in_dim3A_94 : vector<16xi1>, vector<16xf32>
        %add3A_96 = arith.addf %add3A_73, %select_n3A_95 : vector<16xf32>
        %jit3A_97 = arith.constant 1.000000e+00 : f32
        %jit3A_98 = arith.constant 0.000000e+00 : f32
        %broadcast_in_dim3A_99 = vector.broadcast %jit3A_97 : f32 to vector<16xf32>
        %broadcast_in_dim3A_100 = vector.broadcast %jit3A_98 : f32 to vector<16xf32>
        %select_n3A_101 = arith.select %gt3A_87, %broadcast_in_dim3A_99, %broadcast_in_dim3A_100 : vector<16xi1>, vector<16xf32>
        %add3A_102 = arith.addf %add3A_79, %select_n3A_101 : vector<16xf32>
        %scan3A_103 = arith.constant 3 : i32
        %scan3A_104 = arith.addi %scan3A_36, %scan3A_103 : i32
        %mul3A_105 = arith.constant 16 : i32
        %mul3A_106 = arith.muli %scan3A_104, %mul3A_105 : i32
        %get3A_107 = arith.index_cast %mul3A_106 : i32 to index
        %get3A_108 = tpu.vector_load %arg8[%get3A_107] {strides = array<i32>} : memref<20480xi32, #tpu.memory_space<vmem>>, vector<16xi32>,
        %get3A_109 = vector.shape_cast %get3A_108 : vector<16xi32> to vector<16xi32>
        %gt3A_110 = arith.cmpi sgt, %get3A_109, %scan3A_9 : vector<16xi32>
        %mul3A_111 = arith.constant 16 : i32
        %mul3A_112 = arith.muli %scan3A_104, %mul3A_111 : i32
        %get3A_113 = arith.index_cast %mul3A_112 : i32 to index
        %get3A_114 = tpu.vector_load %arg7[%get3A_113] {strides = array<i32>} : memref<20480xf32, #tpu.memory_space<vmem>>, vector<16xf32>,
        %get3A_115 = vector.shape_cast %get3A_114 : vector<16xf32> to vector<16xf32>
        %jit3A_116 = arith.constant 0.000000e+00 : f32
        %broadcast_in_dim3A_117 = vector.broadcast %jit3A_116 : f32 to vector<16xf32>
        %select_n3A_118 = arith.select %gt3A_110, %get3A_115, %broadcast_in_dim3A_117 : vector<16xi1>, vector<16xf32>
        %add3A_119 = arith.addf %add3A_96, %select_n3A_118 : vector<16xf32>
        %jit3A_120 = arith.constant 1.000000e+00 : f32
        %jit3A_121 = arith.constant 0.000000e+00 : f32
        %broadcast_in_dim3A_122 = vector.broadcast %jit3A_120 : f32 to vector<16xf32>
        %broadcast_in_dim3A_123 = vector.broadcast %jit3A_121 : f32 to vector<16xf32>
        %select_n3A_124 = arith.select %gt3A_110, %broadcast_in_dim3A_122, %broadcast_in_dim3A_123 : vector<16xi1>, vector<16xf32>
        %add3A_125 = arith.addf %add3A_102, %select_n3A_124 : vector<16xf32>
        %scan3A_126 = arith.constant 4 : i32
        %scan3A_127 = arith.addi %scan3A_36, %scan3A_126 : i32
        %mul3A_128 = arith.constant 16 : i32
        %mul3A_129 = arith.muli %scan3A_127, %mul3A_128 : i32
        %get3A_130 = arith.index_cast %mul3A_129 : i32 to index
        %get3A_131 = tpu.vector_load %arg8[%get3A_130] {strides = array<i32>} : memref<20480xi32, #tpu.memory_space<vmem>>, vector<16xi32>,
        %get3A_132 = vector.shape_cast %get3A_131 : vector<16xi32> to vector<16xi32>
        %gt3A_133 = arith.cmpi sgt, %get3A_132, %scan3A_9 : vector<16xi32>
        %mul3A_134 = arith.constant 16 : i32
        %mul3A_135 = arith.muli %scan3A_127, %mul3A_134 : i32
        %get3A_136 = arith.index_cast %mul3A_135 : i32 to index
        %get3A_137 = tpu.vector_load %arg7[%get3A_136] {strides = array<i32>} : memref<20480xf32, #tpu.memory_space<vmem>>, vector<16xf32>,
        %get3A_138 = vector.shape_cast %get3A_137 : vector<16xf32> to vector<16xf32>
        %jit3A_139 = arith.constant 0.000000e+00 : f32
        %broadcast_in_dim3A_140 = vector.broadcast %jit3A_139 : f32 to vector<16xf32>
        %select_n3A_141 = arith.select %gt3A_133, %get3A_138, %broadcast_in_dim3A_140 : vector<16xi1>, vector<16xf32>
        %add3A_142 = arith.addf %add3A_119, %select_n3A_141 : vector<16xf32>
        %jit3A_143 = arith.constant 1.000000e+00 : f32
        %jit3A_144 = arith.constant 0.000000e+00 : f32
        %broadcast_in_dim3A_145 = vector.broadcast %jit3A_143 : f32 to vector<16xf32>
        %broadcast_in_dim3A_146 = vector.broadcast %jit3A_144 : f32 to vector<16xf32>
        %select_n3A_147 = arith.select %gt3A_133, %broadcast_in_dim3A_145, %broadcast_in_dim3A_146 : vector<16xi1>, vector<16xf32>
        %add3A_148 = arith.addf %add3A_125, %select_n3A_147 : vector<16xf32>
        %scan3A_149 = arith.constant 5 : i32
        %scan3A_150 = arith.addi %scan3A_36, %scan3A_149 : i32
        %mul3A_151 = arith.constant 16 : i32
        %mul3A_152 = arith.muli %scan3A_150, %mul3A_151 : i32
        %get3A_153 = arith.index_cast %mul3A_152 : i32 to index
        %get3A_154 = tpu.vector_load %arg8[%get3A_153] {strides = array<i32>} : memref<20480xi32, #tpu.memory_space<vmem>>, vector<16xi32>,
        %get3A_155 = vector.shape_cast %get3A_154 : vector<16xi32> to vector<16xi32>
        %gt3A_156 = arith.cmpi sgt, %get3A_155, %scan3A_9 : vector<16xi32>
        %mul3A_157 = arith.constant 16 : i32
        %mul3A_158 = arith.muli %scan3A_150, %mul3A_157 : i32
        %get3A_159 = arith.index_cast %mul3A_158 : i32 to index
        %get3A_160 = tpu.vector_load %arg7[%get3A_159] {strides = array<i32>} : memref<20480xf32, #tpu.memory_space<vmem>>, vector<16xf32>,
        %get3A_161 = vector.shape_cast %get3A_160 : vector<16xf32> to vector<16xf32>
        %jit3A_162 = arith.constant 0.000000e+00 : f32
        %broadcast_in_dim3A_163 = vector.broadcast %jit3A_162 : f32 to vector<16xf32>
        %select_n3A_164 = arith.select %gt3A_156, %get3A_161, %broadcast_in_dim3A_163 : vector<16xi1>, vector<16xf32>
        %add3A_165 = arith.addf %add3A_142, %select_n3A_164 : vector<16xf32>
        %jit3A_166 = arith.constant 1.000000e+00 : f32
        %jit3A_167 = arith.constant 0.000000e+00 : f32
        %broadcast_in_dim3A_168 = vector.broadcast %jit3A_166 : f32 to vector<16xf32>
        %broadcast_in_dim3A_169 = vector.broadcast %jit3A_167 : f32 to vector<16xf32>
        %select_n3A_170 = arith.select %gt3A_156, %broadcast_in_dim3A_168, %broadcast_in_dim3A_169 : vector<16xi1>, vector<16xf32>
        %add3A_171 = arith.addf %add3A_148, %select_n3A_170 : vector<16xf32>
        %scan3A_172 = arith.constant 6 : i32
        %scan3A_173 = arith.addi %scan3A_36, %scan3A_172 : i32
        %mul3A_174 = arith.constant 16 : i32
        %mul3A_175 = arith.muli %scan3A_173, %mul3A_174 : i32
        %get3A_176 = arith.index_cast %mul3A_175 : i32 to index
        %get3A_177 = tpu.vector_load %arg8[%get3A_176] {strides = array<i32>} : memref<20480xi32, #tpu.memory_space<vmem>>, vector<16xi32>,
        %get3A_178 = vector.shape_cast %get3A_177 : vector<16xi32> to vector<16xi32>
        %gt3A_179 = arith.cmpi sgt, %get3A_178, %scan3A_9 : vector<16xi32>
        %mul3A_180 = arith.constant 16 : i32
        %mul3A_181 = arith.muli %scan3A_173, %mul3A_180 : i32
        %get3A_182 = arith.index_cast %mul3A_181 : i32 to index
        %get3A_183 = tpu.vector_load %arg7[%get3A_182] {strides = array<i32>} : memref<20480xf32, #tpu.memory_space<vmem>>, vector<16xf32>,
        %get3A_184 = vector.shape_cast %get3A_183 : vector<16xf32> to vector<16xf32>
        %jit3A_185 = arith.constant 0.000000e+00 : f32
        %broadcast_in_dim3A_186 = vector.broadcast %jit3A_185 : f32 to vector<16xf32>
        %select_n3A_187 = arith.select %gt3A_179, %get3A_184, %broadcast_in_dim3A_186 : vector<16xi1>, vector<16xf32>
        %add3A_188 = arith.addf %add3A_165, %select_n3A_187 : vector<16xf32>
        %jit3A_189 = arith.constant 1.000000e+00 : f32
        %jit3A_190 = arith.constant 0.000000e+00 : f32
        %broadcast_in_dim3A_191 = vector.broadcast %jit3A_189 : f32 to vector<16xf32>
        %broadcast_in_dim3A_192 = vector.broadcast %jit3A_190 : f32 to vector<16xf32>
        %select_n3A_193 = arith.select %gt3A_179, %broadcast_in_dim3A_191, %broadcast_in_dim3A_192 : vector<16xi1>, vector<16xf32>
        %add3A_194 = arith.addf %add3A_171, %select_n3A_193 : vector<16xf32>
        %scan3A_195 = arith.constant 7 : i32
        %scan3A_196 = arith.addi %scan3A_36, %scan3A_195 : i32
        %mul3A_197 = arith.constant 16 : i32
        %mul3A_198 = arith.muli %scan3A_196, %mul3A_197 : i32
        %get3A_199 = arith.index_cast %mul3A_198 : i32 to index
        %get3A_200 = tpu.vector_load %arg8[%get3A_199] {strides = array<i32>} : memref<20480xi32, #tpu.memory_space<vmem>>, vector<16xi32>,
        %get3A_201 = vector.shape_cast %get3A_200 : vector<16xi32> to vector<16xi32>
        %gt3A_202 = arith.cmpi sgt, %get3A_201, %scan3A_9 : vector<16xi32>
        %mul3A_203 = arith.constant 16 : i32
        %mul3A_204 = arith.muli %scan3A_196, %mul3A_203 : i32
        %get3A_205 = arith.index_cast %mul3A_204 : i32 to index
        %get3A_206 = tpu.vector_load %arg7[%get3A_205] {strides = array<i32>} : memref<20480xf32, #tpu.memory_space<vmem>>, vector<16xf32>,
        %get3A_207 = vector.shape_cast %get3A_206 : vector<16xf32> to vector<16xf32>
        %jit3A_208 = arith.constant 0.000000e+00 : f32
        %broadcast_in_dim3A_209 = vector.broadcast %jit3A_208 : f32 to vector<16xf32>
        %select_n3A_210 = arith.select %gt3A_202, %get3A_207, %broadcast_in_dim3A_209 : vector<16xi1>, vector<16xf32>
        %add3A_211 = arith.addf %add3A_188, %select_n3A_210 : vector<16xf32>
        %jit3A_212 = arith.constant 1.000000e+00 : f32
        %jit3A_213 = arith.constant 0.000000e+00 : f32
        %broadcast_in_dim3A_214 = vector.broadcast %jit3A_212 : f32 to vector<16xf32>
        %broadcast_in_dim3A_215 = vector.broadcast %jit3A_213 : f32 to vector<16xf32>
        %select_n3A_216 = arith.select %gt3A_202, %broadcast_in_dim3A_214, %broadcast_in_dim3A_215 : vector<16xi1>, vector<16xf32>
        %add3A_217 = arith.addf %add3A_194, %select_n3A_216 : vector<16xf32>
        scf.yield %add3A_211, %add3A_217 : vector<16xf32>, vector<16xf32>
      }
      %scan3A_20 = arith.constant 1280 : i32
      %swap3A = arith.constant 0 : i32
      %swap3A_21 = arith.index_cast %swap3A : i32 to index
      %swap3A_22 = arith.constant 0 : index
      %swap3A_23 = tpu.vector_load %arg11[%swap3A_21, %swap3A_22] {strides = array<i32>} : memref<2x16xf32, #tpu.memory_space<vmem>>, vector<1x16xf32>,
      %swap3A_24 = vector.shape_cast %swap3A_23 : vector<1x16xf32> to vector<16xf32>
      %swap3A_25 = vector.shape_cast %scan3A_19#0 : vector<16xf32> to vector<1x16xf32>
      tpu.vector_store %arg11[%swap3A_21, %swap3A_22], %swap3A_25 {strides = array<i32>} : memref<2x16xf32, #tpu.memory_space<vmem>>, vector<1x16xf32>,
      %swap3A_26 = arith.constant 1 : i32
      %swap3A_27 = arith.index_cast %swap3A_26 : i32 to index
      %swap3A_28 = arith.constant 0 : index
      %swap3A_29 = tpu.vector_load %arg11[%swap3A_27, %swap3A_28] {strides = array<i32>} : memref<2x16xf32, #tpu.memory_space<vmem>>, vector<1x16xf32>,
      %swap3A_30 = vector.shape_cast %swap3A_29 : vector<1x16xf32> to vector<16xf32>
      %swap3A_31 = vector.shape_cast %scan3A_19#1 : vector<16xf32> to vector<1x16xf32>
      tpu.vector_store %arg11[%swap3A_27, %swap3A_28], %swap3A_31 {strides = array<i32>} : memref<2x16xf32, #tpu.memory_space<vmem>>, vector<1x16xf32>,
      %swap3A_32 = arith.constant 0 : index
      %swap3A_33 = tpu.vector_load %arg12[%swap3A_32] {strides = array<i32>} : memref<16xi32, #tpu.memory_space<vmem>>, vector<16xi32>,
      %swap3A_34 = vector.shape_cast %swap3A_33 : vector<16xi32> to vector<16xi32>
      %swap3A_35 = vector.shape_cast %scan3A_9 : vector<16xi32> to vector<16xi32>
      tpu.vector_store %arg12[%swap3A_32], %swap3A_35 {strides = array<i32>} : memref<16xi32, #tpu.memory_space<vmem>>, vector<16xi32>,
      "tpu.region"() ({
        %run_scoped3A = tpu.sem_alloc : memref<!tpu.dma_semaphore, #tpu.memory_space<semaphore_mem>>
        %dma_start3A = arith.constant 0 : i32
        %dma_start3A_36 = arith.constant 0 : i32
        %dma_start3A_37 = tpu.memref_slice %arg5[%add3A, %dma_start3A, %dma_start3A_36] : memref<16x2x16xf32, #tpu.memory_space<hbm>> -> memref<1x2x16xf32, #tpu.memory_space<hbm>>
        %dma_start3A_38 = tpu.memref_squeeze %dma_start3A_37 : memref<1x2x16xf32, #tpu.memory_space<hbm>> -> memref<2x16xf32, #tpu.memory_space<hbm>>
        %dma_start3A_39 = arith.constant 0 : i32
        %dma_start3A_40 = arith.constant 0 : i32
        %dma_start3A_41 = tpu.memref_slice %arg5[%add3A, %dma_start3A_39, %dma_start3A_40] : memref<16x2x16xf32, #tpu.memory_space<hbm>> -> memref<1x2x16xf32, #tpu.memory_space<hbm>>
        %dma_start3A_42 = tpu.memref_squeeze %dma_start3A_41 : memref<1x2x16xf32, #tpu.memory_space<hbm>> -> memref<2x16xf32, #tpu.memory_space<hbm>>
        tpu.enqueue_dma source(%arg11 : memref<2x16xf32, #tpu.memory_space<vmem>>) target(%dma_start3A_42 : memref<2x16xf32, #tpu.memory_space<hbm>>) target_semaphore(%run_scoped3A : memref<!tpu.dma_semaphore, #tpu.memory_space<semaphore_mem>>)
        %dma_wait3A = arith.constant 0 : i32
        %dma_wait3A_43 = arith.constant 0 : i32
        %dma_wait3A_44 = tpu.memref_slice %arg5[%add3A, %dma_wait3A, %dma_wait3A_43] : memref<16x2x16xf32, #tpu.memory_space<hbm>> -> memref<1x2x16xf32, #tpu.memory_space<hbm>>
        %dma_wait3A_45 = tpu.memref_squeeze %dma_wait3A_44 : memref<1x2x16xf32, #tpu.memory_space<hbm>> -> memref<2x16xf32, #tpu.memory_space<hbm>>
        %dma_wait3A_46 = arith.constant 0 : i32
        %dma_wait3A_47 = arith.constant 0 : i32
        %dma_wait3A_48 = tpu.memref_slice %arg5[%add3A, %dma_wait3A_46, %dma_wait3A_47] : memref<16x2x16xf32, #tpu.memory_space<hbm>> -> memref<1x2x16xf32, #tpu.memory_space<hbm>>
        %dma_wait3A_49 = tpu.memref_squeeze %dma_wait3A_48 : memref<1x2x16xf32, #tpu.memory_space<hbm>> -> memref<2x16xf32, #tpu.memory_space<hbm>>
        tpu.wait_dma2 semaphore(%run_scoped3A : memref<!tpu.dma_semaphore, #tpu.memory_space<semaphore_mem>>) src(%arg11 : memref<2x16xf32, #tpu.memory_space<vmem>>) dst(%dma_wait3A_49 : memref<2x16xf32, #tpu.memory_space<hbm>>)
        tpu.yield
      }) : () -> ()
      "tpu.region"() ({
        %run_scoped3A = tpu.sem_alloc : memref<!tpu.dma_semaphore, #tpu.memory_space<semaphore_mem>>
        %dma_start3A = arith.constant 0 : i32
        %dma_start3A_36 = tpu.memref_slice %arg6[%add3A, %dma_start3A] : memref<16x16xi32, #tpu.memory_space<hbm>> -> memref<1x16xi32, #tpu.memory_space<hbm>>
        %dma_start3A_37 = tpu.memref_squeeze %dma_start3A_36 : memref<1x16xi32, #tpu.memory_space<hbm>> -> memref<16xi32, #tpu.memory_space<hbm>>
        %dma_start3A_38 = arith.constant 0 : i32
        %dma_start3A_39 = tpu.memref_slice %arg6[%add3A, %dma_start3A_38] : memref<16x16xi32, #tpu.memory_space<hbm>> -> memref<1x16xi32, #tpu.memory_space<hbm>>
        %dma_start3A_40 = tpu.memref_squeeze %dma_start3A_39 : memref<1x16xi32, #tpu.memory_space<hbm>> -> memref<16xi32, #tpu.memory_space<hbm>>
        tpu.enqueue_dma source(%arg12 : memref<16xi32, #tpu.memory_space<vmem>>) target(%dma_start3A_40 : memref<16xi32, #tpu.memory_space<hbm>>) target_semaphore(%run_scoped3A : memref<!tpu.dma_semaphore, #tpu.memory_space<semaphore_mem>>)
        %dma_wait3A = arith.constant 0 : i32
        %dma_wait3A_41 = tpu.memref_slice %arg6[%add3A, %dma_wait3A] : memref<16x16xi32, #tpu.memory_space<hbm>> -> memref<1x16xi32, #tpu.memory_space<hbm>>
        %dma_wait3A_42 = tpu.memref_squeeze %dma_wait3A_41 : memref<1x16xi32, #tpu.memory_space<hbm>> -> memref<16xi32, #tpu.memory_space<hbm>>
        %dma_wait3A_43 = arith.constant 0 : i32
        %dma_wait3A_44 = tpu.memref_slice %arg6[%add3A, %dma_wait3A_43] : memref<16x16xi32, #tpu.memory_space<hbm>> -> memref<1x16xi32, #tpu.memory_space<hbm>>
        %dma_wait3A_45 = tpu.memref_squeeze %dma_wait3A_44 : memref<1x16xi32, #tpu.memory_space<hbm>> -> memref<16xi32, #tpu.memory_space<hbm>>
        tpu.wait_dma2 semaphore(%run_scoped3A : memref<!tpu.dma_semaphore, #tpu.memory_space<semaphore_mem>>) src(%arg12 : memref<16xi32, #tpu.memory_space<vmem>>) dst(%dma_wait3A_45 : memref<16xi32, #tpu.memory_space<hbm>>)
        tpu.yield
      }) : () -> ()
    } else {
    }
    return
  }
}

module attributes {stable_mosaic.version = 14 : i64} {
  func.func @_body(%arg0: i32, %arg1: memref<1x1x250xf32, #tpu.memory_space<smem>>, %arg2: memref<1x3x160x128xf32, #tpu.memory_space<vmem>>, %arg3: memref<1x2x160x128xf32, #tpu.memory_space<vmem>>, %arg4: memref<4x160x128xf32, #tpu.memory_space<vmem>>, %arg5: memref<8x128xf32, #tpu.memory_space<vmem>>, %arg6: memref<1x160x128xf32, #tpu.memory_space<vmem>>, %arg7: memref<50xi32, #tpu.memory_space<smem>>) attributes {dimension_semantics = [#tpu.dimension_semantics<arbitrary>], iteration_bounds = array<i64: 16>, scalar_prefetch = 0 : i64, scratch_operands = 1 : i64, tpu.core_type = #tpu.core_type<tc>, window_params = [{transform_indices = @transform_0, window_bounds = array<i64: 1, 1, 250>}, {transform_indices = @transform_1, window_bounds = array<i64: 1, 3, 160, 128>}, {transform_indices = @transform_2, window_bounds = array<i64: 1, 2, 160, 128>}, {pipeline_mode = #tpu.pipeline_mode<synchronous>, transform_indices = @transform_3, window_bounds = array<i64: 4, 160, 128>}, {pipeline_mode = #tpu.pipeline_mode<synchronous>, transform_indices = @transform_4, window_bounds = array<i64: 8, 128>}, {transform_indices = @transform_5, window_bounds = array<i64: 1, 160, 128>}]} {
    %iota3A = tpu.iota {dimensions = array<i32: 0>} : vector<160x128xi32>
    %iota3A_0 = tpu.iota {dimensions = array<i32: 1>} : vector<160x128xi32>
    %mul3A = arith.constant 128 : i32
    %mul3A_1 = vector.broadcast %mul3A : i32 to vector<160x128xi32>
    %mul3A_2 = arith.muli %iota3A, %mul3A_1 : vector<160x128xi32>
    %add3A = arith.addi %mul3A_2, %iota3A_0 : vector<160x128xi32>
    %get3A = arith.constant 0 : index
    %get3A_3 = arith.constant 0 : index
    %get3A_4 = arith.constant 0 : index
    %get3A_5 = vector.load %arg4[%get3A, %get3A_3, %get3A_4] : memref<4x160x128xf32, #tpu.memory_space<vmem>>, vector<1x160x128xf32>
    %get3A_6 = vector.shape_cast %get3A_5 : vector<1x160x128xf32> to vector<160x128xf32>
    %get3A_7 = arith.constant 1 : index
    %get3A_8 = arith.constant 0 : index
    %get3A_9 = arith.constant 0 : index
    %get3A_10 = vector.load %arg4[%get3A_7, %get3A_8, %get3A_9] : memref<4x160x128xf32, #tpu.memory_space<vmem>>, vector<1x160x128xf32>
    %get3A_11 = vector.shape_cast %get3A_10 : vector<1x160x128xf32> to vector<160x128xf32>
    %get3A_12 = arith.constant 2 : index
    %get3A_13 = arith.constant 0 : index
    %get3A_14 = arith.constant 0 : index
    %get3A_15 = vector.load %arg4[%get3A_12, %get3A_13, %get3A_14] : memref<4x160x128xf32, #tpu.memory_space<vmem>>, vector<1x160x128xf32>
    %get3A_16 = vector.shape_cast %get3A_15 : vector<1x160x128xf32> to vector<160x128xf32>
    %get3A_17 = arith.constant 3 : index
    %get3A_18 = arith.constant 0 : index
    %get3A_19 = arith.constant 0 : index
    %get3A_20 = vector.load %arg4[%get3A_17, %get3A_18, %get3A_19] : memref<4x160x128xf32, #tpu.memory_space<vmem>>, vector<1x160x128xf32>
    %get3A_21 = vector.shape_cast %get3A_20 : vector<1x160x128xf32> to vector<160x128xf32>
    %div3A = arith.constant 2.000000e+00 : f32
    %div3A_22 = vector.broadcast %div3A : f32 to vector<160x128xf32>
    %div3A_23 = arith.divf %get3A_16, %div3A_22 : vector<160x128xf32>
    %sub3A = arith.subf %get3A_6, %div3A_23 : vector<160x128xf32>
    %div3A_24 = arith.constant 2.000000e+00 : f32
    %div3A_25 = vector.broadcast %div3A_24 : f32 to vector<160x128xf32>
    %div3A_26 = arith.divf %get3A_21, %div3A_25 : vector<160x128xf32>
    %sub3A_27 = arith.subf %get3A_11, %div3A_26 : vector<160x128xf32>
    %div3A_28 = arith.constant 2.000000e+00 : f32
    %div3A_29 = vector.broadcast %div3A_28 : f32 to vector<160x128xf32>
    %div3A_30 = arith.divf %get3A_16, %div3A_29 : vector<160x128xf32>
    %add3A_31 = arith.addf %get3A_6, %div3A_30 : vector<160x128xf32>
    %div3A_32 = arith.constant 2.000000e+00 : f32
    %div3A_33 = vector.broadcast %div3A_32 : f32 to vector<160x128xf32>
    %div3A_34 = arith.divf %get3A_21, %div3A_33 : vector<160x128xf32>
    %add3A_35 = arith.addf %get3A_11, %div3A_34 : vector<160x128xf32>
    %sub3A_36 = arith.subf %add3A_31, %sub3A : vector<160x128xf32>
    %sub3A_37 = arith.subf %add3A_35, %sub3A_27 : vector<160x128xf32>
    %mul3A_38 = arith.mulf %sub3A_36, %sub3A_37 : vector<160x128xf32>
    %broadcast_in_dim3A = arith.constant -1.000000e+00 : f32
    %broadcast_in_dim3A_39 = vector.broadcast %broadcast_in_dim3A : f32 to vector<160x128xf32>
    %broadcast_in_dim3A_40 = arith.constant 0 : i32
    %broadcast_in_dim3A_41 = vector.broadcast %broadcast_in_dim3A_40 : i32 to vector<160x128xi32>
    %get3A_42 = arith.constant 0 : index
    %get3A_43 = arith.constant 0 : index
    %get3A_44 = arith.constant 0 : index
    %get3A_45 = memref.load %arg1[%get3A_42, %get3A_43, %get3A_44] : memref<1x1x250xf32, #tpu.memory_space<smem>>
    %get3A_46 = arith.constant 0 : index
    %get3A_47 = arith.constant 0 : index
    %get3A_48 = arith.constant 1 : index
    %get3A_49 = memref.load %arg1[%get3A_46, %get3A_47, %get3A_48] : memref<1x1x250xf32, #tpu.memory_space<smem>>
    %get3A_50 = arith.constant 0 : index
    %get3A_51 = arith.constant 0 : index
    %get3A_52 = arith.constant 2 : index
    %get3A_53 = memref.load %arg1[%get3A_50, %get3A_51, %get3A_52] : memref<1x1x250xf32, #tpu.memory_space<smem>>
    %get3A_54 = arith.constant 0 : index
    %get3A_55 = arith.constant 0 : index
    %get3A_56 = arith.constant 3 : index
    %get3A_57 = memref.load %arg1[%get3A_54, %get3A_55, %get3A_56] : memref<1x1x250xf32, #tpu.memory_space<smem>>
    %sub3A_58 = arith.subf %get3A_53, %get3A_45 : f32
    %sub3A_59 = arith.subf %get3A_57, %get3A_49 : f32
    %mul3A_60 = arith.mulf %sub3A_58, %sub3A_59 : f32
    %min3A = vector.broadcast %get3A_53 : f32 to vector<160x128xf32>
    %min3A_61 = arith.minimumf %add3A_31, %min3A : vector<160x128xf32>
    %max3A = vector.broadcast %get3A_45 : f32 to vector<160x128xf32>
    %max3A_62 = arith.maximumf %sub3A, %max3A : vector<160x128xf32>
    %sub3A_63 = arith.subf %min3A_61, %max3A_62 : vector<160x128xf32>
    %max3A_64 = arith.constant 0.000000e+00 : f32
    %max3A_65 = vector.broadcast %max3A_64 : f32 to vector<160x128xf32>
    %max3A_66 = arith.maximumf %sub3A_63, %max3A_65 : vector<160x128xf32>
    %min3A_67 = vector.broadcast %get3A_57 : f32 to vector<160x128xf32>
    %min3A_68 = arith.minimumf %add3A_35, %min3A_67 : vector<160x128xf32>
    %max3A_69 = vector.broadcast %get3A_49 : f32 to vector<160x128xf32>
    %max3A_70 = arith.maximumf %sub3A_27, %max3A_69 : vector<160x128xf32>
    %sub3A_71 = arith.subf %min3A_68, %max3A_70 : vector<160x128xf32>
    %max3A_72 = arith.constant 0.000000e+00 : f32
    %max3A_73 = vector.broadcast %max3A_72 : f32 to vector<160x128xf32>
    %max3A_74 = arith.maximumf %sub3A_71, %max3A_73 : vector<160x128xf32>
    %mul3A_75 = arith.mulf %max3A_66, %max3A_74 : vector<160x128xf32>
    %add3A_76 = vector.broadcast %mul3A_60 : f32 to vector<160x128xf32>
    %add3A_77 = arith.addf %add3A_76, %mul3A_38 : vector<160x128xf32>
    %sub3A_78 = arith.subf %add3A_77, %mul3A_75 : vector<160x128xf32>
    %div3A_79 = arith.divf %mul3A_75, %sub3A_78 : vector<160x128xf32>
    %get3A_80 = arith.constant 0 : index
    %get3A_81 = arith.constant 0 : index
    %get3A_82 = arith.constant 5 : index
    %get3A_83 = memref.load %arg1[%get3A_80, %get3A_81, %get3A_82] : memref<1x1x250xf32, #tpu.memory_space<smem>>
    %get3A_84 = arith.constant 0 : index
    %get3A_85 = arith.constant 0 : index
    %get3A_86 = arith.constant 6 : index
    %get3A_87 = memref.load %arg1[%get3A_84, %get3A_85, %get3A_86] : memref<1x1x250xf32, #tpu.memory_space<smem>>
    %get3A_88 = arith.constant 0 : index
    %get3A_89 = arith.constant 0 : index
    %get3A_90 = arith.constant 7 : index
    %get3A_91 = memref.load %arg1[%get3A_88, %get3A_89, %get3A_90] : memref<1x1x250xf32, #tpu.memory_space<smem>>
    %get3A_92 = arith.constant 0 : index
    %get3A_93 = arith.constant 0 : index
    %get3A_94 = arith.constant 8 : index
    %get3A_95 = memref.load %arg1[%get3A_92, %get3A_93, %get3A_94] : memref<1x1x250xf32, #tpu.memory_space<smem>>
    %sub3A_96 = arith.subf %get3A_91, %get3A_83 : f32
    %sub3A_97 = arith.subf %get3A_95, %get3A_87 : f32
    %mul3A_98 = arith.mulf %sub3A_96, %sub3A_97 : f32
    %min3A_99 = vector.broadcast %get3A_91 : f32 to vector<160x128xf32>
    %min3A_100 = arith.minimumf %add3A_31, %min3A_99 : vector<160x128xf32>
    %max3A_101 = vector.broadcast %get3A_83 : f32 to vector<160x128xf32>
    %max3A_102 = arith.maximumf %sub3A, %max3A_101 : vector<160x128xf32>
    %sub3A_103 = arith.subf %min3A_100, %max3A_102 : vector<160x128xf32>
    %max3A_104 = arith.constant 0.000000e+00 : f32
    %max3A_105 = vector.broadcast %max3A_104 : f32 to vector<160x128xf32>
    %max3A_106 = arith.maximumf %sub3A_103, %max3A_105 : vector<160x128xf32>
    %min3A_107 = vector.broadcast %get3A_95 : f32 to vector<160x128xf32>
    %min3A_108 = arith.minimumf %add3A_35, %min3A_107 : vector<160x128xf32>
    %max3A_109 = vector.broadcast %get3A_87 : f32 to vector<160x128xf32>
    %max3A_110 = arith.maximumf %sub3A_27, %max3A_109 : vector<160x128xf32>
    %sub3A_111 = arith.subf %min3A_108, %max3A_110 : vector<160x128xf32>
    %max3A_112 = arith.constant 0.000000e+00 : f32
    %max3A_113 = vector.broadcast %max3A_112 : f32 to vector<160x128xf32>
    %max3A_114 = arith.maximumf %sub3A_111, %max3A_113 : vector<160x128xf32>
    %mul3A_115 = arith.mulf %max3A_106, %max3A_114 : vector<160x128xf32>
    %add3A_116 = vector.broadcast %mul3A_98 : f32 to vector<160x128xf32>
    %add3A_117 = arith.addf %add3A_116, %mul3A_38 : vector<160x128xf32>
    %sub3A_118 = arith.subf %add3A_117, %mul3A_115 : vector<160x128xf32>
    %div3A_119 = arith.divf %mul3A_115, %sub3A_118 : vector<160x128xf32>
    %reduce_max3A = vector.shape_cast %div3A_79 : vector<160x128xf32> to vector<1x160x128xf32>
    %reduce_max3A_120 = arith.constant dense<0xFF800000> : vector<1xf32>
    %reduce_max3A_121 = vector.multi_reduction <maximumf>, %reduce_max3A, %reduce_max3A_120 [1, 2] : vector<1x160x128xf32> to vector<1xf32>
    %reduce_max3A_122 = vector.shape_cast %reduce_max3A_121 : vector<1xf32> to vector<1x1x1xf32>
    %reduce_max3A_123 = vector.extract %reduce_max3A_122[0, 0, 0] : f32 from vector<1x1x1xf32>
    %eq3A = vector.broadcast %reduce_max3A_123 : f32 to vector<160x128xf32>
    %eq3A_124 = arith.cmpf oeq, %div3A_79, %eq3A : vector<160x128xf32>
    %jit3A = arith.constant 1073741824 : i32
    %broadcast_in_dim3A_125 = vector.broadcast %jit3A : i32 to vector<160x128xi32>
    %select_n3A = arith.select %eq3A_124, %add3A, %broadcast_in_dim3A_125 : vector<160x128xi1>, vector<160x128xi32>
    %reduce_min3A = vector.shape_cast %select_n3A : vector<160x128xi32> to vector<1x160x128xi32>
    %reduce_min3A_126 = arith.constant dense<2147483647> : vector<1xi32>
    %reduce_min3A_127 = vector.multi_reduction <minsi>, %reduce_min3A, %reduce_min3A_126 [1, 2] : vector<1x160x128xi32> to vector<1xi32>
    %reduce_min3A_128 = vector.shape_cast %reduce_min3A_127 : vector<1xi32> to vector<1x1x1xi32>
    %reduce_min3A_129 = vector.extract %reduce_min3A_128[0, 0, 0] : i32 from vector<1x1x1xi32>
    %swap3A = arith.constant 0 : index
    %swap3A_130 = memref.load %arg7[%swap3A] : memref<50xi32, #tpu.memory_space<smem>>
    memref.store %reduce_min3A_129, %arg7[%swap3A] : memref<50xi32, #tpu.memory_space<smem>>
    %reduce_max3A_131 = vector.shape_cast %div3A_119 : vector<160x128xf32> to vector<1x160x128xf32>
    %reduce_max3A_132 = arith.constant dense<0xFF800000> : vector<1xf32>
    %reduce_max3A_133 = vector.multi_reduction <maximumf>, %reduce_max3A_131, %reduce_max3A_132 [1, 2] : vector<1x160x128xf32> to vector<1xf32>
    %reduce_max3A_134 = vector.shape_cast %reduce_max3A_133 : vector<1xf32> to vector<1x1x1xf32>
    %reduce_max3A_135 = vector.extract %reduce_max3A_134[0, 0, 0] : f32 from vector<1x1x1xf32>
    %eq3A_136 = vector.broadcast %reduce_max3A_135 : f32 to vector<160x128xf32>
    %eq3A_137 = arith.cmpf oeq, %div3A_119, %eq3A_136 : vector<160x128xf32>
    %jit3A_138 = arith.constant 1073741824 : i32
    %broadcast_in_dim3A_139 = vector.broadcast %jit3A_138 : i32 to vector<160x128xi32>
    %select_n3A_140 = arith.select %eq3A_137, %add3A, %broadcast_in_dim3A_139 : vector<160x128xi1>, vector<160x128xi32>
    %reduce_min3A_141 = vector.shape_cast %select_n3A_140 : vector<160x128xi32> to vector<1x160x128xi32>
    %reduce_min3A_142 = arith.constant dense<2147483647> : vector<1xi32>
    %reduce_min3A_143 = vector.multi_reduction <minsi>, %reduce_min3A_141, %reduce_min3A_142 [1, 2] : vector<1x160x128xi32> to vector<1xi32>
    %reduce_min3A_144 = vector.shape_cast %reduce_min3A_143 : vector<1xi32> to vector<1x1x1xi32>
    %reduce_min3A_145 = vector.extract %reduce_min3A_144[0, 0, 0] : i32 from vector<1x1x1xi32>
    %swap3A_146 = arith.constant 1 : index
    %swap3A_147 = memref.load %arg7[%swap3A_146] : memref<50xi32, #tpu.memory_space<smem>>
    memref.store %reduce_min3A_145, %arg7[%swap3A_146] : memref<50xi32, #tpu.memory_space<smem>>
    %gt3A = arith.cmpf ogt, %div3A_119, %div3A_79 : vector<160x128xf32>
    %select_n3A_148 = arith.select %gt3A, %div3A_119, %div3A_79 : vector<160x128xi1>, vector<160x128xf32>
    %jit3A_149 = arith.constant 1 : i32
    %jit3A_150 = arith.constant 0 : i32
    %broadcast_in_dim3A_151 = vector.broadcast %jit3A_149 : i32 to vector<160x128xi32>
    %broadcast_in_dim3A_152 = vector.broadcast %jit3A_150 : i32 to vector<160x128xi32>
    %select_n3A_153 = arith.select %gt3A, %broadcast_in_dim3A_151, %broadcast_in_dim3A_152 : vector<160x128xi1>, vector<160x128xi32>
    %gt3A_154 = arith.cmpf ogt, %select_n3A_148, %broadcast_in_dim3A_39 : vector<160x128xf32>
    %select_n3A_155 = arith.select %gt3A_154, %select_n3A_148, %broadcast_in_dim3A_39 : vector<160x128xi1>, vector<160x128xf32>
    %select_n3A_156 = arith.select %gt3A_154, %select_n3A_153, %broadcast_in_dim3A_41 : vector<160x128xi1>, vector<160x128xi32>
    %get3A_157 = arith.constant 0 : index
    %get3A_158 = arith.constant 0 : index
    %get3A_159 = arith.constant 10 : index
    %get3A_160 = memref.load %arg1[%get3A_157, %get3A_158, %get3A_159] : memref<1x1x250xf32, #tpu.memory_space<smem>>
    %get3A_161 = arith.constant 0 : index
    %get3A_162 = arith.constant 0 : index
    %get3A_163 = arith.constant 11 : index
    %get3A_164 = memref.load %arg1[%get3A_161, %get3A_162, %get3A_163] : memref<1x1x250xf32, #tpu.memory_space<smem>>
    %get3A_165 = arith.constant 0 : index
    %get3A_166 = arith.constant 0 : index
    %get3A_167 = arith.constant 12 : index
    %get3A_168 = memref.load %arg1[%get3A_165, %get3A_166, %get3A_167] : memref<1x1x250xf32, #tpu.memory_space<smem>>
    %get3A_169 = arith.constant 0 : index
    %get3A_170 = arith.constant 0 : index
    %get3A_171 = arith.constant 13 : index
    %get3A_172 = memref.load %arg1[%get3A_169, %get3A_170, %get3A_171] : memref<1x1x250xf32, #tpu.memory_space<smem>>
    %sub3A_173 = arith.subf %get3A_168, %get3A_160 : f32
    %sub3A_174 = arith.subf %get3A_172, %get3A_164 : f32
    %mul3A_175 = arith.mulf %sub3A_173, %sub3A_174 : f32
    %min3A_176 = vector.broadcast %get3A_168 : f32 to vector<160x128xf32>
    %min3A_177 = arith.minimumf %add3A_31, %min3A_176 : vector<160x128xf32>
    %max3A_178 = vector.broadcast %get3A_160 : f32 to vector<160x128xf32>
    %max3A_179 = arith.maximumf %sub3A, %max3A_178 : vector<160x128xf32>
    %sub3A_180 = arith.subf %min3A_177, %max3A_179 : vector<160x128xf32>
    %max3A_181 = arith.constant 0.000000e+00 : f32
    %max3A_182 = vector.broadcast %max3A_181 : f32 to vector<160x128xf32>
    %max3A_183 = arith.maximumf %sub3A_180, %max3A_182 : vector<160x128xf32>
    %min3A_184 = vector.broadcast %get3A_172 : f32 to vector<160x128xf32>
    %min3A_185 = arith.minimumf %add3A_35, %min3A_184 : vector<160x128xf32>
    %max3A_186 = vector.broadcast %get3A_164 : f32 to vector<160x128xf32>
    %max3A_187 = arith.maximumf %sub3A_27, %max3A_186 : vector<160x128xf32>
    %sub3A_188 = arith.subf %min3A_185, %max3A_187 : vector<160x128xf32>
    %max3A_189 = arith.constant 0.000000e+00 : f32
    %max3A_190 = vector.broadcast %max3A_189 : f32 to vector<160x128xf32>
    %max3A_191 = arith.maximumf %sub3A_188, %max3A_190 : vector<160x128xf32>
    %mul3A_192 = arith.mulf %max3A_183, %max3A_191 : vector<160x128xf32>
    %add3A_193 = vector.broadcast %mul3A_175 : f32 to vector<160x128xf32>
    %add3A_194 = arith.addf %add3A_193, %mul3A_38 : vector<160x128xf32>
    %sub3A_195 = arith.subf %add3A_194, %mul3A_192 : vector<160x128xf32>
    %div3A_196 = arith.divf %mul3A_192, %sub3A_195 : vector<160x128xf32>
    %get3A_197 = arith.constant 0 : index
    %get3A_198 = arith.constant 0 : index
    %get3A_199 = arith.constant 15 : index
    %get3A_200 = memref.load %arg1[%get3A_197, %get3A_198, %get3A_199] : memref<1x1x250xf32, #tpu.memory_space<smem>>
    %get3A_201 = arith.constant 0 : index
    %get3A_202 = arith.constant 0 : index
    %get3A_203 = arith.constant 16 : index
    %get3A_204 = memref.load %arg1[%get3A_201, %get3A_202, %get3A_203] : memref<1x1x250xf32, #tpu.memory_space<smem>>
    %get3A_205 = arith.constant 0 : index
    %get3A_206 = arith.constant 0 : index
    %get3A_207 = arith.constant 17 : index
    %get3A_208 = memref.load %arg1[%get3A_205, %get3A_206, %get3A_207] : memref<1x1x250xf32, #tpu.memory_space<smem>>
    %get3A_209 = arith.constant 0 : index
    %get3A_210 = arith.constant 0 : index
    %get3A_211 = arith.constant 18 : index
    %get3A_212 = memref.load %arg1[%get3A_209, %get3A_210, %get3A_211] : memref<1x1x250xf32, #tpu.memory_space<smem>>
    %sub3A_213 = arith.subf %get3A_208, %get3A_200 : f32
    %sub3A_214 = arith.subf %get3A_212, %get3A_204 : f32
    %mul3A_215 = arith.mulf %sub3A_213, %sub3A_214 : f32
    %min3A_216 = vector.broadcast %get3A_208 : f32 to vector<160x128xf32>
    %min3A_217 = arith.minimumf %add3A_31, %min3A_216 : vector<160x128xf32>
    %max3A_218 = vector.broadcast %get3A_200 : f32 to vector<160x128xf32>
    %max3A_219 = arith.maximumf %sub3A, %max3A_218 : vector<160x128xf32>
    %sub3A_220 = arith.subf %min3A_217, %max3A_219 : vector<160x128xf32>
    %max3A_221 = arith.constant 0.000000e+00 : f32
    %max3A_222 = vector.broadcast %max3A_221 : f32 to vector<160x128xf32>
    %max3A_223 = arith.maximumf %sub3A_220, %max3A_222 : vector<160x128xf32>
    %min3A_224 = vector.broadcast %get3A_212 : f32 to vector<160x128xf32>
    %min3A_225 = arith.minimumf %add3A_35, %min3A_224 : vector<160x128xf32>
    %max3A_226 = vector.broadcast %get3A_204 : f32 to vector<160x128xf32>
    %max3A_227 = arith.maximumf %sub3A_27, %max3A_226 : vector<160x128xf32>
    %sub3A_228 = arith.subf %min3A_225, %max3A_227 : vector<160x128xf32>
    %max3A_229 = arith.constant 0.000000e+00 : f32
    %max3A_230 = vector.broadcast %max3A_229 : f32 to vector<160x128xf32>
    %max3A_231 = arith.maximumf %sub3A_228, %max3A_230 : vector<160x128xf32>
    %mul3A_232 = arith.mulf %max3A_223, %max3A_231 : vector<160x128xf32>
    %add3A_233 = vector.broadcast %mul3A_215 : f32 to vector<160x128xf32>
    %add3A_234 = arith.addf %add3A_233, %mul3A_38 : vector<160x128xf32>
    %sub3A_235 = arith.subf %add3A_234, %mul3A_232 : vector<160x128xf32>
    %div3A_236 = arith.divf %mul3A_232, %sub3A_235 : vector<160x128xf32>
    %reduce_max3A_237 = vector.shape_cast %div3A_196 : vector<160x128xf32> to vector<1x160x128xf32>
    %reduce_max3A_238 = arith.constant dense<0xFF800000> : vector<1xf32>
    %reduce_max3A_239 = vector.multi_reduction <maximumf>, %reduce_max3A_237, %reduce_max3A_238 [1, 2] : vector<1x160x128xf32> to vector<1xf32>
    %reduce_max3A_240 = vector.shape_cast %reduce_max3A_239 : vector<1xf32> to vector<1x1x1xf32>
    %reduce_max3A_241 = vector.extract %reduce_max3A_240[0, 0, 0] : f32 from vector<1x1x1xf32>
    %eq3A_242 = vector.broadcast %reduce_max3A_241 : f32 to vector<160x128xf32>
    %eq3A_243 = arith.cmpf oeq, %div3A_196, %eq3A_242 : vector<160x128xf32>
    %jit3A_244 = arith.constant 1073741824 : i32
    %broadcast_in_dim3A_245 = vector.broadcast %jit3A_244 : i32 to vector<160x128xi32>
    %select_n3A_246 = arith.select %eq3A_243, %add3A, %broadcast_in_dim3A_245 : vector<160x128xi1>, vector<160x128xi32>
    %reduce_min3A_247 = vector.shape_cast %select_n3A_246 : vector<160x128xi32> to vector<1x160x128xi32>
    %reduce_min3A_248 = arith.constant dense<2147483647> : vector<1xi32>
    %reduce_min3A_249 = vector.multi_reduction <minsi>, %reduce_min3A_247, %reduce_min3A_248 [1, 2] : vector<1x160x128xi32> to vector<1xi32>
    %reduce_min3A_250 = vector.shape_cast %reduce_min3A_249 : vector<1xi32> to vector<1x1x1xi32>
    %reduce_min3A_251 = vector.extract %reduce_min3A_250[0, 0, 0] : i32 from vector<1x1x1xi32>
    %swap3A_252 = arith.constant 2 : index
    %swap3A_253 = memref.load %arg7[%swap3A_252] : memref<50xi32, #tpu.memory_space<smem>>
    memref.store %reduce_min3A_251, %arg7[%swap3A_252] : memref<50xi32, #tpu.memory_space<smem>>
    %reduce_max3A_254 = vector.shape_cast %div3A_236 : vector<160x128xf32> to vector<1x160x128xf32>
    %reduce_max3A_255 = arith.constant dense<0xFF800000> : vector<1xf32>
    %reduce_max3A_256 = vector.multi_reduction <maximumf>, %reduce_max3A_254, %reduce_max3A_255 [1, 2] : vector<1x160x128xf32> to vector<1xf32>
    %reduce_max3A_257 = vector.shape_cast %reduce_max3A_256 : vector<1xf32> to vector<1x1x1xf32>
    %reduce_max3A_258 = vector.extract %reduce_max3A_257[0, 0, 0] : f32 from vector<1x1x1xf32>
    %eq3A_259 = vector.broadcast %reduce_max3A_258 : f32 to vector<160x128xf32>
    %eq3A_260 = arith.cmpf oeq, %div3A_236, %eq3A_259 : vector<160x128xf32>
    %jit3A_261 = arith.constant 1073741824 : i32
    %broadcast_in_dim3A_262 = vector.broadcast %jit3A_261 : i32 to vector<160x128xi32>
    %select_n3A_263 = arith.select %eq3A_260, %add3A, %broadcast_in_dim3A_262 : vector<160x128xi1>, vector<160x128xi32>
    %reduce_min3A_264 = vector.shape_cast %select_n3A_263 : vector<160x128xi32> to vector<1x160x128xi32>
    %reduce_min3A_265 = arith.constant dense<2147483647> : vector<1xi32>
    %reduce_min3A_266 = vector.multi_reduction <minsi>, %reduce_min3A_264, %reduce_min3A_265 [1, 2] : vector<1x160x128xi32> to vector<1xi32>
    %reduce_min3A_267 = vector.shape_cast %reduce_min3A_266 : vector<1xi32> to vector<1x1x1xi32>
    %reduce_min3A_268 = vector.extract %reduce_min3A_267[0, 0, 0] : i32 from vector<1x1x1xi32>
    %swap3A_269 = arith.constant 3 : index
    %swap3A_270 = memref.load %arg7[%swap3A_269] : memref<50xi32, #tpu.memory_space<smem>>
    memref.store %reduce_min3A_268, %arg7[%swap3A_269] : memref<50xi32, #tpu.memory_space<smem>>
    %gt3A_271 = arith.cmpf ogt, %div3A_236, %div3A_196 : vector<160x128xf32>
    %select_n3A_272 = arith.select %gt3A_271, %div3A_236, %div3A_196 : vector<160x128xi1>, vector<160x128xf32>
    %jit3A_273 = arith.constant 3 : i32
    %jit3A_274 = arith.constant 2 : i32
    %broadcast_in_dim3A_275 = vector.broadcast %jit3A_273 : i32 to vector<160x128xi32>
    %broadcast_in_dim3A_276 = vector.broadcast %jit3A_274 : i32 to vector<160x128xi32>
    %select_n3A_277 = arith.select %gt3A_271, %broadcast_in_dim3A_275, %broadcast_in_dim3A_276 : vector<160x128xi1>, vector<160x128xi32>
    %gt3A_278 = arith.cmpf ogt, %select_n3A_272, %select_n3A_155 : vector<160x128xf32>
    %select_n3A_279 = arith.select %gt3A_278, %select_n3A_272, %select_n3A_155 : vector<160x128xi1>, vector<160x128xf32>
    %select_n3A_280 = arith.select %gt3A_278, %select_n3A_277, %select_n3A_156 : vector<160x128xi1>, vector<160x128xi32>
    %get3A_281 = arith.constant 0 : index
    %get3A_282 = arith.constant 0 : index
    %get3A_283 = arith.constant 20 : index
    %get3A_284 = memref.load %arg1[%get3A_281, %get3A_282, %get3A_283] : memref<1x1x250xf32, #tpu.memory_space<smem>>
    %get3A_285 = arith.constant 0 : index
    %get3A_286 = arith.constant 0 : index
    %get3A_287 = arith.constant 21 : index
    %get3A_288 = memref.load %arg1[%get3A_285, %get3A_286, %get3A_287] : memref<1x1x250xf32, #tpu.memory_space<smem>>
    %get3A_289 = arith.constant 0 : index
    %get3A_290 = arith.constant 0 : index
    %get3A_291 = arith.constant 22 : index
    %get3A_292 = memref.load %arg1[%get3A_289, %get3A_290, %get3A_291] : memref<1x1x250xf32, #tpu.memory_space<smem>>
    %get3A_293 = arith.constant 0 : index
    %get3A_294 = arith.constant 0 : index
    %get3A_295 = arith.constant 23 : index
    %get3A_296 = memref.load %arg1[%get3A_293, %get3A_294, %get3A_295] : memref<1x1x250xf32, #tpu.memory_space<smem>>
    %sub3A_297 = arith.subf %get3A_292, %get3A_284 : f32
    %sub3A_298 = arith.subf %get3A_296, %get3A_288 : f32
    %mul3A_299 = arith.mulf %sub3A_297, %sub3A_298 : f32
    %min3A_300 = vector.broadcast %get3A_292 : f32 to vector<160x128xf32>
    %min3A_301 = arith.minimumf %add3A_31, %min3A_300 : vector<160x128xf32>
    %max3A_302 = vector.broadcast %get3A_284 : f32 to vector<160x128xf32>
    %max3A_303 = arith.maximumf %sub3A, %max3A_302 : vector<160x128xf32>
    %sub3A_304 = arith.subf %min3A_301, %max3A_303 : vector<160x128xf32>
    %max3A_305 = arith.constant 0.000000e+00 : f32
    %max3A_306 = vector.broadcast %max3A_305 : f32 to vector<160x128xf32>
    %max3A_307 = arith.maximumf %sub3A_304, %max3A_306 : vector<160x128xf32>
    %min3A_308 = vector.broadcast %get3A_296 : f32 to vector<160x128xf32>
    %min3A_309 = arith.minimumf %add3A_35, %min3A_308 : vector<160x128xf32>
    %max3A_310 = vector.broadcast %get3A_288 : f32 to vector<160x128xf32>
    %max3A_311 = arith.maximumf %sub3A_27, %max3A_310 : vector<160x128xf32>
    %sub3A_312 = arith.subf %min3A_309, %max3A_311 : vector<160x128xf32>
    %max3A_313 = arith.constant 0.000000e+00 : f32
    %max3A_314 = vector.broadcast %max3A_313 : f32 to vector<160x128xf32>
    %max3A_315 = arith.maximumf %sub3A_312, %max3A_314 : vector<160x128xf32>
    %mul3A_316 = arith.mulf %max3A_307, %max3A_315 : vector<160x128xf32>
    %add3A_317 = vector.broadcast %mul3A_299 : f32 to vector<160x128xf32>
    %add3A_318 = arith.addf %add3A_317, %mul3A_38 : vector<160x128xf32>
    %sub3A_319 = arith.subf %add3A_318, %mul3A_316 : vector<160x128xf32>
    %div3A_320 = arith.divf %mul3A_316, %sub3A_319 : vector<160x128xf32>
    %get3A_321 = arith.constant 0 : index
    %get3A_322 = arith.constant 0 : index
    %get3A_323 = arith.constant 25 : index
    %get3A_324 = memref.load %arg1[%get3A_321, %get3A_322, %get3A_323] : memref<1x1x250xf32, #tpu.memory_space<smem>>
    %get3A_325 = arith.constant 0 : index
    %get3A_326 = arith.constant 0 : index
    %get3A_327 = arith.constant 26 : index
    %get3A_328 = memref.load %arg1[%get3A_325, %get3A_326, %get3A_327] : memref<1x1x250xf32, #tpu.memory_space<smem>>
    %get3A_329 = arith.constant 0 : index
    %get3A_330 = arith.constant 0 : index
    %get3A_331 = arith.constant 27 : index
    %get3A_332 = memref.load %arg1[%get3A_329, %get3A_330, %get3A_331] : memref<1x1x250xf32, #tpu.memory_space<smem>>
    %get3A_333 = arith.constant 0 : index
    %get3A_334 = arith.constant 0 : index
    %get3A_335 = arith.constant 28 : index
    %get3A_336 = memref.load %arg1[%get3A_333, %get3A_334, %get3A_335] : memref<1x1x250xf32, #tpu.memory_space<smem>>
    %sub3A_337 = arith.subf %get3A_332, %get3A_324 : f32
    %sub3A_338 = arith.subf %get3A_336, %get3A_328 : f32
    %mul3A_339 = arith.mulf %sub3A_337, %sub3A_338 : f32
    %min3A_340 = vector.broadcast %get3A_332 : f32 to vector<160x128xf32>
    %min3A_341 = arith.minimumf %add3A_31, %min3A_340 : vector<160x128xf32>
    %max3A_342 = vector.broadcast %get3A_324 : f32 to vector<160x128xf32>
    %max3A_343 = arith.maximumf %sub3A, %max3A_342 : vector<160x128xf32>
    %sub3A_344 = arith.subf %min3A_341, %max3A_343 : vector<160x128xf32>
    %max3A_345 = arith.constant 0.000000e+00 : f32
    %max3A_346 = vector.broadcast %max3A_345 : f32 to vector<160x128xf32>
    %max3A_347 = arith.maximumf %sub3A_344, %max3A_346 : vector<160x128xf32>
    %min3A_348 = vector.broadcast %get3A_336 : f32 to vector<160x128xf32>
    %min3A_349 = arith.minimumf %add3A_35, %min3A_348 : vector<160x128xf32>
    %max3A_350 = vector.broadcast %get3A_328 : f32 to vector<160x128xf32>
    %max3A_351 = arith.maximumf %sub3A_27, %max3A_350 : vector<160x128xf32>
    %sub3A_352 = arith.subf %min3A_349, %max3A_351 : vector<160x128xf32>
    %max3A_353 = arith.constant 0.000000e+00 : f32
    %max3A_354 = vector.broadcast %max3A_353 : f32 to vector<160x128xf32>
    %max3A_355 = arith.maximumf %sub3A_352, %max3A_354 : vector<160x128xf32>
    %mul3A_356 = arith.mulf %max3A_347, %max3A_355 : vector<160x128xf32>
    %add3A_357 = vector.broadcast %mul3A_339 : f32 to vector<160x128xf32>
    %add3A_358 = arith.addf %add3A_357, %mul3A_38 : vector<160x128xf32>
    %sub3A_359 = arith.subf %add3A_358, %mul3A_356 : vector<160x128xf32>
    %div3A_360 = arith.divf %mul3A_356, %sub3A_359 : vector<160x128xf32>
    %reduce_max3A_361 = vector.shape_cast %div3A_320 : vector<160x128xf32> to vector<1x160x128xf32>
    %reduce_max3A_362 = arith.constant dense<0xFF800000> : vector<1xf32>
    %reduce_max3A_363 = vector.multi_reduction <maximumf>, %reduce_max3A_361, %reduce_max3A_362 [1, 2] : vector<1x160x128xf32> to vector<1xf32>
    %reduce_max3A_364 = vector.shape_cast %reduce_max3A_363 : vector<1xf32> to vector<1x1x1xf32>
    %reduce_max3A_365 = vector.extract %reduce_max3A_364[0, 0, 0] : f32 from vector<1x1x1xf32>
    %eq3A_366 = vector.broadcast %reduce_max3A_365 : f32 to vector<160x128xf32>
    %eq3A_367 = arith.cmpf oeq, %div3A_320, %eq3A_366 : vector<160x128xf32>
    %jit3A_368 = arith.constant 1073741824 : i32
    %broadcast_in_dim3A_369 = vector.broadcast %jit3A_368 : i32 to vector<160x128xi32>
    %select_n3A_370 = arith.select %eq3A_367, %add3A, %broadcast_in_dim3A_369 : vector<160x128xi1>, vector<160x128xi32>
    %reduce_min3A_371 = vector.shape_cast %select_n3A_370 : vector<160x128xi32> to vector<1x160x128xi32>
    %reduce_min3A_372 = arith.constant dense<2147483647> : vector<1xi32>
    %reduce_min3A_373 = vector.multi_reduction <minsi>, %reduce_min3A_371, %reduce_min3A_372 [1, 2] : vector<1x160x128xi32> to vector<1xi32>
    %reduce_min3A_374 = vector.shape_cast %reduce_min3A_373 : vector<1xi32> to vector<1x1x1xi32>
    %reduce_min3A_375 = vector.extract %reduce_min3A_374[0, 0, 0] : i32 from vector<1x1x1xi32>
    %swap3A_376 = arith.constant 4 : index
    %swap3A_377 = memref.load %arg7[%swap3A_376] : memref<50xi32, #tpu.memory_space<smem>>
    memref.store %reduce_min3A_375, %arg7[%swap3A_376] : memref<50xi32, #tpu.memory_space<smem>>
    %reduce_max3A_378 = vector.shape_cast %div3A_360 : vector<160x128xf32> to vector<1x160x128xf32>
    %reduce_max3A_379 = arith.constant dense<0xFF800000> : vector<1xf32>
    %reduce_max3A_380 = vector.multi_reduction <maximumf>, %reduce_max3A_378, %reduce_max3A_379 [1, 2] : vector<1x160x128xf32> to vector<1xf32>
    %reduce_max3A_381 = vector.shape_cast %reduce_max3A_380 : vector<1xf32> to vector<1x1x1xf32>
    %reduce_max3A_382 = vector.extract %reduce_max3A_381[0, 0, 0] : f32 from vector<1x1x1xf32>
    %eq3A_383 = vector.broadcast %reduce_max3A_382 : f32 to vector<160x128xf32>
    %eq3A_384 = arith.cmpf oeq, %div3A_360, %eq3A_383 : vector<160x128xf32>
    %jit3A_385 = arith.constant 1073741824 : i32
    %broadcast_in_dim3A_386 = vector.broadcast %jit3A_385 : i32 to vector<160x128xi32>
    %select_n3A_387 = arith.select %eq3A_384, %add3A, %broadcast_in_dim3A_386 : vector<160x128xi1>, vector<160x128xi32>
    %reduce_min3A_388 = vector.shape_cast %select_n3A_387 : vector<160x128xi32> to vector<1x160x128xi32>
    %reduce_min3A_389 = arith.constant dense<2147483647> : vector<1xi32>
    %reduce_min3A_390 = vector.multi_reduction <minsi>, %reduce_min3A_388, %reduce_min3A_389 [1, 2] : vector<1x160x128xi32> to vector<1xi32>
    %reduce_min3A_391 = vector.shape_cast %reduce_min3A_390 : vector<1xi32> to vector<1x1x1xi32>
    %reduce_min3A_392 = vector.extract %reduce_min3A_391[0, 0, 0] : i32 from vector<1x1x1xi32>
    %swap3A_393 = arith.constant 5 : index
    %swap3A_394 = memref.load %arg7[%swap3A_393] : memref<50xi32, #tpu.memory_space<smem>>
    memref.store %reduce_min3A_392, %arg7[%swap3A_393] : memref<50xi32, #tpu.memory_space<smem>>
    %gt3A_395 = arith.cmpf ogt, %div3A_360, %div3A_320 : vector<160x128xf32>
    %select_n3A_396 = arith.select %gt3A_395, %div3A_360, %div3A_320 : vector<160x128xi1>, vector<160x128xf32>
    %jit3A_397 = arith.constant 5 : i32
    %jit3A_398 = arith.constant 4 : i32
    %broadcast_in_dim3A_399 = vector.broadcast %jit3A_397 : i32 to vector<160x128xi32>
    %broadcast_in_dim3A_400 = vector.broadcast %jit3A_398 : i32 to vector<160x128xi32>
    %select_n3A_401 = arith.select %gt3A_395, %broadcast_in_dim3A_399, %broadcast_in_dim3A_400 : vector<160x128xi1>, vector<160x128xi32>
    %gt3A_402 = arith.cmpf ogt, %select_n3A_396, %select_n3A_279 : vector<160x128xf32>
    %select_n3A_403 = arith.select %gt3A_402, %select_n3A_396, %select_n3A_279 : vector<160x128xi1>, vector<160x128xf32>
    %select_n3A_404 = arith.select %gt3A_402, %select_n3A_401, %select_n3A_280 : vector<160x128xi1>, vector<160x128xi32>
    %get3A_405 = arith.constant 0 : index
    %get3A_406 = arith.constant 0 : index
    %get3A_407 = arith.constant 30 : index
    %get3A_408 = memref.load %arg1[%get3A_405, %get3A_406, %get3A_407] : memref<1x1x250xf32, #tpu.memory_space<smem>>
    %get3A_409 = arith.constant 0 : index
    %get3A_410 = arith.constant 0 : index
    %get3A_411 = arith.constant 31 : index
    %get3A_412 = memref.load %arg1[%get3A_409, %get3A_410, %get3A_411] : memref<1x1x250xf32, #tpu.memory_space<smem>>
    %get3A_413 = arith.constant 0 : index
    %get3A_414 = arith.constant 0 : index
    %get3A_415 = arith.constant 32 : index
    %get3A_416 = memref.load %arg1[%get3A_413, %get3A_414, %get3A_415] : memref<1x1x250xf32, #tpu.memory_space<smem>>
    %get3A_417 = arith.constant 0 : index
    %get3A_418 = arith.constant 0 : index
    %get3A_419 = arith.constant 33 : index
    %get3A_420 = memref.load %arg1[%get3A_417, %get3A_418, %get3A_419] : memref<1x1x250xf32, #tpu.memory_space<smem>>
    %sub3A_421 = arith.subf %get3A_416, %get3A_408 : f32
    %sub3A_422 = arith.subf %get3A_420, %get3A_412 : f32
    %mul3A_423 = arith.mulf %sub3A_421, %sub3A_422 : f32
    %min3A_424 = vector.broadcast %get3A_416 : f32 to vector<160x128xf32>
    %min3A_425 = arith.minimumf %add3A_31, %min3A_424 : vector<160x128xf32>
    %max3A_426 = vector.broadcast %get3A_408 : f32 to vector<160x128xf32>
    %max3A_427 = arith.maximumf %sub3A, %max3A_426 : vector<160x128xf32>
    %sub3A_428 = arith.subf %min3A_425, %max3A_427 : vector<160x128xf32>
    %max3A_429 = arith.constant 0.000000e+00 : f32
    %max3A_430 = vector.broadcast %max3A_429 : f32 to vector<160x128xf32>
    %max3A_431 = arith.maximumf %sub3A_428, %max3A_430 : vector<160x128xf32>
    %min3A_432 = vector.broadcast %get3A_420 : f32 to vector<160x128xf32>
    %min3A_433 = arith.minimumf %add3A_35, %min3A_432 : vector<160x128xf32>
    %max3A_434 = vector.broadcast %get3A_412 : f32 to vector<160x128xf32>
    %max3A_435 = arith.maximumf %sub3A_27, %max3A_434 : vector<160x128xf32>
    %sub3A_436 = arith.subf %min3A_433, %max3A_435 : vector<160x128xf32>
    %max3A_437 = arith.constant 0.000000e+00 : f32
    %max3A_438 = vector.broadcast %max3A_437 : f32 to vector<160x128xf32>
    %max3A_439 = arith.maximumf %sub3A_436, %max3A_438 : vector<160x128xf32>
    %mul3A_440 = arith.mulf %max3A_431, %max3A_439 : vector<160x128xf32>
    %add3A_441 = vector.broadcast %mul3A_423 : f32 to vector<160x128xf32>
    %add3A_442 = arith.addf %add3A_441, %mul3A_38 : vector<160x128xf32>
    %sub3A_443 = arith.subf %add3A_442, %mul3A_440 : vector<160x128xf32>
    %div3A_444 = arith.divf %mul3A_440, %sub3A_443 : vector<160x128xf32>
    %get3A_445 = arith.constant 0 : index
    %get3A_446 = arith.constant 0 : index
    %get3A_447 = arith.constant 35 : index
    %get3A_448 = memref.load %arg1[%get3A_445, %get3A_446, %get3A_447] : memref<1x1x250xf32, #tpu.memory_space<smem>>
    %get3A_449 = arith.constant 0 : index
    %get3A_450 = arith.constant 0 : index
    %get3A_451 = arith.constant 36 : index
    %get3A_452 = memref.load %arg1[%get3A_449, %get3A_450, %get3A_451] : memref<1x1x250xf32, #tpu.memory_space<smem>>
    %get3A_453 = arith.constant 0 : index
    %get3A_454 = arith.constant 0 : index
    %get3A_455 = arith.constant 37 : index
    %get3A_456 = memref.load %arg1[%get3A_453, %get3A_454, %get3A_455] : memref<1x1x250xf32, #tpu.memory_space<smem>>
    %get3A_457 = arith.constant 0 : index
    %get3A_458 = arith.constant 0 : index
    %get3A_459 = arith.constant 38 : index
    %get3A_460 = memref.load %arg1[%get3A_457, %get3A_458, %get3A_459] : memref<1x1x250xf32, #tpu.memory_space<smem>>
    %sub3A_461 = arith.subf %get3A_456, %get3A_448 : f32
    %sub3A_462 = arith.subf %get3A_460, %get3A_452 : f32
    %mul3A_463 = arith.mulf %sub3A_461, %sub3A_462 : f32
    %min3A_464 = vector.broadcast %get3A_456 : f32 to vector<160x128xf32>
    %min3A_465 = arith.minimumf %add3A_31, %min3A_464 : vector<160x128xf32>
    %max3A_466 = vector.broadcast %get3A_448 : f32 to vector<160x128xf32>
    %max3A_467 = arith.maximumf %sub3A, %max3A_466 : vector<160x128xf32>
    %sub3A_468 = arith.subf %min3A_465, %max3A_467 : vector<160x128xf32>
    %max3A_469 = arith.constant 0.000000e+00 : f32
    %max3A_470 = vector.broadcast %max3A_469 : f32 to vector<160x128xf32>
    %max3A_471 = arith.maximumf %sub3A_468, %max3A_470 : vector<160x128xf32>
    %min3A_472 = vector.broadcast %get3A_460 : f32 to vector<160x128xf32>
    %min3A_473 = arith.minimumf %add3A_35, %min3A_472 : vector<160x128xf32>
    %max3A_474 = vector.broadcast %get3A_452 : f32 to vector<160x128xf32>
    %max3A_475 = arith.maximumf %sub3A_27, %max3A_474 : vector<160x128xf32>
    %sub3A_476 = arith.subf %min3A_473, %max3A_475 : vector<160x128xf32>
    %max3A_477 = arith.constant 0.000000e+00 : f32
    %max3A_478 = vector.broadcast %max3A_477 : f32 to vector<160x128xf32>
    %max3A_479 = arith.maximumf %sub3A_476, %max3A_478 : vector<160x128xf32>
    %mul3A_480 = arith.mulf %max3A_471, %max3A_479 : vector<160x128xf32>
    %add3A_481 = vector.broadcast %mul3A_463 : f32 to vector<160x128xf32>
    %add3A_482 = arith.addf %add3A_481, %mul3A_38 : vector<160x128xf32>
    %sub3A_483 = arith.subf %add3A_482, %mul3A_480 : vector<160x128xf32>
    %div3A_484 = arith.divf %mul3A_480, %sub3A_483 : vector<160x128xf32>
    %reduce_max3A_485 = vector.shape_cast %div3A_444 : vector<160x128xf32> to vector<1x160x128xf32>
    %reduce_max3A_486 = arith.constant dense<0xFF800000> : vector<1xf32>
    %reduce_max3A_487 = vector.multi_reduction <maximumf>, %reduce_max3A_485, %reduce_max3A_486 [1, 2] : vector<1x160x128xf32> to vector<1xf32>
    %reduce_max3A_488 = vector.shape_cast %reduce_max3A_487 : vector<1xf32> to vector<1x1x1xf32>
    %reduce_max3A_489 = vector.extract %reduce_max3A_488[0, 0, 0] : f32 from vector<1x1x1xf32>
    %eq3A_490 = vector.broadcast %reduce_max3A_489 : f32 to vector<160x128xf32>
    %eq3A_491 = arith.cmpf oeq, %div3A_444, %eq3A_490 : vector<160x128xf32>
    %jit3A_492 = arith.constant 1073741824 : i32
    %broadcast_in_dim3A_493 = vector.broadcast %jit3A_492 : i32 to vector<160x128xi32>
    %select_n3A_494 = arith.select %eq3A_491, %add3A, %broadcast_in_dim3A_493 : vector<160x128xi1>, vector<160x128xi32>
    %reduce_min3A_495 = vector.shape_cast %select_n3A_494 : vector<160x128xi32> to vector<1x160x128xi32>
    %reduce_min3A_496 = arith.constant dense<2147483647> : vector<1xi32>
    %reduce_min3A_497 = vector.multi_reduction <minsi>, %reduce_min3A_495, %reduce_min3A_496 [1, 2] : vector<1x160x128xi32> to vector<1xi32>
    %reduce_min3A_498 = vector.shape_cast %reduce_min3A_497 : vector<1xi32> to vector<1x1x1xi32>
    %reduce_min3A_499 = vector.extract %reduce_min3A_498[0, 0, 0] : i32 from vector<1x1x1xi32>
    %swap3A_500 = arith.constant 6 : index
    %swap3A_501 = memref.load %arg7[%swap3A_500] : memref<50xi32, #tpu.memory_space<smem>>
    memref.store %reduce_min3A_499, %arg7[%swap3A_500] : memref<50xi32, #tpu.memory_space<smem>>
    %reduce_max3A_502 = vector.shape_cast %div3A_484 : vector<160x128xf32> to vector<1x160x128xf32>
    %reduce_max3A_503 = arith.constant dense<0xFF800000> : vector<1xf32>
    %reduce_max3A_504 = vector.multi_reduction <maximumf>, %reduce_max3A_502, %reduce_max3A_503 [1, 2] : vector<1x160x128xf32> to vector<1xf32>
    %reduce_max3A_505 = vector.shape_cast %reduce_max3A_504 : vector<1xf32> to vector<1x1x1xf32>
    %reduce_max3A_506 = vector.extract %reduce_max3A_505[0, 0, 0] : f32 from vector<1x1x1xf32>
    %eq3A_507 = vector.broadcast %reduce_max3A_506 : f32 to vector<160x128xf32>
    %eq3A_508 = arith.cmpf oeq, %div3A_484, %eq3A_507 : vector<160x128xf32>
    %jit3A_509 = arith.constant 1073741824 : i32
    %broadcast_in_dim3A_510 = vector.broadcast %jit3A_509 : i32 to vector<160x128xi32>
    %select_n3A_511 = arith.select %eq3A_508, %add3A, %broadcast_in_dim3A_510 : vector<160x128xi1>, vector<160x128xi32>
    %reduce_min3A_512 = vector.shape_cast %select_n3A_511 : vector<160x128xi32> to vector<1x160x128xi32>
    %reduce_min3A_513 = arith.constant dense<2147483647> : vector<1xi32>
    %reduce_min3A_514 = vector.multi_reduction <minsi>, %reduce_min3A_512, %reduce_min3A_513 [1, 2] : vector<1x160x128xi32> to vector<1xi32>
    %reduce_min3A_515 = vector.shape_cast %reduce_min3A_514 : vector<1xi32> to vector<1x1x1xi32>
    %reduce_min3A_516 = vector.extract %reduce_min3A_515[0, 0, 0] : i32 from vector<1x1x1xi32>
    %swap3A_517 = arith.constant 7 : index
    %swap3A_518 = memref.load %arg7[%swap3A_517] : memref<50xi32, #tpu.memory_space<smem>>
    memref.store %reduce_min3A_516, %arg7[%swap3A_517] : memref<50xi32, #tpu.memory_space<smem>>
    %gt3A_519 = arith.cmpf ogt, %div3A_484, %div3A_444 : vector<160x128xf32>
    %select_n3A_520 = arith.select %gt3A_519, %div3A_484, %div3A_444 : vector<160x128xi1>, vector<160x128xf32>
    %jit3A_521 = arith.constant 7 : i32
    %jit3A_522 = arith.constant 6 : i32
    %broadcast_in_dim3A_523 = vector.broadcast %jit3A_521 : i32 to vector<160x128xi32>
    %broadcast_in_dim3A_524 = vector.broadcast %jit3A_522 : i32 to vector<160x128xi32>
    %select_n3A_525 = arith.select %gt3A_519, %broadcast_in_dim3A_523, %broadcast_in_dim3A_524 : vector<160x128xi1>, vector<160x128xi32>
    %gt3A_526 = arith.cmpf ogt, %select_n3A_520, %select_n3A_403 : vector<160x128xf32>
    %select_n3A_527 = arith.select %gt3A_526, %select_n3A_520, %select_n3A_403 : vector<160x128xi1>, vector<160x128xf32>
    %select_n3A_528 = arith.select %gt3A_526, %select_n3A_525, %select_n3A_404 : vector<160x128xi1>, vector<160x128xi32>
    %get3A_529 = arith.constant 0 : index
    %get3A_530 = arith.constant 0 : index
    %get3A_531 = arith.constant 40 : index
    %get3A_532 = memref.load %arg1[%get3A_529, %get3A_530, %get3A_531] : memref<1x1x250xf32, #tpu.memory_space<smem>>
    %get3A_533 = arith.constant 0 : index
    %get3A_534 = arith.constant 0 : index
    %get3A_535 = arith.constant 41 : index
    %get3A_536 = memref.load %arg1[%get3A_533, %get3A_534, %get3A_535] : memref<1x1x250xf32, #tpu.memory_space<smem>>
    %get3A_537 = arith.constant 0 : index
    %get3A_538 = arith.constant 0 : index
    %get3A_539 = arith.constant 42 : index
    %get3A_540 = memref.load %arg1[%get3A_537, %get3A_538, %get3A_539] : memref<1x1x250xf32, #tpu.memory_space<smem>>
    %get3A_541 = arith.constant 0 : index
    %get3A_542 = arith.constant 0 : index
    %get3A_543 = arith.constant 43 : index
    %get3A_544 = memref.load %arg1[%get3A_541, %get3A_542, %get3A_543] : memref<1x1x250xf32, #tpu.memory_space<smem>>
    %sub3A_545 = arith.subf %get3A_540, %get3A_532 : f32
    %sub3A_546 = arith.subf %get3A_544, %get3A_536 : f32
    %mul3A_547 = arith.mulf %sub3A_545, %sub3A_546 : f32
    %min3A_548 = vector.broadcast %get3A_540 : f32 to vector<160x128xf32>
    %min3A_549 = arith.minimumf %add3A_31, %min3A_548 : vector<160x128xf32>
    %max3A_550 = vector.broadcast %get3A_532 : f32 to vector<160x128xf32>
    %max3A_551 = arith.maximumf %sub3A, %max3A_550 : vector<160x128xf32>
    %sub3A_552 = arith.subf %min3A_549, %max3A_551 : vector<160x128xf32>
    %max3A_553 = arith.constant 0.000000e+00 : f32
    %max3A_554 = vector.broadcast %max3A_553 : f32 to vector<160x128xf32>
    %max3A_555 = arith.maximumf %sub3A_552, %max3A_554 : vector<160x128xf32>
    %min3A_556 = vector.broadcast %get3A_544 : f32 to vector<160x128xf32>
    %min3A_557 = arith.minimumf %add3A_35, %min3A_556 : vector<160x128xf32>
    %max3A_558 = vector.broadcast %get3A_536 : f32 to vector<160x128xf32>
    %max3A_559 = arith.maximumf %sub3A_27, %max3A_558 : vector<160x128xf32>
    %sub3A_560 = arith.subf %min3A_557, %max3A_559 : vector<160x128xf32>
    %max3A_561 = arith.constant 0.000000e+00 : f32
    %max3A_562 = vector.broadcast %max3A_561 : f32 to vector<160x128xf32>
    %max3A_563 = arith.maximumf %sub3A_560, %max3A_562 : vector<160x128xf32>
    %mul3A_564 = arith.mulf %max3A_555, %max3A_563 : vector<160x128xf32>
    %add3A_565 = vector.broadcast %mul3A_547 : f32 to vector<160x128xf32>
    %add3A_566 = arith.addf %add3A_565, %mul3A_38 : vector<160x128xf32>
    %sub3A_567 = arith.subf %add3A_566, %mul3A_564 : vector<160x128xf32>
    %div3A_568 = arith.divf %mul3A_564, %sub3A_567 : vector<160x128xf32>
    %get3A_569 = arith.constant 0 : index
    %get3A_570 = arith.constant 0 : index
    %get3A_571 = arith.constant 45 : index
    %get3A_572 = memref.load %arg1[%get3A_569, %get3A_570, %get3A_571] : memref<1x1x250xf32, #tpu.memory_space<smem>>
    %get3A_573 = arith.constant 0 : index
    %get3A_574 = arith.constant 0 : index
    %get3A_575 = arith.constant 46 : index
    %get3A_576 = memref.load %arg1[%get3A_573, %get3A_574, %get3A_575] : memref<1x1x250xf32, #tpu.memory_space<smem>>
    %get3A_577 = arith.constant 0 : index
    %get3A_578 = arith.constant 0 : index
    %get3A_579 = arith.constant 47 : index
    %get3A_580 = memref.load %arg1[%get3A_577, %get3A_578, %get3A_579] : memref<1x1x250xf32, #tpu.memory_space<smem>>
    %get3A_581 = arith.constant 0 : index
    %get3A_582 = arith.constant 0 : index
    %get3A_583 = arith.constant 48 : index
    %get3A_584 = memref.load %arg1[%get3A_581, %get3A_582, %get3A_583] : memref<1x1x250xf32, #tpu.memory_space<smem>>
    %sub3A_585 = arith.subf %get3A_580, %get3A_572 : f32
    %sub3A_586 = arith.subf %get3A_584, %get3A_576 : f32
    %mul3A_587 = arith.mulf %sub3A_585, %sub3A_586 : f32
    %min3A_588 = vector.broadcast %get3A_580 : f32 to vector<160x128xf32>
    %min3A_589 = arith.minimumf %add3A_31, %min3A_588 : vector<160x128xf32>
    %max3A_590 = vector.broadcast %get3A_572 : f32 to vector<160x128xf32>
    %max3A_591 = arith.maximumf %sub3A, %max3A_590 : vector<160x128xf32>
    %sub3A_592 = arith.subf %min3A_589, %max3A_591 : vector<160x128xf32>
    %max3A_593 = arith.constant 0.000000e+00 : f32
    %max3A_594 = vector.broadcast %max3A_593 : f32 to vector<160x128xf32>
    %max3A_595 = arith.maximumf %sub3A_592, %max3A_594 : vector<160x128xf32>
    %min3A_596 = vector.broadcast %get3A_584 : f32 to vector<160x128xf32>
    %min3A_597 = arith.minimumf %add3A_35, %min3A_596 : vector<160x128xf32>
    %max3A_598 = vector.broadcast %get3A_576 : f32 to vector<160x128xf32>
    %max3A_599 = arith.maximumf %sub3A_27, %max3A_598 : vector<160x128xf32>
    %sub3A_600 = arith.subf %min3A_597, %max3A_599 : vector<160x128xf32>
    %max3A_601 = arith.constant 0.000000e+00 : f32
    %max3A_602 = vector.broadcast %max3A_601 : f32 to vector<160x128xf32>
    %max3A_603 = arith.maximumf %sub3A_600, %max3A_602 : vector<160x128xf32>
    %mul3A_604 = arith.mulf %max3A_595, %max3A_603 : vector<160x128xf32>
    %add3A_605 = vector.broadcast %mul3A_587 : f32 to vector<160x128xf32>
    %add3A_606 = arith.addf %add3A_605, %mul3A_38 : vector<160x128xf32>
    %sub3A_607 = arith.subf %add3A_606, %mul3A_604 : vector<160x128xf32>
    %div3A_608 = arith.divf %mul3A_604, %sub3A_607 : vector<160x128xf32>
    %reduce_max3A_609 = vector.shape_cast %div3A_568 : vector<160x128xf32> to vector<1x160x128xf32>
    %reduce_max3A_610 = arith.constant dense<0xFF800000> : vector<1xf32>
    %reduce_max3A_611 = vector.multi_reduction <maximumf>, %reduce_max3A_609, %reduce_max3A_610 [1, 2] : vector<1x160x128xf32> to vector<1xf32>
    %reduce_max3A_612 = vector.shape_cast %reduce_max3A_611 : vector<1xf32> to vector<1x1x1xf32>
    %reduce_max3A_613 = vector.extract %reduce_max3A_612[0, 0, 0] : f32 from vector<1x1x1xf32>
    %eq3A_614 = vector.broadcast %reduce_max3A_613 : f32 to vector<160x128xf32>
    %eq3A_615 = arith.cmpf oeq, %div3A_568, %eq3A_614 : vector<160x128xf32>
    %jit3A_616 = arith.constant 1073741824 : i32
    %broadcast_in_dim3A_617 = vector.broadcast %jit3A_616 : i32 to vector<160x128xi32>
    %select_n3A_618 = arith.select %eq3A_615, %add3A, %broadcast_in_dim3A_617 : vector<160x128xi1>, vector<160x128xi32>
    %reduce_min3A_619 = vector.shape_cast %select_n3A_618 : vector<160x128xi32> to vector<1x160x128xi32>
    %reduce_min3A_620 = arith.constant dense<2147483647> : vector<1xi32>
    %reduce_min3A_621 = vector.multi_reduction <minsi>, %reduce_min3A_619, %reduce_min3A_620 [1, 2] : vector<1x160x128xi32> to vector<1xi32>
    %reduce_min3A_622 = vector.shape_cast %reduce_min3A_621 : vector<1xi32> to vector<1x1x1xi32>
    %reduce_min3A_623 = vector.extract %reduce_min3A_622[0, 0, 0] : i32 from vector<1x1x1xi32>
    %swap3A_624 = arith.constant 8 : index
    %swap3A_625 = memref.load %arg7[%swap3A_624] : memref<50xi32, #tpu.memory_space<smem>>
    memref.store %reduce_min3A_623, %arg7[%swap3A_624] : memref<50xi32, #tpu.memory_space<smem>>
    %reduce_max3A_626 = vector.shape_cast %div3A_608 : vector<160x128xf32> to vector<1x160x128xf32>
    %reduce_max3A_627 = arith.constant dense<0xFF800000> : vector<1xf32>
    %reduce_max3A_628 = vector.multi_reduction <maximumf>, %reduce_max3A_626, %reduce_max3A_627 [1, 2] : vector<1x160x128xf32> to vector<1xf32>
    %reduce_max3A_629 = vector.shape_cast %reduce_max3A_628 : vector<1xf32> to vector<1x1x1xf32>
    %reduce_max3A_630 = vector.extract %reduce_max3A_629[0, 0, 0] : f32 from vector<1x1x1xf32>
    %eq3A_631 = vector.broadcast %reduce_max3A_630 : f32 to vector<160x128xf32>
    %eq3A_632 = arith.cmpf oeq, %div3A_608, %eq3A_631 : vector<160x128xf32>
    %jit3A_633 = arith.constant 1073741824 : i32
    %broadcast_in_dim3A_634 = vector.broadcast %jit3A_633 : i32 to vector<160x128xi32>
    %select_n3A_635 = arith.select %eq3A_632, %add3A, %broadcast_in_dim3A_634 : vector<160x128xi1>, vector<160x128xi32>
    %reduce_min3A_636 = vector.shape_cast %select_n3A_635 : vector<160x128xi32> to vector<1x160x128xi32>
    %reduce_min3A_637 = arith.constant dense<2147483647> : vector<1xi32>
    %reduce_min3A_638 = vector.multi_reduction <minsi>, %reduce_min3A_636, %reduce_min3A_637 [1, 2] : vector<1x160x128xi32> to vector<1xi32>
    %reduce_min3A_639 = vector.shape_cast %reduce_min3A_638 : vector<1xi32> to vector<1x1x1xi32>
    %reduce_min3A_640 = vector.extract %reduce_min3A_639[0, 0, 0] : i32 from vector<1x1x1xi32>
    %swap3A_641 = arith.constant 9 : index
    %swap3A_642 = memref.load %arg7[%swap3A_641] : memref<50xi32, #tpu.memory_space<smem>>
    memref.store %reduce_min3A_640, %arg7[%swap3A_641] : memref<50xi32, #tpu.memory_space<smem>>
    %gt3A_643 = arith.cmpf ogt, %div3A_608, %div3A_568 : vector<160x128xf32>
    %select_n3A_644 = arith.select %gt3A_643, %div3A_608, %div3A_568 : vector<160x128xi1>, vector<160x128xf32>
    %jit3A_645 = arith.constant 9 : i32
    %jit3A_646 = arith.constant 8 : i32
    %broadcast_in_dim3A_647 = vector.broadcast %jit3A_645 : i32 to vector<160x128xi32>
    %broadcast_in_dim3A_648 = vector.broadcast %jit3A_646 : i32 to vector<160x128xi32>
    %select_n3A_649 = arith.select %gt3A_643, %broadcast_in_dim3A_647, %broadcast_in_dim3A_648 : vector<160x128xi1>, vector<160x128xi32>
    %gt3A_650 = arith.cmpf ogt, %select_n3A_644, %select_n3A_527 : vector<160x128xf32>
    %select_n3A_651 = arith.select %gt3A_650, %select_n3A_644, %select_n3A_527 : vector<160x128xi1>, vector<160x128xf32>
    %select_n3A_652 = arith.select %gt3A_650, %select_n3A_649, %select_n3A_528 : vector<160x128xi1>, vector<160x128xi32>
    %get3A_653 = arith.constant 0 : index
    %get3A_654 = arith.constant 0 : index
    %get3A_655 = arith.constant 50 : index
    %get3A_656 = memref.load %arg1[%get3A_653, %get3A_654, %get3A_655] : memref<1x1x250xf32, #tpu.memory_space<smem>>
    %get3A_657 = arith.constant 0 : index
    %get3A_658 = arith.constant 0 : index
    %get3A_659 = arith.constant 51 : index
    %get3A_660 = memref.load %arg1[%get3A_657, %get3A_658, %get3A_659] : memref<1x1x250xf32, #tpu.memory_space<smem>>
    %get3A_661 = arith.constant 0 : index
    %get3A_662 = arith.constant 0 : index
    %get3A_663 = arith.constant 52 : index
    %get3A_664 = memref.load %arg1[%get3A_661, %get3A_662, %get3A_663] : memref<1x1x250xf32, #tpu.memory_space<smem>>
    %get3A_665 = arith.constant 0 : index
    %get3A_666 = arith.constant 0 : index
    %get3A_667 = arith.constant 53 : index
    %get3A_668 = memref.load %arg1[%get3A_665, %get3A_666, %get3A_667] : memref<1x1x250xf32, #tpu.memory_space<smem>>
    %sub3A_669 = arith.subf %get3A_664, %get3A_656 : f32
    %sub3A_670 = arith.subf %get3A_668, %get3A_660 : f32
    %mul3A_671 = arith.mulf %sub3A_669, %sub3A_670 : f32
    %min3A_672 = vector.broadcast %get3A_664 : f32 to vector<160x128xf32>
    %min3A_673 = arith.minimumf %add3A_31, %min3A_672 : vector<160x128xf32>
    %max3A_674 = vector.broadcast %get3A_656 : f32 to vector<160x128xf32>
    %max3A_675 = arith.maximumf %sub3A, %max3A_674 : vector<160x128xf32>
    %sub3A_676 = arith.subf %min3A_673, %max3A_675 : vector<160x128xf32>
    %max3A_677 = arith.constant 0.000000e+00 : f32
    %max3A_678 = vector.broadcast %max3A_677 : f32 to vector<160x128xf32>
    %max3A_679 = arith.maximumf %sub3A_676, %max3A_678 : vector<160x128xf32>
    %min3A_680 = vector.broadcast %get3A_668 : f32 to vector<160x128xf32>
    %min3A_681 = arith.minimumf %add3A_35, %min3A_680 : vector<160x128xf32>
    %max3A_682 = vector.broadcast %get3A_660 : f32 to vector<160x128xf32>
    %max3A_683 = arith.maximumf %sub3A_27, %max3A_682 : vector<160x128xf32>
    %sub3A_684 = arith.subf %min3A_681, %max3A_683 : vector<160x128xf32>
    %max3A_685 = arith.constant 0.000000e+00 : f32
    %max3A_686 = vector.broadcast %max3A_685 : f32 to vector<160x128xf32>
    %max3A_687 = arith.maximumf %sub3A_684, %max3A_686 : vector<160x128xf32>
    %mul3A_688 = arith.mulf %max3A_679, %max3A_687 : vector<160x128xf32>
    %add3A_689 = vector.broadcast %mul3A_671 : f32 to vector<160x128xf32>
    %add3A_690 = arith.addf %add3A_689, %mul3A_38 : vector<160x128xf32>
    %sub3A_691 = arith.subf %add3A_690, %mul3A_688 : vector<160x128xf32>
    %div3A_692 = arith.divf %mul3A_688, %sub3A_691 : vector<160x128xf32>
    %get3A_693 = arith.constant 0 : index
    %get3A_694 = arith.constant 0 : index
    %get3A_695 = arith.constant 55 : index
    %get3A_696 = memref.load %arg1[%get3A_693, %get3A_694, %get3A_695] : memref<1x1x250xf32, #tpu.memory_space<smem>>
    %get3A_697 = arith.constant 0 : index
    %get3A_698 = arith.constant 0 : index
    %get3A_699 = arith.constant 56 : index
    %get3A_700 = memref.load %arg1[%get3A_697, %get3A_698, %get3A_699] : memref<1x1x250xf32, #tpu.memory_space<smem>>
    %get3A_701 = arith.constant 0 : index
    %get3A_702 = arith.constant 0 : index
    %get3A_703 = arith.constant 57 : index
    %get3A_704 = memref.load %arg1[%get3A_701, %get3A_702, %get3A_703] : memref<1x1x250xf32, #tpu.memory_space<smem>>
    %get3A_705 = arith.constant 0 : index
    %get3A_706 = arith.constant 0 : index
    %get3A_707 = arith.constant 58 : index
    %get3A_708 = memref.load %arg1[%get3A_705, %get3A_706, %get3A_707] : memref<1x1x250xf32, #tpu.memory_space<smem>>
    %sub3A_709 = arith.subf %get3A_704, %get3A_696 : f32
    %sub3A_710 = arith.subf %get3A_708, %get3A_700 : f32
    %mul3A_711 = arith.mulf %sub3A_709, %sub3A_710 : f32
    %min3A_712 = vector.broadcast %get3A_704 : f32 to vector<160x128xf32>
    %min3A_713 = arith.minimumf %add3A_31, %min3A_712 : vector<160x128xf32>
    %max3A_714 = vector.broadcast %get3A_696 : f32 to vector<160x128xf32>
    %max3A_715 = arith.maximumf %sub3A, %max3A_714 : vector<160x128xf32>
    %sub3A_716 = arith.subf %min3A_713, %max3A_715 : vector<160x128xf32>
    %max3A_717 = arith.constant 0.000000e+00 : f32
    %max3A_718 = vector.broadcast %max3A_717 : f32 to vector<160x128xf32>
    %max3A_719 = arith.maximumf %sub3A_716, %max3A_718 : vector<160x128xf32>
    %min3A_720 = vector.broadcast %get3A_708 : f32 to vector<160x128xf32>
    %min3A_721 = arith.minimumf %add3A_35, %min3A_720 : vector<160x128xf32>
    %max3A_722 = vector.broadcast %get3A_700 : f32 to vector<160x128xf32>
    %max3A_723 = arith.maximumf %sub3A_27, %max3A_722 : vector<160x128xf32>
    %sub3A_724 = arith.subf %min3A_721, %max3A_723 : vector<160x128xf32>
    %max3A_725 = arith.constant 0.000000e+00 : f32
    %max3A_726 = vector.broadcast %max3A_725 : f32 to vector<160x128xf32>
    %max3A_727 = arith.maximumf %sub3A_724, %max3A_726 : vector<160x128xf32>
    %mul3A_728 = arith.mulf %max3A_719, %max3A_727 : vector<160x128xf32>
    %add3A_729 = vector.broadcast %mul3A_711 : f32 to vector<160x128xf32>
    %add3A_730 = arith.addf %add3A_729, %mul3A_38 : vector<160x128xf32>
    %sub3A_731 = arith.subf %add3A_730, %mul3A_728 : vector<160x128xf32>
    %div3A_732 = arith.divf %mul3A_728, %sub3A_731 : vector<160x128xf32>
    %reduce_max3A_733 = vector.shape_cast %div3A_692 : vector<160x128xf32> to vector<1x160x128xf32>
    %reduce_max3A_734 = arith.constant dense<0xFF800000> : vector<1xf32>
    %reduce_max3A_735 = vector.multi_reduction <maximumf>, %reduce_max3A_733, %reduce_max3A_734 [1, 2] : vector<1x160x128xf32> to vector<1xf32>
    %reduce_max3A_736 = vector.shape_cast %reduce_max3A_735 : vector<1xf32> to vector<1x1x1xf32>
    %reduce_max3A_737 = vector.extract %reduce_max3A_736[0, 0, 0] : f32 from vector<1x1x1xf32>
    %eq3A_738 = vector.broadcast %reduce_max3A_737 : f32 to vector<160x128xf32>
    %eq3A_739 = arith.cmpf oeq, %div3A_692, %eq3A_738 : vector<160x128xf32>
    %jit3A_740 = arith.constant 1073741824 : i32
    %broadcast_in_dim3A_741 = vector.broadcast %jit3A_740 : i32 to vector<160x128xi32>
    %select_n3A_742 = arith.select %eq3A_739, %add3A, %broadcast_in_dim3A_741 : vector<160x128xi1>, vector<160x128xi32>
    %reduce_min3A_743 = vector.shape_cast %select_n3A_742 : vector<160x128xi32> to vector<1x160x128xi32>
    %reduce_min3A_744 = arith.constant dense<2147483647> : vector<1xi32>
    %reduce_min3A_745 = vector.multi_reduction <minsi>, %reduce_min3A_743, %reduce_min3A_744 [1, 2] : vector<1x160x128xi32> to vector<1xi32>
    %reduce_min3A_746 = vector.shape_cast %reduce_min3A_745 : vector<1xi32> to vector<1x1x1xi32>
    %reduce_min3A_747 = vector.extract %reduce_min3A_746[0, 0, 0] : i32 from vector<1x1x1xi32>
    %swap3A_748 = arith.constant 10 : index
    %swap3A_749 = memref.load %arg7[%swap3A_748] : memref<50xi32, #tpu.memory_space<smem>>
    memref.store %reduce_min3A_747, %arg7[%swap3A_748] : memref<50xi32, #tpu.memory_space<smem>>
    %reduce_max3A_750 = vector.shape_cast %div3A_732 : vector<160x128xf32> to vector<1x160x128xf32>
    %reduce_max3A_751 = arith.constant dense<0xFF800000> : vector<1xf32>
    %reduce_max3A_752 = vector.multi_reduction <maximumf>, %reduce_max3A_750, %reduce_max3A_751 [1, 2] : vector<1x160x128xf32> to vector<1xf32>
    %reduce_max3A_753 = vector.shape_cast %reduce_max3A_752 : vector<1xf32> to vector<1x1x1xf32>
    %reduce_max3A_754 = vector.extract %reduce_max3A_753[0, 0, 0] : f32 from vector<1x1x1xf32>
    %eq3A_755 = vector.broadcast %reduce_max3A_754 : f32 to vector<160x128xf32>
    %eq3A_756 = arith.cmpf oeq, %div3A_732, %eq3A_755 : vector<160x128xf32>
    %jit3A_757 = arith.constant 1073741824 : i32
    %broadcast_in_dim3A_758 = vector.broadcast %jit3A_757 : i32 to vector<160x128xi32>
    %select_n3A_759 = arith.select %eq3A_756, %add3A, %broadcast_in_dim3A_758 : vector<160x128xi1>, vector<160x128xi32>
    %reduce_min3A_760 = vector.shape_cast %select_n3A_759 : vector<160x128xi32> to vector<1x160x128xi32>
    %reduce_min3A_761 = arith.constant dense<2147483647> : vector<1xi32>
    %reduce_min3A_762 = vector.multi_reduction <minsi>, %reduce_min3A_760, %reduce_min3A_761 [1, 2] : vector<1x160x128xi32> to vector<1xi32>
    %reduce_min3A_763 = vector.shape_cast %reduce_min3A_762 : vector<1xi32> to vector<1x1x1xi32>
    %reduce_min3A_764 = vector.extract %reduce_min3A_763[0, 0, 0] : i32 from vector<1x1x1xi32>
    %swap3A_765 = arith.constant 11 : index
    %swap3A_766 = memref.load %arg7[%swap3A_765] : memref<50xi32, #tpu.memory_space<smem>>
    memref.store %reduce_min3A_764, %arg7[%swap3A_765] : memref<50xi32, #tpu.memory_space<smem>>
    %gt3A_767 = arith.cmpf ogt, %div3A_732, %div3A_692 : vector<160x128xf32>
    %select_n3A_768 = arith.select %gt3A_767, %div3A_732, %div3A_692 : vector<160x128xi1>, vector<160x128xf32>
    %jit3A_769 = arith.constant 11 : i32
    %jit3A_770 = arith.constant 10 : i32
    %broadcast_in_dim3A_771 = vector.broadcast %jit3A_769 : i32 to vector<160x128xi32>
    %broadcast_in_dim3A_772 = vector.broadcast %jit3A_770 : i32 to vector<160x128xi32>
    %select_n3A_773 = arith.select %gt3A_767, %broadcast_in_dim3A_771, %broadcast_in_dim3A_772 : vector<160x128xi1>, vector<160x128xi32>
    %gt3A_774 = arith.cmpf ogt, %select_n3A_768, %select_n3A_651 : vector<160x128xf32>
    %select_n3A_775 = arith.select %gt3A_774, %select_n3A_768, %select_n3A_651 : vector<160x128xi1>, vector<160x128xf32>
    %select_n3A_776 = arith.select %gt3A_774, %select_n3A_773, %select_n3A_652 : vector<160x128xi1>, vector<160x128xi32>
    %get3A_777 = arith.constant 0 : index
    %get3A_778 = arith.constant 0 : index
    %get3A_779 = arith.constant 60 : index
    %get3A_780 = memref.load %arg1[%get3A_777, %get3A_778, %get3A_779] : memref<1x1x250xf32, #tpu.memory_space<smem>>
    %get3A_781 = arith.constant 0 : index
    %get3A_782 = arith.constant 0 : index
    %get3A_783 = arith.constant 61 : index
    %get3A_784 = memref.load %arg1[%get3A_781, %get3A_782, %get3A_783] : memref<1x1x250xf32, #tpu.memory_space<smem>>
    %get3A_785 = arith.constant 0 : index
    %get3A_786 = arith.constant 0 : index
    %get3A_787 = arith.constant 62 : index
    %get3A_788 = memref.load %arg1[%get3A_785, %get3A_786, %get3A_787] : memref<1x1x250xf32, #tpu.memory_space<smem>>
    %get3A_789 = arith.constant 0 : index
    %get3A_790 = arith.constant 0 : index
    %get3A_791 = arith.constant 63 : index
    %get3A_792 = memref.load %arg1[%get3A_789, %get3A_790, %get3A_791] : memref<1x1x250xf32, #tpu.memory_space<smem>>
    %sub3A_793 = arith.subf %get3A_788, %get3A_780 : f32
    %sub3A_794 = arith.subf %get3A_792, %get3A_784 : f32
    %mul3A_795 = arith.mulf %sub3A_793, %sub3A_794 : f32
    %min3A_796 = vector.broadcast %get3A_788 : f32 to vector<160x128xf32>
    %min3A_797 = arith.minimumf %add3A_31, %min3A_796 : vector<160x128xf32>
    %max3A_798 = vector.broadcast %get3A_780 : f32 to vector<160x128xf32>
    %max3A_799 = arith.maximumf %sub3A, %max3A_798 : vector<160x128xf32>
    %sub3A_800 = arith.subf %min3A_797, %max3A_799 : vector<160x128xf32>
    %max3A_801 = arith.constant 0.000000e+00 : f32
    %max3A_802 = vector.broadcast %max3A_801 : f32 to vector<160x128xf32>
    %max3A_803 = arith.maximumf %sub3A_800, %max3A_802 : vector<160x128xf32>
    %min3A_804 = vector.broadcast %get3A_792 : f32 to vector<160x128xf32>
    %min3A_805 = arith.minimumf %add3A_35, %min3A_804 : vector<160x128xf32>
    %max3A_806 = vector.broadcast %get3A_784 : f32 to vector<160x128xf32>
    %max3A_807 = arith.maximumf %sub3A_27, %max3A_806 : vector<160x128xf32>
    %sub3A_808 = arith.subf %min3A_805, %max3A_807 : vector<160x128xf32>
    %max3A_809 = arith.constant 0.000000e+00 : f32
    %max3A_810 = vector.broadcast %max3A_809 : f32 to vector<160x128xf32>
    %max3A_811 = arith.maximumf %sub3A_808, %max3A_810 : vector<160x128xf32>
    %mul3A_812 = arith.mulf %max3A_803, %max3A_811 : vector<160x128xf32>
    %add3A_813 = vector.broadcast %mul3A_795 : f32 to vector<160x128xf32>
    %add3A_814 = arith.addf %add3A_813, %mul3A_38 : vector<160x128xf32>
    %sub3A_815 = arith.subf %add3A_814, %mul3A_812 : vector<160x128xf32>
    %div3A_816 = arith.divf %mul3A_812, %sub3A_815 : vector<160x128xf32>
    %get3A_817 = arith.constant 0 : index
    %get3A_818 = arith.constant 0 : index
    %get3A_819 = arith.constant 65 : index
    %get3A_820 = memref.load %arg1[%get3A_817, %get3A_818, %get3A_819] : memref<1x1x250xf32, #tpu.memory_space<smem>>
    %get3A_821 = arith.constant 0 : index
    %get3A_822 = arith.constant 0 : index
    %get3A_823 = arith.constant 66 : index
    %get3A_824 = memref.load %arg1[%get3A_821, %get3A_822, %get3A_823] : memref<1x1x250xf32, #tpu.memory_space<smem>>
    %get3A_825 = arith.constant 0 : index
    %get3A_826 = arith.constant 0 : index
    %get3A_827 = arith.constant 67 : index
    %get3A_828 = memref.load %arg1[%get3A_825, %get3A_826, %get3A_827] : memref<1x1x250xf32, #tpu.memory_space<smem>>
    %get3A_829 = arith.constant 0 : index
    %get3A_830 = arith.constant 0 : index
    %get3A_831 = arith.constant 68 : index
    %get3A_832 = memref.load %arg1[%get3A_829, %get3A_830, %get3A_831] : memref<1x1x250xf32, #tpu.memory_space<smem>>
    %sub3A_833 = arith.subf %get3A_828, %get3A_820 : f32
    %sub3A_834 = arith.subf %get3A_832, %get3A_824 : f32
    %mul3A_835 = arith.mulf %sub3A_833, %sub3A_834 : f32
    %min3A_836 = vector.broadcast %get3A_828 : f32 to vector<160x128xf32>
    %min3A_837 = arith.minimumf %add3A_31, %min3A_836 : vector<160x128xf32>
    %max3A_838 = vector.broadcast %get3A_820 : f32 to vector<160x128xf32>
    %max3A_839 = arith.maximumf %sub3A, %max3A_838 : vector<160x128xf32>
    %sub3A_840 = arith.subf %min3A_837, %max3A_839 : vector<160x128xf32>
    %max3A_841 = arith.constant 0.000000e+00 : f32
    %max3A_842 = vector.broadcast %max3A_841 : f32 to vector<160x128xf32>
    %max3A_843 = arith.maximumf %sub3A_840, %max3A_842 : vector<160x128xf32>
    %min3A_844 = vector.broadcast %get3A_832 : f32 to vector<160x128xf32>
    %min3A_845 = arith.minimumf %add3A_35, %min3A_844 : vector<160x128xf32>
    %max3A_846 = vector.broadcast %get3A_824 : f32 to vector<160x128xf32>
    %max3A_847 = arith.maximumf %sub3A_27, %max3A_846 : vector<160x128xf32>
    %sub3A_848 = arith.subf %min3A_845, %max3A_847 : vector<160x128xf32>
    %max3A_849 = arith.constant 0.000000e+00 : f32
    %max3A_850 = vector.broadcast %max3A_849 : f32 to vector<160x128xf32>
    %max3A_851 = arith.maximumf %sub3A_848, %max3A_850 : vector<160x128xf32>
    %mul3A_852 = arith.mulf %max3A_843, %max3A_851 : vector<160x128xf32>
    %add3A_853 = vector.broadcast %mul3A_835 : f32 to vector<160x128xf32>
    %add3A_854 = arith.addf %add3A_853, %mul3A_38 : vector<160x128xf32>
    %sub3A_855 = arith.subf %add3A_854, %mul3A_852 : vector<160x128xf32>
    %div3A_856 = arith.divf %mul3A_852, %sub3A_855 : vector<160x128xf32>
    %reduce_max3A_857 = vector.shape_cast %div3A_816 : vector<160x128xf32> to vector<1x160x128xf32>
    %reduce_max3A_858 = arith.constant dense<0xFF800000> : vector<1xf32>
    %reduce_max3A_859 = vector.multi_reduction <maximumf>, %reduce_max3A_857, %reduce_max3A_858 [1, 2] : vector<1x160x128xf32> to vector<1xf32>
    %reduce_max3A_860 = vector.shape_cast %reduce_max3A_859 : vector<1xf32> to vector<1x1x1xf32>
    %reduce_max3A_861 = vector.extract %reduce_max3A_860[0, 0, 0] : f32 from vector<1x1x1xf32>
    %eq3A_862 = vector.broadcast %reduce_max3A_861 : f32 to vector<160x128xf32>
    %eq3A_863 = arith.cmpf oeq, %div3A_816, %eq3A_862 : vector<160x128xf32>
    %jit3A_864 = arith.constant 1073741824 : i32
    %broadcast_in_dim3A_865 = vector.broadcast %jit3A_864 : i32 to vector<160x128xi32>
    %select_n3A_866 = arith.select %eq3A_863, %add3A, %broadcast_in_dim3A_865 : vector<160x128xi1>, vector<160x128xi32>
    %reduce_min3A_867 = vector.shape_cast %select_n3A_866 : vector<160x128xi32> to vector<1x160x128xi32>
    %reduce_min3A_868 = arith.constant dense<2147483647> : vector<1xi32>
    %reduce_min3A_869 = vector.multi_reduction <minsi>, %reduce_min3A_867, %reduce_min3A_868 [1, 2] : vector<1x160x128xi32> to vector<1xi32>
    %reduce_min3A_870 = vector.shape_cast %reduce_min3A_869 : vector<1xi32> to vector<1x1x1xi32>
    %reduce_min3A_871 = vector.extract %reduce_min3A_870[0, 0, 0] : i32 from vector<1x1x1xi32>
    %swap3A_872 = arith.constant 12 : index
    %swap3A_873 = memref.load %arg7[%swap3A_872] : memref<50xi32, #tpu.memory_space<smem>>
    memref.store %reduce_min3A_871, %arg7[%swap3A_872] : memref<50xi32, #tpu.memory_space<smem>>
    %reduce_max3A_874 = vector.shape_cast %div3A_856 : vector<160x128xf32> to vector<1x160x128xf32>
    %reduce_max3A_875 = arith.constant dense<0xFF800000> : vector<1xf32>
    %reduce_max3A_876 = vector.multi_reduction <maximumf>, %reduce_max3A_874, %reduce_max3A_875 [1, 2] : vector<1x160x128xf32> to vector<1xf32>
    %reduce_max3A_877 = vector.shape_cast %reduce_max3A_876 : vector<1xf32> to vector<1x1x1xf32>
    %reduce_max3A_878 = vector.extract %reduce_max3A_877[0, 0, 0] : f32 from vector<1x1x1xf32>
    %eq3A_879 = vector.broadcast %reduce_max3A_878 : f32 to vector<160x128xf32>
    %eq3A_880 = arith.cmpf oeq, %div3A_856, %eq3A_879 : vector<160x128xf32>
    %jit3A_881 = arith.constant 1073741824 : i32
    %broadcast_in_dim3A_882 = vector.broadcast %jit3A_881 : i32 to vector<160x128xi32>
    %select_n3A_883 = arith.select %eq3A_880, %add3A, %broadcast_in_dim3A_882 : vector<160x128xi1>, vector<160x128xi32>
    %reduce_min3A_884 = vector.shape_cast %select_n3A_883 : vector<160x128xi32> to vector<1x160x128xi32>
    %reduce_min3A_885 = arith.constant dense<2147483647> : vector<1xi32>
    %reduce_min3A_886 = vector.multi_reduction <minsi>, %reduce_min3A_884, %reduce_min3A_885 [1, 2] : vector<1x160x128xi32> to vector<1xi32>
    %reduce_min3A_887 = vector.shape_cast %reduce_min3A_886 : vector<1xi32> to vector<1x1x1xi32>
    %reduce_min3A_888 = vector.extract %reduce_min3A_887[0, 0, 0] : i32 from vector<1x1x1xi32>
    %swap3A_889 = arith.constant 13 : index
    %swap3A_890 = memref.load %arg7[%swap3A_889] : memref<50xi32, #tpu.memory_space<smem>>
    memref.store %reduce_min3A_888, %arg7[%swap3A_889] : memref<50xi32, #tpu.memory_space<smem>>
    %gt3A_891 = arith.cmpf ogt, %div3A_856, %div3A_816 : vector<160x128xf32>
    %select_n3A_892 = arith.select %gt3A_891, %div3A_856, %div3A_816 : vector<160x128xi1>, vector<160x128xf32>
    %jit3A_893 = arith.constant 13 : i32
    %jit3A_894 = arith.constant 12 : i32
    %broadcast_in_dim3A_895 = vector.broadcast %jit3A_893 : i32 to vector<160x128xi32>
    %broadcast_in_dim3A_896 = vector.broadcast %jit3A_894 : i32 to vector<160x128xi32>
    %select_n3A_897 = arith.select %gt3A_891, %broadcast_in_dim3A_895, %broadcast_in_dim3A_896 : vector<160x128xi1>, vector<160x128xi32>
    %gt3A_898 = arith.cmpf ogt, %select_n3A_892, %select_n3A_775 : vector<160x128xf32>
    %select_n3A_899 = arith.select %gt3A_898, %select_n3A_892, %select_n3A_775 : vector<160x128xi1>, vector<160x128xf32>
    %select_n3A_900 = arith.select %gt3A_898, %select_n3A_897, %select_n3A_776 : vector<160x128xi1>, vector<160x128xi32>
    %get3A_901 = arith.constant 0 : index
    %get3A_902 = arith.constant 0 : index
    %get3A_903 = arith.constant 70 : index
    %get3A_904 = memref.load %arg1[%get3A_901, %get3A_902, %get3A_903] : memref<1x1x250xf32, #tpu.memory_space<smem>>
    %get3A_905 = arith.constant 0 : index
    %get3A_906 = arith.constant 0 : index
    %get3A_907 = arith.constant 71 : index
    %get3A_908 = memref.load %arg1[%get3A_905, %get3A_906, %get3A_907] : memref<1x1x250xf32, #tpu.memory_space<smem>>
    %get3A_909 = arith.constant 0 : index
    %get3A_910 = arith.constant 0 : index
    %get3A_911 = arith.constant 72 : index
    %get3A_912 = memref.load %arg1[%get3A_909, %get3A_910, %get3A_911] : memref<1x1x250xf32, #tpu.memory_space<smem>>
    %get3A_913 = arith.constant 0 : index
    %get3A_914 = arith.constant 0 : index
    %get3A_915 = arith.constant 73 : index
    %get3A_916 = memref.load %arg1[%get3A_913, %get3A_914, %get3A_915] : memref<1x1x250xf32, #tpu.memory_space<smem>>
    %sub3A_917 = arith.subf %get3A_912, %get3A_904 : f32
    %sub3A_918 = arith.subf %get3A_916, %get3A_908 : f32
    %mul3A_919 = arith.mulf %sub3A_917, %sub3A_918 : f32
    %min3A_920 = vector.broadcast %get3A_912 : f32 to vector<160x128xf32>
    %min3A_921 = arith.minimumf %add3A_31, %min3A_920 : vector<160x128xf32>
    %max3A_922 = vector.broadcast %get3A_904 : f32 to vector<160x128xf32>
    %max3A_923 = arith.maximumf %sub3A, %max3A_922 : vector<160x128xf32>
    %sub3A_924 = arith.subf %min3A_921, %max3A_923 : vector<160x128xf32>
    %max3A_925 = arith.constant 0.000000e+00 : f32
    %max3A_926 = vector.broadcast %max3A_925 : f32 to vector<160x128xf32>
    %max3A_927 = arith.maximumf %sub3A_924, %max3A_926 : vector<160x128xf32>
    %min3A_928 = vector.broadcast %get3A_916 : f32 to vector<160x128xf32>
    %min3A_929 = arith.minimumf %add3A_35, %min3A_928 : vector<160x128xf32>
    %max3A_930 = vector.broadcast %get3A_908 : f32 to vector<160x128xf32>
    %max3A_931 = arith.maximumf %sub3A_27, %max3A_930 : vector<160x128xf32>
    %sub3A_932 = arith.subf %min3A_929, %max3A_931 : vector<160x128xf32>
    %max3A_933 = arith.constant 0.000000e+00 : f32
    %max3A_934 = vector.broadcast %max3A_933 : f32 to vector<160x128xf32>
    %max3A_935 = arith.maximumf %sub3A_932, %max3A_934 : vector<160x128xf32>
    %mul3A_936 = arith.mulf %max3A_927, %max3A_935 : vector<160x128xf32>
    %add3A_937 = vector.broadcast %mul3A_919 : f32 to vector<160x128xf32>
    %add3A_938 = arith.addf %add3A_937, %mul3A_38 : vector<160x128xf32>
    %sub3A_939 = arith.subf %add3A_938, %mul3A_936 : vector<160x128xf32>
    %div3A_940 = arith.divf %mul3A_936, %sub3A_939 : vector<160x128xf32>
    %get3A_941 = arith.constant 0 : index
    %get3A_942 = arith.constant 0 : index
    %get3A_943 = arith.constant 75 : index
    %get3A_944 = memref.load %arg1[%get3A_941, %get3A_942, %get3A_943] : memref<1x1x250xf32, #tpu.memory_space<smem>>
    %get3A_945 = arith.constant 0 : index
    %get3A_946 = arith.constant 0 : index
    %get3A_947 = arith.constant 76 : index
    %get3A_948 = memref.load %arg1[%get3A_945, %get3A_946, %get3A_947] : memref<1x1x250xf32, #tpu.memory_space<smem>>
    %get3A_949 = arith.constant 0 : index
    %get3A_950 = arith.constant 0 : index
    %get3A_951 = arith.constant 77 : index
    %get3A_952 = memref.load %arg1[%get3A_949, %get3A_950, %get3A_951] : memref<1x1x250xf32, #tpu.memory_space<smem>>
    %get3A_953 = arith.constant 0 : index
    %get3A_954 = arith.constant 0 : index
    %get3A_955 = arith.constant 78 : index
    %get3A_956 = memref.load %arg1[%get3A_953, %get3A_954, %get3A_955] : memref<1x1x250xf32, #tpu.memory_space<smem>>
    %sub3A_957 = arith.subf %get3A_952, %get3A_944 : f32
    %sub3A_958 = arith.subf %get3A_956, %get3A_948 : f32
    %mul3A_959 = arith.mulf %sub3A_957, %sub3A_958 : f32
    %min3A_960 = vector.broadcast %get3A_952 : f32 to vector<160x128xf32>
    %min3A_961 = arith.minimumf %add3A_31, %min3A_960 : vector<160x128xf32>
    %max3A_962 = vector.broadcast %get3A_944 : f32 to vector<160x128xf32>
    %max3A_963 = arith.maximumf %sub3A, %max3A_962 : vector<160x128xf32>
    %sub3A_964 = arith.subf %min3A_961, %max3A_963 : vector<160x128xf32>
    %max3A_965 = arith.constant 0.000000e+00 : f32
    %max3A_966 = vector.broadcast %max3A_965 : f32 to vector<160x128xf32>
    %max3A_967 = arith.maximumf %sub3A_964, %max3A_966 : vector<160x128xf32>
    %min3A_968 = vector.broadcast %get3A_956 : f32 to vector<160x128xf32>
    %min3A_969 = arith.minimumf %add3A_35, %min3A_968 : vector<160x128xf32>
    %max3A_970 = vector.broadcast %get3A_948 : f32 to vector<160x128xf32>
    %max3A_971 = arith.maximumf %sub3A_27, %max3A_970 : vector<160x128xf32>
    %sub3A_972 = arith.subf %min3A_969, %max3A_971 : vector<160x128xf32>
    %max3A_973 = arith.constant 0.000000e+00 : f32
    %max3A_974 = vector.broadcast %max3A_973 : f32 to vector<160x128xf32>
    %max3A_975 = arith.maximumf %sub3A_972, %max3A_974 : vector<160x128xf32>
    %mul3A_976 = arith.mulf %max3A_967, %max3A_975 : vector<160x128xf32>
    %add3A_977 = vector.broadcast %mul3A_959 : f32 to vector<160x128xf32>
    %add3A_978 = arith.addf %add3A_977, %mul3A_38 : vector<160x128xf32>
    %sub3A_979 = arith.subf %add3A_978, %mul3A_976 : vector<160x128xf32>
    %div3A_980 = arith.divf %mul3A_976, %sub3A_979 : vector<160x128xf32>
    %reduce_max3A_981 = vector.shape_cast %div3A_940 : vector<160x128xf32> to vector<1x160x128xf32>
    %reduce_max3A_982 = arith.constant dense<0xFF800000> : vector<1xf32>
    %reduce_max3A_983 = vector.multi_reduction <maximumf>, %reduce_max3A_981, %reduce_max3A_982 [1, 2] : vector<1x160x128xf32> to vector<1xf32>
    %reduce_max3A_984 = vector.shape_cast %reduce_max3A_983 : vector<1xf32> to vector<1x1x1xf32>
    %reduce_max3A_985 = vector.extract %reduce_max3A_984[0, 0, 0] : f32 from vector<1x1x1xf32>
    %eq3A_986 = vector.broadcast %reduce_max3A_985 : f32 to vector<160x128xf32>
    %eq3A_987 = arith.cmpf oeq, %div3A_940, %eq3A_986 : vector<160x128xf32>
    %jit3A_988 = arith.constant 1073741824 : i32
    %broadcast_in_dim3A_989 = vector.broadcast %jit3A_988 : i32 to vector<160x128xi32>
    %select_n3A_990 = arith.select %eq3A_987, %add3A, %broadcast_in_dim3A_989 : vector<160x128xi1>, vector<160x128xi32>
    %reduce_min3A_991 = vector.shape_cast %select_n3A_990 : vector<160x128xi32> to vector<1x160x128xi32>
    %reduce_min3A_992 = arith.constant dense<2147483647> : vector<1xi32>
    %reduce_min3A_993 = vector.multi_reduction <minsi>, %reduce_min3A_991, %reduce_min3A_992 [1, 2] : vector<1x160x128xi32> to vector<1xi32>
    %reduce_min3A_994 = vector.shape_cast %reduce_min3A_993 : vector<1xi32> to vector<1x1x1xi32>
    %reduce_min3A_995 = vector.extract %reduce_min3A_994[0, 0, 0] : i32 from vector<1x1x1xi32>
    %swap3A_996 = arith.constant 14 : index
    %swap3A_997 = memref.load %arg7[%swap3A_996] : memref<50xi32, #tpu.memory_space<smem>>
    memref.store %reduce_min3A_995, %arg7[%swap3A_996] : memref<50xi32, #tpu.memory_space<smem>>
    %reduce_max3A_998 = vector.shape_cast %div3A_980 : vector<160x128xf32> to vector<1x160x128xf32>
    %reduce_max3A_999 = arith.constant dense<0xFF800000> : vector<1xf32>
    %reduce_max3A_1000 = vector.multi_reduction <maximumf>, %reduce_max3A_998, %reduce_max3A_999 [1, 2] : vector<1x160x128xf32> to vector<1xf32>
    %reduce_max3A_1001 = vector.shape_cast %reduce_max3A_1000 : vector<1xf32> to vector<1x1x1xf32>
    %reduce_max3A_1002 = vector.extract %reduce_max3A_1001[0, 0, 0] : f32 from vector<1x1x1xf32>
    %eq3A_1003 = vector.broadcast %reduce_max3A_1002 : f32 to vector<160x128xf32>
    %eq3A_1004 = arith.cmpf oeq, %div3A_980, %eq3A_1003 : vector<160x128xf32>
    %jit3A_1005 = arith.constant 1073741824 : i32
    %broadcast_in_dim3A_1006 = vector.broadcast %jit3A_1005 : i32 to vector<160x128xi32>
    %select_n3A_1007 = arith.select %eq3A_1004, %add3A, %broadcast_in_dim3A_1006 : vector<160x128xi1>, vector<160x128xi32>
    %reduce_min3A_1008 = vector.shape_cast %select_n3A_1007 : vector<160x128xi32> to vector<1x160x128xi32>
    %reduce_min3A_1009 = arith.constant dense<2147483647> : vector<1xi32>
    %reduce_min3A_1010 = vector.multi_reduction <minsi>, %reduce_min3A_1008, %reduce_min3A_1009 [1, 2] : vector<1x160x128xi32> to vector<1xi32>
    %reduce_min3A_1011 = vector.shape_cast %reduce_min3A_1010 : vector<1xi32> to vector<1x1x1xi32>
    %reduce_min3A_1012 = vector.extract %reduce_min3A_1011[0, 0, 0] : i32 from vector<1x1x1xi32>
    %swap3A_1013 = arith.constant 15 : index
    %swap3A_1014 = memref.load %arg7[%swap3A_1013] : memref<50xi32, #tpu.memory_space<smem>>
    memref.store %reduce_min3A_1012, %arg7[%swap3A_1013] : memref<50xi32, #tpu.memory_space<smem>>
    %gt3A_1015 = arith.cmpf ogt, %div3A_980, %div3A_940 : vector<160x128xf32>
    %select_n3A_1016 = arith.select %gt3A_1015, %div3A_980, %div3A_940 : vector<160x128xi1>, vector<160x128xf32>
    %jit3A_1017 = arith.constant 15 : i32
    %jit3A_1018 = arith.constant 14 : i32
    %broadcast_in_dim3A_1019 = vector.broadcast %jit3A_1017 : i32 to vector<160x128xi32>
    %broadcast_in_dim3A_1020 = vector.broadcast %jit3A_1018 : i32 to vector<160x128xi32>
    %select_n3A_1021 = arith.select %gt3A_1015, %broadcast_in_dim3A_1019, %broadcast_in_dim3A_1020 : vector<160x128xi1>, vector<160x128xi32>
    %gt3A_1022 = arith.cmpf ogt, %select_n3A_1016, %select_n3A_899 : vector<160x128xf32>
    %select_n3A_1023 = arith.select %gt3A_1022, %select_n3A_1016, %select_n3A_899 : vector<160x128xi1>, vector<160x128xf32>
    %select_n3A_1024 = arith.select %gt3A_1022, %select_n3A_1021, %select_n3A_900 : vector<160x128xi1>, vector<160x128xi32>
    %get3A_1025 = arith.constant 0 : index
    %get3A_1026 = arith.constant 0 : index
    %get3A_1027 = arith.constant 80 : index
    %get3A_1028 = memref.load %arg1[%get3A_1025, %get3A_1026, %get3A_1027] : memref<1x1x250xf32, #tpu.memory_space<smem>>
    %get3A_1029 = arith.constant 0 : index
    %get3A_1030 = arith.constant 0 : index
    %get3A_1031 = arith.constant 81 : index
    %get3A_1032 = memref.load %arg1[%get3A_1029, %get3A_1030, %get3A_1031] : memref<1x1x250xf32, #tpu.memory_space<smem>>
    %get3A_1033 = arith.constant 0 : index
    %get3A_1034 = arith.constant 0 : index
    %get3A_1035 = arith.constant 82 : index
    %get3A_1036 = memref.load %arg1[%get3A_1033, %get3A_1034, %get3A_1035] : memref<1x1x250xf32, #tpu.memory_space<smem>>
    %get3A_1037 = arith.constant 0 : index
    %get3A_1038 = arith.constant 0 : index
    %get3A_1039 = arith.constant 83 : index
    %get3A_1040 = memref.load %arg1[%get3A_1037, %get3A_1038, %get3A_1039] : memref<1x1x250xf32, #tpu.memory_space<smem>>
    %sub3A_1041 = arith.subf %get3A_1036, %get3A_1028 : f32
    %sub3A_1042 = arith.subf %get3A_1040, %get3A_1032 : f32
    %mul3A_1043 = arith.mulf %sub3A_1041, %sub3A_1042 : f32
    %min3A_1044 = vector.broadcast %get3A_1036 : f32 to vector<160x128xf32>
    %min3A_1045 = arith.minimumf %add3A_31, %min3A_1044 : vector<160x128xf32>
    %max3A_1046 = vector.broadcast %get3A_1028 : f32 to vector<160x128xf32>
    %max3A_1047 = arith.maximumf %sub3A, %max3A_1046 : vector<160x128xf32>
    %sub3A_1048 = arith.subf %min3A_1045, %max3A_1047 : vector<160x128xf32>
    %max3A_1049 = arith.constant 0.000000e+00 : f32
    %max3A_1050 = vector.broadcast %max3A_1049 : f32 to vector<160x128xf32>
    %max3A_1051 = arith.maximumf %sub3A_1048, %max3A_1050 : vector<160x128xf32>
    %min3A_1052 = vector.broadcast %get3A_1040 : f32 to vector<160x128xf32>
    %min3A_1053 = arith.minimumf %add3A_35, %min3A_1052 : vector<160x128xf32>
    %max3A_1054 = vector.broadcast %get3A_1032 : f32 to vector<160x128xf32>
    %max3A_1055 = arith.maximumf %sub3A_27, %max3A_1054 : vector<160x128xf32>
    %sub3A_1056 = arith.subf %min3A_1053, %max3A_1055 : vector<160x128xf32>
    %max3A_1057 = arith.constant 0.000000e+00 : f32
    %max3A_1058 = vector.broadcast %max3A_1057 : f32 to vector<160x128xf32>
    %max3A_1059 = arith.maximumf %sub3A_1056, %max3A_1058 : vector<160x128xf32>
    %mul3A_1060 = arith.mulf %max3A_1051, %max3A_1059 : vector<160x128xf32>
    %add3A_1061 = vector.broadcast %mul3A_1043 : f32 to vector<160x128xf32>
    %add3A_1062 = arith.addf %add3A_1061, %mul3A_38 : vector<160x128xf32>
    %sub3A_1063 = arith.subf %add3A_1062, %mul3A_1060 : vector<160x128xf32>
    %div3A_1064 = arith.divf %mul3A_1060, %sub3A_1063 : vector<160x128xf32>
    %get3A_1065 = arith.constant 0 : index
    %get3A_1066 = arith.constant 0 : index
    %get3A_1067 = arith.constant 85 : index
    %get3A_1068 = memref.load %arg1[%get3A_1065, %get3A_1066, %get3A_1067] : memref<1x1x250xf32, #tpu.memory_space<smem>>
    %get3A_1069 = arith.constant 0 : index
    %get3A_1070 = arith.constant 0 : index
    %get3A_1071 = arith.constant 86 : index
    %get3A_1072 = memref.load %arg1[%get3A_1069, %get3A_1070, %get3A_1071] : memref<1x1x250xf32, #tpu.memory_space<smem>>
    %get3A_1073 = arith.constant 0 : index
    %get3A_1074 = arith.constant 0 : index
    %get3A_1075 = arith.constant 87 : index
    %get3A_1076 = memref.load %arg1[%get3A_1073, %get3A_1074, %get3A_1075] : memref<1x1x250xf32, #tpu.memory_space<smem>>
    %get3A_1077 = arith.constant 0 : index
    %get3A_1078 = arith.constant 0 : index
    %get3A_1079 = arith.constant 88 : index
    %get3A_1080 = memref.load %arg1[%get3A_1077, %get3A_1078, %get3A_1079] : memref<1x1x250xf32, #tpu.memory_space<smem>>
    %sub3A_1081 = arith.subf %get3A_1076, %get3A_1068 : f32
    %sub3A_1082 = arith.subf %get3A_1080, %get3A_1072 : f32
    %mul3A_1083 = arith.mulf %sub3A_1081, %sub3A_1082 : f32
    %min3A_1084 = vector.broadcast %get3A_1076 : f32 to vector<160x128xf32>
    %min3A_1085 = arith.minimumf %add3A_31, %min3A_1084 : vector<160x128xf32>
    %max3A_1086 = vector.broadcast %get3A_1068 : f32 to vector<160x128xf32>
    %max3A_1087 = arith.maximumf %sub3A, %max3A_1086 : vector<160x128xf32>
    %sub3A_1088 = arith.subf %min3A_1085, %max3A_1087 : vector<160x128xf32>
    %max3A_1089 = arith.constant 0.000000e+00 : f32
    %max3A_1090 = vector.broadcast %max3A_1089 : f32 to vector<160x128xf32>
    %max3A_1091 = arith.maximumf %sub3A_1088, %max3A_1090 : vector<160x128xf32>
    %min3A_1092 = vector.broadcast %get3A_1080 : f32 to vector<160x128xf32>
    %min3A_1093 = arith.minimumf %add3A_35, %min3A_1092 : vector<160x128xf32>
    %max3A_1094 = vector.broadcast %get3A_1072 : f32 to vector<160x128xf32>
    %max3A_1095 = arith.maximumf %sub3A_27, %max3A_1094 : vector<160x128xf32>
    %sub3A_1096 = arith.subf %min3A_1093, %max3A_1095 : vector<160x128xf32>
    %max3A_1097 = arith.constant 0.000000e+00 : f32
    %max3A_1098 = vector.broadcast %max3A_1097 : f32 to vector<160x128xf32>
    %max3A_1099 = arith.maximumf %sub3A_1096, %max3A_1098 : vector<160x128xf32>
    %mul3A_1100 = arith.mulf %max3A_1091, %max3A_1099 : vector<160x128xf32>
    %add3A_1101 = vector.broadcast %mul3A_1083 : f32 to vector<160x128xf32>
    %add3A_1102 = arith.addf %add3A_1101, %mul3A_38 : vector<160x128xf32>
    %sub3A_1103 = arith.subf %add3A_1102, %mul3A_1100 : vector<160x128xf32>
    %div3A_1104 = arith.divf %mul3A_1100, %sub3A_1103 : vector<160x128xf32>
    %reduce_max3A_1105 = vector.shape_cast %div3A_1064 : vector<160x128xf32> to vector<1x160x128xf32>
    %reduce_max3A_1106 = arith.constant dense<0xFF800000> : vector<1xf32>
    %reduce_max3A_1107 = vector.multi_reduction <maximumf>, %reduce_max3A_1105, %reduce_max3A_1106 [1, 2] : vector<1x160x128xf32> to vector<1xf32>
    %reduce_max3A_1108 = vector.shape_cast %reduce_max3A_1107 : vector<1xf32> to vector<1x1x1xf32>
    %reduce_max3A_1109 = vector.extract %reduce_max3A_1108[0, 0, 0] : f32 from vector<1x1x1xf32>
    %eq3A_1110 = vector.broadcast %reduce_max3A_1109 : f32 to vector<160x128xf32>
    %eq3A_1111 = arith.cmpf oeq, %div3A_1064, %eq3A_1110 : vector<160x128xf32>
    %jit3A_1112 = arith.constant 1073741824 : i32
    %broadcast_in_dim3A_1113 = vector.broadcast %jit3A_1112 : i32 to vector<160x128xi32>
    %select_n3A_1114 = arith.select %eq3A_1111, %add3A, %broadcast_in_dim3A_1113 : vector<160x128xi1>, vector<160x128xi32>
    %reduce_min3A_1115 = vector.shape_cast %select_n3A_1114 : vector<160x128xi32> to vector<1x160x128xi32>
    %reduce_min3A_1116 = arith.constant dense<2147483647> : vector<1xi32>
    %reduce_min3A_1117 = vector.multi_reduction <minsi>, %reduce_min3A_1115, %reduce_min3A_1116 [1, 2] : vector<1x160x128xi32> to vector<1xi32>
    %reduce_min3A_1118 = vector.shape_cast %reduce_min3A_1117 : vector<1xi32> to vector<1x1x1xi32>
    %reduce_min3A_1119 = vector.extract %reduce_min3A_1118[0, 0, 0] : i32 from vector<1x1x1xi32>
    %swap3A_1120 = arith.constant 16 : index
    %swap3A_1121 = memref.load %arg7[%swap3A_1120] : memref<50xi32, #tpu.memory_space<smem>>
    memref.store %reduce_min3A_1119, %arg7[%swap3A_1120] : memref<50xi32, #tpu.memory_space<smem>>
    %reduce_max3A_1122 = vector.shape_cast %div3A_1104 : vector<160x128xf32> to vector<1x160x128xf32>
    %reduce_max3A_1123 = arith.constant dense<0xFF800000> : vector<1xf32>
    %reduce_max3A_1124 = vector.multi_reduction <maximumf>, %reduce_max3A_1122, %reduce_max3A_1123 [1, 2] : vector<1x160x128xf32> to vector<1xf32>
    %reduce_max3A_1125 = vector.shape_cast %reduce_max3A_1124 : vector<1xf32> to vector<1x1x1xf32>
    %reduce_max3A_1126 = vector.extract %reduce_max3A_1125[0, 0, 0] : f32 from vector<1x1x1xf32>
    %eq3A_1127 = vector.broadcast %reduce_max3A_1126 : f32 to vector<160x128xf32>
    %eq3A_1128 = arith.cmpf oeq, %div3A_1104, %eq3A_1127 : vector<160x128xf32>
    %jit3A_1129 = arith.constant 1073741824 : i32
    %broadcast_in_dim3A_1130 = vector.broadcast %jit3A_1129 : i32 to vector<160x128xi32>
    %select_n3A_1131 = arith.select %eq3A_1128, %add3A, %broadcast_in_dim3A_1130 : vector<160x128xi1>, vector<160x128xi32>
    %reduce_min3A_1132 = vector.shape_cast %select_n3A_1131 : vector<160x128xi32> to vector<1x160x128xi32>
    %reduce_min3A_1133 = arith.constant dense<2147483647> : vector<1xi32>
    %reduce_min3A_1134 = vector.multi_reduction <minsi>, %reduce_min3A_1132, %reduce_min3A_1133 [1, 2] : vector<1x160x128xi32> to vector<1xi32>
    %reduce_min3A_1135 = vector.shape_cast %reduce_min3A_1134 : vector<1xi32> to vector<1x1x1xi32>
    %reduce_min3A_1136 = vector.extract %reduce_min3A_1135[0, 0, 0] : i32 from vector<1x1x1xi32>
    %swap3A_1137 = arith.constant 17 : index
    %swap3A_1138 = memref.load %arg7[%swap3A_1137] : memref<50xi32, #tpu.memory_space<smem>>
    memref.store %reduce_min3A_1136, %arg7[%swap3A_1137] : memref<50xi32, #tpu.memory_space<smem>>
    %gt3A_1139 = arith.cmpf ogt, %div3A_1104, %div3A_1064 : vector<160x128xf32>
    %select_n3A_1140 = arith.select %gt3A_1139, %div3A_1104, %div3A_1064 : vector<160x128xi1>, vector<160x128xf32>
    %jit3A_1141 = arith.constant 17 : i32
    %jit3A_1142 = arith.constant 16 : i32
    %broadcast_in_dim3A_1143 = vector.broadcast %jit3A_1141 : i32 to vector<160x128xi32>
    %broadcast_in_dim3A_1144 = vector.broadcast %jit3A_1142 : i32 to vector<160x128xi32>
    %select_n3A_1145 = arith.select %gt3A_1139, %broadcast_in_dim3A_1143, %broadcast_in_dim3A_1144 : vector<160x128xi1>, vector<160x128xi32>
    %gt3A_1146 = arith.cmpf ogt, %select_n3A_1140, %select_n3A_1023 : vector<160x128xf32>
    %select_n3A_1147 = arith.select %gt3A_1146, %select_n3A_1140, %select_n3A_1023 : vector<160x128xi1>, vector<160x128xf32>
    %select_n3A_1148 = arith.select %gt3A_1146, %select_n3A_1145, %select_n3A_1024 : vector<160x128xi1>, vector<160x128xi32>
    %get3A_1149 = arith.constant 0 : index
    %get3A_1150 = arith.constant 0 : index
    %get3A_1151 = arith.constant 90 : index
    %get3A_1152 = memref.load %arg1[%get3A_1149, %get3A_1150, %get3A_1151] : memref<1x1x250xf32, #tpu.memory_space<smem>>
    %get3A_1153 = arith.constant 0 : index
    %get3A_1154 = arith.constant 0 : index
    %get3A_1155 = arith.constant 91 : index
    %get3A_1156 = memref.load %arg1[%get3A_1153, %get3A_1154, %get3A_1155] : memref<1x1x250xf32, #tpu.memory_space<smem>>
    %get3A_1157 = arith.constant 0 : index
    %get3A_1158 = arith.constant 0 : index
    %get3A_1159 = arith.constant 92 : index
    %get3A_1160 = memref.load %arg1[%get3A_1157, %get3A_1158, %get3A_1159] : memref<1x1x250xf32, #tpu.memory_space<smem>>
    %get3A_1161 = arith.constant 0 : index
    %get3A_1162 = arith.constant 0 : index
    %get3A_1163 = arith.constant 93 : index
    %get3A_1164 = memref.load %arg1[%get3A_1161, %get3A_1162, %get3A_1163] : memref<1x1x250xf32, #tpu.memory_space<smem>>
    %sub3A_1165 = arith.subf %get3A_1160, %get3A_1152 : f32
    %sub3A_1166 = arith.subf %get3A_1164, %get3A_1156 : f32
    %mul3A_1167 = arith.mulf %sub3A_1165, %sub3A_1166 : f32
    %min3A_1168 = vector.broadcast %get3A_1160 : f32 to vector<160x128xf32>
    %min3A_1169 = arith.minimumf %add3A_31, %min3A_1168 : vector<160x128xf32>
    %max3A_1170 = vector.broadcast %get3A_1152 : f32 to vector<160x128xf32>
    %max3A_1171 = arith.maximumf %sub3A, %max3A_1170 : vector<160x128xf32>
    %sub3A_1172 = arith.subf %min3A_1169, %max3A_1171 : vector<160x128xf32>
    %max3A_1173 = arith.constant 0.000000e+00 : f32
    %max3A_1174 = vector.broadcast %max3A_1173 : f32 to vector<160x128xf32>
    %max3A_1175 = arith.maximumf %sub3A_1172, %max3A_1174 : vector<160x128xf32>
    %min3A_1176 = vector.broadcast %get3A_1164 : f32 to vector<160x128xf32>
    %min3A_1177 = arith.minimumf %add3A_35, %min3A_1176 : vector<160x128xf32>
    %max3A_1178 = vector.broadcast %get3A_1156 : f32 to vector<160x128xf32>
    %max3A_1179 = arith.maximumf %sub3A_27, %max3A_1178 : vector<160x128xf32>
    %sub3A_1180 = arith.subf %min3A_1177, %max3A_1179 : vector<160x128xf32>
    %max3A_1181 = arith.constant 0.000000e+00 : f32
    %max3A_1182 = vector.broadcast %max3A_1181 : f32 to vector<160x128xf32>
    %max3A_1183 = arith.maximumf %sub3A_1180, %max3A_1182 : vector<160x128xf32>
    %mul3A_1184 = arith.mulf %max3A_1175, %max3A_1183 : vector<160x128xf32>
    %add3A_1185 = vector.broadcast %mul3A_1167 : f32 to vector<160x128xf32>
    %add3A_1186 = arith.addf %add3A_1185, %mul3A_38 : vector<160x128xf32>
    %sub3A_1187 = arith.subf %add3A_1186, %mul3A_1184 : vector<160x128xf32>
    %div3A_1188 = arith.divf %mul3A_1184, %sub3A_1187 : vector<160x128xf32>
    %get3A_1189 = arith.constant 0 : index
    %get3A_1190 = arith.constant 0 : index
    %get3A_1191 = arith.constant 95 : index
    %get3A_1192 = memref.load %arg1[%get3A_1189, %get3A_1190, %get3A_1191] : memref<1x1x250xf32, #tpu.memory_space<smem>>
    %get3A_1193 = arith.constant 0 : index
    %get3A_1194 = arith.constant 0 : index
    %get3A_1195 = arith.constant 96 : index
    %get3A_1196 = memref.load %arg1[%get3A_1193, %get3A_1194, %get3A_1195] : memref<1x1x250xf32, #tpu.memory_space<smem>>
    %get3A_1197 = arith.constant 0 : index
    %get3A_1198 = arith.constant 0 : index
    %get3A_1199 = arith.constant 97 : index
    %get3A_1200 = memref.load %arg1[%get3A_1197, %get3A_1198, %get3A_1199] : memref<1x1x250xf32, #tpu.memory_space<smem>>
    %get3A_1201 = arith.constant 0 : index
    %get3A_1202 = arith.constant 0 : index
    %get3A_1203 = arith.constant 98 : index
    %get3A_1204 = memref.load %arg1[%get3A_1201, %get3A_1202, %get3A_1203] : memref<1x1x250xf32, #tpu.memory_space<smem>>
    %sub3A_1205 = arith.subf %get3A_1200, %get3A_1192 : f32
    %sub3A_1206 = arith.subf %get3A_1204, %get3A_1196 : f32
    %mul3A_1207 = arith.mulf %sub3A_1205, %sub3A_1206 : f32
    %min3A_1208 = vector.broadcast %get3A_1200 : f32 to vector<160x128xf32>
    %min3A_1209 = arith.minimumf %add3A_31, %min3A_1208 : vector<160x128xf32>
    %max3A_1210 = vector.broadcast %get3A_1192 : f32 to vector<160x128xf32>
    %max3A_1211 = arith.maximumf %sub3A, %max3A_1210 : vector<160x128xf32>
    %sub3A_1212 = arith.subf %min3A_1209, %max3A_1211 : vector<160x128xf32>
    %max3A_1213 = arith.constant 0.000000e+00 : f32
    %max3A_1214 = vector.broadcast %max3A_1213 : f32 to vector<160x128xf32>
    %max3A_1215 = arith.maximumf %sub3A_1212, %max3A_1214 : vector<160x128xf32>
    %min3A_1216 = vector.broadcast %get3A_1204 : f32 to vector<160x128xf32>
    %min3A_1217 = arith.minimumf %add3A_35, %min3A_1216 : vector<160x128xf32>
    %max3A_1218 = vector.broadcast %get3A_1196 : f32 to vector<160x128xf32>
    %max3A_1219 = arith.maximumf %sub3A_27, %max3A_1218 : vector<160x128xf32>
    %sub3A_1220 = arith.subf %min3A_1217, %max3A_1219 : vector<160x128xf32>
    %max3A_1221 = arith.constant 0.000000e+00 : f32
    %max3A_1222 = vector.broadcast %max3A_1221 : f32 to vector<160x128xf32>
    %max3A_1223 = arith.maximumf %sub3A_1220, %max3A_1222 : vector<160x128xf32>
    %mul3A_1224 = arith.mulf %max3A_1215, %max3A_1223 : vector<160x128xf32>
    %add3A_1225 = vector.broadcast %mul3A_1207 : f32 to vector<160x128xf32>
    %add3A_1226 = arith.addf %add3A_1225, %mul3A_38 : vector<160x128xf32>
    %sub3A_1227 = arith.subf %add3A_1226, %mul3A_1224 : vector<160x128xf32>
    %div3A_1228 = arith.divf %mul3A_1224, %sub3A_1227 : vector<160x128xf32>
    %reduce_max3A_1229 = vector.shape_cast %div3A_1188 : vector<160x128xf32> to vector<1x160x128xf32>
    %reduce_max3A_1230 = arith.constant dense<0xFF800000> : vector<1xf32>
    %reduce_max3A_1231 = vector.multi_reduction <maximumf>, %reduce_max3A_1229, %reduce_max3A_1230 [1, 2] : vector<1x160x128xf32> to vector<1xf32>
    %reduce_max3A_1232 = vector.shape_cast %reduce_max3A_1231 : vector<1xf32> to vector<1x1x1xf32>
    %reduce_max3A_1233 = vector.extract %reduce_max3A_1232[0, 0, 0] : f32 from vector<1x1x1xf32>
    %eq3A_1234 = vector.broadcast %reduce_max3A_1233 : f32 to vector<160x128xf32>
    %eq3A_1235 = arith.cmpf oeq, %div3A_1188, %eq3A_1234 : vector<160x128xf32>
    %jit3A_1236 = arith.constant 1073741824 : i32
    %broadcast_in_dim3A_1237 = vector.broadcast %jit3A_1236 : i32 to vector<160x128xi32>
    %select_n3A_1238 = arith.select %eq3A_1235, %add3A, %broadcast_in_dim3A_1237 : vector<160x128xi1>, vector<160x128xi32>
    %reduce_min3A_1239 = vector.shape_cast %select_n3A_1238 : vector<160x128xi32> to vector<1x160x128xi32>
    %reduce_min3A_1240 = arith.constant dense<2147483647> : vector<1xi32>
    %reduce_min3A_1241 = vector.multi_reduction <minsi>, %reduce_min3A_1239, %reduce_min3A_1240 [1, 2] : vector<1x160x128xi32> to vector<1xi32>
    %reduce_min3A_1242 = vector.shape_cast %reduce_min3A_1241 : vector<1xi32> to vector<1x1x1xi32>
    %reduce_min3A_1243 = vector.extract %reduce_min3A_1242[0, 0, 0] : i32 from vector<1x1x1xi32>
    %swap3A_1244 = arith.constant 18 : index
    %swap3A_1245 = memref.load %arg7[%swap3A_1244] : memref<50xi32, #tpu.memory_space<smem>>
    memref.store %reduce_min3A_1243, %arg7[%swap3A_1244] : memref<50xi32, #tpu.memory_space<smem>>
    %reduce_max3A_1246 = vector.shape_cast %div3A_1228 : vector<160x128xf32> to vector<1x160x128xf32>
    %reduce_max3A_1247 = arith.constant dense<0xFF800000> : vector<1xf32>
    %reduce_max3A_1248 = vector.multi_reduction <maximumf>, %reduce_max3A_1246, %reduce_max3A_1247 [1, 2] : vector<1x160x128xf32> to vector<1xf32>
    %reduce_max3A_1249 = vector.shape_cast %reduce_max3A_1248 : vector<1xf32> to vector<1x1x1xf32>
    %reduce_max3A_1250 = vector.extract %reduce_max3A_1249[0, 0, 0] : f32 from vector<1x1x1xf32>
    %eq3A_1251 = vector.broadcast %reduce_max3A_1250 : f32 to vector<160x128xf32>
    %eq3A_1252 = arith.cmpf oeq, %div3A_1228, %eq3A_1251 : vector<160x128xf32>
    %jit3A_1253 = arith.constant 1073741824 : i32
    %broadcast_in_dim3A_1254 = vector.broadcast %jit3A_1253 : i32 to vector<160x128xi32>
    %select_n3A_1255 = arith.select %eq3A_1252, %add3A, %broadcast_in_dim3A_1254 : vector<160x128xi1>, vector<160x128xi32>
    %reduce_min3A_1256 = vector.shape_cast %select_n3A_1255 : vector<160x128xi32> to vector<1x160x128xi32>
    %reduce_min3A_1257 = arith.constant dense<2147483647> : vector<1xi32>
    %reduce_min3A_1258 = vector.multi_reduction <minsi>, %reduce_min3A_1256, %reduce_min3A_1257 [1, 2] : vector<1x160x128xi32> to vector<1xi32>
    %reduce_min3A_1259 = vector.shape_cast %reduce_min3A_1258 : vector<1xi32> to vector<1x1x1xi32>
    %reduce_min3A_1260 = vector.extract %reduce_min3A_1259[0, 0, 0] : i32 from vector<1x1x1xi32>
    %swap3A_1261 = arith.constant 19 : index
    %swap3A_1262 = memref.load %arg7[%swap3A_1261] : memref<50xi32, #tpu.memory_space<smem>>
    memref.store %reduce_min3A_1260, %arg7[%swap3A_1261] : memref<50xi32, #tpu.memory_space<smem>>
    %gt3A_1263 = arith.cmpf ogt, %div3A_1228, %div3A_1188 : vector<160x128xf32>
    %select_n3A_1264 = arith.select %gt3A_1263, %div3A_1228, %div3A_1188 : vector<160x128xi1>, vector<160x128xf32>
    %jit3A_1265 = arith.constant 19 : i32
    %jit3A_1266 = arith.constant 18 : i32
    %broadcast_in_dim3A_1267 = vector.broadcast %jit3A_1265 : i32 to vector<160x128xi32>
    %broadcast_in_dim3A_1268 = vector.broadcast %jit3A_1266 : i32 to vector<160x128xi32>
    %select_n3A_1269 = arith.select %gt3A_1263, %broadcast_in_dim3A_1267, %broadcast_in_dim3A_1268 : vector<160x128xi1>, vector<160x128xi32>
    %gt3A_1270 = arith.cmpf ogt, %select_n3A_1264, %select_n3A_1147 : vector<160x128xf32>
    %select_n3A_1271 = arith.select %gt3A_1270, %select_n3A_1264, %select_n3A_1147 : vector<160x128xi1>, vector<160x128xf32>
    %select_n3A_1272 = arith.select %gt3A_1270, %select_n3A_1269, %select_n3A_1148 : vector<160x128xi1>, vector<160x128xi32>
    %get3A_1273 = arith.constant 0 : index
    %get3A_1274 = arith.constant 0 : index
    %get3A_1275 = arith.constant 100 : index
    %get3A_1276 = memref.load %arg1[%get3A_1273, %get3A_1274, %get3A_1275] : memref<1x1x250xf32, #tpu.memory_space<smem>>
    %get3A_1277 = arith.constant 0 : index
    %get3A_1278 = arith.constant 0 : index
    %get3A_1279 = arith.constant 101 : index
    %get3A_1280 = memref.load %arg1[%get3A_1277, %get3A_1278, %get3A_1279] : memref<1x1x250xf32, #tpu.memory_space<smem>>
    %get3A_1281 = arith.constant 0 : index
    %get3A_1282 = arith.constant 0 : index
    %get3A_1283 = arith.constant 102 : index
    %get3A_1284 = memref.load %arg1[%get3A_1281, %get3A_1282, %get3A_1283] : memref<1x1x250xf32, #tpu.memory_space<smem>>
    %get3A_1285 = arith.constant 0 : index
    %get3A_1286 = arith.constant 0 : index
    %get3A_1287 = arith.constant 103 : index
    %get3A_1288 = memref.load %arg1[%get3A_1285, %get3A_1286, %get3A_1287] : memref<1x1x250xf32, #tpu.memory_space<smem>>
    %sub3A_1289 = arith.subf %get3A_1284, %get3A_1276 : f32
    %sub3A_1290 = arith.subf %get3A_1288, %get3A_1280 : f32
    %mul3A_1291 = arith.mulf %sub3A_1289, %sub3A_1290 : f32
    %min3A_1292 = vector.broadcast %get3A_1284 : f32 to vector<160x128xf32>
    %min3A_1293 = arith.minimumf %add3A_31, %min3A_1292 : vector<160x128xf32>
    %max3A_1294 = vector.broadcast %get3A_1276 : f32 to vector<160x128xf32>
    %max3A_1295 = arith.maximumf %sub3A, %max3A_1294 : vector<160x128xf32>
    %sub3A_1296 = arith.subf %min3A_1293, %max3A_1295 : vector<160x128xf32>
    %max3A_1297 = arith.constant 0.000000e+00 : f32
    %max3A_1298 = vector.broadcast %max3A_1297 : f32 to vector<160x128xf32>
    %max3A_1299 = arith.maximumf %sub3A_1296, %max3A_1298 : vector<160x128xf32>
    %min3A_1300 = vector.broadcast %get3A_1288 : f32 to vector<160x128xf32>
    %min3A_1301 = arith.minimumf %add3A_35, %min3A_1300 : vector<160x128xf32>
    %max3A_1302 = vector.broadcast %get3A_1280 : f32 to vector<160x128xf32>
    %max3A_1303 = arith.maximumf %sub3A_27, %max3A_1302 : vector<160x128xf32>
    %sub3A_1304 = arith.subf %min3A_1301, %max3A_1303 : vector<160x128xf32>
    %max3A_1305 = arith.constant 0.000000e+00 : f32
    %max3A_1306 = vector.broadcast %max3A_1305 : f32 to vector<160x128xf32>
    %max3A_1307 = arith.maximumf %sub3A_1304, %max3A_1306 : vector<160x128xf32>
    %mul3A_1308 = arith.mulf %max3A_1299, %max3A_1307 : vector<160x128xf32>
    %add3A_1309 = vector.broadcast %mul3A_1291 : f32 to vector<160x128xf32>
    %add3A_1310 = arith.addf %add3A_1309, %mul3A_38 : vector<160x128xf32>
    %sub3A_1311 = arith.subf %add3A_1310, %mul3A_1308 : vector<160x128xf32>
    %div3A_1312 = arith.divf %mul3A_1308, %sub3A_1311 : vector<160x128xf32>
    %get3A_1313 = arith.constant 0 : index
    %get3A_1314 = arith.constant 0 : index
    %get3A_1315 = arith.constant 105 : index
    %get3A_1316 = memref.load %arg1[%get3A_1313, %get3A_1314, %get3A_1315] : memref<1x1x250xf32, #tpu.memory_space<smem>>
    %get3A_1317 = arith.constant 0 : index
    %get3A_1318 = arith.constant 0 : index
    %get3A_1319 = arith.constant 106 : index
    %get3A_1320 = memref.load %arg1[%get3A_1317, %get3A_1318, %get3A_1319] : memref<1x1x250xf32, #tpu.memory_space<smem>>
    %get3A_1321 = arith.constant 0 : index
    %get3A_1322 = arith.constant 0 : index
    %get3A_1323 = arith.constant 107 : index
    %get3A_1324 = memref.load %arg1[%get3A_1321, %get3A_1322, %get3A_1323] : memref<1x1x250xf32, #tpu.memory_space<smem>>
    %get3A_1325 = arith.constant 0 : index
    %get3A_1326 = arith.constant 0 : index
    %get3A_1327 = arith.constant 108 : index
    %get3A_1328 = memref.load %arg1[%get3A_1325, %get3A_1326, %get3A_1327] : memref<1x1x250xf32, #tpu.memory_space<smem>>
    %sub3A_1329 = arith.subf %get3A_1324, %get3A_1316 : f32
    %sub3A_1330 = arith.subf %get3A_1328, %get3A_1320 : f32
    %mul3A_1331 = arith.mulf %sub3A_1329, %sub3A_1330 : f32
    %min3A_1332 = vector.broadcast %get3A_1324 : f32 to vector<160x128xf32>
    %min3A_1333 = arith.minimumf %add3A_31, %min3A_1332 : vector<160x128xf32>
    %max3A_1334 = vector.broadcast %get3A_1316 : f32 to vector<160x128xf32>
    %max3A_1335 = arith.maximumf %sub3A, %max3A_1334 : vector<160x128xf32>
    %sub3A_1336 = arith.subf %min3A_1333, %max3A_1335 : vector<160x128xf32>
    %max3A_1337 = arith.constant 0.000000e+00 : f32
    %max3A_1338 = vector.broadcast %max3A_1337 : f32 to vector<160x128xf32>
    %max3A_1339 = arith.maximumf %sub3A_1336, %max3A_1338 : vector<160x128xf32>
    %min3A_1340 = vector.broadcast %get3A_1328 : f32 to vector<160x128xf32>
    %min3A_1341 = arith.minimumf %add3A_35, %min3A_1340 : vector<160x128xf32>
    %max3A_1342 = vector.broadcast %get3A_1320 : f32 to vector<160x128xf32>
    %max3A_1343 = arith.maximumf %sub3A_27, %max3A_1342 : vector<160x128xf32>
    %sub3A_1344 = arith.subf %min3A_1341, %max3A_1343 : vector<160x128xf32>
    %max3A_1345 = arith.constant 0.000000e+00 : f32
    %max3A_1346 = vector.broadcast %max3A_1345 : f32 to vector<160x128xf32>
    %max3A_1347 = arith.maximumf %sub3A_1344, %max3A_1346 : vector<160x128xf32>
    %mul3A_1348 = arith.mulf %max3A_1339, %max3A_1347 : vector<160x128xf32>
    %add3A_1349 = vector.broadcast %mul3A_1331 : f32 to vector<160x128xf32>
    %add3A_1350 = arith.addf %add3A_1349, %mul3A_38 : vector<160x128xf32>
    %sub3A_1351 = arith.subf %add3A_1350, %mul3A_1348 : vector<160x128xf32>
    %div3A_1352 = arith.divf %mul3A_1348, %sub3A_1351 : vector<160x128xf32>
    %reduce_max3A_1353 = vector.shape_cast %div3A_1312 : vector<160x128xf32> to vector<1x160x128xf32>
    %reduce_max3A_1354 = arith.constant dense<0xFF800000> : vector<1xf32>
    %reduce_max3A_1355 = vector.multi_reduction <maximumf>, %reduce_max3A_1353, %reduce_max3A_1354 [1, 2] : vector<1x160x128xf32> to vector<1xf32>
    %reduce_max3A_1356 = vector.shape_cast %reduce_max3A_1355 : vector<1xf32> to vector<1x1x1xf32>
    %reduce_max3A_1357 = vector.extract %reduce_max3A_1356[0, 0, 0] : f32 from vector<1x1x1xf32>
    %eq3A_1358 = vector.broadcast %reduce_max3A_1357 : f32 to vector<160x128xf32>
    %eq3A_1359 = arith.cmpf oeq, %div3A_1312, %eq3A_1358 : vector<160x128xf32>
    %jit3A_1360 = arith.constant 1073741824 : i32
    %broadcast_in_dim3A_1361 = vector.broadcast %jit3A_1360 : i32 to vector<160x128xi32>
    %select_n3A_1362 = arith.select %eq3A_1359, %add3A, %broadcast_in_dim3A_1361 : vector<160x128xi1>, vector<160x128xi32>
    %reduce_min3A_1363 = vector.shape_cast %select_n3A_1362 : vector<160x128xi32> to vector<1x160x128xi32>
    %reduce_min3A_1364 = arith.constant dense<2147483647> : vector<1xi32>
    %reduce_min3A_1365 = vector.multi_reduction <minsi>, %reduce_min3A_1363, %reduce_min3A_1364 [1, 2] : vector<1x160x128xi32> to vector<1xi32>
    %reduce_min3A_1366 = vector.shape_cast %reduce_min3A_1365 : vector<1xi32> to vector<1x1x1xi32>
    %reduce_min3A_1367 = vector.extract %reduce_min3A_1366[0, 0, 0] : i32 from vector<1x1x1xi32>
    %swap3A_1368 = arith.constant 20 : index
    %swap3A_1369 = memref.load %arg7[%swap3A_1368] : memref<50xi32, #tpu.memory_space<smem>>
    memref.store %reduce_min3A_1367, %arg7[%swap3A_1368] : memref<50xi32, #tpu.memory_space<smem>>
    %reduce_max3A_1370 = vector.shape_cast %div3A_1352 : vector<160x128xf32> to vector<1x160x128xf32>
    %reduce_max3A_1371 = arith.constant dense<0xFF800000> : vector<1xf32>
    %reduce_max3A_1372 = vector.multi_reduction <maximumf>, %reduce_max3A_1370, %reduce_max3A_1371 [1, 2] : vector<1x160x128xf32> to vector<1xf32>
    %reduce_max3A_1373 = vector.shape_cast %reduce_max3A_1372 : vector<1xf32> to vector<1x1x1xf32>
    %reduce_max3A_1374 = vector.extract %reduce_max3A_1373[0, 0, 0] : f32 from vector<1x1x1xf32>
    %eq3A_1375 = vector.broadcast %reduce_max3A_1374 : f32 to vector<160x128xf32>
    %eq3A_1376 = arith.cmpf oeq, %div3A_1352, %eq3A_1375 : vector<160x128xf32>
    %jit3A_1377 = arith.constant 1073741824 : i32
    %broadcast_in_dim3A_1378 = vector.broadcast %jit3A_1377 : i32 to vector<160x128xi32>
    %select_n3A_1379 = arith.select %eq3A_1376, %add3A, %broadcast_in_dim3A_1378 : vector<160x128xi1>, vector<160x128xi32>
    %reduce_min3A_1380 = vector.shape_cast %select_n3A_1379 : vector<160x128xi32> to vector<1x160x128xi32>
    %reduce_min3A_1381 = arith.constant dense<2147483647> : vector<1xi32>
    %reduce_min3A_1382 = vector.multi_reduction <minsi>, %reduce_min3A_1380, %reduce_min3A_1381 [1, 2] : vector<1x160x128xi32> to vector<1xi32>
    %reduce_min3A_1383 = vector.shape_cast %reduce_min3A_1382 : vector<1xi32> to vector<1x1x1xi32>
    %reduce_min3A_1384 = vector.extract %reduce_min3A_1383[0, 0, 0] : i32 from vector<1x1x1xi32>
    %swap3A_1385 = arith.constant 21 : index
    %swap3A_1386 = memref.load %arg7[%swap3A_1385] : memref<50xi32, #tpu.memory_space<smem>>
    memref.store %reduce_min3A_1384, %arg7[%swap3A_1385] : memref<50xi32, #tpu.memory_space<smem>>
    %gt3A_1387 = arith.cmpf ogt, %div3A_1352, %div3A_1312 : vector<160x128xf32>
    %select_n3A_1388 = arith.select %gt3A_1387, %div3A_1352, %div3A_1312 : vector<160x128xi1>, vector<160x128xf32>
    %jit3A_1389 = arith.constant 21 : i32
    %jit3A_1390 = arith.constant 20 : i32
    %broadcast_in_dim3A_1391 = vector.broadcast %jit3A_1389 : i32 to vector<160x128xi32>
    %broadcast_in_dim3A_1392 = vector.broadcast %jit3A_1390 : i32 to vector<160x128xi32>
    %select_n3A_1393 = arith.select %gt3A_1387, %broadcast_in_dim3A_1391, %broadcast_in_dim3A_1392 : vector<160x128xi1>, vector<160x128xi32>
    %gt3A_1394 = arith.cmpf ogt, %select_n3A_1388, %select_n3A_1271 : vector<160x128xf32>
    %select_n3A_1395 = arith.select %gt3A_1394, %select_n3A_1388, %select_n3A_1271 : vector<160x128xi1>, vector<160x128xf32>
    %select_n3A_1396 = arith.select %gt3A_1394, %select_n3A_1393, %select_n3A_1272 : vector<160x128xi1>, vector<160x128xi32>
    %get3A_1397 = arith.constant 0 : index
    %get3A_1398 = arith.constant 0 : index
    %get3A_1399 = arith.constant 110 : index
    %get3A_1400 = memref.load %arg1[%get3A_1397, %get3A_1398, %get3A_1399] : memref<1x1x250xf32, #tpu.memory_space<smem>>
    %get3A_1401 = arith.constant 0 : index
    %get3A_1402 = arith.constant 0 : index
    %get3A_1403 = arith.constant 111 : index
    %get3A_1404 = memref.load %arg1[%get3A_1401, %get3A_1402, %get3A_1403] : memref<1x1x250xf32, #tpu.memory_space<smem>>
    %get3A_1405 = arith.constant 0 : index
    %get3A_1406 = arith.constant 0 : index
    %get3A_1407 = arith.constant 112 : index
    %get3A_1408 = memref.load %arg1[%get3A_1405, %get3A_1406, %get3A_1407] : memref<1x1x250xf32, #tpu.memory_space<smem>>
    %get3A_1409 = arith.constant 0 : index
    %get3A_1410 = arith.constant 0 : index
    %get3A_1411 = arith.constant 113 : index
    %get3A_1412 = memref.load %arg1[%get3A_1409, %get3A_1410, %get3A_1411] : memref<1x1x250xf32, #tpu.memory_space<smem>>
    %sub3A_1413 = arith.subf %get3A_1408, %get3A_1400 : f32
    %sub3A_1414 = arith.subf %get3A_1412, %get3A_1404 : f32
    %mul3A_1415 = arith.mulf %sub3A_1413, %sub3A_1414 : f32
    %min3A_1416 = vector.broadcast %get3A_1408 : f32 to vector<160x128xf32>
    %min3A_1417 = arith.minimumf %add3A_31, %min3A_1416 : vector<160x128xf32>
    %max3A_1418 = vector.broadcast %get3A_1400 : f32 to vector<160x128xf32>
    %max3A_1419 = arith.maximumf %sub3A, %max3A_1418 : vector<160x128xf32>
    %sub3A_1420 = arith.subf %min3A_1417, %max3A_1419 : vector<160x128xf32>
    %max3A_1421 = arith.constant 0.000000e+00 : f32
    %max3A_1422 = vector.broadcast %max3A_1421 : f32 to vector<160x128xf32>
    %max3A_1423 = arith.maximumf %sub3A_1420, %max3A_1422 : vector<160x128xf32>
    %min3A_1424 = vector.broadcast %get3A_1412 : f32 to vector<160x128xf32>
    %min3A_1425 = arith.minimumf %add3A_35, %min3A_1424 : vector<160x128xf32>
    %max3A_1426 = vector.broadcast %get3A_1404 : f32 to vector<160x128xf32>
    %max3A_1427 = arith.maximumf %sub3A_27, %max3A_1426 : vector<160x128xf32>
    %sub3A_1428 = arith.subf %min3A_1425, %max3A_1427 : vector<160x128xf32>
    %max3A_1429 = arith.constant 0.000000e+00 : f32
    %max3A_1430 = vector.broadcast %max3A_1429 : f32 to vector<160x128xf32>
    %max3A_1431 = arith.maximumf %sub3A_1428, %max3A_1430 : vector<160x128xf32>
    %mul3A_1432 = arith.mulf %max3A_1423, %max3A_1431 : vector<160x128xf32>
    %add3A_1433 = vector.broadcast %mul3A_1415 : f32 to vector<160x128xf32>
    %add3A_1434 = arith.addf %add3A_1433, %mul3A_38 : vector<160x128xf32>
    %sub3A_1435 = arith.subf %add3A_1434, %mul3A_1432 : vector<160x128xf32>
    %div3A_1436 = arith.divf %mul3A_1432, %sub3A_1435 : vector<160x128xf32>
    %get3A_1437 = arith.constant 0 : index
    %get3A_1438 = arith.constant 0 : index
    %get3A_1439 = arith.constant 115 : index
    %get3A_1440 = memref.load %arg1[%get3A_1437, %get3A_1438, %get3A_1439] : memref<1x1x250xf32, #tpu.memory_space<smem>>
    %get3A_1441 = arith.constant 0 : index
    %get3A_1442 = arith.constant 0 : index
    %get3A_1443 = arith.constant 116 : index
    %get3A_1444 = memref.load %arg1[%get3A_1441, %get3A_1442, %get3A_1443] : memref<1x1x250xf32, #tpu.memory_space<smem>>
    %get3A_1445 = arith.constant 0 : index
    %get3A_1446 = arith.constant 0 : index
    %get3A_1447 = arith.constant 117 : index
    %get3A_1448 = memref.load %arg1[%get3A_1445, %get3A_1446, %get3A_1447] : memref<1x1x250xf32, #tpu.memory_space<smem>>
    %get3A_1449 = arith.constant 0 : index
    %get3A_1450 = arith.constant 0 : index
    %get3A_1451 = arith.constant 118 : index
    %get3A_1452 = memref.load %arg1[%get3A_1449, %get3A_1450, %get3A_1451] : memref<1x1x250xf32, #tpu.memory_space<smem>>
    %sub3A_1453 = arith.subf %get3A_1448, %get3A_1440 : f32
    %sub3A_1454 = arith.subf %get3A_1452, %get3A_1444 : f32
    %mul3A_1455 = arith.mulf %sub3A_1453, %sub3A_1454 : f32
    %min3A_1456 = vector.broadcast %get3A_1448 : f32 to vector<160x128xf32>
    %min3A_1457 = arith.minimumf %add3A_31, %min3A_1456 : vector<160x128xf32>
    %max3A_1458 = vector.broadcast %get3A_1440 : f32 to vector<160x128xf32>
    %max3A_1459 = arith.maximumf %sub3A, %max3A_1458 : vector<160x128xf32>
    %sub3A_1460 = arith.subf %min3A_1457, %max3A_1459 : vector<160x128xf32>
    %max3A_1461 = arith.constant 0.000000e+00 : f32
    %max3A_1462 = vector.broadcast %max3A_1461 : f32 to vector<160x128xf32>
    %max3A_1463 = arith.maximumf %sub3A_1460, %max3A_1462 : vector<160x128xf32>
    %min3A_1464 = vector.broadcast %get3A_1452 : f32 to vector<160x128xf32>
    %min3A_1465 = arith.minimumf %add3A_35, %min3A_1464 : vector<160x128xf32>
    %max3A_1466 = vector.broadcast %get3A_1444 : f32 to vector<160x128xf32>
    %max3A_1467 = arith.maximumf %sub3A_27, %max3A_1466 : vector<160x128xf32>
    %sub3A_1468 = arith.subf %min3A_1465, %max3A_1467 : vector<160x128xf32>
    %max3A_1469 = arith.constant 0.000000e+00 : f32
    %max3A_1470 = vector.broadcast %max3A_1469 : f32 to vector<160x128xf32>
    %max3A_1471 = arith.maximumf %sub3A_1468, %max3A_1470 : vector<160x128xf32>
    %mul3A_1472 = arith.mulf %max3A_1463, %max3A_1471 : vector<160x128xf32>
    %add3A_1473 = vector.broadcast %mul3A_1455 : f32 to vector<160x128xf32>
    %add3A_1474 = arith.addf %add3A_1473, %mul3A_38 : vector<160x128xf32>
    %sub3A_1475 = arith.subf %add3A_1474, %mul3A_1472 : vector<160x128xf32>
    %div3A_1476 = arith.divf %mul3A_1472, %sub3A_1475 : vector<160x128xf32>
    %reduce_max3A_1477 = vector.shape_cast %div3A_1436 : vector<160x128xf32> to vector<1x160x128xf32>
    %reduce_max3A_1478 = arith.constant dense<0xFF800000> : vector<1xf32>
    %reduce_max3A_1479 = vector.multi_reduction <maximumf>, %reduce_max3A_1477, %reduce_max3A_1478 [1, 2] : vector<1x160x128xf32> to vector<1xf32>
    %reduce_max3A_1480 = vector.shape_cast %reduce_max3A_1479 : vector<1xf32> to vector<1x1x1xf32>
    %reduce_max3A_1481 = vector.extract %reduce_max3A_1480[0, 0, 0] : f32 from vector<1x1x1xf32>
    %eq3A_1482 = vector.broadcast %reduce_max3A_1481 : f32 to vector<160x128xf32>
    %eq3A_1483 = arith.cmpf oeq, %div3A_1436, %eq3A_1482 : vector<160x128xf32>
    %jit3A_1484 = arith.constant 1073741824 : i32
    %broadcast_in_dim3A_1485 = vector.broadcast %jit3A_1484 : i32 to vector<160x128xi32>
    %select_n3A_1486 = arith.select %eq3A_1483, %add3A, %broadcast_in_dim3A_1485 : vector<160x128xi1>, vector<160x128xi32>
    %reduce_min3A_1487 = vector.shape_cast %select_n3A_1486 : vector<160x128xi32> to vector<1x160x128xi32>
    %reduce_min3A_1488 = arith.constant dense<2147483647> : vector<1xi32>
    %reduce_min3A_1489 = vector.multi_reduction <minsi>, %reduce_min3A_1487, %reduce_min3A_1488 [1, 2] : vector<1x160x128xi32> to vector<1xi32>
    %reduce_min3A_1490 = vector.shape_cast %reduce_min3A_1489 : vector<1xi32> to vector<1x1x1xi32>
    %reduce_min3A_1491 = vector.extract %reduce_min3A_1490[0, 0, 0] : i32 from vector<1x1x1xi32>
    %swap3A_1492 = arith.constant 22 : index
    %swap3A_1493 = memref.load %arg7[%swap3A_1492] : memref<50xi32, #tpu.memory_space<smem>>
    memref.store %reduce_min3A_1491, %arg7[%swap3A_1492] : memref<50xi32, #tpu.memory_space<smem>>
    %reduce_max3A_1494 = vector.shape_cast %div3A_1476 : vector<160x128xf32> to vector<1x160x128xf32>
    %reduce_max3A_1495 = arith.constant dense<0xFF800000> : vector<1xf32>
    %reduce_max3A_1496 = vector.multi_reduction <maximumf>, %reduce_max3A_1494, %reduce_max3A_1495 [1, 2] : vector<1x160x128xf32> to vector<1xf32>
    %reduce_max3A_1497 = vector.shape_cast %reduce_max3A_1496 : vector<1xf32> to vector<1x1x1xf32>
    %reduce_max3A_1498 = vector.extract %reduce_max3A_1497[0, 0, 0] : f32 from vector<1x1x1xf32>
    %eq3A_1499 = vector.broadcast %reduce_max3A_1498 : f32 to vector<160x128xf32>
    %eq3A_1500 = arith.cmpf oeq, %div3A_1476, %eq3A_1499 : vector<160x128xf32>
    %jit3A_1501 = arith.constant 1073741824 : i32
    %broadcast_in_dim3A_1502 = vector.broadcast %jit3A_1501 : i32 to vector<160x128xi32>
    %select_n3A_1503 = arith.select %eq3A_1500, %add3A, %broadcast_in_dim3A_1502 : vector<160x128xi1>, vector<160x128xi32>
    %reduce_min3A_1504 = vector.shape_cast %select_n3A_1503 : vector<160x128xi32> to vector<1x160x128xi32>
    %reduce_min3A_1505 = arith.constant dense<2147483647> : vector<1xi32>
    %reduce_min3A_1506 = vector.multi_reduction <minsi>, %reduce_min3A_1504, %reduce_min3A_1505 [1, 2] : vector<1x160x128xi32> to vector<1xi32>
    %reduce_min3A_1507 = vector.shape_cast %reduce_min3A_1506 : vector<1xi32> to vector<1x1x1xi32>
    %reduce_min3A_1508 = vector.extract %reduce_min3A_1507[0, 0, 0] : i32 from vector<1x1x1xi32>
    %swap3A_1509 = arith.constant 23 : index
    %swap3A_1510 = memref.load %arg7[%swap3A_1509] : memref<50xi32, #tpu.memory_space<smem>>
    memref.store %reduce_min3A_1508, %arg7[%swap3A_1509] : memref<50xi32, #tpu.memory_space<smem>>
    %gt3A_1511 = arith.cmpf ogt, %div3A_1476, %div3A_1436 : vector<160x128xf32>
    %select_n3A_1512 = arith.select %gt3A_1511, %div3A_1476, %div3A_1436 : vector<160x128xi1>, vector<160x128xf32>
    %jit3A_1513 = arith.constant 23 : i32
    %jit3A_1514 = arith.constant 22 : i32
    %broadcast_in_dim3A_1515 = vector.broadcast %jit3A_1513 : i32 to vector<160x128xi32>
    %broadcast_in_dim3A_1516 = vector.broadcast %jit3A_1514 : i32 to vector<160x128xi32>
    %select_n3A_1517 = arith.select %gt3A_1511, %broadcast_in_dim3A_1515, %broadcast_in_dim3A_1516 : vector<160x128xi1>, vector<160x128xi32>
    %gt3A_1518 = arith.cmpf ogt, %select_n3A_1512, %select_n3A_1395 : vector<160x128xf32>
    %select_n3A_1519 = arith.select %gt3A_1518, %select_n3A_1512, %select_n3A_1395 : vector<160x128xi1>, vector<160x128xf32>
    %select_n3A_1520 = arith.select %gt3A_1518, %select_n3A_1517, %select_n3A_1396 : vector<160x128xi1>, vector<160x128xi32>
    %get3A_1521 = arith.constant 0 : index
    %get3A_1522 = arith.constant 0 : index
    %get3A_1523 = arith.constant 120 : index
    %get3A_1524 = memref.load %arg1[%get3A_1521, %get3A_1522, %get3A_1523] : memref<1x1x250xf32, #tpu.memory_space<smem>>
    %get3A_1525 = arith.constant 0 : index
    %get3A_1526 = arith.constant 0 : index
    %get3A_1527 = arith.constant 121 : index
    %get3A_1528 = memref.load %arg1[%get3A_1525, %get3A_1526, %get3A_1527] : memref<1x1x250xf32, #tpu.memory_space<smem>>
    %get3A_1529 = arith.constant 0 : index
    %get3A_1530 = arith.constant 0 : index
    %get3A_1531 = arith.constant 122 : index
    %get3A_1532 = memref.load %arg1[%get3A_1529, %get3A_1530, %get3A_1531] : memref<1x1x250xf32, #tpu.memory_space<smem>>
    %get3A_1533 = arith.constant 0 : index
    %get3A_1534 = arith.constant 0 : index
    %get3A_1535 = arith.constant 123 : index
    %get3A_1536 = memref.load %arg1[%get3A_1533, %get3A_1534, %get3A_1535] : memref<1x1x250xf32, #tpu.memory_space<smem>>
    %sub3A_1537 = arith.subf %get3A_1532, %get3A_1524 : f32
    %sub3A_1538 = arith.subf %get3A_1536, %get3A_1528 : f32
    %mul3A_1539 = arith.mulf %sub3A_1537, %sub3A_1538 : f32
    %min3A_1540 = vector.broadcast %get3A_1532 : f32 to vector<160x128xf32>
    %min3A_1541 = arith.minimumf %add3A_31, %min3A_1540 : vector<160x128xf32>
    %max3A_1542 = vector.broadcast %get3A_1524 : f32 to vector<160x128xf32>
    %max3A_1543 = arith.maximumf %sub3A, %max3A_1542 : vector<160x128xf32>
    %sub3A_1544 = arith.subf %min3A_1541, %max3A_1543 : vector<160x128xf32>
    %max3A_1545 = arith.constant 0.000000e+00 : f32
    %max3A_1546 = vector.broadcast %max3A_1545 : f32 to vector<160x128xf32>
    %max3A_1547 = arith.maximumf %sub3A_1544, %max3A_1546 : vector<160x128xf32>
    %min3A_1548 = vector.broadcast %get3A_1536 : f32 to vector<160x128xf32>
    %min3A_1549 = arith.minimumf %add3A_35, %min3A_1548 : vector<160x128xf32>
    %max3A_1550 = vector.broadcast %get3A_1528 : f32 to vector<160x128xf32>
    %max3A_1551 = arith.maximumf %sub3A_27, %max3A_1550 : vector<160x128xf32>
    %sub3A_1552 = arith.subf %min3A_1549, %max3A_1551 : vector<160x128xf32>
    %max3A_1553 = arith.constant 0.000000e+00 : f32
    %max3A_1554 = vector.broadcast %max3A_1553 : f32 to vector<160x128xf32>
    %max3A_1555 = arith.maximumf %sub3A_1552, %max3A_1554 : vector<160x128xf32>
    %mul3A_1556 = arith.mulf %max3A_1547, %max3A_1555 : vector<160x128xf32>
    %add3A_1557 = vector.broadcast %mul3A_1539 : f32 to vector<160x128xf32>
    %add3A_1558 = arith.addf %add3A_1557, %mul3A_38 : vector<160x128xf32>
    %sub3A_1559 = arith.subf %add3A_1558, %mul3A_1556 : vector<160x128xf32>
    %div3A_1560 = arith.divf %mul3A_1556, %sub3A_1559 : vector<160x128xf32>
    %get3A_1561 = arith.constant 0 : index
    %get3A_1562 = arith.constant 0 : index
    %get3A_1563 = arith.constant 125 : index
    %get3A_1564 = memref.load %arg1[%get3A_1561, %get3A_1562, %get3A_1563] : memref<1x1x250xf32, #tpu.memory_space<smem>>
    %get3A_1565 = arith.constant 0 : index
    %get3A_1566 = arith.constant 0 : index
    %get3A_1567 = arith.constant 126 : index
    %get3A_1568 = memref.load %arg1[%get3A_1565, %get3A_1566, %get3A_1567] : memref<1x1x250xf32, #tpu.memory_space<smem>>
    %get3A_1569 = arith.constant 0 : index
    %get3A_1570 = arith.constant 0 : index
    %get3A_1571 = arith.constant 127 : index
    %get3A_1572 = memref.load %arg1[%get3A_1569, %get3A_1570, %get3A_1571] : memref<1x1x250xf32, #tpu.memory_space<smem>>
    %get3A_1573 = arith.constant 0 : index
    %get3A_1574 = arith.constant 0 : index
    %get3A_1575 = arith.constant 128 : index
    %get3A_1576 = memref.load %arg1[%get3A_1573, %get3A_1574, %get3A_1575] : memref<1x1x250xf32, #tpu.memory_space<smem>>
    %sub3A_1577 = arith.subf %get3A_1572, %get3A_1564 : f32
    %sub3A_1578 = arith.subf %get3A_1576, %get3A_1568 : f32
    %mul3A_1579 = arith.mulf %sub3A_1577, %sub3A_1578 : f32
    %min3A_1580 = vector.broadcast %get3A_1572 : f32 to vector<160x128xf32>
    %min3A_1581 = arith.minimumf %add3A_31, %min3A_1580 : vector<160x128xf32>
    %max3A_1582 = vector.broadcast %get3A_1564 : f32 to vector<160x128xf32>
    %max3A_1583 = arith.maximumf %sub3A, %max3A_1582 : vector<160x128xf32>
    %sub3A_1584 = arith.subf %min3A_1581, %max3A_1583 : vector<160x128xf32>
    %max3A_1585 = arith.constant 0.000000e+00 : f32
    %max3A_1586 = vector.broadcast %max3A_1585 : f32 to vector<160x128xf32>
    %max3A_1587 = arith.maximumf %sub3A_1584, %max3A_1586 : vector<160x128xf32>
    %min3A_1588 = vector.broadcast %get3A_1576 : f32 to vector<160x128xf32>
    %min3A_1589 = arith.minimumf %add3A_35, %min3A_1588 : vector<160x128xf32>
    %max3A_1590 = vector.broadcast %get3A_1568 : f32 to vector<160x128xf32>
    %max3A_1591 = arith.maximumf %sub3A_27, %max3A_1590 : vector<160x128xf32>
    %sub3A_1592 = arith.subf %min3A_1589, %max3A_1591 : vector<160x128xf32>
    %max3A_1593 = arith.constant 0.000000e+00 : f32
    %max3A_1594 = vector.broadcast %max3A_1593 : f32 to vector<160x128xf32>
    %max3A_1595 = arith.maximumf %sub3A_1592, %max3A_1594 : vector<160x128xf32>
    %mul3A_1596 = arith.mulf %max3A_1587, %max3A_1595 : vector<160x128xf32>
    %add3A_1597 = vector.broadcast %mul3A_1579 : f32 to vector<160x128xf32>
    %add3A_1598 = arith.addf %add3A_1597, %mul3A_38 : vector<160x128xf32>
    %sub3A_1599 = arith.subf %add3A_1598, %mul3A_1596 : vector<160x128xf32>
    %div3A_1600 = arith.divf %mul3A_1596, %sub3A_1599 : vector<160x128xf32>
    %reduce_max3A_1601 = vector.shape_cast %div3A_1560 : vector<160x128xf32> to vector<1x160x128xf32>
    %reduce_max3A_1602 = arith.constant dense<0xFF800000> : vector<1xf32>
    %reduce_max3A_1603 = vector.multi_reduction <maximumf>, %reduce_max3A_1601, %reduce_max3A_1602 [1, 2] : vector<1x160x128xf32> to vector<1xf32>
    %reduce_max3A_1604 = vector.shape_cast %reduce_max3A_1603 : vector<1xf32> to vector<1x1x1xf32>
    %reduce_max3A_1605 = vector.extract %reduce_max3A_1604[0, 0, 0] : f32 from vector<1x1x1xf32>
    %eq3A_1606 = vector.broadcast %reduce_max3A_1605 : f32 to vector<160x128xf32>
    %eq3A_1607 = arith.cmpf oeq, %div3A_1560, %eq3A_1606 : vector<160x128xf32>
    %jit3A_1608 = arith.constant 1073741824 : i32
    %broadcast_in_dim3A_1609 = vector.broadcast %jit3A_1608 : i32 to vector<160x128xi32>
    %select_n3A_1610 = arith.select %eq3A_1607, %add3A, %broadcast_in_dim3A_1609 : vector<160x128xi1>, vector<160x128xi32>
    %reduce_min3A_1611 = vector.shape_cast %select_n3A_1610 : vector<160x128xi32> to vector<1x160x128xi32>
    %reduce_min3A_1612 = arith.constant dense<2147483647> : vector<1xi32>
    %reduce_min3A_1613 = vector.multi_reduction <minsi>, %reduce_min3A_1611, %reduce_min3A_1612 [1, 2] : vector<1x160x128xi32> to vector<1xi32>
    %reduce_min3A_1614 = vector.shape_cast %reduce_min3A_1613 : vector<1xi32> to vector<1x1x1xi32>
    %reduce_min3A_1615 = vector.extract %reduce_min3A_1614[0, 0, 0] : i32 from vector<1x1x1xi32>
    %swap3A_1616 = arith.constant 24 : index
    %swap3A_1617 = memref.load %arg7[%swap3A_1616] : memref<50xi32, #tpu.memory_space<smem>>
    memref.store %reduce_min3A_1615, %arg7[%swap3A_1616] : memref<50xi32, #tpu.memory_space<smem>>
    %reduce_max3A_1618 = vector.shape_cast %div3A_1600 : vector<160x128xf32> to vector<1x160x128xf32>
    %reduce_max3A_1619 = arith.constant dense<0xFF800000> : vector<1xf32>
    %reduce_max3A_1620 = vector.multi_reduction <maximumf>, %reduce_max3A_1618, %reduce_max3A_1619 [1, 2] : vector<1x160x128xf32> to vector<1xf32>
    %reduce_max3A_1621 = vector.shape_cast %reduce_max3A_1620 : vector<1xf32> to vector<1x1x1xf32>
    %reduce_max3A_1622 = vector.extract %reduce_max3A_1621[0, 0, 0] : f32 from vector<1x1x1xf32>
    %eq3A_1623 = vector.broadcast %reduce_max3A_1622 : f32 to vector<160x128xf32>
    %eq3A_1624 = arith.cmpf oeq, %div3A_1600, %eq3A_1623 : vector<160x128xf32>
    %jit3A_1625 = arith.constant 1073741824 : i32
    %broadcast_in_dim3A_1626 = vector.broadcast %jit3A_1625 : i32 to vector<160x128xi32>
    %select_n3A_1627 = arith.select %eq3A_1624, %add3A, %broadcast_in_dim3A_1626 : vector<160x128xi1>, vector<160x128xi32>
    %reduce_min3A_1628 = vector.shape_cast %select_n3A_1627 : vector<160x128xi32> to vector<1x160x128xi32>
    %reduce_min3A_1629 = arith.constant dense<2147483647> : vector<1xi32>
    %reduce_min3A_1630 = vector.multi_reduction <minsi>, %reduce_min3A_1628, %reduce_min3A_1629 [1, 2] : vector<1x160x128xi32> to vector<1xi32>
    %reduce_min3A_1631 = vector.shape_cast %reduce_min3A_1630 : vector<1xi32> to vector<1x1x1xi32>
    %reduce_min3A_1632 = vector.extract %reduce_min3A_1631[0, 0, 0] : i32 from vector<1x1x1xi32>
    %swap3A_1633 = arith.constant 25 : index
    %swap3A_1634 = memref.load %arg7[%swap3A_1633] : memref<50xi32, #tpu.memory_space<smem>>
    memref.store %reduce_min3A_1632, %arg7[%swap3A_1633] : memref<50xi32, #tpu.memory_space<smem>>
    %gt3A_1635 = arith.cmpf ogt, %div3A_1600, %div3A_1560 : vector<160x128xf32>
    %select_n3A_1636 = arith.select %gt3A_1635, %div3A_1600, %div3A_1560 : vector<160x128xi1>, vector<160x128xf32>
    %jit3A_1637 = arith.constant 25 : i32
    %jit3A_1638 = arith.constant 24 : i32
    %broadcast_in_dim3A_1639 = vector.broadcast %jit3A_1637 : i32 to vector<160x128xi32>
    %broadcast_in_dim3A_1640 = vector.broadcast %jit3A_1638 : i32 to vector<160x128xi32>
    %select_n3A_1641 = arith.select %gt3A_1635, %broadcast_in_dim3A_1639, %broadcast_in_dim3A_1640 : vector<160x128xi1>, vector<160x128xi32>
    %gt3A_1642 = arith.cmpf ogt, %select_n3A_1636, %select_n3A_1519 : vector<160x128xf32>
    %select_n3A_1643 = arith.select %gt3A_1642, %select_n3A_1636, %select_n3A_1519 : vector<160x128xi1>, vector<160x128xf32>
    %select_n3A_1644 = arith.select %gt3A_1642, %select_n3A_1641, %select_n3A_1520 : vector<160x128xi1>, vector<160x128xi32>
    %get3A_1645 = arith.constant 0 : index
    %get3A_1646 = arith.constant 0 : index
    %get3A_1647 = arith.constant 130 : index
    %get3A_1648 = memref.load %arg1[%get3A_1645, %get3A_1646, %get3A_1647] : memref<1x1x250xf32, #tpu.memory_space<smem>>
    %get3A_1649 = arith.constant 0 : index
    %get3A_1650 = arith.constant 0 : index
    %get3A_1651 = arith.constant 131 : index
    %get3A_1652 = memref.load %arg1[%get3A_1649, %get3A_1650, %get3A_1651] : memref<1x1x250xf32, #tpu.memory_space<smem>>
    %get3A_1653 = arith.constant 0 : index
    %get3A_1654 = arith.constant 0 : index
    %get3A_1655 = arith.constant 132 : index
    %get3A_1656 = memref.load %arg1[%get3A_1653, %get3A_1654, %get3A_1655] : memref<1x1x250xf32, #tpu.memory_space<smem>>
    %get3A_1657 = arith.constant 0 : index
    %get3A_1658 = arith.constant 0 : index
    %get3A_1659 = arith.constant 133 : index
    %get3A_1660 = memref.load %arg1[%get3A_1657, %get3A_1658, %get3A_1659] : memref<1x1x250xf32, #tpu.memory_space<smem>>
    %sub3A_1661 = arith.subf %get3A_1656, %get3A_1648 : f32
    %sub3A_1662 = arith.subf %get3A_1660, %get3A_1652 : f32
    %mul3A_1663 = arith.mulf %sub3A_1661, %sub3A_1662 : f32
    %min3A_1664 = vector.broadcast %get3A_1656 : f32 to vector<160x128xf32>
    %min3A_1665 = arith.minimumf %add3A_31, %min3A_1664 : vector<160x128xf32>
    %max3A_1666 = vector.broadcast %get3A_1648 : f32 to vector<160x128xf32>
    %max3A_1667 = arith.maximumf %sub3A, %max3A_1666 : vector<160x128xf32>
    %sub3A_1668 = arith.subf %min3A_1665, %max3A_1667 : vector<160x128xf32>
    %max3A_1669 = arith.constant 0.000000e+00 : f32
    %max3A_1670 = vector.broadcast %max3A_1669 : f32 to vector<160x128xf32>
    %max3A_1671 = arith.maximumf %sub3A_1668, %max3A_1670 : vector<160x128xf32>
    %min3A_1672 = vector.broadcast %get3A_1660 : f32 to vector<160x128xf32>
    %min3A_1673 = arith.minimumf %add3A_35, %min3A_1672 : vector<160x128xf32>
    %max3A_1674 = vector.broadcast %get3A_1652 : f32 to vector<160x128xf32>
    %max3A_1675 = arith.maximumf %sub3A_27, %max3A_1674 : vector<160x128xf32>
    %sub3A_1676 = arith.subf %min3A_1673, %max3A_1675 : vector<160x128xf32>
    %max3A_1677 = arith.constant 0.000000e+00 : f32
    %max3A_1678 = vector.broadcast %max3A_1677 : f32 to vector<160x128xf32>
    %max3A_1679 = arith.maximumf %sub3A_1676, %max3A_1678 : vector<160x128xf32>
    %mul3A_1680 = arith.mulf %max3A_1671, %max3A_1679 : vector<160x128xf32>
    %add3A_1681 = vector.broadcast %mul3A_1663 : f32 to vector<160x128xf32>
    %add3A_1682 = arith.addf %add3A_1681, %mul3A_38 : vector<160x128xf32>
    %sub3A_1683 = arith.subf %add3A_1682, %mul3A_1680 : vector<160x128xf32>
    %div3A_1684 = arith.divf %mul3A_1680, %sub3A_1683 : vector<160x128xf32>
    %get3A_1685 = arith.constant 0 : index
    %get3A_1686 = arith.constant 0 : index
    %get3A_1687 = arith.constant 135 : index
    %get3A_1688 = memref.load %arg1[%get3A_1685, %get3A_1686, %get3A_1687] : memref<1x1x250xf32, #tpu.memory_space<smem>>
    %get3A_1689 = arith.constant 0 : index
    %get3A_1690 = arith.constant 0 : index
    %get3A_1691 = arith.constant 136 : index
    %get3A_1692 = memref.load %arg1[%get3A_1689, %get3A_1690, %get3A_1691] : memref<1x1x250xf32, #tpu.memory_space<smem>>
    %get3A_1693 = arith.constant 0 : index
    %get3A_1694 = arith.constant 0 : index
    %get3A_1695 = arith.constant 137 : index
    %get3A_1696 = memref.load %arg1[%get3A_1693, %get3A_1694, %get3A_1695] : memref<1x1x250xf32, #tpu.memory_space<smem>>
    %get3A_1697 = arith.constant 0 : index
    %get3A_1698 = arith.constant 0 : index
    %get3A_1699 = arith.constant 138 : index
    %get3A_1700 = memref.load %arg1[%get3A_1697, %get3A_1698, %get3A_1699] : memref<1x1x250xf32, #tpu.memory_space<smem>>
    %sub3A_1701 = arith.subf %get3A_1696, %get3A_1688 : f32
    %sub3A_1702 = arith.subf %get3A_1700, %get3A_1692 : f32
    %mul3A_1703 = arith.mulf %sub3A_1701, %sub3A_1702 : f32
    %min3A_1704 = vector.broadcast %get3A_1696 : f32 to vector<160x128xf32>
    %min3A_1705 = arith.minimumf %add3A_31, %min3A_1704 : vector<160x128xf32>
    %max3A_1706 = vector.broadcast %get3A_1688 : f32 to vector<160x128xf32>
    %max3A_1707 = arith.maximumf %sub3A, %max3A_1706 : vector<160x128xf32>
    %sub3A_1708 = arith.subf %min3A_1705, %max3A_1707 : vector<160x128xf32>
    %max3A_1709 = arith.constant 0.000000e+00 : f32
    %max3A_1710 = vector.broadcast %max3A_1709 : f32 to vector<160x128xf32>
    %max3A_1711 = arith.maximumf %sub3A_1708, %max3A_1710 : vector<160x128xf32>
    %min3A_1712 = vector.broadcast %get3A_1700 : f32 to vector<160x128xf32>
    %min3A_1713 = arith.minimumf %add3A_35, %min3A_1712 : vector<160x128xf32>
    %max3A_1714 = vector.broadcast %get3A_1692 : f32 to vector<160x128xf32>
    %max3A_1715 = arith.maximumf %sub3A_27, %max3A_1714 : vector<160x128xf32>
    %sub3A_1716 = arith.subf %min3A_1713, %max3A_1715 : vector<160x128xf32>
    %max3A_1717 = arith.constant 0.000000e+00 : f32
    %max3A_1718 = vector.broadcast %max3A_1717 : f32 to vector<160x128xf32>
    %max3A_1719 = arith.maximumf %sub3A_1716, %max3A_1718 : vector<160x128xf32>
    %mul3A_1720 = arith.mulf %max3A_1711, %max3A_1719 : vector<160x128xf32>
    %add3A_1721 = vector.broadcast %mul3A_1703 : f32 to vector<160x128xf32>
    %add3A_1722 = arith.addf %add3A_1721, %mul3A_38 : vector<160x128xf32>
    %sub3A_1723 = arith.subf %add3A_1722, %mul3A_1720 : vector<160x128xf32>
    %div3A_1724 = arith.divf %mul3A_1720, %sub3A_1723 : vector<160x128xf32>
    %reduce_max3A_1725 = vector.shape_cast %div3A_1684 : vector<160x128xf32> to vector<1x160x128xf32>
    %reduce_max3A_1726 = arith.constant dense<0xFF800000> : vector<1xf32>
    %reduce_max3A_1727 = vector.multi_reduction <maximumf>, %reduce_max3A_1725, %reduce_max3A_1726 [1, 2] : vector<1x160x128xf32> to vector<1xf32>
    %reduce_max3A_1728 = vector.shape_cast %reduce_max3A_1727 : vector<1xf32> to vector<1x1x1xf32>
    %reduce_max3A_1729 = vector.extract %reduce_max3A_1728[0, 0, 0] : f32 from vector<1x1x1xf32>
    %eq3A_1730 = vector.broadcast %reduce_max3A_1729 : f32 to vector<160x128xf32>
    %eq3A_1731 = arith.cmpf oeq, %div3A_1684, %eq3A_1730 : vector<160x128xf32>
    %jit3A_1732 = arith.constant 1073741824 : i32
    %broadcast_in_dim3A_1733 = vector.broadcast %jit3A_1732 : i32 to vector<160x128xi32>
    %select_n3A_1734 = arith.select %eq3A_1731, %add3A, %broadcast_in_dim3A_1733 : vector<160x128xi1>, vector<160x128xi32>
    %reduce_min3A_1735 = vector.shape_cast %select_n3A_1734 : vector<160x128xi32> to vector<1x160x128xi32>
    %reduce_min3A_1736 = arith.constant dense<2147483647> : vector<1xi32>
    %reduce_min3A_1737 = vector.multi_reduction <minsi>, %reduce_min3A_1735, %reduce_min3A_1736 [1, 2] : vector<1x160x128xi32> to vector<1xi32>
    %reduce_min3A_1738 = vector.shape_cast %reduce_min3A_1737 : vector<1xi32> to vector<1x1x1xi32>
    %reduce_min3A_1739 = vector.extract %reduce_min3A_1738[0, 0, 0] : i32 from vector<1x1x1xi32>
    %swap3A_1740 = arith.constant 26 : index
    %swap3A_1741 = memref.load %arg7[%swap3A_1740] : memref<50xi32, #tpu.memory_space<smem>>
    memref.store %reduce_min3A_1739, %arg7[%swap3A_1740] : memref<50xi32, #tpu.memory_space<smem>>
    %reduce_max3A_1742 = vector.shape_cast %div3A_1724 : vector<160x128xf32> to vector<1x160x128xf32>
    %reduce_max3A_1743 = arith.constant dense<0xFF800000> : vector<1xf32>
    %reduce_max3A_1744 = vector.multi_reduction <maximumf>, %reduce_max3A_1742, %reduce_max3A_1743 [1, 2] : vector<1x160x128xf32> to vector<1xf32>
    %reduce_max3A_1745 = vector.shape_cast %reduce_max3A_1744 : vector<1xf32> to vector<1x1x1xf32>
    %reduce_max3A_1746 = vector.extract %reduce_max3A_1745[0, 0, 0] : f32 from vector<1x1x1xf32>
    %eq3A_1747 = vector.broadcast %reduce_max3A_1746 : f32 to vector<160x128xf32>
    %eq3A_1748 = arith.cmpf oeq, %div3A_1724, %eq3A_1747 : vector<160x128xf32>
    %jit3A_1749 = arith.constant 1073741824 : i32
    %broadcast_in_dim3A_1750 = vector.broadcast %jit3A_1749 : i32 to vector<160x128xi32>
    %select_n3A_1751 = arith.select %eq3A_1748, %add3A, %broadcast_in_dim3A_1750 : vector<160x128xi1>, vector<160x128xi32>
    %reduce_min3A_1752 = vector.shape_cast %select_n3A_1751 : vector<160x128xi32> to vector<1x160x128xi32>
    %reduce_min3A_1753 = arith.constant dense<2147483647> : vector<1xi32>
    %reduce_min3A_1754 = vector.multi_reduction <minsi>, %reduce_min3A_1752, %reduce_min3A_1753 [1, 2] : vector<1x160x128xi32> to vector<1xi32>
    %reduce_min3A_1755 = vector.shape_cast %reduce_min3A_1754 : vector<1xi32> to vector<1x1x1xi32>
    %reduce_min3A_1756 = vector.extract %reduce_min3A_1755[0, 0, 0] : i32 from vector<1x1x1xi32>
    %swap3A_1757 = arith.constant 27 : index
    %swap3A_1758 = memref.load %arg7[%swap3A_1757] : memref<50xi32, #tpu.memory_space<smem>>
    memref.store %reduce_min3A_1756, %arg7[%swap3A_1757] : memref<50xi32, #tpu.memory_space<smem>>
    %gt3A_1759 = arith.cmpf ogt, %div3A_1724, %div3A_1684 : vector<160x128xf32>
    %select_n3A_1760 = arith.select %gt3A_1759, %div3A_1724, %div3A_1684 : vector<160x128xi1>, vector<160x128xf32>
    %jit3A_1761 = arith.constant 27 : i32
    %jit3A_1762 = arith.constant 26 : i32
    %broadcast_in_dim3A_1763 = vector.broadcast %jit3A_1761 : i32 to vector<160x128xi32>
    %broadcast_in_dim3A_1764 = vector.broadcast %jit3A_1762 : i32 to vector<160x128xi32>
    %select_n3A_1765 = arith.select %gt3A_1759, %broadcast_in_dim3A_1763, %broadcast_in_dim3A_1764 : vector<160x128xi1>, vector<160x128xi32>
    %gt3A_1766 = arith.cmpf ogt, %select_n3A_1760, %select_n3A_1643 : vector<160x128xf32>
    %select_n3A_1767 = arith.select %gt3A_1766, %select_n3A_1760, %select_n3A_1643 : vector<160x128xi1>, vector<160x128xf32>
    %select_n3A_1768 = arith.select %gt3A_1766, %select_n3A_1765, %select_n3A_1644 : vector<160x128xi1>, vector<160x128xi32>
    %get3A_1769 = arith.constant 0 : index
    %get3A_1770 = arith.constant 0 : index
    %get3A_1771 = arith.constant 140 : index
    %get3A_1772 = memref.load %arg1[%get3A_1769, %get3A_1770, %get3A_1771] : memref<1x1x250xf32, #tpu.memory_space<smem>>
    %get3A_1773 = arith.constant 0 : index
    %get3A_1774 = arith.constant 0 : index
    %get3A_1775 = arith.constant 141 : index
    %get3A_1776 = memref.load %arg1[%get3A_1773, %get3A_1774, %get3A_1775] : memref<1x1x250xf32, #tpu.memory_space<smem>>
    %get3A_1777 = arith.constant 0 : index
    %get3A_1778 = arith.constant 0 : index
    %get3A_1779 = arith.constant 142 : index
    %get3A_1780 = memref.load %arg1[%get3A_1777, %get3A_1778, %get3A_1779] : memref<1x1x250xf32, #tpu.memory_space<smem>>
    %get3A_1781 = arith.constant 0 : index
    %get3A_1782 = arith.constant 0 : index
    %get3A_1783 = arith.constant 143 : index
    %get3A_1784 = memref.load %arg1[%get3A_1781, %get3A_1782, %get3A_1783] : memref<1x1x250xf32, #tpu.memory_space<smem>>
    %sub3A_1785 = arith.subf %get3A_1780, %get3A_1772 : f32
    %sub3A_1786 = arith.subf %get3A_1784, %get3A_1776 : f32
    %mul3A_1787 = arith.mulf %sub3A_1785, %sub3A_1786 : f32
    %min3A_1788 = vector.broadcast %get3A_1780 : f32 to vector<160x128xf32>
    %min3A_1789 = arith.minimumf %add3A_31, %min3A_1788 : vector<160x128xf32>
    %max3A_1790 = vector.broadcast %get3A_1772 : f32 to vector<160x128xf32>
    %max3A_1791 = arith.maximumf %sub3A, %max3A_1790 : vector<160x128xf32>
    %sub3A_1792 = arith.subf %min3A_1789, %max3A_1791 : vector<160x128xf32>
    %max3A_1793 = arith.constant 0.000000e+00 : f32
    %max3A_1794 = vector.broadcast %max3A_1793 : f32 to vector<160x128xf32>
    %max3A_1795 = arith.maximumf %sub3A_1792, %max3A_1794 : vector<160x128xf32>
    %min3A_1796 = vector.broadcast %get3A_1784 : f32 to vector<160x128xf32>
    %min3A_1797 = arith.minimumf %add3A_35, %min3A_1796 : vector<160x128xf32>
    %max3A_1798 = vector.broadcast %get3A_1776 : f32 to vector<160x128xf32>
    %max3A_1799 = arith.maximumf %sub3A_27, %max3A_1798 : vector<160x128xf32>
    %sub3A_1800 = arith.subf %min3A_1797, %max3A_1799 : vector<160x128xf32>
    %max3A_1801 = arith.constant 0.000000e+00 : f32
    %max3A_1802 = vector.broadcast %max3A_1801 : f32 to vector<160x128xf32>
    %max3A_1803 = arith.maximumf %sub3A_1800, %max3A_1802 : vector<160x128xf32>
    %mul3A_1804 = arith.mulf %max3A_1795, %max3A_1803 : vector<160x128xf32>
    %add3A_1805 = vector.broadcast %mul3A_1787 : f32 to vector<160x128xf32>
    %add3A_1806 = arith.addf %add3A_1805, %mul3A_38 : vector<160x128xf32>
    %sub3A_1807 = arith.subf %add3A_1806, %mul3A_1804 : vector<160x128xf32>
    %div3A_1808 = arith.divf %mul3A_1804, %sub3A_1807 : vector<160x128xf32>
    %get3A_1809 = arith.constant 0 : index
    %get3A_1810 = arith.constant 0 : index
    %get3A_1811 = arith.constant 145 : index
    %get3A_1812 = memref.load %arg1[%get3A_1809, %get3A_1810, %get3A_1811] : memref<1x1x250xf32, #tpu.memory_space<smem>>
    %get3A_1813 = arith.constant 0 : index
    %get3A_1814 = arith.constant 0 : index
    %get3A_1815 = arith.constant 146 : index
    %get3A_1816 = memref.load %arg1[%get3A_1813, %get3A_1814, %get3A_1815] : memref<1x1x250xf32, #tpu.memory_space<smem>>
    %get3A_1817 = arith.constant 0 : index
    %get3A_1818 = arith.constant 0 : index
    %get3A_1819 = arith.constant 147 : index
    %get3A_1820 = memref.load %arg1[%get3A_1817, %get3A_1818, %get3A_1819] : memref<1x1x250xf32, #tpu.memory_space<smem>>
    %get3A_1821 = arith.constant 0 : index
    %get3A_1822 = arith.constant 0 : index
    %get3A_1823 = arith.constant 148 : index
    %get3A_1824 = memref.load %arg1[%get3A_1821, %get3A_1822, %get3A_1823] : memref<1x1x250xf32, #tpu.memory_space<smem>>
    %sub3A_1825 = arith.subf %get3A_1820, %get3A_1812 : f32
    %sub3A_1826 = arith.subf %get3A_1824, %get3A_1816 : f32
    %mul3A_1827 = arith.mulf %sub3A_1825, %sub3A_1826 : f32
    %min3A_1828 = vector.broadcast %get3A_1820 : f32 to vector<160x128xf32>
    %min3A_1829 = arith.minimumf %add3A_31, %min3A_1828 : vector<160x128xf32>
    %max3A_1830 = vector.broadcast %get3A_1812 : f32 to vector<160x128xf32>
    %max3A_1831 = arith.maximumf %sub3A, %max3A_1830 : vector<160x128xf32>
    %sub3A_1832 = arith.subf %min3A_1829, %max3A_1831 : vector<160x128xf32>
    %max3A_1833 = arith.constant 0.000000e+00 : f32
    %max3A_1834 = vector.broadcast %max3A_1833 : f32 to vector<160x128xf32>
    %max3A_1835 = arith.maximumf %sub3A_1832, %max3A_1834 : vector<160x128xf32>
    %min3A_1836 = vector.broadcast %get3A_1824 : f32 to vector<160x128xf32>
    %min3A_1837 = arith.minimumf %add3A_35, %min3A_1836 : vector<160x128xf32>
    %max3A_1838 = vector.broadcast %get3A_1816 : f32 to vector<160x128xf32>
    %max3A_1839 = arith.maximumf %sub3A_27, %max3A_1838 : vector<160x128xf32>
    %sub3A_1840 = arith.subf %min3A_1837, %max3A_1839 : vector<160x128xf32>
    %max3A_1841 = arith.constant 0.000000e+00 : f32
    %max3A_1842 = vector.broadcast %max3A_1841 : f32 to vector<160x128xf32>
    %max3A_1843 = arith.maximumf %sub3A_1840, %max3A_1842 : vector<160x128xf32>
    %mul3A_1844 = arith.mulf %max3A_1835, %max3A_1843 : vector<160x128xf32>
    %add3A_1845 = vector.broadcast %mul3A_1827 : f32 to vector<160x128xf32>
    %add3A_1846 = arith.addf %add3A_1845, %mul3A_38 : vector<160x128xf32>
    %sub3A_1847 = arith.subf %add3A_1846, %mul3A_1844 : vector<160x128xf32>
    %div3A_1848 = arith.divf %mul3A_1844, %sub3A_1847 : vector<160x128xf32>
    %reduce_max3A_1849 = vector.shape_cast %div3A_1808 : vector<160x128xf32> to vector<1x160x128xf32>
    %reduce_max3A_1850 = arith.constant dense<0xFF800000> : vector<1xf32>
    %reduce_max3A_1851 = vector.multi_reduction <maximumf>, %reduce_max3A_1849, %reduce_max3A_1850 [1, 2] : vector<1x160x128xf32> to vector<1xf32>
    %reduce_max3A_1852 = vector.shape_cast %reduce_max3A_1851 : vector<1xf32> to vector<1x1x1xf32>
    %reduce_max3A_1853 = vector.extract %reduce_max3A_1852[0, 0, 0] : f32 from vector<1x1x1xf32>
    %eq3A_1854 = vector.broadcast %reduce_max3A_1853 : f32 to vector<160x128xf32>
    %eq3A_1855 = arith.cmpf oeq, %div3A_1808, %eq3A_1854 : vector<160x128xf32>
    %jit3A_1856 = arith.constant 1073741824 : i32
    %broadcast_in_dim3A_1857 = vector.broadcast %jit3A_1856 : i32 to vector<160x128xi32>
    %select_n3A_1858 = arith.select %eq3A_1855, %add3A, %broadcast_in_dim3A_1857 : vector<160x128xi1>, vector<160x128xi32>
    %reduce_min3A_1859 = vector.shape_cast %select_n3A_1858 : vector<160x128xi32> to vector<1x160x128xi32>
    %reduce_min3A_1860 = arith.constant dense<2147483647> : vector<1xi32>
    %reduce_min3A_1861 = vector.multi_reduction <minsi>, %reduce_min3A_1859, %reduce_min3A_1860 [1, 2] : vector<1x160x128xi32> to vector<1xi32>
    %reduce_min3A_1862 = vector.shape_cast %reduce_min3A_1861 : vector<1xi32> to vector<1x1x1xi32>
    %reduce_min3A_1863 = vector.extract %reduce_min3A_1862[0, 0, 0] : i32 from vector<1x1x1xi32>
    %swap3A_1864 = arith.constant 28 : index
    %swap3A_1865 = memref.load %arg7[%swap3A_1864] : memref<50xi32, #tpu.memory_space<smem>>
    memref.store %reduce_min3A_1863, %arg7[%swap3A_1864] : memref<50xi32, #tpu.memory_space<smem>>
    %reduce_max3A_1866 = vector.shape_cast %div3A_1848 : vector<160x128xf32> to vector<1x160x128xf32>
    %reduce_max3A_1867 = arith.constant dense<0xFF800000> : vector<1xf32>
    %reduce_max3A_1868 = vector.multi_reduction <maximumf>, %reduce_max3A_1866, %reduce_max3A_1867 [1, 2] : vector<1x160x128xf32> to vector<1xf32>
    %reduce_max3A_1869 = vector.shape_cast %reduce_max3A_1868 : vector<1xf32> to vector<1x1x1xf32>
    %reduce_max3A_1870 = vector.extract %reduce_max3A_1869[0, 0, 0] : f32 from vector<1x1x1xf32>
    %eq3A_1871 = vector.broadcast %reduce_max3A_1870 : f32 to vector<160x128xf32>
    %eq3A_1872 = arith.cmpf oeq, %div3A_1848, %eq3A_1871 : vector<160x128xf32>
    %jit3A_1873 = arith.constant 1073741824 : i32
    %broadcast_in_dim3A_1874 = vector.broadcast %jit3A_1873 : i32 to vector<160x128xi32>
    %select_n3A_1875 = arith.select %eq3A_1872, %add3A, %broadcast_in_dim3A_1874 : vector<160x128xi1>, vector<160x128xi32>
    %reduce_min3A_1876 = vector.shape_cast %select_n3A_1875 : vector<160x128xi32> to vector<1x160x128xi32>
    %reduce_min3A_1877 = arith.constant dense<2147483647> : vector<1xi32>
    %reduce_min3A_1878 = vector.multi_reduction <minsi>, %reduce_min3A_1876, %reduce_min3A_1877 [1, 2] : vector<1x160x128xi32> to vector<1xi32>
    %reduce_min3A_1879 = vector.shape_cast %reduce_min3A_1878 : vector<1xi32> to vector<1x1x1xi32>
    %reduce_min3A_1880 = vector.extract %reduce_min3A_1879[0, 0, 0] : i32 from vector<1x1x1xi32>
    %swap3A_1881 = arith.constant 29 : index
    %swap3A_1882 = memref.load %arg7[%swap3A_1881] : memref<50xi32, #tpu.memory_space<smem>>
    memref.store %reduce_min3A_1880, %arg7[%swap3A_1881] : memref<50xi32, #tpu.memory_space<smem>>
    %gt3A_1883 = arith.cmpf ogt, %div3A_1848, %div3A_1808 : vector<160x128xf32>
    %select_n3A_1884 = arith.select %gt3A_1883, %div3A_1848, %div3A_1808 : vector<160x128xi1>, vector<160x128xf32>
    %jit3A_1885 = arith.constant 29 : i32
    %jit3A_1886 = arith.constant 28 : i32
    %broadcast_in_dim3A_1887 = vector.broadcast %jit3A_1885 : i32 to vector<160x128xi32>
    %broadcast_in_dim3A_1888 = vector.broadcast %jit3A_1886 : i32 to vector<160x128xi32>
    %select_n3A_1889 = arith.select %gt3A_1883, %broadcast_in_dim3A_1887, %broadcast_in_dim3A_1888 : vector<160x128xi1>, vector<160x128xi32>
    %gt3A_1890 = arith.cmpf ogt, %select_n3A_1884, %select_n3A_1767 : vector<160x128xf32>
    %select_n3A_1891 = arith.select %gt3A_1890, %select_n3A_1884, %select_n3A_1767 : vector<160x128xi1>, vector<160x128xf32>
    %select_n3A_1892 = arith.select %gt3A_1890, %select_n3A_1889, %select_n3A_1768 : vector<160x128xi1>, vector<160x128xi32>
    %get3A_1893 = arith.constant 0 : index
    %get3A_1894 = arith.constant 0 : index
    %get3A_1895 = arith.constant 150 : index
    %get3A_1896 = memref.load %arg1[%get3A_1893, %get3A_1894, %get3A_1895] : memref<1x1x250xf32, #tpu.memory_space<smem>>
    %get3A_1897 = arith.constant 0 : index
    %get3A_1898 = arith.constant 0 : index
    %get3A_1899 = arith.constant 151 : index
    %get3A_1900 = memref.load %arg1[%get3A_1897, %get3A_1898, %get3A_1899] : memref<1x1x250xf32, #tpu.memory_space<smem>>
    %get3A_1901 = arith.constant 0 : index
    %get3A_1902 = arith.constant 0 : index
    %get3A_1903 = arith.constant 152 : index
    %get3A_1904 = memref.load %arg1[%get3A_1901, %get3A_1902, %get3A_1903] : memref<1x1x250xf32, #tpu.memory_space<smem>>
    %get3A_1905 = arith.constant 0 : index
    %get3A_1906 = arith.constant 0 : index
    %get3A_1907 = arith.constant 153 : index
    %get3A_1908 = memref.load %arg1[%get3A_1905, %get3A_1906, %get3A_1907] : memref<1x1x250xf32, #tpu.memory_space<smem>>
    %sub3A_1909 = arith.subf %get3A_1904, %get3A_1896 : f32
    %sub3A_1910 = arith.subf %get3A_1908, %get3A_1900 : f32
    %mul3A_1911 = arith.mulf %sub3A_1909, %sub3A_1910 : f32
    %min3A_1912 = vector.broadcast %get3A_1904 : f32 to vector<160x128xf32>
    %min3A_1913 = arith.minimumf %add3A_31, %min3A_1912 : vector<160x128xf32>
    %max3A_1914 = vector.broadcast %get3A_1896 : f32 to vector<160x128xf32>
    %max3A_1915 = arith.maximumf %sub3A, %max3A_1914 : vector<160x128xf32>
    %sub3A_1916 = arith.subf %min3A_1913, %max3A_1915 : vector<160x128xf32>
    %max3A_1917 = arith.constant 0.000000e+00 : f32
    %max3A_1918 = vector.broadcast %max3A_1917 : f32 to vector<160x128xf32>
    %max3A_1919 = arith.maximumf %sub3A_1916, %max3A_1918 : vector<160x128xf32>
    %min3A_1920 = vector.broadcast %get3A_1908 : f32 to vector<160x128xf32>
    %min3A_1921 = arith.minimumf %add3A_35, %min3A_1920 : vector<160x128xf32>
    %max3A_1922 = vector.broadcast %get3A_1900 : f32 to vector<160x128xf32>
    %max3A_1923 = arith.maximumf %sub3A_27, %max3A_1922 : vector<160x128xf32>
    %sub3A_1924 = arith.subf %min3A_1921, %max3A_1923 : vector<160x128xf32>
    %max3A_1925 = arith.constant 0.000000e+00 : f32
    %max3A_1926 = vector.broadcast %max3A_1925 : f32 to vector<160x128xf32>
    %max3A_1927 = arith.maximumf %sub3A_1924, %max3A_1926 : vector<160x128xf32>
    %mul3A_1928 = arith.mulf %max3A_1919, %max3A_1927 : vector<160x128xf32>
    %add3A_1929 = vector.broadcast %mul3A_1911 : f32 to vector<160x128xf32>
    %add3A_1930 = arith.addf %add3A_1929, %mul3A_38 : vector<160x128xf32>
    %sub3A_1931 = arith.subf %add3A_1930, %mul3A_1928 : vector<160x128xf32>
    %div3A_1932 = arith.divf %mul3A_1928, %sub3A_1931 : vector<160x128xf32>
    %get3A_1933 = arith.constant 0 : index
    %get3A_1934 = arith.constant 0 : index
    %get3A_1935 = arith.constant 155 : index
    %get3A_1936 = memref.load %arg1[%get3A_1933, %get3A_1934, %get3A_1935] : memref<1x1x250xf32, #tpu.memory_space<smem>>
    %get3A_1937 = arith.constant 0 : index
    %get3A_1938 = arith.constant 0 : index
    %get3A_1939 = arith.constant 156 : index
    %get3A_1940 = memref.load %arg1[%get3A_1937, %get3A_1938, %get3A_1939] : memref<1x1x250xf32, #tpu.memory_space<smem>>
    %get3A_1941 = arith.constant 0 : index
    %get3A_1942 = arith.constant 0 : index
    %get3A_1943 = arith.constant 157 : index
    %get3A_1944 = memref.load %arg1[%get3A_1941, %get3A_1942, %get3A_1943] : memref<1x1x250xf32, #tpu.memory_space<smem>>
    %get3A_1945 = arith.constant 0 : index
    %get3A_1946 = arith.constant 0 : index
    %get3A_1947 = arith.constant 158 : index
    %get3A_1948 = memref.load %arg1[%get3A_1945, %get3A_1946, %get3A_1947] : memref<1x1x250xf32, #tpu.memory_space<smem>>
    %sub3A_1949 = arith.subf %get3A_1944, %get3A_1936 : f32
    %sub3A_1950 = arith.subf %get3A_1948, %get3A_1940 : f32
    %mul3A_1951 = arith.mulf %sub3A_1949, %sub3A_1950 : f32
    %min3A_1952 = vector.broadcast %get3A_1944 : f32 to vector<160x128xf32>
    %min3A_1953 = arith.minimumf %add3A_31, %min3A_1952 : vector<160x128xf32>
    %max3A_1954 = vector.broadcast %get3A_1936 : f32 to vector<160x128xf32>
    %max3A_1955 = arith.maximumf %sub3A, %max3A_1954 : vector<160x128xf32>
    %sub3A_1956 = arith.subf %min3A_1953, %max3A_1955 : vector<160x128xf32>
    %max3A_1957 = arith.constant 0.000000e+00 : f32
    %max3A_1958 = vector.broadcast %max3A_1957 : f32 to vector<160x128xf32>
    %max3A_1959 = arith.maximumf %sub3A_1956, %max3A_1958 : vector<160x128xf32>
    %min3A_1960 = vector.broadcast %get3A_1948 : f32 to vector<160x128xf32>
    %min3A_1961 = arith.minimumf %add3A_35, %min3A_1960 : vector<160x128xf32>
    %max3A_1962 = vector.broadcast %get3A_1940 : f32 to vector<160x128xf32>
    %max3A_1963 = arith.maximumf %sub3A_27, %max3A_1962 : vector<160x128xf32>
    %sub3A_1964 = arith.subf %min3A_1961, %max3A_1963 : vector<160x128xf32>
    %max3A_1965 = arith.constant 0.000000e+00 : f32
    %max3A_1966 = vector.broadcast %max3A_1965 : f32 to vector<160x128xf32>
    %max3A_1967 = arith.maximumf %sub3A_1964, %max3A_1966 : vector<160x128xf32>
    %mul3A_1968 = arith.mulf %max3A_1959, %max3A_1967 : vector<160x128xf32>
    %add3A_1969 = vector.broadcast %mul3A_1951 : f32 to vector<160x128xf32>
    %add3A_1970 = arith.addf %add3A_1969, %mul3A_38 : vector<160x128xf32>
    %sub3A_1971 = arith.subf %add3A_1970, %mul3A_1968 : vector<160x128xf32>
    %div3A_1972 = arith.divf %mul3A_1968, %sub3A_1971 : vector<160x128xf32>
    %reduce_max3A_1973 = vector.shape_cast %div3A_1932 : vector<160x128xf32> to vector<1x160x128xf32>
    %reduce_max3A_1974 = arith.constant dense<0xFF800000> : vector<1xf32>
    %reduce_max3A_1975 = vector.multi_reduction <maximumf>, %reduce_max3A_1973, %reduce_max3A_1974 [1, 2] : vector<1x160x128xf32> to vector<1xf32>
    %reduce_max3A_1976 = vector.shape_cast %reduce_max3A_1975 : vector<1xf32> to vector<1x1x1xf32>
    %reduce_max3A_1977 = vector.extract %reduce_max3A_1976[0, 0, 0] : f32 from vector<1x1x1xf32>
    %eq3A_1978 = vector.broadcast %reduce_max3A_1977 : f32 to vector<160x128xf32>
    %eq3A_1979 = arith.cmpf oeq, %div3A_1932, %eq3A_1978 : vector<160x128xf32>
    %jit3A_1980 = arith.constant 1073741824 : i32
    %broadcast_in_dim3A_1981 = vector.broadcast %jit3A_1980 : i32 to vector<160x128xi32>
    %select_n3A_1982 = arith.select %eq3A_1979, %add3A, %broadcast_in_dim3A_1981 : vector<160x128xi1>, vector<160x128xi32>
    %reduce_min3A_1983 = vector.shape_cast %select_n3A_1982 : vector<160x128xi32> to vector<1x160x128xi32>
    %reduce_min3A_1984 = arith.constant dense<2147483647> : vector<1xi32>
    %reduce_min3A_1985 = vector.multi_reduction <minsi>, %reduce_min3A_1983, %reduce_min3A_1984 [1, 2] : vector<1x160x128xi32> to vector<1xi32>
    %reduce_min3A_1986 = vector.shape_cast %reduce_min3A_1985 : vector<1xi32> to vector<1x1x1xi32>
    %reduce_min3A_1987 = vector.extract %reduce_min3A_1986[0, 0, 0] : i32 from vector<1x1x1xi32>
    %swap3A_1988 = arith.constant 30 : index
    %swap3A_1989 = memref.load %arg7[%swap3A_1988] : memref<50xi32, #tpu.memory_space<smem>>
    memref.store %reduce_min3A_1987, %arg7[%swap3A_1988] : memref<50xi32, #tpu.memory_space<smem>>
    %reduce_max3A_1990 = vector.shape_cast %div3A_1972 : vector<160x128xf32> to vector<1x160x128xf32>
    %reduce_max3A_1991 = arith.constant dense<0xFF800000> : vector<1xf32>
    %reduce_max3A_1992 = vector.multi_reduction <maximumf>, %reduce_max3A_1990, %reduce_max3A_1991 [1, 2] : vector<1x160x128xf32> to vector<1xf32>
    %reduce_max3A_1993 = vector.shape_cast %reduce_max3A_1992 : vector<1xf32> to vector<1x1x1xf32>
    %reduce_max3A_1994 = vector.extract %reduce_max3A_1993[0, 0, 0] : f32 from vector<1x1x1xf32>
    %eq3A_1995 = vector.broadcast %reduce_max3A_1994 : f32 to vector<160x128xf32>
    %eq3A_1996 = arith.cmpf oeq, %div3A_1972, %eq3A_1995 : vector<160x128xf32>
    %jit3A_1997 = arith.constant 1073741824 : i32
    %broadcast_in_dim3A_1998 = vector.broadcast %jit3A_1997 : i32 to vector<160x128xi32>
    %select_n3A_1999 = arith.select %eq3A_1996, %add3A, %broadcast_in_dim3A_1998 : vector<160x128xi1>, vector<160x128xi32>
    %reduce_min3A_2000 = vector.shape_cast %select_n3A_1999 : vector<160x128xi32> to vector<1x160x128xi32>
    %reduce_min3A_2001 = arith.constant dense<2147483647> : vector<1xi32>
    %reduce_min3A_2002 = vector.multi_reduction <minsi>, %reduce_min3A_2000, %reduce_min3A_2001 [1, 2] : vector<1x160x128xi32> to vector<1xi32>
    %reduce_min3A_2003 = vector.shape_cast %reduce_min3A_2002 : vector<1xi32> to vector<1x1x1xi32>
    %reduce_min3A_2004 = vector.extract %reduce_min3A_2003[0, 0, 0] : i32 from vector<1x1x1xi32>
    %swap3A_2005 = arith.constant 31 : index
    %swap3A_2006 = memref.load %arg7[%swap3A_2005] : memref<50xi32, #tpu.memory_space<smem>>
    memref.store %reduce_min3A_2004, %arg7[%swap3A_2005] : memref<50xi32, #tpu.memory_space<smem>>
    %gt3A_2007 = arith.cmpf ogt, %div3A_1972, %div3A_1932 : vector<160x128xf32>
    %select_n3A_2008 = arith.select %gt3A_2007, %div3A_1972, %div3A_1932 : vector<160x128xi1>, vector<160x128xf32>
    %jit3A_2009 = arith.constant 31 : i32
    %jit3A_2010 = arith.constant 30 : i32
    %broadcast_in_dim3A_2011 = vector.broadcast %jit3A_2009 : i32 to vector<160x128xi32>
    %broadcast_in_dim3A_2012 = vector.broadcast %jit3A_2010 : i32 to vector<160x128xi32>
    %select_n3A_2013 = arith.select %gt3A_2007, %broadcast_in_dim3A_2011, %broadcast_in_dim3A_2012 : vector<160x128xi1>, vector<160x128xi32>
    %gt3A_2014 = arith.cmpf ogt, %select_n3A_2008, %select_n3A_1891 : vector<160x128xf32>
    %select_n3A_2015 = arith.select %gt3A_2014, %select_n3A_2008, %select_n3A_1891 : vector<160x128xi1>, vector<160x128xf32>
    %select_n3A_2016 = arith.select %gt3A_2014, %select_n3A_2013, %select_n3A_1892 : vector<160x128xi1>, vector<160x128xi32>
    %get3A_2017 = arith.constant 0 : index
    %get3A_2018 = arith.constant 0 : index
    %get3A_2019 = arith.constant 160 : index
    %get3A_2020 = memref.load %arg1[%get3A_2017, %get3A_2018, %get3A_2019] : memref<1x1x250xf32, #tpu.memory_space<smem>>
    %get3A_2021 = arith.constant 0 : index
    %get3A_2022 = arith.constant 0 : index
    %get3A_2023 = arith.constant 161 : index
    %get3A_2024 = memref.load %arg1[%get3A_2021, %get3A_2022, %get3A_2023] : memref<1x1x250xf32, #tpu.memory_space<smem>>
    %get3A_2025 = arith.constant 0 : index
    %get3A_2026 = arith.constant 0 : index
    %get3A_2027 = arith.constant 162 : index
    %get3A_2028 = memref.load %arg1[%get3A_2025, %get3A_2026, %get3A_2027] : memref<1x1x250xf32, #tpu.memory_space<smem>>
    %get3A_2029 = arith.constant 0 : index
    %get3A_2030 = arith.constant 0 : index
    %get3A_2031 = arith.constant 163 : index
    %get3A_2032 = memref.load %arg1[%get3A_2029, %get3A_2030, %get3A_2031] : memref<1x1x250xf32, #tpu.memory_space<smem>>
    %sub3A_2033 = arith.subf %get3A_2028, %get3A_2020 : f32
    %sub3A_2034 = arith.subf %get3A_2032, %get3A_2024 : f32
    %mul3A_2035 = arith.mulf %sub3A_2033, %sub3A_2034 : f32
    %min3A_2036 = vector.broadcast %get3A_2028 : f32 to vector<160x128xf32>
    %min3A_2037 = arith.minimumf %add3A_31, %min3A_2036 : vector<160x128xf32>
    %max3A_2038 = vector.broadcast %get3A_2020 : f32 to vector<160x128xf32>
    %max3A_2039 = arith.maximumf %sub3A, %max3A_2038 : vector<160x128xf32>
    %sub3A_2040 = arith.subf %min3A_2037, %max3A_2039 : vector<160x128xf32>
    %max3A_2041 = arith.constant 0.000000e+00 : f32
    %max3A_2042 = vector.broadcast %max3A_2041 : f32 to vector<160x128xf32>
    %max3A_2043 = arith.maximumf %sub3A_2040, %max3A_2042 : vector<160x128xf32>
    %min3A_2044 = vector.broadcast %get3A_2032 : f32 to vector<160x128xf32>
    %min3A_2045 = arith.minimumf %add3A_35, %min3A_2044 : vector<160x128xf32>
    %max3A_2046 = vector.broadcast %get3A_2024 : f32 to vector<160x128xf32>
    %max3A_2047 = arith.maximumf %sub3A_27, %max3A_2046 : vector<160x128xf32>
    %sub3A_2048 = arith.subf %min3A_2045, %max3A_2047 : vector<160x128xf32>
    %max3A_2049 = arith.constant 0.000000e+00 : f32
    %max3A_2050 = vector.broadcast %max3A_2049 : f32 to vector<160x128xf32>
    %max3A_2051 = arith.maximumf %sub3A_2048, %max3A_2050 : vector<160x128xf32>
    %mul3A_2052 = arith.mulf %max3A_2043, %max3A_2051 : vector<160x128xf32>
    %add3A_2053 = vector.broadcast %mul3A_2035 : f32 to vector<160x128xf32>
    %add3A_2054 = arith.addf %add3A_2053, %mul3A_38 : vector<160x128xf32>
    %sub3A_2055 = arith.subf %add3A_2054, %mul3A_2052 : vector<160x128xf32>
    %div3A_2056 = arith.divf %mul3A_2052, %sub3A_2055 : vector<160x128xf32>
    %get3A_2057 = arith.constant 0 : index
    %get3A_2058 = arith.constant 0 : index
    %get3A_2059 = arith.constant 165 : index
    %get3A_2060 = memref.load %arg1[%get3A_2057, %get3A_2058, %get3A_2059] : memref<1x1x250xf32, #tpu.memory_space<smem>>
    %get3A_2061 = arith.constant 0 : index
    %get3A_2062 = arith.constant 0 : index
    %get3A_2063 = arith.constant 166 : index
    %get3A_2064 = memref.load %arg1[%get3A_2061, %get3A_2062, %get3A_2063] : memref<1x1x250xf32, #tpu.memory_space<smem>>
    %get3A_2065 = arith.constant 0 : index
    %get3A_2066 = arith.constant 0 : index
    %get3A_2067 = arith.constant 167 : index
    %get3A_2068 = memref.load %arg1[%get3A_2065, %get3A_2066, %get3A_2067] : memref<1x1x250xf32, #tpu.memory_space<smem>>
    %get3A_2069 = arith.constant 0 : index
    %get3A_2070 = arith.constant 0 : index
    %get3A_2071 = arith.constant 168 : index
    %get3A_2072 = memref.load %arg1[%get3A_2069, %get3A_2070, %get3A_2071] : memref<1x1x250xf32, #tpu.memory_space<smem>>
    %sub3A_2073 = arith.subf %get3A_2068, %get3A_2060 : f32
    %sub3A_2074 = arith.subf %get3A_2072, %get3A_2064 : f32
    %mul3A_2075 = arith.mulf %sub3A_2073, %sub3A_2074 : f32
    %min3A_2076 = vector.broadcast %get3A_2068 : f32 to vector<160x128xf32>
    %min3A_2077 = arith.minimumf %add3A_31, %min3A_2076 : vector<160x128xf32>
    %max3A_2078 = vector.broadcast %get3A_2060 : f32 to vector<160x128xf32>
    %max3A_2079 = arith.maximumf %sub3A, %max3A_2078 : vector<160x128xf32>
    %sub3A_2080 = arith.subf %min3A_2077, %max3A_2079 : vector<160x128xf32>
    %max3A_2081 = arith.constant 0.000000e+00 : f32
    %max3A_2082 = vector.broadcast %max3A_2081 : f32 to vector<160x128xf32>
    %max3A_2083 = arith.maximumf %sub3A_2080, %max3A_2082 : vector<160x128xf32>
    %min3A_2084 = vector.broadcast %get3A_2072 : f32 to vector<160x128xf32>
    %min3A_2085 = arith.minimumf %add3A_35, %min3A_2084 : vector<160x128xf32>
    %max3A_2086 = vector.broadcast %get3A_2064 : f32 to vector<160x128xf32>
    %max3A_2087 = arith.maximumf %sub3A_27, %max3A_2086 : vector<160x128xf32>
    %sub3A_2088 = arith.subf %min3A_2085, %max3A_2087 : vector<160x128xf32>
    %max3A_2089 = arith.constant 0.000000e+00 : f32
    %max3A_2090 = vector.broadcast %max3A_2089 : f32 to vector<160x128xf32>
    %max3A_2091 = arith.maximumf %sub3A_2088, %max3A_2090 : vector<160x128xf32>
    %mul3A_2092 = arith.mulf %max3A_2083, %max3A_2091 : vector<160x128xf32>
    %add3A_2093 = vector.broadcast %mul3A_2075 : f32 to vector<160x128xf32>
    %add3A_2094 = arith.addf %add3A_2093, %mul3A_38 : vector<160x128xf32>
    %sub3A_2095 = arith.subf %add3A_2094, %mul3A_2092 : vector<160x128xf32>
    %div3A_2096 = arith.divf %mul3A_2092, %sub3A_2095 : vector<160x128xf32>
    %reduce_max3A_2097 = vector.shape_cast %div3A_2056 : vector<160x128xf32> to vector<1x160x128xf32>
    %reduce_max3A_2098 = arith.constant dense<0xFF800000> : vector<1xf32>
    %reduce_max3A_2099 = vector.multi_reduction <maximumf>, %reduce_max3A_2097, %reduce_max3A_2098 [1, 2] : vector<1x160x128xf32> to vector<1xf32>
    %reduce_max3A_2100 = vector.shape_cast %reduce_max3A_2099 : vector<1xf32> to vector<1x1x1xf32>
    %reduce_max3A_2101 = vector.extract %reduce_max3A_2100[0, 0, 0] : f32 from vector<1x1x1xf32>
    %eq3A_2102 = vector.broadcast %reduce_max3A_2101 : f32 to vector<160x128xf32>
    %eq3A_2103 = arith.cmpf oeq, %div3A_2056, %eq3A_2102 : vector<160x128xf32>
    %jit3A_2104 = arith.constant 1073741824 : i32
    %broadcast_in_dim3A_2105 = vector.broadcast %jit3A_2104 : i32 to vector<160x128xi32>
    %select_n3A_2106 = arith.select %eq3A_2103, %add3A, %broadcast_in_dim3A_2105 : vector<160x128xi1>, vector<160x128xi32>
    %reduce_min3A_2107 = vector.shape_cast %select_n3A_2106 : vector<160x128xi32> to vector<1x160x128xi32>
    %reduce_min3A_2108 = arith.constant dense<2147483647> : vector<1xi32>
    %reduce_min3A_2109 = vector.multi_reduction <minsi>, %reduce_min3A_2107, %reduce_min3A_2108 [1, 2] : vector<1x160x128xi32> to vector<1xi32>
    %reduce_min3A_2110 = vector.shape_cast %reduce_min3A_2109 : vector<1xi32> to vector<1x1x1xi32>
    %reduce_min3A_2111 = vector.extract %reduce_min3A_2110[0, 0, 0] : i32 from vector<1x1x1xi32>
    %swap3A_2112 = arith.constant 32 : index
    %swap3A_2113 = memref.load %arg7[%swap3A_2112] : memref<50xi32, #tpu.memory_space<smem>>
    memref.store %reduce_min3A_2111, %arg7[%swap3A_2112] : memref<50xi32, #tpu.memory_space<smem>>
    %reduce_max3A_2114 = vector.shape_cast %div3A_2096 : vector<160x128xf32> to vector<1x160x128xf32>
    %reduce_max3A_2115 = arith.constant dense<0xFF800000> : vector<1xf32>
    %reduce_max3A_2116 = vector.multi_reduction <maximumf>, %reduce_max3A_2114, %reduce_max3A_2115 [1, 2] : vector<1x160x128xf32> to vector<1xf32>
    %reduce_max3A_2117 = vector.shape_cast %reduce_max3A_2116 : vector<1xf32> to vector<1x1x1xf32>
    %reduce_max3A_2118 = vector.extract %reduce_max3A_2117[0, 0, 0] : f32 from vector<1x1x1xf32>
    %eq3A_2119 = vector.broadcast %reduce_max3A_2118 : f32 to vector<160x128xf32>
    %eq3A_2120 = arith.cmpf oeq, %div3A_2096, %eq3A_2119 : vector<160x128xf32>
    %jit3A_2121 = arith.constant 1073741824 : i32
    %broadcast_in_dim3A_2122 = vector.broadcast %jit3A_2121 : i32 to vector<160x128xi32>
    %select_n3A_2123 = arith.select %eq3A_2120, %add3A, %broadcast_in_dim3A_2122 : vector<160x128xi1>, vector<160x128xi32>
    %reduce_min3A_2124 = vector.shape_cast %select_n3A_2123 : vector<160x128xi32> to vector<1x160x128xi32>
    %reduce_min3A_2125 = arith.constant dense<2147483647> : vector<1xi32>
    %reduce_min3A_2126 = vector.multi_reduction <minsi>, %reduce_min3A_2124, %reduce_min3A_2125 [1, 2] : vector<1x160x128xi32> to vector<1xi32>
    %reduce_min3A_2127 = vector.shape_cast %reduce_min3A_2126 : vector<1xi32> to vector<1x1x1xi32>
    %reduce_min3A_2128 = vector.extract %reduce_min3A_2127[0, 0, 0] : i32 from vector<1x1x1xi32>
    %swap3A_2129 = arith.constant 33 : index
    %swap3A_2130 = memref.load %arg7[%swap3A_2129] : memref<50xi32, #tpu.memory_space<smem>>
    memref.store %reduce_min3A_2128, %arg7[%swap3A_2129] : memref<50xi32, #tpu.memory_space<smem>>
    %gt3A_2131 = arith.cmpf ogt, %div3A_2096, %div3A_2056 : vector<160x128xf32>
    %select_n3A_2132 = arith.select %gt3A_2131, %div3A_2096, %div3A_2056 : vector<160x128xi1>, vector<160x128xf32>
    %jit3A_2133 = arith.constant 33 : i32
    %jit3A_2134 = arith.constant 32 : i32
    %broadcast_in_dim3A_2135 = vector.broadcast %jit3A_2133 : i32 to vector<160x128xi32>
    %broadcast_in_dim3A_2136 = vector.broadcast %jit3A_2134 : i32 to vector<160x128xi32>
    %select_n3A_2137 = arith.select %gt3A_2131, %broadcast_in_dim3A_2135, %broadcast_in_dim3A_2136 : vector<160x128xi1>, vector<160x128xi32>
    %gt3A_2138 = arith.cmpf ogt, %select_n3A_2132, %select_n3A_2015 : vector<160x128xf32>
    %select_n3A_2139 = arith.select %gt3A_2138, %select_n3A_2132, %select_n3A_2015 : vector<160x128xi1>, vector<160x128xf32>
    %select_n3A_2140 = arith.select %gt3A_2138, %select_n3A_2137, %select_n3A_2016 : vector<160x128xi1>, vector<160x128xi32>
    %get3A_2141 = arith.constant 0 : index
    %get3A_2142 = arith.constant 0 : index
    %get3A_2143 = arith.constant 170 : index
    %get3A_2144 = memref.load %arg1[%get3A_2141, %get3A_2142, %get3A_2143] : memref<1x1x250xf32, #tpu.memory_space<smem>>
    %get3A_2145 = arith.constant 0 : index
    %get3A_2146 = arith.constant 0 : index
    %get3A_2147 = arith.constant 171 : index
    %get3A_2148 = memref.load %arg1[%get3A_2145, %get3A_2146, %get3A_2147] : memref<1x1x250xf32, #tpu.memory_space<smem>>
    %get3A_2149 = arith.constant 0 : index
    %get3A_2150 = arith.constant 0 : index
    %get3A_2151 = arith.constant 172 : index
    %get3A_2152 = memref.load %arg1[%get3A_2149, %get3A_2150, %get3A_2151] : memref<1x1x250xf32, #tpu.memory_space<smem>>
    %get3A_2153 = arith.constant 0 : index
    %get3A_2154 = arith.constant 0 : index
    %get3A_2155 = arith.constant 173 : index
    %get3A_2156 = memref.load %arg1[%get3A_2153, %get3A_2154, %get3A_2155] : memref<1x1x250xf32, #tpu.memory_space<smem>>
    %sub3A_2157 = arith.subf %get3A_2152, %get3A_2144 : f32
    %sub3A_2158 = arith.subf %get3A_2156, %get3A_2148 : f32
    %mul3A_2159 = arith.mulf %sub3A_2157, %sub3A_2158 : f32
    %min3A_2160 = vector.broadcast %get3A_2152 : f32 to vector<160x128xf32>
    %min3A_2161 = arith.minimumf %add3A_31, %min3A_2160 : vector<160x128xf32>
    %max3A_2162 = vector.broadcast %get3A_2144 : f32 to vector<160x128xf32>
    %max3A_2163 = arith.maximumf %sub3A, %max3A_2162 : vector<160x128xf32>
    %sub3A_2164 = arith.subf %min3A_2161, %max3A_2163 : vector<160x128xf32>
    %max3A_2165 = arith.constant 0.000000e+00 : f32
    %max3A_2166 = vector.broadcast %max3A_2165 : f32 to vector<160x128xf32>
    %max3A_2167 = arith.maximumf %sub3A_2164, %max3A_2166 : vector<160x128xf32>
    %min3A_2168 = vector.broadcast %get3A_2156 : f32 to vector<160x128xf32>
    %min3A_2169 = arith.minimumf %add3A_35, %min3A_2168 : vector<160x128xf32>
    %max3A_2170 = vector.broadcast %get3A_2148 : f32 to vector<160x128xf32>
    %max3A_2171 = arith.maximumf %sub3A_27, %max3A_2170 : vector<160x128xf32>
    %sub3A_2172 = arith.subf %min3A_2169, %max3A_2171 : vector<160x128xf32>
    %max3A_2173 = arith.constant 0.000000e+00 : f32
    %max3A_2174 = vector.broadcast %max3A_2173 : f32 to vector<160x128xf32>
    %max3A_2175 = arith.maximumf %sub3A_2172, %max3A_2174 : vector<160x128xf32>
    %mul3A_2176 = arith.mulf %max3A_2167, %max3A_2175 : vector<160x128xf32>
    %add3A_2177 = vector.broadcast %mul3A_2159 : f32 to vector<160x128xf32>
    %add3A_2178 = arith.addf %add3A_2177, %mul3A_38 : vector<160x128xf32>
    %sub3A_2179 = arith.subf %add3A_2178, %mul3A_2176 : vector<160x128xf32>
    %div3A_2180 = arith.divf %mul3A_2176, %sub3A_2179 : vector<160x128xf32>
    %get3A_2181 = arith.constant 0 : index
    %get3A_2182 = arith.constant 0 : index
    %get3A_2183 = arith.constant 175 : index
    %get3A_2184 = memref.load %arg1[%get3A_2181, %get3A_2182, %get3A_2183] : memref<1x1x250xf32, #tpu.memory_space<smem>>
    %get3A_2185 = arith.constant 0 : index
    %get3A_2186 = arith.constant 0 : index
    %get3A_2187 = arith.constant 176 : index
    %get3A_2188 = memref.load %arg1[%get3A_2185, %get3A_2186, %get3A_2187] : memref<1x1x250xf32, #tpu.memory_space<smem>>
    %get3A_2189 = arith.constant 0 : index
    %get3A_2190 = arith.constant 0 : index
    %get3A_2191 = arith.constant 177 : index
    %get3A_2192 = memref.load %arg1[%get3A_2189, %get3A_2190, %get3A_2191] : memref<1x1x250xf32, #tpu.memory_space<smem>>
    %get3A_2193 = arith.constant 0 : index
    %get3A_2194 = arith.constant 0 : index
    %get3A_2195 = arith.constant 178 : index
    %get3A_2196 = memref.load %arg1[%get3A_2193, %get3A_2194, %get3A_2195] : memref<1x1x250xf32, #tpu.memory_space<smem>>
    %sub3A_2197 = arith.subf %get3A_2192, %get3A_2184 : f32
    %sub3A_2198 = arith.subf %get3A_2196, %get3A_2188 : f32
    %mul3A_2199 = arith.mulf %sub3A_2197, %sub3A_2198 : f32
    %min3A_2200 = vector.broadcast %get3A_2192 : f32 to vector<160x128xf32>
    %min3A_2201 = arith.minimumf %add3A_31, %min3A_2200 : vector<160x128xf32>
    %max3A_2202 = vector.broadcast %get3A_2184 : f32 to vector<160x128xf32>
    %max3A_2203 = arith.maximumf %sub3A, %max3A_2202 : vector<160x128xf32>
    %sub3A_2204 = arith.subf %min3A_2201, %max3A_2203 : vector<160x128xf32>
    %max3A_2205 = arith.constant 0.000000e+00 : f32
    %max3A_2206 = vector.broadcast %max3A_2205 : f32 to vector<160x128xf32>
    %max3A_2207 = arith.maximumf %sub3A_2204, %max3A_2206 : vector<160x128xf32>
    %min3A_2208 = vector.broadcast %get3A_2196 : f32 to vector<160x128xf32>
    %min3A_2209 = arith.minimumf %add3A_35, %min3A_2208 : vector<160x128xf32>
    %max3A_2210 = vector.broadcast %get3A_2188 : f32 to vector<160x128xf32>
    %max3A_2211 = arith.maximumf %sub3A_27, %max3A_2210 : vector<160x128xf32>
    %sub3A_2212 = arith.subf %min3A_2209, %max3A_2211 : vector<160x128xf32>
    %max3A_2213 = arith.constant 0.000000e+00 : f32
    %max3A_2214 = vector.broadcast %max3A_2213 : f32 to vector<160x128xf32>
    %max3A_2215 = arith.maximumf %sub3A_2212, %max3A_2214 : vector<160x128xf32>
    %mul3A_2216 = arith.mulf %max3A_2207, %max3A_2215 : vector<160x128xf32>
    %add3A_2217 = vector.broadcast %mul3A_2199 : f32 to vector<160x128xf32>
    %add3A_2218 = arith.addf %add3A_2217, %mul3A_38 : vector<160x128xf32>
    %sub3A_2219 = arith.subf %add3A_2218, %mul3A_2216 : vector<160x128xf32>
    %div3A_2220 = arith.divf %mul3A_2216, %sub3A_2219 : vector<160x128xf32>
    %reduce_max3A_2221 = vector.shape_cast %div3A_2180 : vector<160x128xf32> to vector<1x160x128xf32>
    %reduce_max3A_2222 = arith.constant dense<0xFF800000> : vector<1xf32>
    %reduce_max3A_2223 = vector.multi_reduction <maximumf>, %reduce_max3A_2221, %reduce_max3A_2222 [1, 2] : vector<1x160x128xf32> to vector<1xf32>
    %reduce_max3A_2224 = vector.shape_cast %reduce_max3A_2223 : vector<1xf32> to vector<1x1x1xf32>
    %reduce_max3A_2225 = vector.extract %reduce_max3A_2224[0, 0, 0] : f32 from vector<1x1x1xf32>
    %eq3A_2226 = vector.broadcast %reduce_max3A_2225 : f32 to vector<160x128xf32>
    %eq3A_2227 = arith.cmpf oeq, %div3A_2180, %eq3A_2226 : vector<160x128xf32>
    %jit3A_2228 = arith.constant 1073741824 : i32
    %broadcast_in_dim3A_2229 = vector.broadcast %jit3A_2228 : i32 to vector<160x128xi32>
    %select_n3A_2230 = arith.select %eq3A_2227, %add3A, %broadcast_in_dim3A_2229 : vector<160x128xi1>, vector<160x128xi32>
    %reduce_min3A_2231 = vector.shape_cast %select_n3A_2230 : vector<160x128xi32> to vector<1x160x128xi32>
    %reduce_min3A_2232 = arith.constant dense<2147483647> : vector<1xi32>
    %reduce_min3A_2233 = vector.multi_reduction <minsi>, %reduce_min3A_2231, %reduce_min3A_2232 [1, 2] : vector<1x160x128xi32> to vector<1xi32>
    %reduce_min3A_2234 = vector.shape_cast %reduce_min3A_2233 : vector<1xi32> to vector<1x1x1xi32>
    %reduce_min3A_2235 = vector.extract %reduce_min3A_2234[0, 0, 0] : i32 from vector<1x1x1xi32>
    %swap3A_2236 = arith.constant 34 : index
    %swap3A_2237 = memref.load %arg7[%swap3A_2236] : memref<50xi32, #tpu.memory_space<smem>>
    memref.store %reduce_min3A_2235, %arg7[%swap3A_2236] : memref<50xi32, #tpu.memory_space<smem>>
    %reduce_max3A_2238 = vector.shape_cast %div3A_2220 : vector<160x128xf32> to vector<1x160x128xf32>
    %reduce_max3A_2239 = arith.constant dense<0xFF800000> : vector<1xf32>
    %reduce_max3A_2240 = vector.multi_reduction <maximumf>, %reduce_max3A_2238, %reduce_max3A_2239 [1, 2] : vector<1x160x128xf32> to vector<1xf32>
    %reduce_max3A_2241 = vector.shape_cast %reduce_max3A_2240 : vector<1xf32> to vector<1x1x1xf32>
    %reduce_max3A_2242 = vector.extract %reduce_max3A_2241[0, 0, 0] : f32 from vector<1x1x1xf32>
    %eq3A_2243 = vector.broadcast %reduce_max3A_2242 : f32 to vector<160x128xf32>
    %eq3A_2244 = arith.cmpf oeq, %div3A_2220, %eq3A_2243 : vector<160x128xf32>
    %jit3A_2245 = arith.constant 1073741824 : i32
    %broadcast_in_dim3A_2246 = vector.broadcast %jit3A_2245 : i32 to vector<160x128xi32>
    %select_n3A_2247 = arith.select %eq3A_2244, %add3A, %broadcast_in_dim3A_2246 : vector<160x128xi1>, vector<160x128xi32>
    %reduce_min3A_2248 = vector.shape_cast %select_n3A_2247 : vector<160x128xi32> to vector<1x160x128xi32>
    %reduce_min3A_2249 = arith.constant dense<2147483647> : vector<1xi32>
    %reduce_min3A_2250 = vector.multi_reduction <minsi>, %reduce_min3A_2248, %reduce_min3A_2249 [1, 2] : vector<1x160x128xi32> to vector<1xi32>
    %reduce_min3A_2251 = vector.shape_cast %reduce_min3A_2250 : vector<1xi32> to vector<1x1x1xi32>
    %reduce_min3A_2252 = vector.extract %reduce_min3A_2251[0, 0, 0] : i32 from vector<1x1x1xi32>
    %swap3A_2253 = arith.constant 35 : index
    %swap3A_2254 = memref.load %arg7[%swap3A_2253] : memref<50xi32, #tpu.memory_space<smem>>
    memref.store %reduce_min3A_2252, %arg7[%swap3A_2253] : memref<50xi32, #tpu.memory_space<smem>>
    %gt3A_2255 = arith.cmpf ogt, %div3A_2220, %div3A_2180 : vector<160x128xf32>
    %select_n3A_2256 = arith.select %gt3A_2255, %div3A_2220, %div3A_2180 : vector<160x128xi1>, vector<160x128xf32>
    %jit3A_2257 = arith.constant 35 : i32
    %jit3A_2258 = arith.constant 34 : i32
    %broadcast_in_dim3A_2259 = vector.broadcast %jit3A_2257 : i32 to vector<160x128xi32>
    %broadcast_in_dim3A_2260 = vector.broadcast %jit3A_2258 : i32 to vector<160x128xi32>
    %select_n3A_2261 = arith.select %gt3A_2255, %broadcast_in_dim3A_2259, %broadcast_in_dim3A_2260 : vector<160x128xi1>, vector<160x128xi32>
    %gt3A_2262 = arith.cmpf ogt, %select_n3A_2256, %select_n3A_2139 : vector<160x128xf32>
    %select_n3A_2263 = arith.select %gt3A_2262, %select_n3A_2256, %select_n3A_2139 : vector<160x128xi1>, vector<160x128xf32>
    %select_n3A_2264 = arith.select %gt3A_2262, %select_n3A_2261, %select_n3A_2140 : vector<160x128xi1>, vector<160x128xi32>
    %get3A_2265 = arith.constant 0 : index
    %get3A_2266 = arith.constant 0 : index
    %get3A_2267 = arith.constant 180 : index
    %get3A_2268 = memref.load %arg1[%get3A_2265, %get3A_2266, %get3A_2267] : memref<1x1x250xf32, #tpu.memory_space<smem>>
    %get3A_2269 = arith.constant 0 : index
    %get3A_2270 = arith.constant 0 : index
    %get3A_2271 = arith.constant 181 : index
    %get3A_2272 = memref.load %arg1[%get3A_2269, %get3A_2270, %get3A_2271] : memref<1x1x250xf32, #tpu.memory_space<smem>>
    %get3A_2273 = arith.constant 0 : index
    %get3A_2274 = arith.constant 0 : index
    %get3A_2275 = arith.constant 182 : index
    %get3A_2276 = memref.load %arg1[%get3A_2273, %get3A_2274, %get3A_2275] : memref<1x1x250xf32, #tpu.memory_space<smem>>
    %get3A_2277 = arith.constant 0 : index
    %get3A_2278 = arith.constant 0 : index
    %get3A_2279 = arith.constant 183 : index
    %get3A_2280 = memref.load %arg1[%get3A_2277, %get3A_2278, %get3A_2279] : memref<1x1x250xf32, #tpu.memory_space<smem>>
    %sub3A_2281 = arith.subf %get3A_2276, %get3A_2268 : f32
    %sub3A_2282 = arith.subf %get3A_2280, %get3A_2272 : f32
    %mul3A_2283 = arith.mulf %sub3A_2281, %sub3A_2282 : f32
    %min3A_2284 = vector.broadcast %get3A_2276 : f32 to vector<160x128xf32>
    %min3A_2285 = arith.minimumf %add3A_31, %min3A_2284 : vector<160x128xf32>
    %max3A_2286 = vector.broadcast %get3A_2268 : f32 to vector<160x128xf32>
    %max3A_2287 = arith.maximumf %sub3A, %max3A_2286 : vector<160x128xf32>
    %sub3A_2288 = arith.subf %min3A_2285, %max3A_2287 : vector<160x128xf32>
    %max3A_2289 = arith.constant 0.000000e+00 : f32
    %max3A_2290 = vector.broadcast %max3A_2289 : f32 to vector<160x128xf32>
    %max3A_2291 = arith.maximumf %sub3A_2288, %max3A_2290 : vector<160x128xf32>
    %min3A_2292 = vector.broadcast %get3A_2280 : f32 to vector<160x128xf32>
    %min3A_2293 = arith.minimumf %add3A_35, %min3A_2292 : vector<160x128xf32>
    %max3A_2294 = vector.broadcast %get3A_2272 : f32 to vector<160x128xf32>
    %max3A_2295 = arith.maximumf %sub3A_27, %max3A_2294 : vector<160x128xf32>
    %sub3A_2296 = arith.subf %min3A_2293, %max3A_2295 : vector<160x128xf32>
    %max3A_2297 = arith.constant 0.000000e+00 : f32
    %max3A_2298 = vector.broadcast %max3A_2297 : f32 to vector<160x128xf32>
    %max3A_2299 = arith.maximumf %sub3A_2296, %max3A_2298 : vector<160x128xf32>
    %mul3A_2300 = arith.mulf %max3A_2291, %max3A_2299 : vector<160x128xf32>
    %add3A_2301 = vector.broadcast %mul3A_2283 : f32 to vector<160x128xf32>
    %add3A_2302 = arith.addf %add3A_2301, %mul3A_38 : vector<160x128xf32>
    %sub3A_2303 = arith.subf %add3A_2302, %mul3A_2300 : vector<160x128xf32>
    %div3A_2304 = arith.divf %mul3A_2300, %sub3A_2303 : vector<160x128xf32>
    %get3A_2305 = arith.constant 0 : index
    %get3A_2306 = arith.constant 0 : index
    %get3A_2307 = arith.constant 185 : index
    %get3A_2308 = memref.load %arg1[%get3A_2305, %get3A_2306, %get3A_2307] : memref<1x1x250xf32, #tpu.memory_space<smem>>
    %get3A_2309 = arith.constant 0 : index
    %get3A_2310 = arith.constant 0 : index
    %get3A_2311 = arith.constant 186 : index
    %get3A_2312 = memref.load %arg1[%get3A_2309, %get3A_2310, %get3A_2311] : memref<1x1x250xf32, #tpu.memory_space<smem>>
    %get3A_2313 = arith.constant 0 : index
    %get3A_2314 = arith.constant 0 : index
    %get3A_2315 = arith.constant 187 : index
    %get3A_2316 = memref.load %arg1[%get3A_2313, %get3A_2314, %get3A_2315] : memref<1x1x250xf32, #tpu.memory_space<smem>>
    %get3A_2317 = arith.constant 0 : index
    %get3A_2318 = arith.constant 0 : index
    %get3A_2319 = arith.constant 188 : index
    %get3A_2320 = memref.load %arg1[%get3A_2317, %get3A_2318, %get3A_2319] : memref<1x1x250xf32, #tpu.memory_space<smem>>
    %sub3A_2321 = arith.subf %get3A_2316, %get3A_2308 : f32
    %sub3A_2322 = arith.subf %get3A_2320, %get3A_2312 : f32
    %mul3A_2323 = arith.mulf %sub3A_2321, %sub3A_2322 : f32
    %min3A_2324 = vector.broadcast %get3A_2316 : f32 to vector<160x128xf32>
    %min3A_2325 = arith.minimumf %add3A_31, %min3A_2324 : vector<160x128xf32>
    %max3A_2326 = vector.broadcast %get3A_2308 : f32 to vector<160x128xf32>
    %max3A_2327 = arith.maximumf %sub3A, %max3A_2326 : vector<160x128xf32>
    %sub3A_2328 = arith.subf %min3A_2325, %max3A_2327 : vector<160x128xf32>
    %max3A_2329 = arith.constant 0.000000e+00 : f32
    %max3A_2330 = vector.broadcast %max3A_2329 : f32 to vector<160x128xf32>
    %max3A_2331 = arith.maximumf %sub3A_2328, %max3A_2330 : vector<160x128xf32>
    %min3A_2332 = vector.broadcast %get3A_2320 : f32 to vector<160x128xf32>
    %min3A_2333 = arith.minimumf %add3A_35, %min3A_2332 : vector<160x128xf32>
    %max3A_2334 = vector.broadcast %get3A_2312 : f32 to vector<160x128xf32>
    %max3A_2335 = arith.maximumf %sub3A_27, %max3A_2334 : vector<160x128xf32>
    %sub3A_2336 = arith.subf %min3A_2333, %max3A_2335 : vector<160x128xf32>
    %max3A_2337 = arith.constant 0.000000e+00 : f32
    %max3A_2338 = vector.broadcast %max3A_2337 : f32 to vector<160x128xf32>
    %max3A_2339 = arith.maximumf %sub3A_2336, %max3A_2338 : vector<160x128xf32>
    %mul3A_2340 = arith.mulf %max3A_2331, %max3A_2339 : vector<160x128xf32>
    %add3A_2341 = vector.broadcast %mul3A_2323 : f32 to vector<160x128xf32>
    %add3A_2342 = arith.addf %add3A_2341, %mul3A_38 : vector<160x128xf32>
    %sub3A_2343 = arith.subf %add3A_2342, %mul3A_2340 : vector<160x128xf32>
    %div3A_2344 = arith.divf %mul3A_2340, %sub3A_2343 : vector<160x128xf32>
    %reduce_max3A_2345 = vector.shape_cast %div3A_2304 : vector<160x128xf32> to vector<1x160x128xf32>
    %reduce_max3A_2346 = arith.constant dense<0xFF800000> : vector<1xf32>
    %reduce_max3A_2347 = vector.multi_reduction <maximumf>, %reduce_max3A_2345, %reduce_max3A_2346 [1, 2] : vector<1x160x128xf32> to vector<1xf32>
    %reduce_max3A_2348 = vector.shape_cast %reduce_max3A_2347 : vector<1xf32> to vector<1x1x1xf32>
    %reduce_max3A_2349 = vector.extract %reduce_max3A_2348[0, 0, 0] : f32 from vector<1x1x1xf32>
    %eq3A_2350 = vector.broadcast %reduce_max3A_2349 : f32 to vector<160x128xf32>
    %eq3A_2351 = arith.cmpf oeq, %div3A_2304, %eq3A_2350 : vector<160x128xf32>
    %jit3A_2352 = arith.constant 1073741824 : i32
    %broadcast_in_dim3A_2353 = vector.broadcast %jit3A_2352 : i32 to vector<160x128xi32>
    %select_n3A_2354 = arith.select %eq3A_2351, %add3A, %broadcast_in_dim3A_2353 : vector<160x128xi1>, vector<160x128xi32>
    %reduce_min3A_2355 = vector.shape_cast %select_n3A_2354 : vector<160x128xi32> to vector<1x160x128xi32>
    %reduce_min3A_2356 = arith.constant dense<2147483647> : vector<1xi32>
    %reduce_min3A_2357 = vector.multi_reduction <minsi>, %reduce_min3A_2355, %reduce_min3A_2356 [1, 2] : vector<1x160x128xi32> to vector<1xi32>
    %reduce_min3A_2358 = vector.shape_cast %reduce_min3A_2357 : vector<1xi32> to vector<1x1x1xi32>
    %reduce_min3A_2359 = vector.extract %reduce_min3A_2358[0, 0, 0] : i32 from vector<1x1x1xi32>
    %swap3A_2360 = arith.constant 36 : index
    %swap3A_2361 = memref.load %arg7[%swap3A_2360] : memref<50xi32, #tpu.memory_space<smem>>
    memref.store %reduce_min3A_2359, %arg7[%swap3A_2360] : memref<50xi32, #tpu.memory_space<smem>>
    %reduce_max3A_2362 = vector.shape_cast %div3A_2344 : vector<160x128xf32> to vector<1x160x128xf32>
    %reduce_max3A_2363 = arith.constant dense<0xFF800000> : vector<1xf32>
    %reduce_max3A_2364 = vector.multi_reduction <maximumf>, %reduce_max3A_2362, %reduce_max3A_2363 [1, 2] : vector<1x160x128xf32> to vector<1xf32>
    %reduce_max3A_2365 = vector.shape_cast %reduce_max3A_2364 : vector<1xf32> to vector<1x1x1xf32>
    %reduce_max3A_2366 = vector.extract %reduce_max3A_2365[0, 0, 0] : f32 from vector<1x1x1xf32>
    %eq3A_2367 = vector.broadcast %reduce_max3A_2366 : f32 to vector<160x128xf32>
    %eq3A_2368 = arith.cmpf oeq, %div3A_2344, %eq3A_2367 : vector<160x128xf32>
    %jit3A_2369 = arith.constant 1073741824 : i32
    %broadcast_in_dim3A_2370 = vector.broadcast %jit3A_2369 : i32 to vector<160x128xi32>
    %select_n3A_2371 = arith.select %eq3A_2368, %add3A, %broadcast_in_dim3A_2370 : vector<160x128xi1>, vector<160x128xi32>
    %reduce_min3A_2372 = vector.shape_cast %select_n3A_2371 : vector<160x128xi32> to vector<1x160x128xi32>
    %reduce_min3A_2373 = arith.constant dense<2147483647> : vector<1xi32>
    %reduce_min3A_2374 = vector.multi_reduction <minsi>, %reduce_min3A_2372, %reduce_min3A_2373 [1, 2] : vector<1x160x128xi32> to vector<1xi32>
    %reduce_min3A_2375 = vector.shape_cast %reduce_min3A_2374 : vector<1xi32> to vector<1x1x1xi32>
    %reduce_min3A_2376 = vector.extract %reduce_min3A_2375[0, 0, 0] : i32 from vector<1x1x1xi32>
    %swap3A_2377 = arith.constant 37 : index
    %swap3A_2378 = memref.load %arg7[%swap3A_2377] : memref<50xi32, #tpu.memory_space<smem>>
    memref.store %reduce_min3A_2376, %arg7[%swap3A_2377] : memref<50xi32, #tpu.memory_space<smem>>
    %gt3A_2379 = arith.cmpf ogt, %div3A_2344, %div3A_2304 : vector<160x128xf32>
    %select_n3A_2380 = arith.select %gt3A_2379, %div3A_2344, %div3A_2304 : vector<160x128xi1>, vector<160x128xf32>
    %jit3A_2381 = arith.constant 37 : i32
    %jit3A_2382 = arith.constant 36 : i32
    %broadcast_in_dim3A_2383 = vector.broadcast %jit3A_2381 : i32 to vector<160x128xi32>
    %broadcast_in_dim3A_2384 = vector.broadcast %jit3A_2382 : i32 to vector<160x128xi32>
    %select_n3A_2385 = arith.select %gt3A_2379, %broadcast_in_dim3A_2383, %broadcast_in_dim3A_2384 : vector<160x128xi1>, vector<160x128xi32>
    %gt3A_2386 = arith.cmpf ogt, %select_n3A_2380, %select_n3A_2263 : vector<160x128xf32>
    %select_n3A_2387 = arith.select %gt3A_2386, %select_n3A_2380, %select_n3A_2263 : vector<160x128xi1>, vector<160x128xf32>
    %select_n3A_2388 = arith.select %gt3A_2386, %select_n3A_2385, %select_n3A_2264 : vector<160x128xi1>, vector<160x128xi32>
    %get3A_2389 = arith.constant 0 : index
    %get3A_2390 = arith.constant 0 : index
    %get3A_2391 = arith.constant 190 : index
    %get3A_2392 = memref.load %arg1[%get3A_2389, %get3A_2390, %get3A_2391] : memref<1x1x250xf32, #tpu.memory_space<smem>>
    %get3A_2393 = arith.constant 0 : index
    %get3A_2394 = arith.constant 0 : index
    %get3A_2395 = arith.constant 191 : index
    %get3A_2396 = memref.load %arg1[%get3A_2393, %get3A_2394, %get3A_2395] : memref<1x1x250xf32, #tpu.memory_space<smem>>
    %get3A_2397 = arith.constant 0 : index
    %get3A_2398 = arith.constant 0 : index
    %get3A_2399 = arith.constant 192 : index
    %get3A_2400 = memref.load %arg1[%get3A_2397, %get3A_2398, %get3A_2399] : memref<1x1x250xf32, #tpu.memory_space<smem>>
    %get3A_2401 = arith.constant 0 : index
    %get3A_2402 = arith.constant 0 : index
    %get3A_2403 = arith.constant 193 : index
    %get3A_2404 = memref.load %arg1[%get3A_2401, %get3A_2402, %get3A_2403] : memref<1x1x250xf32, #tpu.memory_space<smem>>
    %sub3A_2405 = arith.subf %get3A_2400, %get3A_2392 : f32
    %sub3A_2406 = arith.subf %get3A_2404, %get3A_2396 : f32
    %mul3A_2407 = arith.mulf %sub3A_2405, %sub3A_2406 : f32
    %min3A_2408 = vector.broadcast %get3A_2400 : f32 to vector<160x128xf32>
    %min3A_2409 = arith.minimumf %add3A_31, %min3A_2408 : vector<160x128xf32>
    %max3A_2410 = vector.broadcast %get3A_2392 : f32 to vector<160x128xf32>
    %max3A_2411 = arith.maximumf %sub3A, %max3A_2410 : vector<160x128xf32>
    %sub3A_2412 = arith.subf %min3A_2409, %max3A_2411 : vector<160x128xf32>
    %max3A_2413 = arith.constant 0.000000e+00 : f32
    %max3A_2414 = vector.broadcast %max3A_2413 : f32 to vector<160x128xf32>
    %max3A_2415 = arith.maximumf %sub3A_2412, %max3A_2414 : vector<160x128xf32>
    %min3A_2416 = vector.broadcast %get3A_2404 : f32 to vector<160x128xf32>
    %min3A_2417 = arith.minimumf %add3A_35, %min3A_2416 : vector<160x128xf32>
    %max3A_2418 = vector.broadcast %get3A_2396 : f32 to vector<160x128xf32>
    %max3A_2419 = arith.maximumf %sub3A_27, %max3A_2418 : vector<160x128xf32>
    %sub3A_2420 = arith.subf %min3A_2417, %max3A_2419 : vector<160x128xf32>
    %max3A_2421 = arith.constant 0.000000e+00 : f32
    %max3A_2422 = vector.broadcast %max3A_2421 : f32 to vector<160x128xf32>
    %max3A_2423 = arith.maximumf %sub3A_2420, %max3A_2422 : vector<160x128xf32>
    %mul3A_2424 = arith.mulf %max3A_2415, %max3A_2423 : vector<160x128xf32>
    %add3A_2425 = vector.broadcast %mul3A_2407 : f32 to vector<160x128xf32>
    %add3A_2426 = arith.addf %add3A_2425, %mul3A_38 : vector<160x128xf32>
    %sub3A_2427 = arith.subf %add3A_2426, %mul3A_2424 : vector<160x128xf32>
    %div3A_2428 = arith.divf %mul3A_2424, %sub3A_2427 : vector<160x128xf32>
    %get3A_2429 = arith.constant 0 : index
    %get3A_2430 = arith.constant 0 : index
    %get3A_2431 = arith.constant 195 : index
    %get3A_2432 = memref.load %arg1[%get3A_2429, %get3A_2430, %get3A_2431] : memref<1x1x250xf32, #tpu.memory_space<smem>>
    %get3A_2433 = arith.constant 0 : index
    %get3A_2434 = arith.constant 0 : index
    %get3A_2435 = arith.constant 196 : index
    %get3A_2436 = memref.load %arg1[%get3A_2433, %get3A_2434, %get3A_2435] : memref<1x1x250xf32, #tpu.memory_space<smem>>
    %get3A_2437 = arith.constant 0 : index
    %get3A_2438 = arith.constant 0 : index
    %get3A_2439 = arith.constant 197 : index
    %get3A_2440 = memref.load %arg1[%get3A_2437, %get3A_2438, %get3A_2439] : memref<1x1x250xf32, #tpu.memory_space<smem>>
    %get3A_2441 = arith.constant 0 : index
    %get3A_2442 = arith.constant 0 : index
    %get3A_2443 = arith.constant 198 : index
    %get3A_2444 = memref.load %arg1[%get3A_2441, %get3A_2442, %get3A_2443] : memref<1x1x250xf32, #tpu.memory_space<smem>>
    %sub3A_2445 = arith.subf %get3A_2440, %get3A_2432 : f32
    %sub3A_2446 = arith.subf %get3A_2444, %get3A_2436 : f32
    %mul3A_2447 = arith.mulf %sub3A_2445, %sub3A_2446 : f32
    %min3A_2448 = vector.broadcast %get3A_2440 : f32 to vector<160x128xf32>
    %min3A_2449 = arith.minimumf %add3A_31, %min3A_2448 : vector<160x128xf32>
    %max3A_2450 = vector.broadcast %get3A_2432 : f32 to vector<160x128xf32>
    %max3A_2451 = arith.maximumf %sub3A, %max3A_2450 : vector<160x128xf32>
    %sub3A_2452 = arith.subf %min3A_2449, %max3A_2451 : vector<160x128xf32>
    %max3A_2453 = arith.constant 0.000000e+00 : f32
    %max3A_2454 = vector.broadcast %max3A_2453 : f32 to vector<160x128xf32>
    %max3A_2455 = arith.maximumf %sub3A_2452, %max3A_2454 : vector<160x128xf32>
    %min3A_2456 = vector.broadcast %get3A_2444 : f32 to vector<160x128xf32>
    %min3A_2457 = arith.minimumf %add3A_35, %min3A_2456 : vector<160x128xf32>
    %max3A_2458 = vector.broadcast %get3A_2436 : f32 to vector<160x128xf32>
    %max3A_2459 = arith.maximumf %sub3A_27, %max3A_2458 : vector<160x128xf32>
    %sub3A_2460 = arith.subf %min3A_2457, %max3A_2459 : vector<160x128xf32>
    %max3A_2461 = arith.constant 0.000000e+00 : f32
    %max3A_2462 = vector.broadcast %max3A_2461 : f32 to vector<160x128xf32>
    %max3A_2463 = arith.maximumf %sub3A_2460, %max3A_2462 : vector<160x128xf32>
    %mul3A_2464 = arith.mulf %max3A_2455, %max3A_2463 : vector<160x128xf32>
    %add3A_2465 = vector.broadcast %mul3A_2447 : f32 to vector<160x128xf32>
    %add3A_2466 = arith.addf %add3A_2465, %mul3A_38 : vector<160x128xf32>
    %sub3A_2467 = arith.subf %add3A_2466, %mul3A_2464 : vector<160x128xf32>
    %div3A_2468 = arith.divf %mul3A_2464, %sub3A_2467 : vector<160x128xf32>
    %reduce_max3A_2469 = vector.shape_cast %div3A_2428 : vector<160x128xf32> to vector<1x160x128xf32>
    %reduce_max3A_2470 = arith.constant dense<0xFF800000> : vector<1xf32>
    %reduce_max3A_2471 = vector.multi_reduction <maximumf>, %reduce_max3A_2469, %reduce_max3A_2470 [1, 2] : vector<1x160x128xf32> to vector<1xf32>
    %reduce_max3A_2472 = vector.shape_cast %reduce_max3A_2471 : vector<1xf32> to vector<1x1x1xf32>
    %reduce_max3A_2473 = vector.extract %reduce_max3A_2472[0, 0, 0] : f32 from vector<1x1x1xf32>
    %eq3A_2474 = vector.broadcast %reduce_max3A_2473 : f32 to vector<160x128xf32>
    %eq3A_2475 = arith.cmpf oeq, %div3A_2428, %eq3A_2474 : vector<160x128xf32>
    %jit3A_2476 = arith.constant 1073741824 : i32
    %broadcast_in_dim3A_2477 = vector.broadcast %jit3A_2476 : i32 to vector<160x128xi32>
    %select_n3A_2478 = arith.select %eq3A_2475, %add3A, %broadcast_in_dim3A_2477 : vector<160x128xi1>, vector<160x128xi32>
    %reduce_min3A_2479 = vector.shape_cast %select_n3A_2478 : vector<160x128xi32> to vector<1x160x128xi32>
    %reduce_min3A_2480 = arith.constant dense<2147483647> : vector<1xi32>
    %reduce_min3A_2481 = vector.multi_reduction <minsi>, %reduce_min3A_2479, %reduce_min3A_2480 [1, 2] : vector<1x160x128xi32> to vector<1xi32>
    %reduce_min3A_2482 = vector.shape_cast %reduce_min3A_2481 : vector<1xi32> to vector<1x1x1xi32>
    %reduce_min3A_2483 = vector.extract %reduce_min3A_2482[0, 0, 0] : i32 from vector<1x1x1xi32>
    %swap3A_2484 = arith.constant 38 : index
    %swap3A_2485 = memref.load %arg7[%swap3A_2484] : memref<50xi32, #tpu.memory_space<smem>>
    memref.store %reduce_min3A_2483, %arg7[%swap3A_2484] : memref<50xi32, #tpu.memory_space<smem>>
    %reduce_max3A_2486 = vector.shape_cast %div3A_2468 : vector<160x128xf32> to vector<1x160x128xf32>
    %reduce_max3A_2487 = arith.constant dense<0xFF800000> : vector<1xf32>
    %reduce_max3A_2488 = vector.multi_reduction <maximumf>, %reduce_max3A_2486, %reduce_max3A_2487 [1, 2] : vector<1x160x128xf32> to vector<1xf32>
    %reduce_max3A_2489 = vector.shape_cast %reduce_max3A_2488 : vector<1xf32> to vector<1x1x1xf32>
    %reduce_max3A_2490 = vector.extract %reduce_max3A_2489[0, 0, 0] : f32 from vector<1x1x1xf32>
    %eq3A_2491 = vector.broadcast %reduce_max3A_2490 : f32 to vector<160x128xf32>
    %eq3A_2492 = arith.cmpf oeq, %div3A_2468, %eq3A_2491 : vector<160x128xf32>
    %jit3A_2493 = arith.constant 1073741824 : i32
    %broadcast_in_dim3A_2494 = vector.broadcast %jit3A_2493 : i32 to vector<160x128xi32>
    %select_n3A_2495 = arith.select %eq3A_2492, %add3A, %broadcast_in_dim3A_2494 : vector<160x128xi1>, vector<160x128xi32>
    %reduce_min3A_2496 = vector.shape_cast %select_n3A_2495 : vector<160x128xi32> to vector<1x160x128xi32>
    %reduce_min3A_2497 = arith.constant dense<2147483647> : vector<1xi32>
    %reduce_min3A_2498 = vector.multi_reduction <minsi>, %reduce_min3A_2496, %reduce_min3A_2497 [1, 2] : vector<1x160x128xi32> to vector<1xi32>
    %reduce_min3A_2499 = vector.shape_cast %reduce_min3A_2498 : vector<1xi32> to vector<1x1x1xi32>
    %reduce_min3A_2500 = vector.extract %reduce_min3A_2499[0, 0, 0] : i32 from vector<1x1x1xi32>
    %swap3A_2501 = arith.constant 39 : index
    %swap3A_2502 = memref.load %arg7[%swap3A_2501] : memref<50xi32, #tpu.memory_space<smem>>
    memref.store %reduce_min3A_2500, %arg7[%swap3A_2501] : memref<50xi32, #tpu.memory_space<smem>>
    %gt3A_2503 = arith.cmpf ogt, %div3A_2468, %div3A_2428 : vector<160x128xf32>
    %select_n3A_2504 = arith.select %gt3A_2503, %div3A_2468, %div3A_2428 : vector<160x128xi1>, vector<160x128xf32>
    %jit3A_2505 = arith.constant 39 : i32
    %jit3A_2506 = arith.constant 38 : i32
    %broadcast_in_dim3A_2507 = vector.broadcast %jit3A_2505 : i32 to vector<160x128xi32>
    %broadcast_in_dim3A_2508 = vector.broadcast %jit3A_2506 : i32 to vector<160x128xi32>
    %select_n3A_2509 = arith.select %gt3A_2503, %broadcast_in_dim3A_2507, %broadcast_in_dim3A_2508 : vector<160x128xi1>, vector<160x128xi32>
    %gt3A_2510 = arith.cmpf ogt, %select_n3A_2504, %select_n3A_2387 : vector<160x128xf32>
    %select_n3A_2511 = arith.select %gt3A_2510, %select_n3A_2504, %select_n3A_2387 : vector<160x128xi1>, vector<160x128xf32>
    %select_n3A_2512 = arith.select %gt3A_2510, %select_n3A_2509, %select_n3A_2388 : vector<160x128xi1>, vector<160x128xi32>
    %get3A_2513 = arith.constant 0 : index
    %get3A_2514 = arith.constant 0 : index
    %get3A_2515 = arith.constant 200 : index
    %get3A_2516 = memref.load %arg1[%get3A_2513, %get3A_2514, %get3A_2515] : memref<1x1x250xf32, #tpu.memory_space<smem>>
    %get3A_2517 = arith.constant 0 : index
    %get3A_2518 = arith.constant 0 : index
    %get3A_2519 = arith.constant 201 : index
    %get3A_2520 = memref.load %arg1[%get3A_2517, %get3A_2518, %get3A_2519] : memref<1x1x250xf32, #tpu.memory_space<smem>>
    %get3A_2521 = arith.constant 0 : index
    %get3A_2522 = arith.constant 0 : index
    %get3A_2523 = arith.constant 202 : index
    %get3A_2524 = memref.load %arg1[%get3A_2521, %get3A_2522, %get3A_2523] : memref<1x1x250xf32, #tpu.memory_space<smem>>
    %get3A_2525 = arith.constant 0 : index
    %get3A_2526 = arith.constant 0 : index
    %get3A_2527 = arith.constant 203 : index
    %get3A_2528 = memref.load %arg1[%get3A_2525, %get3A_2526, %get3A_2527] : memref<1x1x250xf32, #tpu.memory_space<smem>>
    %sub3A_2529 = arith.subf %get3A_2524, %get3A_2516 : f32
    %sub3A_2530 = arith.subf %get3A_2528, %get3A_2520 : f32
    %mul3A_2531 = arith.mulf %sub3A_2529, %sub3A_2530 : f32
    %min3A_2532 = vector.broadcast %get3A_2524 : f32 to vector<160x128xf32>
    %min3A_2533 = arith.minimumf %add3A_31, %min3A_2532 : vector<160x128xf32>
    %max3A_2534 = vector.broadcast %get3A_2516 : f32 to vector<160x128xf32>
    %max3A_2535 = arith.maximumf %sub3A, %max3A_2534 : vector<160x128xf32>
    %sub3A_2536 = arith.subf %min3A_2533, %max3A_2535 : vector<160x128xf32>
    %max3A_2537 = arith.constant 0.000000e+00 : f32
    %max3A_2538 = vector.broadcast %max3A_2537 : f32 to vector<160x128xf32>
    %max3A_2539 = arith.maximumf %sub3A_2536, %max3A_2538 : vector<160x128xf32>
    %min3A_2540 = vector.broadcast %get3A_2528 : f32 to vector<160x128xf32>
    %min3A_2541 = arith.minimumf %add3A_35, %min3A_2540 : vector<160x128xf32>
    %max3A_2542 = vector.broadcast %get3A_2520 : f32 to vector<160x128xf32>
    %max3A_2543 = arith.maximumf %sub3A_27, %max3A_2542 : vector<160x128xf32>
    %sub3A_2544 = arith.subf %min3A_2541, %max3A_2543 : vector<160x128xf32>
    %max3A_2545 = arith.constant 0.000000e+00 : f32
    %max3A_2546 = vector.broadcast %max3A_2545 : f32 to vector<160x128xf32>
    %max3A_2547 = arith.maximumf %sub3A_2544, %max3A_2546 : vector<160x128xf32>
    %mul3A_2548 = arith.mulf %max3A_2539, %max3A_2547 : vector<160x128xf32>
    %add3A_2549 = vector.broadcast %mul3A_2531 : f32 to vector<160x128xf32>
    %add3A_2550 = arith.addf %add3A_2549, %mul3A_38 : vector<160x128xf32>
    %sub3A_2551 = arith.subf %add3A_2550, %mul3A_2548 : vector<160x128xf32>
    %div3A_2552 = arith.divf %mul3A_2548, %sub3A_2551 : vector<160x128xf32>
    %get3A_2553 = arith.constant 0 : index
    %get3A_2554 = arith.constant 0 : index
    %get3A_2555 = arith.constant 205 : index
    %get3A_2556 = memref.load %arg1[%get3A_2553, %get3A_2554, %get3A_2555] : memref<1x1x250xf32, #tpu.memory_space<smem>>
    %get3A_2557 = arith.constant 0 : index
    %get3A_2558 = arith.constant 0 : index
    %get3A_2559 = arith.constant 206 : index
    %get3A_2560 = memref.load %arg1[%get3A_2557, %get3A_2558, %get3A_2559] : memref<1x1x250xf32, #tpu.memory_space<smem>>
    %get3A_2561 = arith.constant 0 : index
    %get3A_2562 = arith.constant 0 : index
    %get3A_2563 = arith.constant 207 : index
    %get3A_2564 = memref.load %arg1[%get3A_2561, %get3A_2562, %get3A_2563] : memref<1x1x250xf32, #tpu.memory_space<smem>>
    %get3A_2565 = arith.constant 0 : index
    %get3A_2566 = arith.constant 0 : index
    %get3A_2567 = arith.constant 208 : index
    %get3A_2568 = memref.load %arg1[%get3A_2565, %get3A_2566, %get3A_2567] : memref<1x1x250xf32, #tpu.memory_space<smem>>
    %sub3A_2569 = arith.subf %get3A_2564, %get3A_2556 : f32
    %sub3A_2570 = arith.subf %get3A_2568, %get3A_2560 : f32
    %mul3A_2571 = arith.mulf %sub3A_2569, %sub3A_2570 : f32
    %min3A_2572 = vector.broadcast %get3A_2564 : f32 to vector<160x128xf32>
    %min3A_2573 = arith.minimumf %add3A_31, %min3A_2572 : vector<160x128xf32>
    %max3A_2574 = vector.broadcast %get3A_2556 : f32 to vector<160x128xf32>
    %max3A_2575 = arith.maximumf %sub3A, %max3A_2574 : vector<160x128xf32>
    %sub3A_2576 = arith.subf %min3A_2573, %max3A_2575 : vector<160x128xf32>
    %max3A_2577 = arith.constant 0.000000e+00 : f32
    %max3A_2578 = vector.broadcast %max3A_2577 : f32 to vector<160x128xf32>
    %max3A_2579 = arith.maximumf %sub3A_2576, %max3A_2578 : vector<160x128xf32>
    %min3A_2580 = vector.broadcast %get3A_2568 : f32 to vector<160x128xf32>
    %min3A_2581 = arith.minimumf %add3A_35, %min3A_2580 : vector<160x128xf32>
    %max3A_2582 = vector.broadcast %get3A_2560 : f32 to vector<160x128xf32>
    %max3A_2583 = arith.maximumf %sub3A_27, %max3A_2582 : vector<160x128xf32>
    %sub3A_2584 = arith.subf %min3A_2581, %max3A_2583 : vector<160x128xf32>
    %max3A_2585 = arith.constant 0.000000e+00 : f32
    %max3A_2586 = vector.broadcast %max3A_2585 : f32 to vector<160x128xf32>
    %max3A_2587 = arith.maximumf %sub3A_2584, %max3A_2586 : vector<160x128xf32>
    %mul3A_2588 = arith.mulf %max3A_2579, %max3A_2587 : vector<160x128xf32>
    %add3A_2589 = vector.broadcast %mul3A_2571 : f32 to vector<160x128xf32>
    %add3A_2590 = arith.addf %add3A_2589, %mul3A_38 : vector<160x128xf32>
    %sub3A_2591 = arith.subf %add3A_2590, %mul3A_2588 : vector<160x128xf32>
    %div3A_2592 = arith.divf %mul3A_2588, %sub3A_2591 : vector<160x128xf32>
    %reduce_max3A_2593 = vector.shape_cast %div3A_2552 : vector<160x128xf32> to vector<1x160x128xf32>
    %reduce_max3A_2594 = arith.constant dense<0xFF800000> : vector<1xf32>
    %reduce_max3A_2595 = vector.multi_reduction <maximumf>, %reduce_max3A_2593, %reduce_max3A_2594 [1, 2] : vector<1x160x128xf32> to vector<1xf32>
    %reduce_max3A_2596 = vector.shape_cast %reduce_max3A_2595 : vector<1xf32> to vector<1x1x1xf32>
    %reduce_max3A_2597 = vector.extract %reduce_max3A_2596[0, 0, 0] : f32 from vector<1x1x1xf32>
    %eq3A_2598 = vector.broadcast %reduce_max3A_2597 : f32 to vector<160x128xf32>
    %eq3A_2599 = arith.cmpf oeq, %div3A_2552, %eq3A_2598 : vector<160x128xf32>
    %jit3A_2600 = arith.constant 1073741824 : i32
    %broadcast_in_dim3A_2601 = vector.broadcast %jit3A_2600 : i32 to vector<160x128xi32>
    %select_n3A_2602 = arith.select %eq3A_2599, %add3A, %broadcast_in_dim3A_2601 : vector<160x128xi1>, vector<160x128xi32>
    %reduce_min3A_2603 = vector.shape_cast %select_n3A_2602 : vector<160x128xi32> to vector<1x160x128xi32>
    %reduce_min3A_2604 = arith.constant dense<2147483647> : vector<1xi32>
    %reduce_min3A_2605 = vector.multi_reduction <minsi>, %reduce_min3A_2603, %reduce_min3A_2604 [1, 2] : vector<1x160x128xi32> to vector<1xi32>
    %reduce_min3A_2606 = vector.shape_cast %reduce_min3A_2605 : vector<1xi32> to vector<1x1x1xi32>
    %reduce_min3A_2607 = vector.extract %reduce_min3A_2606[0, 0, 0] : i32 from vector<1x1x1xi32>
    %swap3A_2608 = arith.constant 40 : index
    %swap3A_2609 = memref.load %arg7[%swap3A_2608] : memref<50xi32, #tpu.memory_space<smem>>
    memref.store %reduce_min3A_2607, %arg7[%swap3A_2608] : memref<50xi32, #tpu.memory_space<smem>>
    %reduce_max3A_2610 = vector.shape_cast %div3A_2592 : vector<160x128xf32> to vector<1x160x128xf32>
    %reduce_max3A_2611 = arith.constant dense<0xFF800000> : vector<1xf32>
    %reduce_max3A_2612 = vector.multi_reduction <maximumf>, %reduce_max3A_2610, %reduce_max3A_2611 [1, 2] : vector<1x160x128xf32> to vector<1xf32>
    %reduce_max3A_2613 = vector.shape_cast %reduce_max3A_2612 : vector<1xf32> to vector<1x1x1xf32>
    %reduce_max3A_2614 = vector.extract %reduce_max3A_2613[0, 0, 0] : f32 from vector<1x1x1xf32>
    %eq3A_2615 = vector.broadcast %reduce_max3A_2614 : f32 to vector<160x128xf32>
    %eq3A_2616 = arith.cmpf oeq, %div3A_2592, %eq3A_2615 : vector<160x128xf32>
    %jit3A_2617 = arith.constant 1073741824 : i32
    %broadcast_in_dim3A_2618 = vector.broadcast %jit3A_2617 : i32 to vector<160x128xi32>
    %select_n3A_2619 = arith.select %eq3A_2616, %add3A, %broadcast_in_dim3A_2618 : vector<160x128xi1>, vector<160x128xi32>
    %reduce_min3A_2620 = vector.shape_cast %select_n3A_2619 : vector<160x128xi32> to vector<1x160x128xi32>
    %reduce_min3A_2621 = arith.constant dense<2147483647> : vector<1xi32>
    %reduce_min3A_2622 = vector.multi_reduction <minsi>, %reduce_min3A_2620, %reduce_min3A_2621 [1, 2] : vector<1x160x128xi32> to vector<1xi32>
    %reduce_min3A_2623 = vector.shape_cast %reduce_min3A_2622 : vector<1xi32> to vector<1x1x1xi32>
    %reduce_min3A_2624 = vector.extract %reduce_min3A_2623[0, 0, 0] : i32 from vector<1x1x1xi32>
    %swap3A_2625 = arith.constant 41 : index
    %swap3A_2626 = memref.load %arg7[%swap3A_2625] : memref<50xi32, #tpu.memory_space<smem>>
    memref.store %reduce_min3A_2624, %arg7[%swap3A_2625] : memref<50xi32, #tpu.memory_space<smem>>
    %gt3A_2627 = arith.cmpf ogt, %div3A_2592, %div3A_2552 : vector<160x128xf32>
    %select_n3A_2628 = arith.select %gt3A_2627, %div3A_2592, %div3A_2552 : vector<160x128xi1>, vector<160x128xf32>
    %jit3A_2629 = arith.constant 41 : i32
    %jit3A_2630 = arith.constant 40 : i32
    %broadcast_in_dim3A_2631 = vector.broadcast %jit3A_2629 : i32 to vector<160x128xi32>
    %broadcast_in_dim3A_2632 = vector.broadcast %jit3A_2630 : i32 to vector<160x128xi32>
    %select_n3A_2633 = arith.select %gt3A_2627, %broadcast_in_dim3A_2631, %broadcast_in_dim3A_2632 : vector<160x128xi1>, vector<160x128xi32>
    %gt3A_2634 = arith.cmpf ogt, %select_n3A_2628, %select_n3A_2511 : vector<160x128xf32>
    %select_n3A_2635 = arith.select %gt3A_2634, %select_n3A_2628, %select_n3A_2511 : vector<160x128xi1>, vector<160x128xf32>
    %select_n3A_2636 = arith.select %gt3A_2634, %select_n3A_2633, %select_n3A_2512 : vector<160x128xi1>, vector<160x128xi32>
    %get3A_2637 = arith.constant 0 : index
    %get3A_2638 = arith.constant 0 : index
    %get3A_2639 = arith.constant 210 : index
    %get3A_2640 = memref.load %arg1[%get3A_2637, %get3A_2638, %get3A_2639] : memref<1x1x250xf32, #tpu.memory_space<smem>>
    %get3A_2641 = arith.constant 0 : index
    %get3A_2642 = arith.constant 0 : index
    %get3A_2643 = arith.constant 211 : index
    %get3A_2644 = memref.load %arg1[%get3A_2641, %get3A_2642, %get3A_2643] : memref<1x1x250xf32, #tpu.memory_space<smem>>
    %get3A_2645 = arith.constant 0 : index
    %get3A_2646 = arith.constant 0 : index
    %get3A_2647 = arith.constant 212 : index
    %get3A_2648 = memref.load %arg1[%get3A_2645, %get3A_2646, %get3A_2647] : memref<1x1x250xf32, #tpu.memory_space<smem>>
    %get3A_2649 = arith.constant 0 : index
    %get3A_2650 = arith.constant 0 : index
    %get3A_2651 = arith.constant 213 : index
    %get3A_2652 = memref.load %arg1[%get3A_2649, %get3A_2650, %get3A_2651] : memref<1x1x250xf32, #tpu.memory_space<smem>>
    %sub3A_2653 = arith.subf %get3A_2648, %get3A_2640 : f32
    %sub3A_2654 = arith.subf %get3A_2652, %get3A_2644 : f32
    %mul3A_2655 = arith.mulf %sub3A_2653, %sub3A_2654 : f32
    %min3A_2656 = vector.broadcast %get3A_2648 : f32 to vector<160x128xf32>
    %min3A_2657 = arith.minimumf %add3A_31, %min3A_2656 : vector<160x128xf32>
    %max3A_2658 = vector.broadcast %get3A_2640 : f32 to vector<160x128xf32>
    %max3A_2659 = arith.maximumf %sub3A, %max3A_2658 : vector<160x128xf32>
    %sub3A_2660 = arith.subf %min3A_2657, %max3A_2659 : vector<160x128xf32>
    %max3A_2661 = arith.constant 0.000000e+00 : f32
    %max3A_2662 = vector.broadcast %max3A_2661 : f32 to vector<160x128xf32>
    %max3A_2663 = arith.maximumf %sub3A_2660, %max3A_2662 : vector<160x128xf32>
    %min3A_2664 = vector.broadcast %get3A_2652 : f32 to vector<160x128xf32>
    %min3A_2665 = arith.minimumf %add3A_35, %min3A_2664 : vector<160x128xf32>
    %max3A_2666 = vector.broadcast %get3A_2644 : f32 to vector<160x128xf32>
    %max3A_2667 = arith.maximumf %sub3A_27, %max3A_2666 : vector<160x128xf32>
    %sub3A_2668 = arith.subf %min3A_2665, %max3A_2667 : vector<160x128xf32>
    %max3A_2669 = arith.constant 0.000000e+00 : f32
    %max3A_2670 = vector.broadcast %max3A_2669 : f32 to vector<160x128xf32>
    %max3A_2671 = arith.maximumf %sub3A_2668, %max3A_2670 : vector<160x128xf32>
    %mul3A_2672 = arith.mulf %max3A_2663, %max3A_2671 : vector<160x128xf32>
    %add3A_2673 = vector.broadcast %mul3A_2655 : f32 to vector<160x128xf32>
    %add3A_2674 = arith.addf %add3A_2673, %mul3A_38 : vector<160x128xf32>
    %sub3A_2675 = arith.subf %add3A_2674, %mul3A_2672 : vector<160x128xf32>
    %div3A_2676 = arith.divf %mul3A_2672, %sub3A_2675 : vector<160x128xf32>
    %get3A_2677 = arith.constant 0 : index
    %get3A_2678 = arith.constant 0 : index
    %get3A_2679 = arith.constant 215 : index
    %get3A_2680 = memref.load %arg1[%get3A_2677, %get3A_2678, %get3A_2679] : memref<1x1x250xf32, #tpu.memory_space<smem>>
    %get3A_2681 = arith.constant 0 : index
    %get3A_2682 = arith.constant 0 : index
    %get3A_2683 = arith.constant 216 : index
    %get3A_2684 = memref.load %arg1[%get3A_2681, %get3A_2682, %get3A_2683] : memref<1x1x250xf32, #tpu.memory_space<smem>>
    %get3A_2685 = arith.constant 0 : index
    %get3A_2686 = arith.constant 0 : index
    %get3A_2687 = arith.constant 217 : index
    %get3A_2688 = memref.load %arg1[%get3A_2685, %get3A_2686, %get3A_2687] : memref<1x1x250xf32, #tpu.memory_space<smem>>
    %get3A_2689 = arith.constant 0 : index
    %get3A_2690 = arith.constant 0 : index
    %get3A_2691 = arith.constant 218 : index
    %get3A_2692 = memref.load %arg1[%get3A_2689, %get3A_2690, %get3A_2691] : memref<1x1x250xf32, #tpu.memory_space<smem>>
    %sub3A_2693 = arith.subf %get3A_2688, %get3A_2680 : f32
    %sub3A_2694 = arith.subf %get3A_2692, %get3A_2684 : f32
    %mul3A_2695 = arith.mulf %sub3A_2693, %sub3A_2694 : f32
    %min3A_2696 = vector.broadcast %get3A_2688 : f32 to vector<160x128xf32>
    %min3A_2697 = arith.minimumf %add3A_31, %min3A_2696 : vector<160x128xf32>
    %max3A_2698 = vector.broadcast %get3A_2680 : f32 to vector<160x128xf32>
    %max3A_2699 = arith.maximumf %sub3A, %max3A_2698 : vector<160x128xf32>
    %sub3A_2700 = arith.subf %min3A_2697, %max3A_2699 : vector<160x128xf32>
    %max3A_2701 = arith.constant 0.000000e+00 : f32
    %max3A_2702 = vector.broadcast %max3A_2701 : f32 to vector<160x128xf32>
    %max3A_2703 = arith.maximumf %sub3A_2700, %max3A_2702 : vector<160x128xf32>
    %min3A_2704 = vector.broadcast %get3A_2692 : f32 to vector<160x128xf32>
    %min3A_2705 = arith.minimumf %add3A_35, %min3A_2704 : vector<160x128xf32>
    %max3A_2706 = vector.broadcast %get3A_2684 : f32 to vector<160x128xf32>
    %max3A_2707 = arith.maximumf %sub3A_27, %max3A_2706 : vector<160x128xf32>
    %sub3A_2708 = arith.subf %min3A_2705, %max3A_2707 : vector<160x128xf32>
    %max3A_2709 = arith.constant 0.000000e+00 : f32
    %max3A_2710 = vector.broadcast %max3A_2709 : f32 to vector<160x128xf32>
    %max3A_2711 = arith.maximumf %sub3A_2708, %max3A_2710 : vector<160x128xf32>
    %mul3A_2712 = arith.mulf %max3A_2703, %max3A_2711 : vector<160x128xf32>
    %add3A_2713 = vector.broadcast %mul3A_2695 : f32 to vector<160x128xf32>
    %add3A_2714 = arith.addf %add3A_2713, %mul3A_38 : vector<160x128xf32>
    %sub3A_2715 = arith.subf %add3A_2714, %mul3A_2712 : vector<160x128xf32>
    %div3A_2716 = arith.divf %mul3A_2712, %sub3A_2715 : vector<160x128xf32>
    %reduce_max3A_2717 = vector.shape_cast %div3A_2676 : vector<160x128xf32> to vector<1x160x128xf32>
    %reduce_max3A_2718 = arith.constant dense<0xFF800000> : vector<1xf32>
    %reduce_max3A_2719 = vector.multi_reduction <maximumf>, %reduce_max3A_2717, %reduce_max3A_2718 [1, 2] : vector<1x160x128xf32> to vector<1xf32>
    %reduce_max3A_2720 = vector.shape_cast %reduce_max3A_2719 : vector<1xf32> to vector<1x1x1xf32>
    %reduce_max3A_2721 = vector.extract %reduce_max3A_2720[0, 0, 0] : f32 from vector<1x1x1xf32>
    %eq3A_2722 = vector.broadcast %reduce_max3A_2721 : f32 to vector<160x128xf32>
    %eq3A_2723 = arith.cmpf oeq, %div3A_2676, %eq3A_2722 : vector<160x128xf32>
    %jit3A_2724 = arith.constant 1073741824 : i32
    %broadcast_in_dim3A_2725 = vector.broadcast %jit3A_2724 : i32 to vector<160x128xi32>
    %select_n3A_2726 = arith.select %eq3A_2723, %add3A, %broadcast_in_dim3A_2725 : vector<160x128xi1>, vector<160x128xi32>
    %reduce_min3A_2727 = vector.shape_cast %select_n3A_2726 : vector<160x128xi32> to vector<1x160x128xi32>
    %reduce_min3A_2728 = arith.constant dense<2147483647> : vector<1xi32>
    %reduce_min3A_2729 = vector.multi_reduction <minsi>, %reduce_min3A_2727, %reduce_min3A_2728 [1, 2] : vector<1x160x128xi32> to vector<1xi32>
    %reduce_min3A_2730 = vector.shape_cast %reduce_min3A_2729 : vector<1xi32> to vector<1x1x1xi32>
    %reduce_min3A_2731 = vector.extract %reduce_min3A_2730[0, 0, 0] : i32 from vector<1x1x1xi32>
    %swap3A_2732 = arith.constant 42 : index
    %swap3A_2733 = memref.load %arg7[%swap3A_2732] : memref<50xi32, #tpu.memory_space<smem>>
    memref.store %reduce_min3A_2731, %arg7[%swap3A_2732] : memref<50xi32, #tpu.memory_space<smem>>
    %reduce_max3A_2734 = vector.shape_cast %div3A_2716 : vector<160x128xf32> to vector<1x160x128xf32>
    %reduce_max3A_2735 = arith.constant dense<0xFF800000> : vector<1xf32>
    %reduce_max3A_2736 = vector.multi_reduction <maximumf>, %reduce_max3A_2734, %reduce_max3A_2735 [1, 2] : vector<1x160x128xf32> to vector<1xf32>
    %reduce_max3A_2737 = vector.shape_cast %reduce_max3A_2736 : vector<1xf32> to vector<1x1x1xf32>
    %reduce_max3A_2738 = vector.extract %reduce_max3A_2737[0, 0, 0] : f32 from vector<1x1x1xf32>
    %eq3A_2739 = vector.broadcast %reduce_max3A_2738 : f32 to vector<160x128xf32>
    %eq3A_2740 = arith.cmpf oeq, %div3A_2716, %eq3A_2739 : vector<160x128xf32>
    %jit3A_2741 = arith.constant 1073741824 : i32
    %broadcast_in_dim3A_2742 = vector.broadcast %jit3A_2741 : i32 to vector<160x128xi32>
    %select_n3A_2743 = arith.select %eq3A_2740, %add3A, %broadcast_in_dim3A_2742 : vector<160x128xi1>, vector<160x128xi32>
    %reduce_min3A_2744 = vector.shape_cast %select_n3A_2743 : vector<160x128xi32> to vector<1x160x128xi32>
    %reduce_min3A_2745 = arith.constant dense<2147483647> : vector<1xi32>
    %reduce_min3A_2746 = vector.multi_reduction <minsi>, %reduce_min3A_2744, %reduce_min3A_2745 [1, 2] : vector<1x160x128xi32> to vector<1xi32>
    %reduce_min3A_2747 = vector.shape_cast %reduce_min3A_2746 : vector<1xi32> to vector<1x1x1xi32>
    %reduce_min3A_2748 = vector.extract %reduce_min3A_2747[0, 0, 0] : i32 from vector<1x1x1xi32>
    %swap3A_2749 = arith.constant 43 : index
    %swap3A_2750 = memref.load %arg7[%swap3A_2749] : memref<50xi32, #tpu.memory_space<smem>>
    memref.store %reduce_min3A_2748, %arg7[%swap3A_2749] : memref<50xi32, #tpu.memory_space<smem>>
    %gt3A_2751 = arith.cmpf ogt, %div3A_2716, %div3A_2676 : vector<160x128xf32>
    %select_n3A_2752 = arith.select %gt3A_2751, %div3A_2716, %div3A_2676 : vector<160x128xi1>, vector<160x128xf32>
    %jit3A_2753 = arith.constant 43 : i32
    %jit3A_2754 = arith.constant 42 : i32
    %broadcast_in_dim3A_2755 = vector.broadcast %jit3A_2753 : i32 to vector<160x128xi32>
    %broadcast_in_dim3A_2756 = vector.broadcast %jit3A_2754 : i32 to vector<160x128xi32>
    %select_n3A_2757 = arith.select %gt3A_2751, %broadcast_in_dim3A_2755, %broadcast_in_dim3A_2756 : vector<160x128xi1>, vector<160x128xi32>
    %gt3A_2758 = arith.cmpf ogt, %select_n3A_2752, %select_n3A_2635 : vector<160x128xf32>
    %select_n3A_2759 = arith.select %gt3A_2758, %select_n3A_2752, %select_n3A_2635 : vector<160x128xi1>, vector<160x128xf32>
    %select_n3A_2760 = arith.select %gt3A_2758, %select_n3A_2757, %select_n3A_2636 : vector<160x128xi1>, vector<160x128xi32>
    %get3A_2761 = arith.constant 0 : index
    %get3A_2762 = arith.constant 0 : index
    %get3A_2763 = arith.constant 220 : index
    %get3A_2764 = memref.load %arg1[%get3A_2761, %get3A_2762, %get3A_2763] : memref<1x1x250xf32, #tpu.memory_space<smem>>
    %get3A_2765 = arith.constant 0 : index
    %get3A_2766 = arith.constant 0 : index
    %get3A_2767 = arith.constant 221 : index
    %get3A_2768 = memref.load %arg1[%get3A_2765, %get3A_2766, %get3A_2767] : memref<1x1x250xf32, #tpu.memory_space<smem>>
    %get3A_2769 = arith.constant 0 : index
    %get3A_2770 = arith.constant 0 : index
    %get3A_2771 = arith.constant 222 : index
    %get3A_2772 = memref.load %arg1[%get3A_2769, %get3A_2770, %get3A_2771] : memref<1x1x250xf32, #tpu.memory_space<smem>>
    %get3A_2773 = arith.constant 0 : index
    %get3A_2774 = arith.constant 0 : index
    %get3A_2775 = arith.constant 223 : index
    %get3A_2776 = memref.load %arg1[%get3A_2773, %get3A_2774, %get3A_2775] : memref<1x1x250xf32, #tpu.memory_space<smem>>
    %sub3A_2777 = arith.subf %get3A_2772, %get3A_2764 : f32
    %sub3A_2778 = arith.subf %get3A_2776, %get3A_2768 : f32
    %mul3A_2779 = arith.mulf %sub3A_2777, %sub3A_2778 : f32
    %min3A_2780 = vector.broadcast %get3A_2772 : f32 to vector<160x128xf32>
    %min3A_2781 = arith.minimumf %add3A_31, %min3A_2780 : vector<160x128xf32>
    %max3A_2782 = vector.broadcast %get3A_2764 : f32 to vector<160x128xf32>
    %max3A_2783 = arith.maximumf %sub3A, %max3A_2782 : vector<160x128xf32>
    %sub3A_2784 = arith.subf %min3A_2781, %max3A_2783 : vector<160x128xf32>
    %max3A_2785 = arith.constant 0.000000e+00 : f32
    %max3A_2786 = vector.broadcast %max3A_2785 : f32 to vector<160x128xf32>
    %max3A_2787 = arith.maximumf %sub3A_2784, %max3A_2786 : vector<160x128xf32>
    %min3A_2788 = vector.broadcast %get3A_2776 : f32 to vector<160x128xf32>
    %min3A_2789 = arith.minimumf %add3A_35, %min3A_2788 : vector<160x128xf32>
    %max3A_2790 = vector.broadcast %get3A_2768 : f32 to vector<160x128xf32>
    %max3A_2791 = arith.maximumf %sub3A_27, %max3A_2790 : vector<160x128xf32>
    %sub3A_2792 = arith.subf %min3A_2789, %max3A_2791 : vector<160x128xf32>
    %max3A_2793 = arith.constant 0.000000e+00 : f32
    %max3A_2794 = vector.broadcast %max3A_2793 : f32 to vector<160x128xf32>
    %max3A_2795 = arith.maximumf %sub3A_2792, %max3A_2794 : vector<160x128xf32>
    %mul3A_2796 = arith.mulf %max3A_2787, %max3A_2795 : vector<160x128xf32>
    %add3A_2797 = vector.broadcast %mul3A_2779 : f32 to vector<160x128xf32>
    %add3A_2798 = arith.addf %add3A_2797, %mul3A_38 : vector<160x128xf32>
    %sub3A_2799 = arith.subf %add3A_2798, %mul3A_2796 : vector<160x128xf32>
    %div3A_2800 = arith.divf %mul3A_2796, %sub3A_2799 : vector<160x128xf32>
    %get3A_2801 = arith.constant 0 : index
    %get3A_2802 = arith.constant 0 : index
    %get3A_2803 = arith.constant 225 : index
    %get3A_2804 = memref.load %arg1[%get3A_2801, %get3A_2802, %get3A_2803] : memref<1x1x250xf32, #tpu.memory_space<smem>>
    %get3A_2805 = arith.constant 0 : index
    %get3A_2806 = arith.constant 0 : index
    %get3A_2807 = arith.constant 226 : index
    %get3A_2808 = memref.load %arg1[%get3A_2805, %get3A_2806, %get3A_2807] : memref<1x1x250xf32, #tpu.memory_space<smem>>
    %get3A_2809 = arith.constant 0 : index
    %get3A_2810 = arith.constant 0 : index
    %get3A_2811 = arith.constant 227 : index
    %get3A_2812 = memref.load %arg1[%get3A_2809, %get3A_2810, %get3A_2811] : memref<1x1x250xf32, #tpu.memory_space<smem>>
    %get3A_2813 = arith.constant 0 : index
    %get3A_2814 = arith.constant 0 : index
    %get3A_2815 = arith.constant 228 : index
    %get3A_2816 = memref.load %arg1[%get3A_2813, %get3A_2814, %get3A_2815] : memref<1x1x250xf32, #tpu.memory_space<smem>>
    %sub3A_2817 = arith.subf %get3A_2812, %get3A_2804 : f32
    %sub3A_2818 = arith.subf %get3A_2816, %get3A_2808 : f32
    %mul3A_2819 = arith.mulf %sub3A_2817, %sub3A_2818 : f32
    %min3A_2820 = vector.broadcast %get3A_2812 : f32 to vector<160x128xf32>
    %min3A_2821 = arith.minimumf %add3A_31, %min3A_2820 : vector<160x128xf32>
    %max3A_2822 = vector.broadcast %get3A_2804 : f32 to vector<160x128xf32>
    %max3A_2823 = arith.maximumf %sub3A, %max3A_2822 : vector<160x128xf32>
    %sub3A_2824 = arith.subf %min3A_2821, %max3A_2823 : vector<160x128xf32>
    %max3A_2825 = arith.constant 0.000000e+00 : f32
    %max3A_2826 = vector.broadcast %max3A_2825 : f32 to vector<160x128xf32>
    %max3A_2827 = arith.maximumf %sub3A_2824, %max3A_2826 : vector<160x128xf32>
    %min3A_2828 = vector.broadcast %get3A_2816 : f32 to vector<160x128xf32>
    %min3A_2829 = arith.minimumf %add3A_35, %min3A_2828 : vector<160x128xf32>
    %max3A_2830 = vector.broadcast %get3A_2808 : f32 to vector<160x128xf32>
    %max3A_2831 = arith.maximumf %sub3A_27, %max3A_2830 : vector<160x128xf32>
    %sub3A_2832 = arith.subf %min3A_2829, %max3A_2831 : vector<160x128xf32>
    %max3A_2833 = arith.constant 0.000000e+00 : f32
    %max3A_2834 = vector.broadcast %max3A_2833 : f32 to vector<160x128xf32>
    %max3A_2835 = arith.maximumf %sub3A_2832, %max3A_2834 : vector<160x128xf32>
    %mul3A_2836 = arith.mulf %max3A_2827, %max3A_2835 : vector<160x128xf32>
    %add3A_2837 = vector.broadcast %mul3A_2819 : f32 to vector<160x128xf32>
    %add3A_2838 = arith.addf %add3A_2837, %mul3A_38 : vector<160x128xf32>
    %sub3A_2839 = arith.subf %add3A_2838, %mul3A_2836 : vector<160x128xf32>
    %div3A_2840 = arith.divf %mul3A_2836, %sub3A_2839 : vector<160x128xf32>
    %reduce_max3A_2841 = vector.shape_cast %div3A_2800 : vector<160x128xf32> to vector<1x160x128xf32>
    %reduce_max3A_2842 = arith.constant dense<0xFF800000> : vector<1xf32>
    %reduce_max3A_2843 = vector.multi_reduction <maximumf>, %reduce_max3A_2841, %reduce_max3A_2842 [1, 2] : vector<1x160x128xf32> to vector<1xf32>
    %reduce_max3A_2844 = vector.shape_cast %reduce_max3A_2843 : vector<1xf32> to vector<1x1x1xf32>
    %reduce_max3A_2845 = vector.extract %reduce_max3A_2844[0, 0, 0] : f32 from vector<1x1x1xf32>
    %eq3A_2846 = vector.broadcast %reduce_max3A_2845 : f32 to vector<160x128xf32>
    %eq3A_2847 = arith.cmpf oeq, %div3A_2800, %eq3A_2846 : vector<160x128xf32>
    %jit3A_2848 = arith.constant 1073741824 : i32
    %broadcast_in_dim3A_2849 = vector.broadcast %jit3A_2848 : i32 to vector<160x128xi32>
    %select_n3A_2850 = arith.select %eq3A_2847, %add3A, %broadcast_in_dim3A_2849 : vector<160x128xi1>, vector<160x128xi32>
    %reduce_min3A_2851 = vector.shape_cast %select_n3A_2850 : vector<160x128xi32> to vector<1x160x128xi32>
    %reduce_min3A_2852 = arith.constant dense<2147483647> : vector<1xi32>
    %reduce_min3A_2853 = vector.multi_reduction <minsi>, %reduce_min3A_2851, %reduce_min3A_2852 [1, 2] : vector<1x160x128xi32> to vector<1xi32>
    %reduce_min3A_2854 = vector.shape_cast %reduce_min3A_2853 : vector<1xi32> to vector<1x1x1xi32>
    %reduce_min3A_2855 = vector.extract %reduce_min3A_2854[0, 0, 0] : i32 from vector<1x1x1xi32>
    %swap3A_2856 = arith.constant 44 : index
    %swap3A_2857 = memref.load %arg7[%swap3A_2856] : memref<50xi32, #tpu.memory_space<smem>>
    memref.store %reduce_min3A_2855, %arg7[%swap3A_2856] : memref<50xi32, #tpu.memory_space<smem>>
    %reduce_max3A_2858 = vector.shape_cast %div3A_2840 : vector<160x128xf32> to vector<1x160x128xf32>
    %reduce_max3A_2859 = arith.constant dense<0xFF800000> : vector<1xf32>
    %reduce_max3A_2860 = vector.multi_reduction <maximumf>, %reduce_max3A_2858, %reduce_max3A_2859 [1, 2] : vector<1x160x128xf32> to vector<1xf32>
    %reduce_max3A_2861 = vector.shape_cast %reduce_max3A_2860 : vector<1xf32> to vector<1x1x1xf32>
    %reduce_max3A_2862 = vector.extract %reduce_max3A_2861[0, 0, 0] : f32 from vector<1x1x1xf32>
    %eq3A_2863 = vector.broadcast %reduce_max3A_2862 : f32 to vector<160x128xf32>
    %eq3A_2864 = arith.cmpf oeq, %div3A_2840, %eq3A_2863 : vector<160x128xf32>
    %jit3A_2865 = arith.constant 1073741824 : i32
    %broadcast_in_dim3A_2866 = vector.broadcast %jit3A_2865 : i32 to vector<160x128xi32>
    %select_n3A_2867 = arith.select %eq3A_2864, %add3A, %broadcast_in_dim3A_2866 : vector<160x128xi1>, vector<160x128xi32>
    %reduce_min3A_2868 = vector.shape_cast %select_n3A_2867 : vector<160x128xi32> to vector<1x160x128xi32>
    %reduce_min3A_2869 = arith.constant dense<2147483647> : vector<1xi32>
    %reduce_min3A_2870 = vector.multi_reduction <minsi>, %reduce_min3A_2868, %reduce_min3A_2869 [1, 2] : vector<1x160x128xi32> to vector<1xi32>
    %reduce_min3A_2871 = vector.shape_cast %reduce_min3A_2870 : vector<1xi32> to vector<1x1x1xi32>
    %reduce_min3A_2872 = vector.extract %reduce_min3A_2871[0, 0, 0] : i32 from vector<1x1x1xi32>
    %swap3A_2873 = arith.constant 45 : index
    %swap3A_2874 = memref.load %arg7[%swap3A_2873] : memref<50xi32, #tpu.memory_space<smem>>
    memref.store %reduce_min3A_2872, %arg7[%swap3A_2873] : memref<50xi32, #tpu.memory_space<smem>>
    %gt3A_2875 = arith.cmpf ogt, %div3A_2840, %div3A_2800 : vector<160x128xf32>
    %select_n3A_2876 = arith.select %gt3A_2875, %div3A_2840, %div3A_2800 : vector<160x128xi1>, vector<160x128xf32>
    %jit3A_2877 = arith.constant 45 : i32
    %jit3A_2878 = arith.constant 44 : i32
    %broadcast_in_dim3A_2879 = vector.broadcast %jit3A_2877 : i32 to vector<160x128xi32>
    %broadcast_in_dim3A_2880 = vector.broadcast %jit3A_2878 : i32 to vector<160x128xi32>
    %select_n3A_2881 = arith.select %gt3A_2875, %broadcast_in_dim3A_2879, %broadcast_in_dim3A_2880 : vector<160x128xi1>, vector<160x128xi32>
    %gt3A_2882 = arith.cmpf ogt, %select_n3A_2876, %select_n3A_2759 : vector<160x128xf32>
    %select_n3A_2883 = arith.select %gt3A_2882, %select_n3A_2876, %select_n3A_2759 : vector<160x128xi1>, vector<160x128xf32>
    %select_n3A_2884 = arith.select %gt3A_2882, %select_n3A_2881, %select_n3A_2760 : vector<160x128xi1>, vector<160x128xi32>
    %get3A_2885 = arith.constant 0 : index
    %get3A_2886 = arith.constant 0 : index
    %get3A_2887 = arith.constant 230 : index
    %get3A_2888 = memref.load %arg1[%get3A_2885, %get3A_2886, %get3A_2887] : memref<1x1x250xf32, #tpu.memory_space<smem>>
    %get3A_2889 = arith.constant 0 : index
    %get3A_2890 = arith.constant 0 : index
    %get3A_2891 = arith.constant 231 : index
    %get3A_2892 = memref.load %arg1[%get3A_2889, %get3A_2890, %get3A_2891] : memref<1x1x250xf32, #tpu.memory_space<smem>>
    %get3A_2893 = arith.constant 0 : index
    %get3A_2894 = arith.constant 0 : index
    %get3A_2895 = arith.constant 232 : index
    %get3A_2896 = memref.load %arg1[%get3A_2893, %get3A_2894, %get3A_2895] : memref<1x1x250xf32, #tpu.memory_space<smem>>
    %get3A_2897 = arith.constant 0 : index
    %get3A_2898 = arith.constant 0 : index
    %get3A_2899 = arith.constant 233 : index
    %get3A_2900 = memref.load %arg1[%get3A_2897, %get3A_2898, %get3A_2899] : memref<1x1x250xf32, #tpu.memory_space<smem>>
    %sub3A_2901 = arith.subf %get3A_2896, %get3A_2888 : f32
    %sub3A_2902 = arith.subf %get3A_2900, %get3A_2892 : f32
    %mul3A_2903 = arith.mulf %sub3A_2901, %sub3A_2902 : f32
    %min3A_2904 = vector.broadcast %get3A_2896 : f32 to vector<160x128xf32>
    %min3A_2905 = arith.minimumf %add3A_31, %min3A_2904 : vector<160x128xf32>
    %max3A_2906 = vector.broadcast %get3A_2888 : f32 to vector<160x128xf32>
    %max3A_2907 = arith.maximumf %sub3A, %max3A_2906 : vector<160x128xf32>
    %sub3A_2908 = arith.subf %min3A_2905, %max3A_2907 : vector<160x128xf32>
    %max3A_2909 = arith.constant 0.000000e+00 : f32
    %max3A_2910 = vector.broadcast %max3A_2909 : f32 to vector<160x128xf32>
    %max3A_2911 = arith.maximumf %sub3A_2908, %max3A_2910 : vector<160x128xf32>
    %min3A_2912 = vector.broadcast %get3A_2900 : f32 to vector<160x128xf32>
    %min3A_2913 = arith.minimumf %add3A_35, %min3A_2912 : vector<160x128xf32>
    %max3A_2914 = vector.broadcast %get3A_2892 : f32 to vector<160x128xf32>
    %max3A_2915 = arith.maximumf %sub3A_27, %max3A_2914 : vector<160x128xf32>
    %sub3A_2916 = arith.subf %min3A_2913, %max3A_2915 : vector<160x128xf32>
    %max3A_2917 = arith.constant 0.000000e+00 : f32
    %max3A_2918 = vector.broadcast %max3A_2917 : f32 to vector<160x128xf32>
    %max3A_2919 = arith.maximumf %sub3A_2916, %max3A_2918 : vector<160x128xf32>
    %mul3A_2920 = arith.mulf %max3A_2911, %max3A_2919 : vector<160x128xf32>
    %add3A_2921 = vector.broadcast %mul3A_2903 : f32 to vector<160x128xf32>
    %add3A_2922 = arith.addf %add3A_2921, %mul3A_38 : vector<160x128xf32>
    %sub3A_2923 = arith.subf %add3A_2922, %mul3A_2920 : vector<160x128xf32>
    %div3A_2924 = arith.divf %mul3A_2920, %sub3A_2923 : vector<160x128xf32>
    %get3A_2925 = arith.constant 0 : index
    %get3A_2926 = arith.constant 0 : index
    %get3A_2927 = arith.constant 235 : index
    %get3A_2928 = memref.load %arg1[%get3A_2925, %get3A_2926, %get3A_2927] : memref<1x1x250xf32, #tpu.memory_space<smem>>
    %get3A_2929 = arith.constant 0 : index
    %get3A_2930 = arith.constant 0 : index
    %get3A_2931 = arith.constant 236 : index
    %get3A_2932 = memref.load %arg1[%get3A_2929, %get3A_2930, %get3A_2931] : memref<1x1x250xf32, #tpu.memory_space<smem>>
    %get3A_2933 = arith.constant 0 : index
    %get3A_2934 = arith.constant 0 : index
    %get3A_2935 = arith.constant 237 : index
    %get3A_2936 = memref.load %arg1[%get3A_2933, %get3A_2934, %get3A_2935] : memref<1x1x250xf32, #tpu.memory_space<smem>>
    %get3A_2937 = arith.constant 0 : index
    %get3A_2938 = arith.constant 0 : index
    %get3A_2939 = arith.constant 238 : index
    %get3A_2940 = memref.load %arg1[%get3A_2937, %get3A_2938, %get3A_2939] : memref<1x1x250xf32, #tpu.memory_space<smem>>
    %sub3A_2941 = arith.subf %get3A_2936, %get3A_2928 : f32
    %sub3A_2942 = arith.subf %get3A_2940, %get3A_2932 : f32
    %mul3A_2943 = arith.mulf %sub3A_2941, %sub3A_2942 : f32
    %min3A_2944 = vector.broadcast %get3A_2936 : f32 to vector<160x128xf32>
    %min3A_2945 = arith.minimumf %add3A_31, %min3A_2944 : vector<160x128xf32>
    %max3A_2946 = vector.broadcast %get3A_2928 : f32 to vector<160x128xf32>
    %max3A_2947 = arith.maximumf %sub3A, %max3A_2946 : vector<160x128xf32>
    %sub3A_2948 = arith.subf %min3A_2945, %max3A_2947 : vector<160x128xf32>
    %max3A_2949 = arith.constant 0.000000e+00 : f32
    %max3A_2950 = vector.broadcast %max3A_2949 : f32 to vector<160x128xf32>
    %max3A_2951 = arith.maximumf %sub3A_2948, %max3A_2950 : vector<160x128xf32>
    %min3A_2952 = vector.broadcast %get3A_2940 : f32 to vector<160x128xf32>
    %min3A_2953 = arith.minimumf %add3A_35, %min3A_2952 : vector<160x128xf32>
    %max3A_2954 = vector.broadcast %get3A_2932 : f32 to vector<160x128xf32>
    %max3A_2955 = arith.maximumf %sub3A_27, %max3A_2954 : vector<160x128xf32>
    %sub3A_2956 = arith.subf %min3A_2953, %max3A_2955 : vector<160x128xf32>
    %max3A_2957 = arith.constant 0.000000e+00 : f32
    %max3A_2958 = vector.broadcast %max3A_2957 : f32 to vector<160x128xf32>
    %max3A_2959 = arith.maximumf %sub3A_2956, %max3A_2958 : vector<160x128xf32>
    %mul3A_2960 = arith.mulf %max3A_2951, %max3A_2959 : vector<160x128xf32>
    %add3A_2961 = vector.broadcast %mul3A_2943 : f32 to vector<160x128xf32>
    %add3A_2962 = arith.addf %add3A_2961, %mul3A_38 : vector<160x128xf32>
    %sub3A_2963 = arith.subf %add3A_2962, %mul3A_2960 : vector<160x128xf32>
    %div3A_2964 = arith.divf %mul3A_2960, %sub3A_2963 : vector<160x128xf32>
    %reduce_max3A_2965 = vector.shape_cast %div3A_2924 : vector<160x128xf32> to vector<1x160x128xf32>
    %reduce_max3A_2966 = arith.constant dense<0xFF800000> : vector<1xf32>
    %reduce_max3A_2967 = vector.multi_reduction <maximumf>, %reduce_max3A_2965, %reduce_max3A_2966 [1, 2] : vector<1x160x128xf32> to vector<1xf32>
    %reduce_max3A_2968 = vector.shape_cast %reduce_max3A_2967 : vector<1xf32> to vector<1x1x1xf32>
    %reduce_max3A_2969 = vector.extract %reduce_max3A_2968[0, 0, 0] : f32 from vector<1x1x1xf32>
    %eq3A_2970 = vector.broadcast %reduce_max3A_2969 : f32 to vector<160x128xf32>
    %eq3A_2971 = arith.cmpf oeq, %div3A_2924, %eq3A_2970 : vector<160x128xf32>
    %jit3A_2972 = arith.constant 1073741824 : i32
    %broadcast_in_dim3A_2973 = vector.broadcast %jit3A_2972 : i32 to vector<160x128xi32>
    %select_n3A_2974 = arith.select %eq3A_2971, %add3A, %broadcast_in_dim3A_2973 : vector<160x128xi1>, vector<160x128xi32>
    %reduce_min3A_2975 = vector.shape_cast %select_n3A_2974 : vector<160x128xi32> to vector<1x160x128xi32>
    %reduce_min3A_2976 = arith.constant dense<2147483647> : vector<1xi32>
    %reduce_min3A_2977 = vector.multi_reduction <minsi>, %reduce_min3A_2975, %reduce_min3A_2976 [1, 2] : vector<1x160x128xi32> to vector<1xi32>
    %reduce_min3A_2978 = vector.shape_cast %reduce_min3A_2977 : vector<1xi32> to vector<1x1x1xi32>
    %reduce_min3A_2979 = vector.extract %reduce_min3A_2978[0, 0, 0] : i32 from vector<1x1x1xi32>
    %swap3A_2980 = arith.constant 46 : index
    %swap3A_2981 = memref.load %arg7[%swap3A_2980] : memref<50xi32, #tpu.memory_space<smem>>
    memref.store %reduce_min3A_2979, %arg7[%swap3A_2980] : memref<50xi32, #tpu.memory_space<smem>>
    %reduce_max3A_2982 = vector.shape_cast %div3A_2964 : vector<160x128xf32> to vector<1x160x128xf32>
    %reduce_max3A_2983 = arith.constant dense<0xFF800000> : vector<1xf32>
    %reduce_max3A_2984 = vector.multi_reduction <maximumf>, %reduce_max3A_2982, %reduce_max3A_2983 [1, 2] : vector<1x160x128xf32> to vector<1xf32>
    %reduce_max3A_2985 = vector.shape_cast %reduce_max3A_2984 : vector<1xf32> to vector<1x1x1xf32>
    %reduce_max3A_2986 = vector.extract %reduce_max3A_2985[0, 0, 0] : f32 from vector<1x1x1xf32>
    %eq3A_2987 = vector.broadcast %reduce_max3A_2986 : f32 to vector<160x128xf32>
    %eq3A_2988 = arith.cmpf oeq, %div3A_2964, %eq3A_2987 : vector<160x128xf32>
    %jit3A_2989 = arith.constant 1073741824 : i32
    %broadcast_in_dim3A_2990 = vector.broadcast %jit3A_2989 : i32 to vector<160x128xi32>
    %select_n3A_2991 = arith.select %eq3A_2988, %add3A, %broadcast_in_dim3A_2990 : vector<160x128xi1>, vector<160x128xi32>
    %reduce_min3A_2992 = vector.shape_cast %select_n3A_2991 : vector<160x128xi32> to vector<1x160x128xi32>
    %reduce_min3A_2993 = arith.constant dense<2147483647> : vector<1xi32>
    %reduce_min3A_2994 = vector.multi_reduction <minsi>, %reduce_min3A_2992, %reduce_min3A_2993 [1, 2] : vector<1x160x128xi32> to vector<1xi32>
    %reduce_min3A_2995 = vector.shape_cast %reduce_min3A_2994 : vector<1xi32> to vector<1x1x1xi32>
    %reduce_min3A_2996 = vector.extract %reduce_min3A_2995[0, 0, 0] : i32 from vector<1x1x1xi32>
    %swap3A_2997 = arith.constant 47 : index
    %swap3A_2998 = memref.load %arg7[%swap3A_2997] : memref<50xi32, #tpu.memory_space<smem>>
    memref.store %reduce_min3A_2996, %arg7[%swap3A_2997] : memref<50xi32, #tpu.memory_space<smem>>
    %gt3A_2999 = arith.cmpf ogt, %div3A_2964, %div3A_2924 : vector<160x128xf32>
    %select_n3A_3000 = arith.select %gt3A_2999, %div3A_2964, %div3A_2924 : vector<160x128xi1>, vector<160x128xf32>
    %jit3A_3001 = arith.constant 47 : i32
    %jit3A_3002 = arith.constant 46 : i32
    %broadcast_in_dim3A_3003 = vector.broadcast %jit3A_3001 : i32 to vector<160x128xi32>
    %broadcast_in_dim3A_3004 = vector.broadcast %jit3A_3002 : i32 to vector<160x128xi32>
    %select_n3A_3005 = arith.select %gt3A_2999, %broadcast_in_dim3A_3003, %broadcast_in_dim3A_3004 : vector<160x128xi1>, vector<160x128xi32>
    %gt3A_3006 = arith.cmpf ogt, %select_n3A_3000, %select_n3A_2883 : vector<160x128xf32>
    %select_n3A_3007 = arith.select %gt3A_3006, %select_n3A_3000, %select_n3A_2883 : vector<160x128xi1>, vector<160x128xf32>
    %select_n3A_3008 = arith.select %gt3A_3006, %select_n3A_3005, %select_n3A_2884 : vector<160x128xi1>, vector<160x128xi32>
    %get3A_3009 = arith.constant 0 : index
    %get3A_3010 = arith.constant 0 : index
    %get3A_3011 = arith.constant 240 : index
    %get3A_3012 = memref.load %arg1[%get3A_3009, %get3A_3010, %get3A_3011] : memref<1x1x250xf32, #tpu.memory_space<smem>>
    %get3A_3013 = arith.constant 0 : index
    %get3A_3014 = arith.constant 0 : index
    %get3A_3015 = arith.constant 241 : index
    %get3A_3016 = memref.load %arg1[%get3A_3013, %get3A_3014, %get3A_3015] : memref<1x1x250xf32, #tpu.memory_space<smem>>
    %get3A_3017 = arith.constant 0 : index
    %get3A_3018 = arith.constant 0 : index
    %get3A_3019 = arith.constant 242 : index
    %get3A_3020 = memref.load %arg1[%get3A_3017, %get3A_3018, %get3A_3019] : memref<1x1x250xf32, #tpu.memory_space<smem>>
    %get3A_3021 = arith.constant 0 : index
    %get3A_3022 = arith.constant 0 : index
    %get3A_3023 = arith.constant 243 : index
    %get3A_3024 = memref.load %arg1[%get3A_3021, %get3A_3022, %get3A_3023] : memref<1x1x250xf32, #tpu.memory_space<smem>>
    %sub3A_3025 = arith.subf %get3A_3020, %get3A_3012 : f32
    %sub3A_3026 = arith.subf %get3A_3024, %get3A_3016 : f32
    %mul3A_3027 = arith.mulf %sub3A_3025, %sub3A_3026 : f32
    %min3A_3028 = vector.broadcast %get3A_3020 : f32 to vector<160x128xf32>
    %min3A_3029 = arith.minimumf %add3A_31, %min3A_3028 : vector<160x128xf32>
    %max3A_3030 = vector.broadcast %get3A_3012 : f32 to vector<160x128xf32>
    %max3A_3031 = arith.maximumf %sub3A, %max3A_3030 : vector<160x128xf32>
    %sub3A_3032 = arith.subf %min3A_3029, %max3A_3031 : vector<160x128xf32>
    %max3A_3033 = arith.constant 0.000000e+00 : f32
    %max3A_3034 = vector.broadcast %max3A_3033 : f32 to vector<160x128xf32>
    %max3A_3035 = arith.maximumf %sub3A_3032, %max3A_3034 : vector<160x128xf32>
    %min3A_3036 = vector.broadcast %get3A_3024 : f32 to vector<160x128xf32>
    %min3A_3037 = arith.minimumf %add3A_35, %min3A_3036 : vector<160x128xf32>
    %max3A_3038 = vector.broadcast %get3A_3016 : f32 to vector<160x128xf32>
    %max3A_3039 = arith.maximumf %sub3A_27, %max3A_3038 : vector<160x128xf32>
    %sub3A_3040 = arith.subf %min3A_3037, %max3A_3039 : vector<160x128xf32>
    %max3A_3041 = arith.constant 0.000000e+00 : f32
    %max3A_3042 = vector.broadcast %max3A_3041 : f32 to vector<160x128xf32>
    %max3A_3043 = arith.maximumf %sub3A_3040, %max3A_3042 : vector<160x128xf32>
    %mul3A_3044 = arith.mulf %max3A_3035, %max3A_3043 : vector<160x128xf32>
    %add3A_3045 = vector.broadcast %mul3A_3027 : f32 to vector<160x128xf32>
    %add3A_3046 = arith.addf %add3A_3045, %mul3A_38 : vector<160x128xf32>
    %sub3A_3047 = arith.subf %add3A_3046, %mul3A_3044 : vector<160x128xf32>
    %div3A_3048 = arith.divf %mul3A_3044, %sub3A_3047 : vector<160x128xf32>
    %get3A_3049 = arith.constant 0 : index
    %get3A_3050 = arith.constant 0 : index
    %get3A_3051 = arith.constant 245 : index
    %get3A_3052 = memref.load %arg1[%get3A_3049, %get3A_3050, %get3A_3051] : memref<1x1x250xf32, #tpu.memory_space<smem>>
    %get3A_3053 = arith.constant 0 : index
    %get3A_3054 = arith.constant 0 : index
    %get3A_3055 = arith.constant 246 : index
    %get3A_3056 = memref.load %arg1[%get3A_3053, %get3A_3054, %get3A_3055] : memref<1x1x250xf32, #tpu.memory_space<smem>>
    %get3A_3057 = arith.constant 0 : index
    %get3A_3058 = arith.constant 0 : index
    %get3A_3059 = arith.constant 247 : index
    %get3A_3060 = memref.load %arg1[%get3A_3057, %get3A_3058, %get3A_3059] : memref<1x1x250xf32, #tpu.memory_space<smem>>
    %get3A_3061 = arith.constant 0 : index
    %get3A_3062 = arith.constant 0 : index
    %get3A_3063 = arith.constant 248 : index
    %get3A_3064 = memref.load %arg1[%get3A_3061, %get3A_3062, %get3A_3063] : memref<1x1x250xf32, #tpu.memory_space<smem>>
    %sub3A_3065 = arith.subf %get3A_3060, %get3A_3052 : f32
    %sub3A_3066 = arith.subf %get3A_3064, %get3A_3056 : f32
    %mul3A_3067 = arith.mulf %sub3A_3065, %sub3A_3066 : f32
    %min3A_3068 = vector.broadcast %get3A_3060 : f32 to vector<160x128xf32>
    %min3A_3069 = arith.minimumf %add3A_31, %min3A_3068 : vector<160x128xf32>
    %max3A_3070 = vector.broadcast %get3A_3052 : f32 to vector<160x128xf32>
    %max3A_3071 = arith.maximumf %sub3A, %max3A_3070 : vector<160x128xf32>
    %sub3A_3072 = arith.subf %min3A_3069, %max3A_3071 : vector<160x128xf32>
    %max3A_3073 = arith.constant 0.000000e+00 : f32
    %max3A_3074 = vector.broadcast %max3A_3073 : f32 to vector<160x128xf32>
    %max3A_3075 = arith.maximumf %sub3A_3072, %max3A_3074 : vector<160x128xf32>
    %min3A_3076 = vector.broadcast %get3A_3064 : f32 to vector<160x128xf32>
    %min3A_3077 = arith.minimumf %add3A_35, %min3A_3076 : vector<160x128xf32>
    %max3A_3078 = vector.broadcast %get3A_3056 : f32 to vector<160x128xf32>
    %max3A_3079 = arith.maximumf %sub3A_27, %max3A_3078 : vector<160x128xf32>
    %sub3A_3080 = arith.subf %min3A_3077, %max3A_3079 : vector<160x128xf32>
    %max3A_3081 = arith.constant 0.000000e+00 : f32
    %max3A_3082 = vector.broadcast %max3A_3081 : f32 to vector<160x128xf32>
    %max3A_3083 = arith.maximumf %sub3A_3080, %max3A_3082 : vector<160x128xf32>
    %mul3A_3084 = arith.mulf %max3A_3075, %max3A_3083 : vector<160x128xf32>
    %add3A_3085 = vector.broadcast %mul3A_3067 : f32 to vector<160x128xf32>
    %add3A_3086 = arith.addf %add3A_3085, %mul3A_38 : vector<160x128xf32>
    %sub3A_3087 = arith.subf %add3A_3086, %mul3A_3084 : vector<160x128xf32>
    %div3A_3088 = arith.divf %mul3A_3084, %sub3A_3087 : vector<160x128xf32>
    %reduce_max3A_3089 = vector.shape_cast %div3A_3048 : vector<160x128xf32> to vector<1x160x128xf32>
    %reduce_max3A_3090 = arith.constant dense<0xFF800000> : vector<1xf32>
    %reduce_max3A_3091 = vector.multi_reduction <maximumf>, %reduce_max3A_3089, %reduce_max3A_3090 [1, 2] : vector<1x160x128xf32> to vector<1xf32>
    %reduce_max3A_3092 = vector.shape_cast %reduce_max3A_3091 : vector<1xf32> to vector<1x1x1xf32>
    %reduce_max3A_3093 = vector.extract %reduce_max3A_3092[0, 0, 0] : f32 from vector<1x1x1xf32>
    %eq3A_3094 = vector.broadcast %reduce_max3A_3093 : f32 to vector<160x128xf32>
    %eq3A_3095 = arith.cmpf oeq, %div3A_3048, %eq3A_3094 : vector<160x128xf32>
    %jit3A_3096 = arith.constant 1073741824 : i32
    %broadcast_in_dim3A_3097 = vector.broadcast %jit3A_3096 : i32 to vector<160x128xi32>
    %select_n3A_3098 = arith.select %eq3A_3095, %add3A, %broadcast_in_dim3A_3097 : vector<160x128xi1>, vector<160x128xi32>
    %reduce_min3A_3099 = vector.shape_cast %select_n3A_3098 : vector<160x128xi32> to vector<1x160x128xi32>
    %reduce_min3A_3100 = arith.constant dense<2147483647> : vector<1xi32>
    %reduce_min3A_3101 = vector.multi_reduction <minsi>, %reduce_min3A_3099, %reduce_min3A_3100 [1, 2] : vector<1x160x128xi32> to vector<1xi32>
    %reduce_min3A_3102 = vector.shape_cast %reduce_min3A_3101 : vector<1xi32> to vector<1x1x1xi32>
    %reduce_min3A_3103 = vector.extract %reduce_min3A_3102[0, 0, 0] : i32 from vector<1x1x1xi32>
    %swap3A_3104 = arith.constant 48 : index
    %swap3A_3105 = memref.load %arg7[%swap3A_3104] : memref<50xi32, #tpu.memory_space<smem>>
    memref.store %reduce_min3A_3103, %arg7[%swap3A_3104] : memref<50xi32, #tpu.memory_space<smem>>
    %reduce_max3A_3106 = vector.shape_cast %div3A_3088 : vector<160x128xf32> to vector<1x160x128xf32>
    %reduce_max3A_3107 = arith.constant dense<0xFF800000> : vector<1xf32>
    %reduce_max3A_3108 = vector.multi_reduction <maximumf>, %reduce_max3A_3106, %reduce_max3A_3107 [1, 2] : vector<1x160x128xf32> to vector<1xf32>
    %reduce_max3A_3109 = vector.shape_cast %reduce_max3A_3108 : vector<1xf32> to vector<1x1x1xf32>
    %reduce_max3A_3110 = vector.extract %reduce_max3A_3109[0, 0, 0] : f32 from vector<1x1x1xf32>
    %eq3A_3111 = vector.broadcast %reduce_max3A_3110 : f32 to vector<160x128xf32>
    %eq3A_3112 = arith.cmpf oeq, %div3A_3088, %eq3A_3111 : vector<160x128xf32>
    %jit3A_3113 = arith.constant 1073741824 : i32
    %broadcast_in_dim3A_3114 = vector.broadcast %jit3A_3113 : i32 to vector<160x128xi32>
    %select_n3A_3115 = arith.select %eq3A_3112, %add3A, %broadcast_in_dim3A_3114 : vector<160x128xi1>, vector<160x128xi32>
    %reduce_min3A_3116 = vector.shape_cast %select_n3A_3115 : vector<160x128xi32> to vector<1x160x128xi32>
    %reduce_min3A_3117 = arith.constant dense<2147483647> : vector<1xi32>
    %reduce_min3A_3118 = vector.multi_reduction <minsi>, %reduce_min3A_3116, %reduce_min3A_3117 [1, 2] : vector<1x160x128xi32> to vector<1xi32>
    %reduce_min3A_3119 = vector.shape_cast %reduce_min3A_3118 : vector<1xi32> to vector<1x1x1xi32>
    %reduce_min3A_3120 = vector.extract %reduce_min3A_3119[0, 0, 0] : i32 from vector<1x1x1xi32>
    %swap3A_3121 = arith.constant 49 : index
    %swap3A_3122 = memref.load %arg7[%swap3A_3121] : memref<50xi32, #tpu.memory_space<smem>>
    memref.store %reduce_min3A_3120, %arg7[%swap3A_3121] : memref<50xi32, #tpu.memory_space<smem>>
    %gt3A_3123 = arith.cmpf ogt, %div3A_3088, %div3A_3048 : vector<160x128xf32>
    %select_n3A_3124 = arith.select %gt3A_3123, %div3A_3088, %div3A_3048 : vector<160x128xi1>, vector<160x128xf32>
    %jit3A_3125 = arith.constant 49 : i32
    %jit3A_3126 = arith.constant 48 : i32
    %broadcast_in_dim3A_3127 = vector.broadcast %jit3A_3125 : i32 to vector<160x128xi32>
    %broadcast_in_dim3A_3128 = vector.broadcast %jit3A_3126 : i32 to vector<160x128xi32>
    %select_n3A_3129 = arith.select %gt3A_3123, %broadcast_in_dim3A_3127, %broadcast_in_dim3A_3128 : vector<160x128xi1>, vector<160x128xi32>
    %gt3A_3130 = arith.cmpf ogt, %select_n3A_3124, %select_n3A_3007 : vector<160x128xf32>
    %select_n3A_3131 = arith.select %gt3A_3130, %select_n3A_3124, %select_n3A_3007 : vector<160x128xi1>, vector<160x128xf32>
    %select_n3A_3132 = arith.select %gt3A_3130, %select_n3A_3129, %select_n3A_3008 : vector<160x128xi1>, vector<160x128xi32>
    %get3A_3133 = arith.constant 0 : index
    %get3A_3134 = memref.load %arg7[%get3A_3133] : memref<50xi32, #tpu.memory_space<smem>>
    %eq3A_3135 = vector.broadcast %get3A_3134 : i32 to vector<160x128xi32>
    %eq3A_3136 = arith.cmpi eq, %add3A, %eq3A_3135 : vector<160x128xi32>
    %jit3A_3137 = arith.constant 2.000000e+00 : f32
    %broadcast_in_dim3A_3138 = vector.broadcast %jit3A_3137 : f32 to vector<160x128xf32>
    %select_n3A_3139 = arith.select %eq3A_3136, %broadcast_in_dim3A_3138, %select_n3A_3131 : vector<160x128xi1>, vector<160x128xf32>
    %jit3A_3140 = arith.constant 0 : i32
    %broadcast_in_dim3A_3141 = vector.broadcast %jit3A_3140 : i32 to vector<160x128xi32>
    %select_n3A_3142 = arith.select %eq3A_3136, %broadcast_in_dim3A_3141, %select_n3A_3132 : vector<160x128xi1>, vector<160x128xi32>
    %get3A_3143 = arith.constant 1 : index
    %get3A_3144 = memref.load %arg7[%get3A_3143] : memref<50xi32, #tpu.memory_space<smem>>
    %eq3A_3145 = vector.broadcast %get3A_3144 : i32 to vector<160x128xi32>
    %eq3A_3146 = arith.cmpi eq, %add3A, %eq3A_3145 : vector<160x128xi32>
    %jit3A_3147 = arith.constant 2.000000e+00 : f32
    %broadcast_in_dim3A_3148 = vector.broadcast %jit3A_3147 : f32 to vector<160x128xf32>
    %select_n3A_3149 = arith.select %eq3A_3146, %broadcast_in_dim3A_3148, %select_n3A_3139 : vector<160x128xi1>, vector<160x128xf32>
    %jit3A_3150 = arith.constant 1 : i32
    %broadcast_in_dim3A_3151 = vector.broadcast %jit3A_3150 : i32 to vector<160x128xi32>
    %select_n3A_3152 = arith.select %eq3A_3146, %broadcast_in_dim3A_3151, %select_n3A_3142 : vector<160x128xi1>, vector<160x128xi32>
    %get3A_3153 = arith.constant 2 : index
    %get3A_3154 = memref.load %arg7[%get3A_3153] : memref<50xi32, #tpu.memory_space<smem>>
    %eq3A_3155 = vector.broadcast %get3A_3154 : i32 to vector<160x128xi32>
    %eq3A_3156 = arith.cmpi eq, %add3A, %eq3A_3155 : vector<160x128xi32>
    %jit3A_3157 = arith.constant 2.000000e+00 : f32
    %broadcast_in_dim3A_3158 = vector.broadcast %jit3A_3157 : f32 to vector<160x128xf32>
    %select_n3A_3159 = arith.select %eq3A_3156, %broadcast_in_dim3A_3158, %select_n3A_3149 : vector<160x128xi1>, vector<160x128xf32>
    %jit3A_3160 = arith.constant 2 : i32
    %broadcast_in_dim3A_3161 = vector.broadcast %jit3A_3160 : i32 to vector<160x128xi32>
    %select_n3A_3162 = arith.select %eq3A_3156, %broadcast_in_dim3A_3161, %select_n3A_3152 : vector<160x128xi1>, vector<160x128xi32>
    %get3A_3163 = arith.constant 3 : index
    %get3A_3164 = memref.load %arg7[%get3A_3163] : memref<50xi32, #tpu.memory_space<smem>>
    %eq3A_3165 = vector.broadcast %get3A_3164 : i32 to vector<160x128xi32>
    %eq3A_3166 = arith.cmpi eq, %add3A, %eq3A_3165 : vector<160x128xi32>
    %jit3A_3167 = arith.constant 2.000000e+00 : f32
    %broadcast_in_dim3A_3168 = vector.broadcast %jit3A_3167 : f32 to vector<160x128xf32>
    %select_n3A_3169 = arith.select %eq3A_3166, %broadcast_in_dim3A_3168, %select_n3A_3159 : vector<160x128xi1>, vector<160x128xf32>
    %jit3A_3170 = arith.constant 3 : i32
    %broadcast_in_dim3A_3171 = vector.broadcast %jit3A_3170 : i32 to vector<160x128xi32>
    %select_n3A_3172 = arith.select %eq3A_3166, %broadcast_in_dim3A_3171, %select_n3A_3162 : vector<160x128xi1>, vector<160x128xi32>
    %get3A_3173 = arith.constant 4 : index
    %get3A_3174 = memref.load %arg7[%get3A_3173] : memref<50xi32, #tpu.memory_space<smem>>
    %eq3A_3175 = vector.broadcast %get3A_3174 : i32 to vector<160x128xi32>
    %eq3A_3176 = arith.cmpi eq, %add3A, %eq3A_3175 : vector<160x128xi32>
    %jit3A_3177 = arith.constant 2.000000e+00 : f32
    %broadcast_in_dim3A_3178 = vector.broadcast %jit3A_3177 : f32 to vector<160x128xf32>
    %select_n3A_3179 = arith.select %eq3A_3176, %broadcast_in_dim3A_3178, %select_n3A_3169 : vector<160x128xi1>, vector<160x128xf32>
    %jit3A_3180 = arith.constant 4 : i32
    %broadcast_in_dim3A_3181 = vector.broadcast %jit3A_3180 : i32 to vector<160x128xi32>
    %select_n3A_3182 = arith.select %eq3A_3176, %broadcast_in_dim3A_3181, %select_n3A_3172 : vector<160x128xi1>, vector<160x128xi32>
    %get3A_3183 = arith.constant 5 : index
    %get3A_3184 = memref.load %arg7[%get3A_3183] : memref<50xi32, #tpu.memory_space<smem>>
    %eq3A_3185 = vector.broadcast %get3A_3184 : i32 to vector<160x128xi32>
    %eq3A_3186 = arith.cmpi eq, %add3A, %eq3A_3185 : vector<160x128xi32>
    %jit3A_3187 = arith.constant 2.000000e+00 : f32
    %broadcast_in_dim3A_3188 = vector.broadcast %jit3A_3187 : f32 to vector<160x128xf32>
    %select_n3A_3189 = arith.select %eq3A_3186, %broadcast_in_dim3A_3188, %select_n3A_3179 : vector<160x128xi1>, vector<160x128xf32>
    %jit3A_3190 = arith.constant 5 : i32
    %broadcast_in_dim3A_3191 = vector.broadcast %jit3A_3190 : i32 to vector<160x128xi32>
    %select_n3A_3192 = arith.select %eq3A_3186, %broadcast_in_dim3A_3191, %select_n3A_3182 : vector<160x128xi1>, vector<160x128xi32>
    %get3A_3193 = arith.constant 6 : index
    %get3A_3194 = memref.load %arg7[%get3A_3193] : memref<50xi32, #tpu.memory_space<smem>>
    %eq3A_3195 = vector.broadcast %get3A_3194 : i32 to vector<160x128xi32>
    %eq3A_3196 = arith.cmpi eq, %add3A, %eq3A_3195 : vector<160x128xi32>
    %jit3A_3197 = arith.constant 2.000000e+00 : f32
    %broadcast_in_dim3A_3198 = vector.broadcast %jit3A_3197 : f32 to vector<160x128xf32>
    %select_n3A_3199 = arith.select %eq3A_3196, %broadcast_in_dim3A_3198, %select_n3A_3189 : vector<160x128xi1>, vector<160x128xf32>
    %jit3A_3200 = arith.constant 6 : i32
    %broadcast_in_dim3A_3201 = vector.broadcast %jit3A_3200 : i32 to vector<160x128xi32>
    %select_n3A_3202 = arith.select %eq3A_3196, %broadcast_in_dim3A_3201, %select_n3A_3192 : vector<160x128xi1>, vector<160x128xi32>
    %get3A_3203 = arith.constant 7 : index
    %get3A_3204 = memref.load %arg7[%get3A_3203] : memref<50xi32, #tpu.memory_space<smem>>
    %eq3A_3205 = vector.broadcast %get3A_3204 : i32 to vector<160x128xi32>
    %eq3A_3206 = arith.cmpi eq, %add3A, %eq3A_3205 : vector<160x128xi32>
    %jit3A_3207 = arith.constant 2.000000e+00 : f32
    %broadcast_in_dim3A_3208 = vector.broadcast %jit3A_3207 : f32 to vector<160x128xf32>
    %select_n3A_3209 = arith.select %eq3A_3206, %broadcast_in_dim3A_3208, %select_n3A_3199 : vector<160x128xi1>, vector<160x128xf32>
    %jit3A_3210 = arith.constant 7 : i32
    %broadcast_in_dim3A_3211 = vector.broadcast %jit3A_3210 : i32 to vector<160x128xi32>
    %select_n3A_3212 = arith.select %eq3A_3206, %broadcast_in_dim3A_3211, %select_n3A_3202 : vector<160x128xi1>, vector<160x128xi32>
    %get3A_3213 = arith.constant 8 : index
    %get3A_3214 = memref.load %arg7[%get3A_3213] : memref<50xi32, #tpu.memory_space<smem>>
    %eq3A_3215 = vector.broadcast %get3A_3214 : i32 to vector<160x128xi32>
    %eq3A_3216 = arith.cmpi eq, %add3A, %eq3A_3215 : vector<160x128xi32>
    %jit3A_3217 = arith.constant 2.000000e+00 : f32
    %broadcast_in_dim3A_3218 = vector.broadcast %jit3A_3217 : f32 to vector<160x128xf32>
    %select_n3A_3219 = arith.select %eq3A_3216, %broadcast_in_dim3A_3218, %select_n3A_3209 : vector<160x128xi1>, vector<160x128xf32>
    %jit3A_3220 = arith.constant 8 : i32
    %broadcast_in_dim3A_3221 = vector.broadcast %jit3A_3220 : i32 to vector<160x128xi32>
    %select_n3A_3222 = arith.select %eq3A_3216, %broadcast_in_dim3A_3221, %select_n3A_3212 : vector<160x128xi1>, vector<160x128xi32>
    %get3A_3223 = arith.constant 9 : index
    %get3A_3224 = memref.load %arg7[%get3A_3223] : memref<50xi32, #tpu.memory_space<smem>>
    %eq3A_3225 = vector.broadcast %get3A_3224 : i32 to vector<160x128xi32>
    %eq3A_3226 = arith.cmpi eq, %add3A, %eq3A_3225 : vector<160x128xi32>
    %jit3A_3227 = arith.constant 2.000000e+00 : f32
    %broadcast_in_dim3A_3228 = vector.broadcast %jit3A_3227 : f32 to vector<160x128xf32>
    %select_n3A_3229 = arith.select %eq3A_3226, %broadcast_in_dim3A_3228, %select_n3A_3219 : vector<160x128xi1>, vector<160x128xf32>
    %jit3A_3230 = arith.constant 9 : i32
    %broadcast_in_dim3A_3231 = vector.broadcast %jit3A_3230 : i32 to vector<160x128xi32>
    %select_n3A_3232 = arith.select %eq3A_3226, %broadcast_in_dim3A_3231, %select_n3A_3222 : vector<160x128xi1>, vector<160x128xi32>
    %get3A_3233 = arith.constant 10 : index
    %get3A_3234 = memref.load %arg7[%get3A_3233] : memref<50xi32, #tpu.memory_space<smem>>
    %eq3A_3235 = vector.broadcast %get3A_3234 : i32 to vector<160x128xi32>
    %eq3A_3236 = arith.cmpi eq, %add3A, %eq3A_3235 : vector<160x128xi32>
    %jit3A_3237 = arith.constant 2.000000e+00 : f32
    %broadcast_in_dim3A_3238 = vector.broadcast %jit3A_3237 : f32 to vector<160x128xf32>
    %select_n3A_3239 = arith.select %eq3A_3236, %broadcast_in_dim3A_3238, %select_n3A_3229 : vector<160x128xi1>, vector<160x128xf32>
    %jit3A_3240 = arith.constant 10 : i32
    %broadcast_in_dim3A_3241 = vector.broadcast %jit3A_3240 : i32 to vector<160x128xi32>
    %select_n3A_3242 = arith.select %eq3A_3236, %broadcast_in_dim3A_3241, %select_n3A_3232 : vector<160x128xi1>, vector<160x128xi32>
    %get3A_3243 = arith.constant 11 : index
    %get3A_3244 = memref.load %arg7[%get3A_3243] : memref<50xi32, #tpu.memory_space<smem>>
    %eq3A_3245 = vector.broadcast %get3A_3244 : i32 to vector<160x128xi32>
    %eq3A_3246 = arith.cmpi eq, %add3A, %eq3A_3245 : vector<160x128xi32>
    %jit3A_3247 = arith.constant 2.000000e+00 : f32
    %broadcast_in_dim3A_3248 = vector.broadcast %jit3A_3247 : f32 to vector<160x128xf32>
    %select_n3A_3249 = arith.select %eq3A_3246, %broadcast_in_dim3A_3248, %select_n3A_3239 : vector<160x128xi1>, vector<160x128xf32>
    %jit3A_3250 = arith.constant 11 : i32
    %broadcast_in_dim3A_3251 = vector.broadcast %jit3A_3250 : i32 to vector<160x128xi32>
    %select_n3A_3252 = arith.select %eq3A_3246, %broadcast_in_dim3A_3251, %select_n3A_3242 : vector<160x128xi1>, vector<160x128xi32>
    %get3A_3253 = arith.constant 12 : index
    %get3A_3254 = memref.load %arg7[%get3A_3253] : memref<50xi32, #tpu.memory_space<smem>>
    %eq3A_3255 = vector.broadcast %get3A_3254 : i32 to vector<160x128xi32>
    %eq3A_3256 = arith.cmpi eq, %add3A, %eq3A_3255 : vector<160x128xi32>
    %jit3A_3257 = arith.constant 2.000000e+00 : f32
    %broadcast_in_dim3A_3258 = vector.broadcast %jit3A_3257 : f32 to vector<160x128xf32>
    %select_n3A_3259 = arith.select %eq3A_3256, %broadcast_in_dim3A_3258, %select_n3A_3249 : vector<160x128xi1>, vector<160x128xf32>
    %jit3A_3260 = arith.constant 12 : i32
    %broadcast_in_dim3A_3261 = vector.broadcast %jit3A_3260 : i32 to vector<160x128xi32>
    %select_n3A_3262 = arith.select %eq3A_3256, %broadcast_in_dim3A_3261, %select_n3A_3252 : vector<160x128xi1>, vector<160x128xi32>
    %get3A_3263 = arith.constant 13 : index
    %get3A_3264 = memref.load %arg7[%get3A_3263] : memref<50xi32, #tpu.memory_space<smem>>
    %eq3A_3265 = vector.broadcast %get3A_3264 : i32 to vector<160x128xi32>
    %eq3A_3266 = arith.cmpi eq, %add3A, %eq3A_3265 : vector<160x128xi32>
    %jit3A_3267 = arith.constant 2.000000e+00 : f32
    %broadcast_in_dim3A_3268 = vector.broadcast %jit3A_3267 : f32 to vector<160x128xf32>
    %select_n3A_3269 = arith.select %eq3A_3266, %broadcast_in_dim3A_3268, %select_n3A_3259 : vector<160x128xi1>, vector<160x128xf32>
    %jit3A_3270 = arith.constant 13 : i32
    %broadcast_in_dim3A_3271 = vector.broadcast %jit3A_3270 : i32 to vector<160x128xi32>
    %select_n3A_3272 = arith.select %eq3A_3266, %broadcast_in_dim3A_3271, %select_n3A_3262 : vector<160x128xi1>, vector<160x128xi32>
    %get3A_3273 = arith.constant 14 : index
    %get3A_3274 = memref.load %arg7[%get3A_3273] : memref<50xi32, #tpu.memory_space<smem>>
    %eq3A_3275 = vector.broadcast %get3A_3274 : i32 to vector<160x128xi32>
    %eq3A_3276 = arith.cmpi eq, %add3A, %eq3A_3275 : vector<160x128xi32>
    %jit3A_3277 = arith.constant 2.000000e+00 : f32
    %broadcast_in_dim3A_3278 = vector.broadcast %jit3A_3277 : f32 to vector<160x128xf32>
    %select_n3A_3279 = arith.select %eq3A_3276, %broadcast_in_dim3A_3278, %select_n3A_3269 : vector<160x128xi1>, vector<160x128xf32>
    %jit3A_3280 = arith.constant 14 : i32
    %broadcast_in_dim3A_3281 = vector.broadcast %jit3A_3280 : i32 to vector<160x128xi32>
    %select_n3A_3282 = arith.select %eq3A_3276, %broadcast_in_dim3A_3281, %select_n3A_3272 : vector<160x128xi1>, vector<160x128xi32>
    %get3A_3283 = arith.constant 15 : index
    %get3A_3284 = memref.load %arg7[%get3A_3283] : memref<50xi32, #tpu.memory_space<smem>>
    %eq3A_3285 = vector.broadcast %get3A_3284 : i32 to vector<160x128xi32>
    %eq3A_3286 = arith.cmpi eq, %add3A, %eq3A_3285 : vector<160x128xi32>
    %jit3A_3287 = arith.constant 2.000000e+00 : f32
    %broadcast_in_dim3A_3288 = vector.broadcast %jit3A_3287 : f32 to vector<160x128xf32>
    %select_n3A_3289 = arith.select %eq3A_3286, %broadcast_in_dim3A_3288, %select_n3A_3279 : vector<160x128xi1>, vector<160x128xf32>
    %jit3A_3290 = arith.constant 15 : i32
    %broadcast_in_dim3A_3291 = vector.broadcast %jit3A_3290 : i32 to vector<160x128xi32>
    %select_n3A_3292 = arith.select %eq3A_3286, %broadcast_in_dim3A_3291, %select_n3A_3282 : vector<160x128xi1>, vector<160x128xi32>
    %get3A_3293 = arith.constant 16 : index
    %get3A_3294 = memref.load %arg7[%get3A_3293] : memref<50xi32, #tpu.memory_space<smem>>
    %eq3A_3295 = vector.broadcast %get3A_3294 : i32 to vector<160x128xi32>
    %eq3A_3296 = arith.cmpi eq, %add3A, %eq3A_3295 : vector<160x128xi32>
    %jit3A_3297 = arith.constant 2.000000e+00 : f32
    %broadcast_in_dim3A_3298 = vector.broadcast %jit3A_3297 : f32 to vector<160x128xf32>
    %select_n3A_3299 = arith.select %eq3A_3296, %broadcast_in_dim3A_3298, %select_n3A_3289 : vector<160x128xi1>, vector<160x128xf32>
    %jit3A_3300 = arith.constant 16 : i32
    %broadcast_in_dim3A_3301 = vector.broadcast %jit3A_3300 : i32 to vector<160x128xi32>
    %select_n3A_3302 = arith.select %eq3A_3296, %broadcast_in_dim3A_3301, %select_n3A_3292 : vector<160x128xi1>, vector<160x128xi32>
    %get3A_3303 = arith.constant 17 : index
    %get3A_3304 = memref.load %arg7[%get3A_3303] : memref<50xi32, #tpu.memory_space<smem>>
    %eq3A_3305 = vector.broadcast %get3A_3304 : i32 to vector<160x128xi32>
    %eq3A_3306 = arith.cmpi eq, %add3A, %eq3A_3305 : vector<160x128xi32>
    %jit3A_3307 = arith.constant 2.000000e+00 : f32
    %broadcast_in_dim3A_3308 = vector.broadcast %jit3A_3307 : f32 to vector<160x128xf32>
    %select_n3A_3309 = arith.select %eq3A_3306, %broadcast_in_dim3A_3308, %select_n3A_3299 : vector<160x128xi1>, vector<160x128xf32>
    %jit3A_3310 = arith.constant 17 : i32
    %broadcast_in_dim3A_3311 = vector.broadcast %jit3A_3310 : i32 to vector<160x128xi32>
    %select_n3A_3312 = arith.select %eq3A_3306, %broadcast_in_dim3A_3311, %select_n3A_3302 : vector<160x128xi1>, vector<160x128xi32>
    %get3A_3313 = arith.constant 18 : index
    %get3A_3314 = memref.load %arg7[%get3A_3313] : memref<50xi32, #tpu.memory_space<smem>>
    %eq3A_3315 = vector.broadcast %get3A_3314 : i32 to vector<160x128xi32>
    %eq3A_3316 = arith.cmpi eq, %add3A, %eq3A_3315 : vector<160x128xi32>
    %jit3A_3317 = arith.constant 2.000000e+00 : f32
    %broadcast_in_dim3A_3318 = vector.broadcast %jit3A_3317 : f32 to vector<160x128xf32>
    %select_n3A_3319 = arith.select %eq3A_3316, %broadcast_in_dim3A_3318, %select_n3A_3309 : vector<160x128xi1>, vector<160x128xf32>
    %jit3A_3320 = arith.constant 18 : i32
    %broadcast_in_dim3A_3321 = vector.broadcast %jit3A_3320 : i32 to vector<160x128xi32>
    %select_n3A_3322 = arith.select %eq3A_3316, %broadcast_in_dim3A_3321, %select_n3A_3312 : vector<160x128xi1>, vector<160x128xi32>
    %get3A_3323 = arith.constant 19 : index
    %get3A_3324 = memref.load %arg7[%get3A_3323] : memref<50xi32, #tpu.memory_space<smem>>
    %eq3A_3325 = vector.broadcast %get3A_3324 : i32 to vector<160x128xi32>
    %eq3A_3326 = arith.cmpi eq, %add3A, %eq3A_3325 : vector<160x128xi32>
    %jit3A_3327 = arith.constant 2.000000e+00 : f32
    %broadcast_in_dim3A_3328 = vector.broadcast %jit3A_3327 : f32 to vector<160x128xf32>
    %select_n3A_3329 = arith.select %eq3A_3326, %broadcast_in_dim3A_3328, %select_n3A_3319 : vector<160x128xi1>, vector<160x128xf32>
    %jit3A_3330 = arith.constant 19 : i32
    %broadcast_in_dim3A_3331 = vector.broadcast %jit3A_3330 : i32 to vector<160x128xi32>
    %select_n3A_3332 = arith.select %eq3A_3326, %broadcast_in_dim3A_3331, %select_n3A_3322 : vector<160x128xi1>, vector<160x128xi32>
    %get3A_3333 = arith.constant 20 : index
    %get3A_3334 = memref.load %arg7[%get3A_3333] : memref<50xi32, #tpu.memory_space<smem>>
    %eq3A_3335 = vector.broadcast %get3A_3334 : i32 to vector<160x128xi32>
    %eq3A_3336 = arith.cmpi eq, %add3A, %eq3A_3335 : vector<160x128xi32>
    %jit3A_3337 = arith.constant 2.000000e+00 : f32
    %broadcast_in_dim3A_3338 = vector.broadcast %jit3A_3337 : f32 to vector<160x128xf32>
    %select_n3A_3339 = arith.select %eq3A_3336, %broadcast_in_dim3A_3338, %select_n3A_3329 : vector<160x128xi1>, vector<160x128xf32>
    %jit3A_3340 = arith.constant 20 : i32
    %broadcast_in_dim3A_3341 = vector.broadcast %jit3A_3340 : i32 to vector<160x128xi32>
    %select_n3A_3342 = arith.select %eq3A_3336, %broadcast_in_dim3A_3341, %select_n3A_3332 : vector<160x128xi1>, vector<160x128xi32>
    %get3A_3343 = arith.constant 21 : index
    %get3A_3344 = memref.load %arg7[%get3A_3343] : memref<50xi32, #tpu.memory_space<smem>>
    %eq3A_3345 = vector.broadcast %get3A_3344 : i32 to vector<160x128xi32>
    %eq3A_3346 = arith.cmpi eq, %add3A, %eq3A_3345 : vector<160x128xi32>
    %jit3A_3347 = arith.constant 2.000000e+00 : f32
    %broadcast_in_dim3A_3348 = vector.broadcast %jit3A_3347 : f32 to vector<160x128xf32>
    %select_n3A_3349 = arith.select %eq3A_3346, %broadcast_in_dim3A_3348, %select_n3A_3339 : vector<160x128xi1>, vector<160x128xf32>
    %jit3A_3350 = arith.constant 21 : i32
    %broadcast_in_dim3A_3351 = vector.broadcast %jit3A_3350 : i32 to vector<160x128xi32>
    %select_n3A_3352 = arith.select %eq3A_3346, %broadcast_in_dim3A_3351, %select_n3A_3342 : vector<160x128xi1>, vector<160x128xi32>
    %get3A_3353 = arith.constant 22 : index
    %get3A_3354 = memref.load %arg7[%get3A_3353] : memref<50xi32, #tpu.memory_space<smem>>
    %eq3A_3355 = vector.broadcast %get3A_3354 : i32 to vector<160x128xi32>
    %eq3A_3356 = arith.cmpi eq, %add3A, %eq3A_3355 : vector<160x128xi32>
    %jit3A_3357 = arith.constant 2.000000e+00 : f32
    %broadcast_in_dim3A_3358 = vector.broadcast %jit3A_3357 : f32 to vector<160x128xf32>
    %select_n3A_3359 = arith.select %eq3A_3356, %broadcast_in_dim3A_3358, %select_n3A_3349 : vector<160x128xi1>, vector<160x128xf32>
    %jit3A_3360 = arith.constant 22 : i32
    %broadcast_in_dim3A_3361 = vector.broadcast %jit3A_3360 : i32 to vector<160x128xi32>
    %select_n3A_3362 = arith.select %eq3A_3356, %broadcast_in_dim3A_3361, %select_n3A_3352 : vector<160x128xi1>, vector<160x128xi32>
    %get3A_3363 = arith.constant 23 : index
    %get3A_3364 = memref.load %arg7[%get3A_3363] : memref<50xi32, #tpu.memory_space<smem>>
    %eq3A_3365 = vector.broadcast %get3A_3364 : i32 to vector<160x128xi32>
    %eq3A_3366 = arith.cmpi eq, %add3A, %eq3A_3365 : vector<160x128xi32>
    %jit3A_3367 = arith.constant 2.000000e+00 : f32
    %broadcast_in_dim3A_3368 = vector.broadcast %jit3A_3367 : f32 to vector<160x128xf32>
    %select_n3A_3369 = arith.select %eq3A_3366, %broadcast_in_dim3A_3368, %select_n3A_3359 : vector<160x128xi1>, vector<160x128xf32>
    %jit3A_3370 = arith.constant 23 : i32
    %broadcast_in_dim3A_3371 = vector.broadcast %jit3A_3370 : i32 to vector<160x128xi32>
    %select_n3A_3372 = arith.select %eq3A_3366, %broadcast_in_dim3A_3371, %select_n3A_3362 : vector<160x128xi1>, vector<160x128xi32>
    %get3A_3373 = arith.constant 24 : index
    %get3A_3374 = memref.load %arg7[%get3A_3373] : memref<50xi32, #tpu.memory_space<smem>>
    %eq3A_3375 = vector.broadcast %get3A_3374 : i32 to vector<160x128xi32>
    %eq3A_3376 = arith.cmpi eq, %add3A, %eq3A_3375 : vector<160x128xi32>
    %jit3A_3377 = arith.constant 2.000000e+00 : f32
    %broadcast_in_dim3A_3378 = vector.broadcast %jit3A_3377 : f32 to vector<160x128xf32>
    %select_n3A_3379 = arith.select %eq3A_3376, %broadcast_in_dim3A_3378, %select_n3A_3369 : vector<160x128xi1>, vector<160x128xf32>
    %jit3A_3380 = arith.constant 24 : i32
    %broadcast_in_dim3A_3381 = vector.broadcast %jit3A_3380 : i32 to vector<160x128xi32>
    %select_n3A_3382 = arith.select %eq3A_3376, %broadcast_in_dim3A_3381, %select_n3A_3372 : vector<160x128xi1>, vector<160x128xi32>
    %get3A_3383 = arith.constant 25 : index
    %get3A_3384 = memref.load %arg7[%get3A_3383] : memref<50xi32, #tpu.memory_space<smem>>
    %eq3A_3385 = vector.broadcast %get3A_3384 : i32 to vector<160x128xi32>
    %eq3A_3386 = arith.cmpi eq, %add3A, %eq3A_3385 : vector<160x128xi32>
    %jit3A_3387 = arith.constant 2.000000e+00 : f32
    %broadcast_in_dim3A_3388 = vector.broadcast %jit3A_3387 : f32 to vector<160x128xf32>
    %select_n3A_3389 = arith.select %eq3A_3386, %broadcast_in_dim3A_3388, %select_n3A_3379 : vector<160x128xi1>, vector<160x128xf32>
    %jit3A_3390 = arith.constant 25 : i32
    %broadcast_in_dim3A_3391 = vector.broadcast %jit3A_3390 : i32 to vector<160x128xi32>
    %select_n3A_3392 = arith.select %eq3A_3386, %broadcast_in_dim3A_3391, %select_n3A_3382 : vector<160x128xi1>, vector<160x128xi32>
    %get3A_3393 = arith.constant 26 : index
    %get3A_3394 = memref.load %arg7[%get3A_3393] : memref<50xi32, #tpu.memory_space<smem>>
    %eq3A_3395 = vector.broadcast %get3A_3394 : i32 to vector<160x128xi32>
    %eq3A_3396 = arith.cmpi eq, %add3A, %eq3A_3395 : vector<160x128xi32>
    %jit3A_3397 = arith.constant 2.000000e+00 : f32
    %broadcast_in_dim3A_3398 = vector.broadcast %jit3A_3397 : f32 to vector<160x128xf32>
    %select_n3A_3399 = arith.select %eq3A_3396, %broadcast_in_dim3A_3398, %select_n3A_3389 : vector<160x128xi1>, vector<160x128xf32>
    %jit3A_3400 = arith.constant 26 : i32
    %broadcast_in_dim3A_3401 = vector.broadcast %jit3A_3400 : i32 to vector<160x128xi32>
    %select_n3A_3402 = arith.select %eq3A_3396, %broadcast_in_dim3A_3401, %select_n3A_3392 : vector<160x128xi1>, vector<160x128xi32>
    %get3A_3403 = arith.constant 27 : index
    %get3A_3404 = memref.load %arg7[%get3A_3403] : memref<50xi32, #tpu.memory_space<smem>>
    %eq3A_3405 = vector.broadcast %get3A_3404 : i32 to vector<160x128xi32>
    %eq3A_3406 = arith.cmpi eq, %add3A, %eq3A_3405 : vector<160x128xi32>
    %jit3A_3407 = arith.constant 2.000000e+00 : f32
    %broadcast_in_dim3A_3408 = vector.broadcast %jit3A_3407 : f32 to vector<160x128xf32>
    %select_n3A_3409 = arith.select %eq3A_3406, %broadcast_in_dim3A_3408, %select_n3A_3399 : vector<160x128xi1>, vector<160x128xf32>
    %jit3A_3410 = arith.constant 27 : i32
    %broadcast_in_dim3A_3411 = vector.broadcast %jit3A_3410 : i32 to vector<160x128xi32>
    %select_n3A_3412 = arith.select %eq3A_3406, %broadcast_in_dim3A_3411, %select_n3A_3402 : vector<160x128xi1>, vector<160x128xi32>
    %get3A_3413 = arith.constant 28 : index
    %get3A_3414 = memref.load %arg7[%get3A_3413] : memref<50xi32, #tpu.memory_space<smem>>
    %eq3A_3415 = vector.broadcast %get3A_3414 : i32 to vector<160x128xi32>
    %eq3A_3416 = arith.cmpi eq, %add3A, %eq3A_3415 : vector<160x128xi32>
    %jit3A_3417 = arith.constant 2.000000e+00 : f32
    %broadcast_in_dim3A_3418 = vector.broadcast %jit3A_3417 : f32 to vector<160x128xf32>
    %select_n3A_3419 = arith.select %eq3A_3416, %broadcast_in_dim3A_3418, %select_n3A_3409 : vector<160x128xi1>, vector<160x128xf32>
    %jit3A_3420 = arith.constant 28 : i32
    %broadcast_in_dim3A_3421 = vector.broadcast %jit3A_3420 : i32 to vector<160x128xi32>
    %select_n3A_3422 = arith.select %eq3A_3416, %broadcast_in_dim3A_3421, %select_n3A_3412 : vector<160x128xi1>, vector<160x128xi32>
    %get3A_3423 = arith.constant 29 : index
    %get3A_3424 = memref.load %arg7[%get3A_3423] : memref<50xi32, #tpu.memory_space<smem>>
    %eq3A_3425 = vector.broadcast %get3A_3424 : i32 to vector<160x128xi32>
    %eq3A_3426 = arith.cmpi eq, %add3A, %eq3A_3425 : vector<160x128xi32>
    %jit3A_3427 = arith.constant 2.000000e+00 : f32
    %broadcast_in_dim3A_3428 = vector.broadcast %jit3A_3427 : f32 to vector<160x128xf32>
    %select_n3A_3429 = arith.select %eq3A_3426, %broadcast_in_dim3A_3428, %select_n3A_3419 : vector<160x128xi1>, vector<160x128xf32>
    %jit3A_3430 = arith.constant 29 : i32
    %broadcast_in_dim3A_3431 = vector.broadcast %jit3A_3430 : i32 to vector<160x128xi32>
    %select_n3A_3432 = arith.select %eq3A_3426, %broadcast_in_dim3A_3431, %select_n3A_3422 : vector<160x128xi1>, vector<160x128xi32>
    %get3A_3433 = arith.constant 30 : index
    %get3A_3434 = memref.load %arg7[%get3A_3433] : memref<50xi32, #tpu.memory_space<smem>>
    %eq3A_3435 = vector.broadcast %get3A_3434 : i32 to vector<160x128xi32>
    %eq3A_3436 = arith.cmpi eq, %add3A, %eq3A_3435 : vector<160x128xi32>
    %jit3A_3437 = arith.constant 2.000000e+00 : f32
    %broadcast_in_dim3A_3438 = vector.broadcast %jit3A_3437 : f32 to vector<160x128xf32>
    %select_n3A_3439 = arith.select %eq3A_3436, %broadcast_in_dim3A_3438, %select_n3A_3429 : vector<160x128xi1>, vector<160x128xf32>
    %jit3A_3440 = arith.constant 30 : i32
    %broadcast_in_dim3A_3441 = vector.broadcast %jit3A_3440 : i32 to vector<160x128xi32>
    %select_n3A_3442 = arith.select %eq3A_3436, %broadcast_in_dim3A_3441, %select_n3A_3432 : vector<160x128xi1>, vector<160x128xi32>
    %get3A_3443 = arith.constant 31 : index
    %get3A_3444 = memref.load %arg7[%get3A_3443] : memref<50xi32, #tpu.memory_space<smem>>
    %eq3A_3445 = vector.broadcast %get3A_3444 : i32 to vector<160x128xi32>
    %eq3A_3446 = arith.cmpi eq, %add3A, %eq3A_3445 : vector<160x128xi32>
    %jit3A_3447 = arith.constant 2.000000e+00 : f32
    %broadcast_in_dim3A_3448 = vector.broadcast %jit3A_3447 : f32 to vector<160x128xf32>
    %select_n3A_3449 = arith.select %eq3A_3446, %broadcast_in_dim3A_3448, %select_n3A_3439 : vector<160x128xi1>, vector<160x128xf32>
    %jit3A_3450 = arith.constant 31 : i32
    %broadcast_in_dim3A_3451 = vector.broadcast %jit3A_3450 : i32 to vector<160x128xi32>
    %select_n3A_3452 = arith.select %eq3A_3446, %broadcast_in_dim3A_3451, %select_n3A_3442 : vector<160x128xi1>, vector<160x128xi32>
    %get3A_3453 = arith.constant 32 : index
    %get3A_3454 = memref.load %arg7[%get3A_3453] : memref<50xi32, #tpu.memory_space<smem>>
    %eq3A_3455 = vector.broadcast %get3A_3454 : i32 to vector<160x128xi32>
    %eq3A_3456 = arith.cmpi eq, %add3A, %eq3A_3455 : vector<160x128xi32>
    %jit3A_3457 = arith.constant 2.000000e+00 : f32
    %broadcast_in_dim3A_3458 = vector.broadcast %jit3A_3457 : f32 to vector<160x128xf32>
    %select_n3A_3459 = arith.select %eq3A_3456, %broadcast_in_dim3A_3458, %select_n3A_3449 : vector<160x128xi1>, vector<160x128xf32>
    %jit3A_3460 = arith.constant 32 : i32
    %broadcast_in_dim3A_3461 = vector.broadcast %jit3A_3460 : i32 to vector<160x128xi32>
    %select_n3A_3462 = arith.select %eq3A_3456, %broadcast_in_dim3A_3461, %select_n3A_3452 : vector<160x128xi1>, vector<160x128xi32>
    %get3A_3463 = arith.constant 33 : index
    %get3A_3464 = memref.load %arg7[%get3A_3463] : memref<50xi32, #tpu.memory_space<smem>>
    %eq3A_3465 = vector.broadcast %get3A_3464 : i32 to vector<160x128xi32>
    %eq3A_3466 = arith.cmpi eq, %add3A, %eq3A_3465 : vector<160x128xi32>
    %jit3A_3467 = arith.constant 2.000000e+00 : f32
    %broadcast_in_dim3A_3468 = vector.broadcast %jit3A_3467 : f32 to vector<160x128xf32>
    %select_n3A_3469 = arith.select %eq3A_3466, %broadcast_in_dim3A_3468, %select_n3A_3459 : vector<160x128xi1>, vector<160x128xf32>
    %jit3A_3470 = arith.constant 33 : i32
    %broadcast_in_dim3A_3471 = vector.broadcast %jit3A_3470 : i32 to vector<160x128xi32>
    %select_n3A_3472 = arith.select %eq3A_3466, %broadcast_in_dim3A_3471, %select_n3A_3462 : vector<160x128xi1>, vector<160x128xi32>
    %get3A_3473 = arith.constant 34 : index
    %get3A_3474 = memref.load %arg7[%get3A_3473] : memref<50xi32, #tpu.memory_space<smem>>
    %eq3A_3475 = vector.broadcast %get3A_3474 : i32 to vector<160x128xi32>
    %eq3A_3476 = arith.cmpi eq, %add3A, %eq3A_3475 : vector<160x128xi32>
    %jit3A_3477 = arith.constant 2.000000e+00 : f32
    %broadcast_in_dim3A_3478 = vector.broadcast %jit3A_3477 : f32 to vector<160x128xf32>
    %select_n3A_3479 = arith.select %eq3A_3476, %broadcast_in_dim3A_3478, %select_n3A_3469 : vector<160x128xi1>, vector<160x128xf32>
    %jit3A_3480 = arith.constant 34 : i32
    %broadcast_in_dim3A_3481 = vector.broadcast %jit3A_3480 : i32 to vector<160x128xi32>
    %select_n3A_3482 = arith.select %eq3A_3476, %broadcast_in_dim3A_3481, %select_n3A_3472 : vector<160x128xi1>, vector<160x128xi32>
    %get3A_3483 = arith.constant 35 : index
    %get3A_3484 = memref.load %arg7[%get3A_3483] : memref<50xi32, #tpu.memory_space<smem>>
    %eq3A_3485 = vector.broadcast %get3A_3484 : i32 to vector<160x128xi32>
    %eq3A_3486 = arith.cmpi eq, %add3A, %eq3A_3485 : vector<160x128xi32>
    %jit3A_3487 = arith.constant 2.000000e+00 : f32
    %broadcast_in_dim3A_3488 = vector.broadcast %jit3A_3487 : f32 to vector<160x128xf32>
    %select_n3A_3489 = arith.select %eq3A_3486, %broadcast_in_dim3A_3488, %select_n3A_3479 : vector<160x128xi1>, vector<160x128xf32>
    %jit3A_3490 = arith.constant 35 : i32
    %broadcast_in_dim3A_3491 = vector.broadcast %jit3A_3490 : i32 to vector<160x128xi32>
    %select_n3A_3492 = arith.select %eq3A_3486, %broadcast_in_dim3A_3491, %select_n3A_3482 : vector<160x128xi1>, vector<160x128xi32>
    %get3A_3493 = arith.constant 36 : index
    %get3A_3494 = memref.load %arg7[%get3A_3493] : memref<50xi32, #tpu.memory_space<smem>>
    %eq3A_3495 = vector.broadcast %get3A_3494 : i32 to vector<160x128xi32>
    %eq3A_3496 = arith.cmpi eq, %add3A, %eq3A_3495 : vector<160x128xi32>
    %jit3A_3497 = arith.constant 2.000000e+00 : f32
    %broadcast_in_dim3A_3498 = vector.broadcast %jit3A_3497 : f32 to vector<160x128xf32>
    %select_n3A_3499 = arith.select %eq3A_3496, %broadcast_in_dim3A_3498, %select_n3A_3489 : vector<160x128xi1>, vector<160x128xf32>
    %jit3A_3500 = arith.constant 36 : i32
    %broadcast_in_dim3A_3501 = vector.broadcast %jit3A_3500 : i32 to vector<160x128xi32>
    %select_n3A_3502 = arith.select %eq3A_3496, %broadcast_in_dim3A_3501, %select_n3A_3492 : vector<160x128xi1>, vector<160x128xi32>
    %get3A_3503 = arith.constant 37 : index
    %get3A_3504 = memref.load %arg7[%get3A_3503] : memref<50xi32, #tpu.memory_space<smem>>
    %eq3A_3505 = vector.broadcast %get3A_3504 : i32 to vector<160x128xi32>
    %eq3A_3506 = arith.cmpi eq, %add3A, %eq3A_3505 : vector<160x128xi32>
    %jit3A_3507 = arith.constant 2.000000e+00 : f32
    %broadcast_in_dim3A_3508 = vector.broadcast %jit3A_3507 : f32 to vector<160x128xf32>
    %select_n3A_3509 = arith.select %eq3A_3506, %broadcast_in_dim3A_3508, %select_n3A_3499 : vector<160x128xi1>, vector<160x128xf32>
    %jit3A_3510 = arith.constant 37 : i32
    %broadcast_in_dim3A_3511 = vector.broadcast %jit3A_3510 : i32 to vector<160x128xi32>
    %select_n3A_3512 = arith.select %eq3A_3506, %broadcast_in_dim3A_3511, %select_n3A_3502 : vector<160x128xi1>, vector<160x128xi32>
    %get3A_3513 = arith.constant 38 : index
    %get3A_3514 = memref.load %arg7[%get3A_3513] : memref<50xi32, #tpu.memory_space<smem>>
    %eq3A_3515 = vector.broadcast %get3A_3514 : i32 to vector<160x128xi32>
    %eq3A_3516 = arith.cmpi eq, %add3A, %eq3A_3515 : vector<160x128xi32>
    %jit3A_3517 = arith.constant 2.000000e+00 : f32
    %broadcast_in_dim3A_3518 = vector.broadcast %jit3A_3517 : f32 to vector<160x128xf32>
    %select_n3A_3519 = arith.select %eq3A_3516, %broadcast_in_dim3A_3518, %select_n3A_3509 : vector<160x128xi1>, vector<160x128xf32>
    %jit3A_3520 = arith.constant 38 : i32
    %broadcast_in_dim3A_3521 = vector.broadcast %jit3A_3520 : i32 to vector<160x128xi32>
    %select_n3A_3522 = arith.select %eq3A_3516, %broadcast_in_dim3A_3521, %select_n3A_3512 : vector<160x128xi1>, vector<160x128xi32>
    %get3A_3523 = arith.constant 39 : index
    %get3A_3524 = memref.load %arg7[%get3A_3523] : memref<50xi32, #tpu.memory_space<smem>>
    %eq3A_3525 = vector.broadcast %get3A_3524 : i32 to vector<160x128xi32>
    %eq3A_3526 = arith.cmpi eq, %add3A, %eq3A_3525 : vector<160x128xi32>
    %jit3A_3527 = arith.constant 2.000000e+00 : f32
    %broadcast_in_dim3A_3528 = vector.broadcast %jit3A_3527 : f32 to vector<160x128xf32>
    %select_n3A_3529 = arith.select %eq3A_3526, %broadcast_in_dim3A_3528, %select_n3A_3519 : vector<160x128xi1>, vector<160x128xf32>
    %jit3A_3530 = arith.constant 39 : i32
    %broadcast_in_dim3A_3531 = vector.broadcast %jit3A_3530 : i32 to vector<160x128xi32>
    %select_n3A_3532 = arith.select %eq3A_3526, %broadcast_in_dim3A_3531, %select_n3A_3522 : vector<160x128xi1>, vector<160x128xi32>
    %get3A_3533 = arith.constant 40 : index
    %get3A_3534 = memref.load %arg7[%get3A_3533] : memref<50xi32, #tpu.memory_space<smem>>
    %eq3A_3535 = vector.broadcast %get3A_3534 : i32 to vector<160x128xi32>
    %eq3A_3536 = arith.cmpi eq, %add3A, %eq3A_3535 : vector<160x128xi32>
    %jit3A_3537 = arith.constant 2.000000e+00 : f32
    %broadcast_in_dim3A_3538 = vector.broadcast %jit3A_3537 : f32 to vector<160x128xf32>
    %select_n3A_3539 = arith.select %eq3A_3536, %broadcast_in_dim3A_3538, %select_n3A_3529 : vector<160x128xi1>, vector<160x128xf32>
    %jit3A_3540 = arith.constant 40 : i32
    %broadcast_in_dim3A_3541 = vector.broadcast %jit3A_3540 : i32 to vector<160x128xi32>
    %select_n3A_3542 = arith.select %eq3A_3536, %broadcast_in_dim3A_3541, %select_n3A_3532 : vector<160x128xi1>, vector<160x128xi32>
    %get3A_3543 = arith.constant 41 : index
    %get3A_3544 = memref.load %arg7[%get3A_3543] : memref<50xi32, #tpu.memory_space<smem>>
    %eq3A_3545 = vector.broadcast %get3A_3544 : i32 to vector<160x128xi32>
    %eq3A_3546 = arith.cmpi eq, %add3A, %eq3A_3545 : vector<160x128xi32>
    %jit3A_3547 = arith.constant 2.000000e+00 : f32
    %broadcast_in_dim3A_3548 = vector.broadcast %jit3A_3547 : f32 to vector<160x128xf32>
    %select_n3A_3549 = arith.select %eq3A_3546, %broadcast_in_dim3A_3548, %select_n3A_3539 : vector<160x128xi1>, vector<160x128xf32>
    %jit3A_3550 = arith.constant 41 : i32
    %broadcast_in_dim3A_3551 = vector.broadcast %jit3A_3550 : i32 to vector<160x128xi32>
    %select_n3A_3552 = arith.select %eq3A_3546, %broadcast_in_dim3A_3551, %select_n3A_3542 : vector<160x128xi1>, vector<160x128xi32>
    %get3A_3553 = arith.constant 42 : index
    %get3A_3554 = memref.load %arg7[%get3A_3553] : memref<50xi32, #tpu.memory_space<smem>>
    %eq3A_3555 = vector.broadcast %get3A_3554 : i32 to vector<160x128xi32>
    %eq3A_3556 = arith.cmpi eq, %add3A, %eq3A_3555 : vector<160x128xi32>
    %jit3A_3557 = arith.constant 2.000000e+00 : f32
    %broadcast_in_dim3A_3558 = vector.broadcast %jit3A_3557 : f32 to vector<160x128xf32>
    %select_n3A_3559 = arith.select %eq3A_3556, %broadcast_in_dim3A_3558, %select_n3A_3549 : vector<160x128xi1>, vector<160x128xf32>
    %jit3A_3560 = arith.constant 42 : i32
    %broadcast_in_dim3A_3561 = vector.broadcast %jit3A_3560 : i32 to vector<160x128xi32>
    %select_n3A_3562 = arith.select %eq3A_3556, %broadcast_in_dim3A_3561, %select_n3A_3552 : vector<160x128xi1>, vector<160x128xi32>
    %get3A_3563 = arith.constant 43 : index
    %get3A_3564 = memref.load %arg7[%get3A_3563] : memref<50xi32, #tpu.memory_space<smem>>
    %eq3A_3565 = vector.broadcast %get3A_3564 : i32 to vector<160x128xi32>
    %eq3A_3566 = arith.cmpi eq, %add3A, %eq3A_3565 : vector<160x128xi32>
    %jit3A_3567 = arith.constant 2.000000e+00 : f32
    %broadcast_in_dim3A_3568 = vector.broadcast %jit3A_3567 : f32 to vector<160x128xf32>
    %select_n3A_3569 = arith.select %eq3A_3566, %broadcast_in_dim3A_3568, %select_n3A_3559 : vector<160x128xi1>, vector<160x128xf32>
    %jit3A_3570 = arith.constant 43 : i32
    %broadcast_in_dim3A_3571 = vector.broadcast %jit3A_3570 : i32 to vector<160x128xi32>
    %select_n3A_3572 = arith.select %eq3A_3566, %broadcast_in_dim3A_3571, %select_n3A_3562 : vector<160x128xi1>, vector<160x128xi32>
    %get3A_3573 = arith.constant 44 : index
    %get3A_3574 = memref.load %arg7[%get3A_3573] : memref<50xi32, #tpu.memory_space<smem>>
    %eq3A_3575 = vector.broadcast %get3A_3574 : i32 to vector<160x128xi32>
    %eq3A_3576 = arith.cmpi eq, %add3A, %eq3A_3575 : vector<160x128xi32>
    %jit3A_3577 = arith.constant 2.000000e+00 : f32
    %broadcast_in_dim3A_3578 = vector.broadcast %jit3A_3577 : f32 to vector<160x128xf32>
    %select_n3A_3579 = arith.select %eq3A_3576, %broadcast_in_dim3A_3578, %select_n3A_3569 : vector<160x128xi1>, vector<160x128xf32>
    %jit3A_3580 = arith.constant 44 : i32
    %broadcast_in_dim3A_3581 = vector.broadcast %jit3A_3580 : i32 to vector<160x128xi32>
    %select_n3A_3582 = arith.select %eq3A_3576, %broadcast_in_dim3A_3581, %select_n3A_3572 : vector<160x128xi1>, vector<160x128xi32>
    %get3A_3583 = arith.constant 45 : index
    %get3A_3584 = memref.load %arg7[%get3A_3583] : memref<50xi32, #tpu.memory_space<smem>>
    %eq3A_3585 = vector.broadcast %get3A_3584 : i32 to vector<160x128xi32>
    %eq3A_3586 = arith.cmpi eq, %add3A, %eq3A_3585 : vector<160x128xi32>
    %jit3A_3587 = arith.constant 2.000000e+00 : f32
    %broadcast_in_dim3A_3588 = vector.broadcast %jit3A_3587 : f32 to vector<160x128xf32>
    %select_n3A_3589 = arith.select %eq3A_3586, %broadcast_in_dim3A_3588, %select_n3A_3579 : vector<160x128xi1>, vector<160x128xf32>
    %jit3A_3590 = arith.constant 45 : i32
    %broadcast_in_dim3A_3591 = vector.broadcast %jit3A_3590 : i32 to vector<160x128xi32>
    %select_n3A_3592 = arith.select %eq3A_3586, %broadcast_in_dim3A_3591, %select_n3A_3582 : vector<160x128xi1>, vector<160x128xi32>
    %get3A_3593 = arith.constant 46 : index
    %get3A_3594 = memref.load %arg7[%get3A_3593] : memref<50xi32, #tpu.memory_space<smem>>
    %eq3A_3595 = vector.broadcast %get3A_3594 : i32 to vector<160x128xi32>
    %eq3A_3596 = arith.cmpi eq, %add3A, %eq3A_3595 : vector<160x128xi32>
    %jit3A_3597 = arith.constant 2.000000e+00 : f32
    %broadcast_in_dim3A_3598 = vector.broadcast %jit3A_3597 : f32 to vector<160x128xf32>
    %select_n3A_3599 = arith.select %eq3A_3596, %broadcast_in_dim3A_3598, %select_n3A_3589 : vector<160x128xi1>, vector<160x128xf32>
    %jit3A_3600 = arith.constant 46 : i32
    %broadcast_in_dim3A_3601 = vector.broadcast %jit3A_3600 : i32 to vector<160x128xi32>
    %select_n3A_3602 = arith.select %eq3A_3596, %broadcast_in_dim3A_3601, %select_n3A_3592 : vector<160x128xi1>, vector<160x128xi32>
    %get3A_3603 = arith.constant 47 : index
    %get3A_3604 = memref.load %arg7[%get3A_3603] : memref<50xi32, #tpu.memory_space<smem>>
    %eq3A_3605 = vector.broadcast %get3A_3604 : i32 to vector<160x128xi32>
    %eq3A_3606 = arith.cmpi eq, %add3A, %eq3A_3605 : vector<160x128xi32>
    %jit3A_3607 = arith.constant 2.000000e+00 : f32
    %broadcast_in_dim3A_3608 = vector.broadcast %jit3A_3607 : f32 to vector<160x128xf32>
    %select_n3A_3609 = arith.select %eq3A_3606, %broadcast_in_dim3A_3608, %select_n3A_3599 : vector<160x128xi1>, vector<160x128xf32>
    %jit3A_3610 = arith.constant 47 : i32
    %broadcast_in_dim3A_3611 = vector.broadcast %jit3A_3610 : i32 to vector<160x128xi32>
    %select_n3A_3612 = arith.select %eq3A_3606, %broadcast_in_dim3A_3611, %select_n3A_3602 : vector<160x128xi1>, vector<160x128xi32>
    %get3A_3613 = arith.constant 48 : index
    %get3A_3614 = memref.load %arg7[%get3A_3613] : memref<50xi32, #tpu.memory_space<smem>>
    %eq3A_3615 = vector.broadcast %get3A_3614 : i32 to vector<160x128xi32>
    %eq3A_3616 = arith.cmpi eq, %add3A, %eq3A_3615 : vector<160x128xi32>
    %jit3A_3617 = arith.constant 2.000000e+00 : f32
    %broadcast_in_dim3A_3618 = vector.broadcast %jit3A_3617 : f32 to vector<160x128xf32>
    %select_n3A_3619 = arith.select %eq3A_3616, %broadcast_in_dim3A_3618, %select_n3A_3609 : vector<160x128xi1>, vector<160x128xf32>
    %jit3A_3620 = arith.constant 48 : i32
    %broadcast_in_dim3A_3621 = vector.broadcast %jit3A_3620 : i32 to vector<160x128xi32>
    %select_n3A_3622 = arith.select %eq3A_3616, %broadcast_in_dim3A_3621, %select_n3A_3612 : vector<160x128xi1>, vector<160x128xi32>
    %get3A_3623 = arith.constant 49 : index
    %get3A_3624 = memref.load %arg7[%get3A_3623] : memref<50xi32, #tpu.memory_space<smem>>
    %eq3A_3625 = vector.broadcast %get3A_3624 : i32 to vector<160x128xi32>
    %eq3A_3626 = arith.cmpi eq, %add3A, %eq3A_3625 : vector<160x128xi32>
    %jit3A_3627 = arith.constant 2.000000e+00 : f32
    %broadcast_in_dim3A_3628 = vector.broadcast %jit3A_3627 : f32 to vector<160x128xf32>
    %select_n3A_3629 = arith.select %eq3A_3626, %broadcast_in_dim3A_3628, %select_n3A_3619 : vector<160x128xi1>, vector<160x128xf32>
    %jit3A_3630 = arith.constant 49 : i32
    %broadcast_in_dim3A_3631 = vector.broadcast %jit3A_3630 : i32 to vector<160x128xi32>
    %select_n3A_3632 = arith.select %eq3A_3626, %broadcast_in_dim3A_3631, %select_n3A_3622 : vector<160x128xi1>, vector<160x128xi32>
    %broadcast_in_dim3A_3633 = arith.constant 0.000000e+00 : f32
    %broadcast_in_dim3A_3634 = vector.broadcast %broadcast_in_dim3A_3633 : f32 to vector<160x128xf32>
    %eq3A_3635 = arith.constant 0 : i32
    %eq3A_3636 = vector.broadcast %eq3A_3635 : i32 to vector<160x128xi32>
    %eq3A_3637 = arith.cmpi eq, %select_n3A_3632, %eq3A_3636 : vector<160x128xi32>
    %get3A_3638 = arith.constant 0 : index
    %get3A_3639 = arith.constant 0 : index
    %get3A_3640 = arith.constant 0 : index
    %get3A_3641 = memref.load %arg1[%get3A_3638, %get3A_3639, %get3A_3640] : memref<1x1x250xf32, #tpu.memory_space<smem>>
    %broadcast_in_dim3A_3642 = vector.broadcast %get3A_3641 : f32 to vector<160x128xf32>
    %select_n3A_3643 = arith.select %eq3A_3637, %broadcast_in_dim3A_3642, %broadcast_in_dim3A_3634 : vector<160x128xi1>, vector<160x128xf32>
    %get3A_3644 = arith.constant 0 : index
    %get3A_3645 = arith.constant 0 : index
    %get3A_3646 = arith.constant 1 : index
    %get3A_3647 = memref.load %arg1[%get3A_3644, %get3A_3645, %get3A_3646] : memref<1x1x250xf32, #tpu.memory_space<smem>>
    %broadcast_in_dim3A_3648 = vector.broadcast %get3A_3647 : f32 to vector<160x128xf32>
    %select_n3A_3649 = arith.select %eq3A_3637, %broadcast_in_dim3A_3648, %broadcast_in_dim3A_3634 : vector<160x128xi1>, vector<160x128xf32>
    %get3A_3650 = arith.constant 0 : index
    %get3A_3651 = arith.constant 0 : index
    %get3A_3652 = arith.constant 2 : index
    %get3A_3653 = memref.load %arg1[%get3A_3650, %get3A_3651, %get3A_3652] : memref<1x1x250xf32, #tpu.memory_space<smem>>
    %broadcast_in_dim3A_3654 = vector.broadcast %get3A_3653 : f32 to vector<160x128xf32>
    %select_n3A_3655 = arith.select %eq3A_3637, %broadcast_in_dim3A_3654, %broadcast_in_dim3A_3634 : vector<160x128xi1>, vector<160x128xf32>
    %get3A_3656 = arith.constant 0 : index
    %get3A_3657 = arith.constant 0 : index
    %get3A_3658 = arith.constant 3 : index
    %get3A_3659 = memref.load %arg1[%get3A_3656, %get3A_3657, %get3A_3658] : memref<1x1x250xf32, #tpu.memory_space<smem>>
    %broadcast_in_dim3A_3660 = vector.broadcast %get3A_3659 : f32 to vector<160x128xf32>
    %select_n3A_3661 = arith.select %eq3A_3637, %broadcast_in_dim3A_3660, %broadcast_in_dim3A_3634 : vector<160x128xi1>, vector<160x128xf32>
    %eq3A_3662 = arith.constant 1 : i32
    %eq3A_3663 = vector.broadcast %eq3A_3662 : i32 to vector<160x128xi32>
    %eq3A_3664 = arith.cmpi eq, %select_n3A_3632, %eq3A_3663 : vector<160x128xi32>
    %get3A_3665 = arith.constant 0 : index
    %get3A_3666 = arith.constant 0 : index
    %get3A_3667 = arith.constant 5 : index
    %get3A_3668 = memref.load %arg1[%get3A_3665, %get3A_3666, %get3A_3667] : memref<1x1x250xf32, #tpu.memory_space<smem>>
    %broadcast_in_dim3A_3669 = vector.broadcast %get3A_3668 : f32 to vector<160x128xf32>
    %select_n3A_3670 = arith.select %eq3A_3664, %broadcast_in_dim3A_3669, %select_n3A_3643 : vector<160x128xi1>, vector<160x128xf32>
    %get3A_3671 = arith.constant 0 : index
    %get3A_3672 = arith.constant 0 : index
    %get3A_3673 = arith.constant 6 : index
    %get3A_3674 = memref.load %arg1[%get3A_3671, %get3A_3672, %get3A_3673] : memref<1x1x250xf32, #tpu.memory_space<smem>>
    %broadcast_in_dim3A_3675 = vector.broadcast %get3A_3674 : f32 to vector<160x128xf32>
    %select_n3A_3676 = arith.select %eq3A_3664, %broadcast_in_dim3A_3675, %select_n3A_3649 : vector<160x128xi1>, vector<160x128xf32>
    %get3A_3677 = arith.constant 0 : index
    %get3A_3678 = arith.constant 0 : index
    %get3A_3679 = arith.constant 7 : index
    %get3A_3680 = memref.load %arg1[%get3A_3677, %get3A_3678, %get3A_3679] : memref<1x1x250xf32, #tpu.memory_space<smem>>
    %broadcast_in_dim3A_3681 = vector.broadcast %get3A_3680 : f32 to vector<160x128xf32>
    %select_n3A_3682 = arith.select %eq3A_3664, %broadcast_in_dim3A_3681, %select_n3A_3655 : vector<160x128xi1>, vector<160x128xf32>
    %get3A_3683 = arith.constant 0 : index
    %get3A_3684 = arith.constant 0 : index
    %get3A_3685 = arith.constant 8 : index
    %get3A_3686 = memref.load %arg1[%get3A_3683, %get3A_3684, %get3A_3685] : memref<1x1x250xf32, #tpu.memory_space<smem>>
    %broadcast_in_dim3A_3687 = vector.broadcast %get3A_3686 : f32 to vector<160x128xf32>
    %select_n3A_3688 = arith.select %eq3A_3664, %broadcast_in_dim3A_3687, %select_n3A_3661 : vector<160x128xi1>, vector<160x128xf32>
    %eq3A_3689 = arith.constant 2 : i32
    %eq3A_3690 = vector.broadcast %eq3A_3689 : i32 to vector<160x128xi32>
    %eq3A_3691 = arith.cmpi eq, %select_n3A_3632, %eq3A_3690 : vector<160x128xi32>
    %get3A_3692 = arith.constant 0 : index
    %get3A_3693 = arith.constant 0 : index
    %get3A_3694 = arith.constant 10 : index
    %get3A_3695 = memref.load %arg1[%get3A_3692, %get3A_3693, %get3A_3694] : memref<1x1x250xf32, #tpu.memory_space<smem>>
    %broadcast_in_dim3A_3696 = vector.broadcast %get3A_3695 : f32 to vector<160x128xf32>
    %select_n3A_3697 = arith.select %eq3A_3691, %broadcast_in_dim3A_3696, %select_n3A_3670 : vector<160x128xi1>, vector<160x128xf32>
    %get3A_3698 = arith.constant 0 : index
    %get3A_3699 = arith.constant 0 : index
    %get3A_3700 = arith.constant 11 : index
    %get3A_3701 = memref.load %arg1[%get3A_3698, %get3A_3699, %get3A_3700] : memref<1x1x250xf32, #tpu.memory_space<smem>>
    %broadcast_in_dim3A_3702 = vector.broadcast %get3A_3701 : f32 to vector<160x128xf32>
    %select_n3A_3703 = arith.select %eq3A_3691, %broadcast_in_dim3A_3702, %select_n3A_3676 : vector<160x128xi1>, vector<160x128xf32>
    %get3A_3704 = arith.constant 0 : index
    %get3A_3705 = arith.constant 0 : index
    %get3A_3706 = arith.constant 12 : index
    %get3A_3707 = memref.load %arg1[%get3A_3704, %get3A_3705, %get3A_3706] : memref<1x1x250xf32, #tpu.memory_space<smem>>
    %broadcast_in_dim3A_3708 = vector.broadcast %get3A_3707 : f32 to vector<160x128xf32>
    %select_n3A_3709 = arith.select %eq3A_3691, %broadcast_in_dim3A_3708, %select_n3A_3682 : vector<160x128xi1>, vector<160x128xf32>
    %get3A_3710 = arith.constant 0 : index
    %get3A_3711 = arith.constant 0 : index
    %get3A_3712 = arith.constant 13 : index
    %get3A_3713 = memref.load %arg1[%get3A_3710, %get3A_3711, %get3A_3712] : memref<1x1x250xf32, #tpu.memory_space<smem>>
    %broadcast_in_dim3A_3714 = vector.broadcast %get3A_3713 : f32 to vector<160x128xf32>
    %select_n3A_3715 = arith.select %eq3A_3691, %broadcast_in_dim3A_3714, %select_n3A_3688 : vector<160x128xi1>, vector<160x128xf32>
    %eq3A_3716 = arith.constant 3 : i32
    %eq3A_3717 = vector.broadcast %eq3A_3716 : i32 to vector<160x128xi32>
    %eq3A_3718 = arith.cmpi eq, %select_n3A_3632, %eq3A_3717 : vector<160x128xi32>
    %get3A_3719 = arith.constant 0 : index
    %get3A_3720 = arith.constant 0 : index
    %get3A_3721 = arith.constant 15 : index
    %get3A_3722 = memref.load %arg1[%get3A_3719, %get3A_3720, %get3A_3721] : memref<1x1x250xf32, #tpu.memory_space<smem>>
    %broadcast_in_dim3A_3723 = vector.broadcast %get3A_3722 : f32 to vector<160x128xf32>
    %select_n3A_3724 = arith.select %eq3A_3718, %broadcast_in_dim3A_3723, %select_n3A_3697 : vector<160x128xi1>, vector<160x128xf32>
    %get3A_3725 = arith.constant 0 : index
    %get3A_3726 = arith.constant 0 : index
    %get3A_3727 = arith.constant 16 : index
    %get3A_3728 = memref.load %arg1[%get3A_3725, %get3A_3726, %get3A_3727] : memref<1x1x250xf32, #tpu.memory_space<smem>>
    %broadcast_in_dim3A_3729 = vector.broadcast %get3A_3728 : f32 to vector<160x128xf32>
    %select_n3A_3730 = arith.select %eq3A_3718, %broadcast_in_dim3A_3729, %select_n3A_3703 : vector<160x128xi1>, vector<160x128xf32>
    %get3A_3731 = arith.constant 0 : index
    %get3A_3732 = arith.constant 0 : index
    %get3A_3733 = arith.constant 17 : index
    %get3A_3734 = memref.load %arg1[%get3A_3731, %get3A_3732, %get3A_3733] : memref<1x1x250xf32, #tpu.memory_space<smem>>
    %broadcast_in_dim3A_3735 = vector.broadcast %get3A_3734 : f32 to vector<160x128xf32>
    %select_n3A_3736 = arith.select %eq3A_3718, %broadcast_in_dim3A_3735, %select_n3A_3709 : vector<160x128xi1>, vector<160x128xf32>
    %get3A_3737 = arith.constant 0 : index
    %get3A_3738 = arith.constant 0 : index
    %get3A_3739 = arith.constant 18 : index
    %get3A_3740 = memref.load %arg1[%get3A_3737, %get3A_3738, %get3A_3739] : memref<1x1x250xf32, #tpu.memory_space<smem>>
    %broadcast_in_dim3A_3741 = vector.broadcast %get3A_3740 : f32 to vector<160x128xf32>
    %select_n3A_3742 = arith.select %eq3A_3718, %broadcast_in_dim3A_3741, %select_n3A_3715 : vector<160x128xi1>, vector<160x128xf32>
    %eq3A_3743 = arith.constant 4 : i32
    %eq3A_3744 = vector.broadcast %eq3A_3743 : i32 to vector<160x128xi32>
    %eq3A_3745 = arith.cmpi eq, %select_n3A_3632, %eq3A_3744 : vector<160x128xi32>
    %get3A_3746 = arith.constant 0 : index
    %get3A_3747 = arith.constant 0 : index
    %get3A_3748 = arith.constant 20 : index
    %get3A_3749 = memref.load %arg1[%get3A_3746, %get3A_3747, %get3A_3748] : memref<1x1x250xf32, #tpu.memory_space<smem>>
    %broadcast_in_dim3A_3750 = vector.broadcast %get3A_3749 : f32 to vector<160x128xf32>
    %select_n3A_3751 = arith.select %eq3A_3745, %broadcast_in_dim3A_3750, %select_n3A_3724 : vector<160x128xi1>, vector<160x128xf32>
    %get3A_3752 = arith.constant 0 : index
    %get3A_3753 = arith.constant 0 : index
    %get3A_3754 = arith.constant 21 : index
    %get3A_3755 = memref.load %arg1[%get3A_3752, %get3A_3753, %get3A_3754] : memref<1x1x250xf32, #tpu.memory_space<smem>>
    %broadcast_in_dim3A_3756 = vector.broadcast %get3A_3755 : f32 to vector<160x128xf32>
    %select_n3A_3757 = arith.select %eq3A_3745, %broadcast_in_dim3A_3756, %select_n3A_3730 : vector<160x128xi1>, vector<160x128xf32>
    %get3A_3758 = arith.constant 0 : index
    %get3A_3759 = arith.constant 0 : index
    %get3A_3760 = arith.constant 22 : index
    %get3A_3761 = memref.load %arg1[%get3A_3758, %get3A_3759, %get3A_3760] : memref<1x1x250xf32, #tpu.memory_space<smem>>
    %broadcast_in_dim3A_3762 = vector.broadcast %get3A_3761 : f32 to vector<160x128xf32>
    %select_n3A_3763 = arith.select %eq3A_3745, %broadcast_in_dim3A_3762, %select_n3A_3736 : vector<160x128xi1>, vector<160x128xf32>
    %get3A_3764 = arith.constant 0 : index
    %get3A_3765 = arith.constant 0 : index
    %get3A_3766 = arith.constant 23 : index
    %get3A_3767 = memref.load %arg1[%get3A_3764, %get3A_3765, %get3A_3766] : memref<1x1x250xf32, #tpu.memory_space<smem>>
    %broadcast_in_dim3A_3768 = vector.broadcast %get3A_3767 : f32 to vector<160x128xf32>
    %select_n3A_3769 = arith.select %eq3A_3745, %broadcast_in_dim3A_3768, %select_n3A_3742 : vector<160x128xi1>, vector<160x128xf32>
    %eq3A_3770 = arith.constant 5 : i32
    %eq3A_3771 = vector.broadcast %eq3A_3770 : i32 to vector<160x128xi32>
    %eq3A_3772 = arith.cmpi eq, %select_n3A_3632, %eq3A_3771 : vector<160x128xi32>
    %get3A_3773 = arith.constant 0 : index
    %get3A_3774 = arith.constant 0 : index
    %get3A_3775 = arith.constant 25 : index
    %get3A_3776 = memref.load %arg1[%get3A_3773, %get3A_3774, %get3A_3775] : memref<1x1x250xf32, #tpu.memory_space<smem>>
    %broadcast_in_dim3A_3777 = vector.broadcast %get3A_3776 : f32 to vector<160x128xf32>
    %select_n3A_3778 = arith.select %eq3A_3772, %broadcast_in_dim3A_3777, %select_n3A_3751 : vector<160x128xi1>, vector<160x128xf32>
    %get3A_3779 = arith.constant 0 : index
    %get3A_3780 = arith.constant 0 : index
    %get3A_3781 = arith.constant 26 : index
    %get3A_3782 = memref.load %arg1[%get3A_3779, %get3A_3780, %get3A_3781] : memref<1x1x250xf32, #tpu.memory_space<smem>>
    %broadcast_in_dim3A_3783 = vector.broadcast %get3A_3782 : f32 to vector<160x128xf32>
    %select_n3A_3784 = arith.select %eq3A_3772, %broadcast_in_dim3A_3783, %select_n3A_3757 : vector<160x128xi1>, vector<160x128xf32>
    %get3A_3785 = arith.constant 0 : index
    %get3A_3786 = arith.constant 0 : index
    %get3A_3787 = arith.constant 27 : index
    %get3A_3788 = memref.load %arg1[%get3A_3785, %get3A_3786, %get3A_3787] : memref<1x1x250xf32, #tpu.memory_space<smem>>
    %broadcast_in_dim3A_3789 = vector.broadcast %get3A_3788 : f32 to vector<160x128xf32>
    %select_n3A_3790 = arith.select %eq3A_3772, %broadcast_in_dim3A_3789, %select_n3A_3763 : vector<160x128xi1>, vector<160x128xf32>
    %get3A_3791 = arith.constant 0 : index
    %get3A_3792 = arith.constant 0 : index
    %get3A_3793 = arith.constant 28 : index
    %get3A_3794 = memref.load %arg1[%get3A_3791, %get3A_3792, %get3A_3793] : memref<1x1x250xf32, #tpu.memory_space<smem>>
    %broadcast_in_dim3A_3795 = vector.broadcast %get3A_3794 : f32 to vector<160x128xf32>
    %select_n3A_3796 = arith.select %eq3A_3772, %broadcast_in_dim3A_3795, %select_n3A_3769 : vector<160x128xi1>, vector<160x128xf32>
    %eq3A_3797 = arith.constant 6 : i32
    %eq3A_3798 = vector.broadcast %eq3A_3797 : i32 to vector<160x128xi32>
    %eq3A_3799 = arith.cmpi eq, %select_n3A_3632, %eq3A_3798 : vector<160x128xi32>
    %get3A_3800 = arith.constant 0 : index
    %get3A_3801 = arith.constant 0 : index
    %get3A_3802 = arith.constant 30 : index
    %get3A_3803 = memref.load %arg1[%get3A_3800, %get3A_3801, %get3A_3802] : memref<1x1x250xf32, #tpu.memory_space<smem>>
    %broadcast_in_dim3A_3804 = vector.broadcast %get3A_3803 : f32 to vector<160x128xf32>
    %select_n3A_3805 = arith.select %eq3A_3799, %broadcast_in_dim3A_3804, %select_n3A_3778 : vector<160x128xi1>, vector<160x128xf32>
    %get3A_3806 = arith.constant 0 : index
    %get3A_3807 = arith.constant 0 : index
    %get3A_3808 = arith.constant 31 : index
    %get3A_3809 = memref.load %arg1[%get3A_3806, %get3A_3807, %get3A_3808] : memref<1x1x250xf32, #tpu.memory_space<smem>>
    %broadcast_in_dim3A_3810 = vector.broadcast %get3A_3809 : f32 to vector<160x128xf32>
    %select_n3A_3811 = arith.select %eq3A_3799, %broadcast_in_dim3A_3810, %select_n3A_3784 : vector<160x128xi1>, vector<160x128xf32>
    %get3A_3812 = arith.constant 0 : index
    %get3A_3813 = arith.constant 0 : index
    %get3A_3814 = arith.constant 32 : index
    %get3A_3815 = memref.load %arg1[%get3A_3812, %get3A_3813, %get3A_3814] : memref<1x1x250xf32, #tpu.memory_space<smem>>
    %broadcast_in_dim3A_3816 = vector.broadcast %get3A_3815 : f32 to vector<160x128xf32>
    %select_n3A_3817 = arith.select %eq3A_3799, %broadcast_in_dim3A_3816, %select_n3A_3790 : vector<160x128xi1>, vector<160x128xf32>
    %get3A_3818 = arith.constant 0 : index
    %get3A_3819 = arith.constant 0 : index
    %get3A_3820 = arith.constant 33 : index
    %get3A_3821 = memref.load %arg1[%get3A_3818, %get3A_3819, %get3A_3820] : memref<1x1x250xf32, #tpu.memory_space<smem>>
    %broadcast_in_dim3A_3822 = vector.broadcast %get3A_3821 : f32 to vector<160x128xf32>
    %select_n3A_3823 = arith.select %eq3A_3799, %broadcast_in_dim3A_3822, %select_n3A_3796 : vector<160x128xi1>, vector<160x128xf32>
    %eq3A_3824 = arith.constant 7 : i32
    %eq3A_3825 = vector.broadcast %eq3A_3824 : i32 to vector<160x128xi32>
    %eq3A_3826 = arith.cmpi eq, %select_n3A_3632, %eq3A_3825 : vector<160x128xi32>
    %get3A_3827 = arith.constant 0 : index
    %get3A_3828 = arith.constant 0 : index
    %get3A_3829 = arith.constant 35 : index
    %get3A_3830 = memref.load %arg1[%get3A_3827, %get3A_3828, %get3A_3829] : memref<1x1x250xf32, #tpu.memory_space<smem>>
    %broadcast_in_dim3A_3831 = vector.broadcast %get3A_3830 : f32 to vector<160x128xf32>
    %select_n3A_3832 = arith.select %eq3A_3826, %broadcast_in_dim3A_3831, %select_n3A_3805 : vector<160x128xi1>, vector<160x128xf32>
    %get3A_3833 = arith.constant 0 : index
    %get3A_3834 = arith.constant 0 : index
    %get3A_3835 = arith.constant 36 : index
    %get3A_3836 = memref.load %arg1[%get3A_3833, %get3A_3834, %get3A_3835] : memref<1x1x250xf32, #tpu.memory_space<smem>>
    %broadcast_in_dim3A_3837 = vector.broadcast %get3A_3836 : f32 to vector<160x128xf32>
    %select_n3A_3838 = arith.select %eq3A_3826, %broadcast_in_dim3A_3837, %select_n3A_3811 : vector<160x128xi1>, vector<160x128xf32>
    %get3A_3839 = arith.constant 0 : index
    %get3A_3840 = arith.constant 0 : index
    %get3A_3841 = arith.constant 37 : index
    %get3A_3842 = memref.load %arg1[%get3A_3839, %get3A_3840, %get3A_3841] : memref<1x1x250xf32, #tpu.memory_space<smem>>
    %broadcast_in_dim3A_3843 = vector.broadcast %get3A_3842 : f32 to vector<160x128xf32>
    %select_n3A_3844 = arith.select %eq3A_3826, %broadcast_in_dim3A_3843, %select_n3A_3817 : vector<160x128xi1>, vector<160x128xf32>
    %get3A_3845 = arith.constant 0 : index
    %get3A_3846 = arith.constant 0 : index
    %get3A_3847 = arith.constant 38 : index
    %get3A_3848 = memref.load %arg1[%get3A_3845, %get3A_3846, %get3A_3847] : memref<1x1x250xf32, #tpu.memory_space<smem>>
    %broadcast_in_dim3A_3849 = vector.broadcast %get3A_3848 : f32 to vector<160x128xf32>
    %select_n3A_3850 = arith.select %eq3A_3826, %broadcast_in_dim3A_3849, %select_n3A_3823 : vector<160x128xi1>, vector<160x128xf32>
    %eq3A_3851 = arith.constant 8 : i32
    %eq3A_3852 = vector.broadcast %eq3A_3851 : i32 to vector<160x128xi32>
    %eq3A_3853 = arith.cmpi eq, %select_n3A_3632, %eq3A_3852 : vector<160x128xi32>
    %get3A_3854 = arith.constant 0 : index
    %get3A_3855 = arith.constant 0 : index
    %get3A_3856 = arith.constant 40 : index
    %get3A_3857 = memref.load %arg1[%get3A_3854, %get3A_3855, %get3A_3856] : memref<1x1x250xf32, #tpu.memory_space<smem>>
    %broadcast_in_dim3A_3858 = vector.broadcast %get3A_3857 : f32 to vector<160x128xf32>
    %select_n3A_3859 = arith.select %eq3A_3853, %broadcast_in_dim3A_3858, %select_n3A_3832 : vector<160x128xi1>, vector<160x128xf32>
    %get3A_3860 = arith.constant 0 : index
    %get3A_3861 = arith.constant 0 : index
    %get3A_3862 = arith.constant 41 : index
    %get3A_3863 = memref.load %arg1[%get3A_3860, %get3A_3861, %get3A_3862] : memref<1x1x250xf32, #tpu.memory_space<smem>>
    %broadcast_in_dim3A_3864 = vector.broadcast %get3A_3863 : f32 to vector<160x128xf32>
    %select_n3A_3865 = arith.select %eq3A_3853, %broadcast_in_dim3A_3864, %select_n3A_3838 : vector<160x128xi1>, vector<160x128xf32>
    %get3A_3866 = arith.constant 0 : index
    %get3A_3867 = arith.constant 0 : index
    %get3A_3868 = arith.constant 42 : index
    %get3A_3869 = memref.load %arg1[%get3A_3866, %get3A_3867, %get3A_3868] : memref<1x1x250xf32, #tpu.memory_space<smem>>
    %broadcast_in_dim3A_3870 = vector.broadcast %get3A_3869 : f32 to vector<160x128xf32>
    %select_n3A_3871 = arith.select %eq3A_3853, %broadcast_in_dim3A_3870, %select_n3A_3844 : vector<160x128xi1>, vector<160x128xf32>
    %get3A_3872 = arith.constant 0 : index
    %get3A_3873 = arith.constant 0 : index
    %get3A_3874 = arith.constant 43 : index
    %get3A_3875 = memref.load %arg1[%get3A_3872, %get3A_3873, %get3A_3874] : memref<1x1x250xf32, #tpu.memory_space<smem>>
    %broadcast_in_dim3A_3876 = vector.broadcast %get3A_3875 : f32 to vector<160x128xf32>
    %select_n3A_3877 = arith.select %eq3A_3853, %broadcast_in_dim3A_3876, %select_n3A_3850 : vector<160x128xi1>, vector<160x128xf32>
    %eq3A_3878 = arith.constant 9 : i32
    %eq3A_3879 = vector.broadcast %eq3A_3878 : i32 to vector<160x128xi32>
    %eq3A_3880 = arith.cmpi eq, %select_n3A_3632, %eq3A_3879 : vector<160x128xi32>
    %get3A_3881 = arith.constant 0 : index
    %get3A_3882 = arith.constant 0 : index
    %get3A_3883 = arith.constant 45 : index
    %get3A_3884 = memref.load %arg1[%get3A_3881, %get3A_3882, %get3A_3883] : memref<1x1x250xf32, #tpu.memory_space<smem>>
    %broadcast_in_dim3A_3885 = vector.broadcast %get3A_3884 : f32 to vector<160x128xf32>
    %select_n3A_3886 = arith.select %eq3A_3880, %broadcast_in_dim3A_3885, %select_n3A_3859 : vector<160x128xi1>, vector<160x128xf32>
    %get3A_3887 = arith.constant 0 : index
    %get3A_3888 = arith.constant 0 : index
    %get3A_3889 = arith.constant 46 : index
    %get3A_3890 = memref.load %arg1[%get3A_3887, %get3A_3888, %get3A_3889] : memref<1x1x250xf32, #tpu.memory_space<smem>>
    %broadcast_in_dim3A_3891 = vector.broadcast %get3A_3890 : f32 to vector<160x128xf32>
    %select_n3A_3892 = arith.select %eq3A_3880, %broadcast_in_dim3A_3891, %select_n3A_3865 : vector<160x128xi1>, vector<160x128xf32>
    %get3A_3893 = arith.constant 0 : index
    %get3A_3894 = arith.constant 0 : index
    %get3A_3895 = arith.constant 47 : index
    %get3A_3896 = memref.load %arg1[%get3A_3893, %get3A_3894, %get3A_3895] : memref<1x1x250xf32, #tpu.memory_space<smem>>
    %broadcast_in_dim3A_3897 = vector.broadcast %get3A_3896 : f32 to vector<160x128xf32>
    %select_n3A_3898 = arith.select %eq3A_3880, %broadcast_in_dim3A_3897, %select_n3A_3871 : vector<160x128xi1>, vector<160x128xf32>
    %get3A_3899 = arith.constant 0 : index
    %get3A_3900 = arith.constant 0 : index
    %get3A_3901 = arith.constant 48 : index
    %get3A_3902 = memref.load %arg1[%get3A_3899, %get3A_3900, %get3A_3901] : memref<1x1x250xf32, #tpu.memory_space<smem>>
    %broadcast_in_dim3A_3903 = vector.broadcast %get3A_3902 : f32 to vector<160x128xf32>
    %select_n3A_3904 = arith.select %eq3A_3880, %broadcast_in_dim3A_3903, %select_n3A_3877 : vector<160x128xi1>, vector<160x128xf32>
    %eq3A_3905 = arith.constant 10 : i32
    %eq3A_3906 = vector.broadcast %eq3A_3905 : i32 to vector<160x128xi32>
    %eq3A_3907 = arith.cmpi eq, %select_n3A_3632, %eq3A_3906 : vector<160x128xi32>
    %get3A_3908 = arith.constant 0 : index
    %get3A_3909 = arith.constant 0 : index
    %get3A_3910 = arith.constant 50 : index
    %get3A_3911 = memref.load %arg1[%get3A_3908, %get3A_3909, %get3A_3910] : memref<1x1x250xf32, #tpu.memory_space<smem>>
    %broadcast_in_dim3A_3912 = vector.broadcast %get3A_3911 : f32 to vector<160x128xf32>
    %select_n3A_3913 = arith.select %eq3A_3907, %broadcast_in_dim3A_3912, %select_n3A_3886 : vector<160x128xi1>, vector<160x128xf32>
    %get3A_3914 = arith.constant 0 : index
    %get3A_3915 = arith.constant 0 : index
    %get3A_3916 = arith.constant 51 : index
    %get3A_3917 = memref.load %arg1[%get3A_3914, %get3A_3915, %get3A_3916] : memref<1x1x250xf32, #tpu.memory_space<smem>>
    %broadcast_in_dim3A_3918 = vector.broadcast %get3A_3917 : f32 to vector<160x128xf32>
    %select_n3A_3919 = arith.select %eq3A_3907, %broadcast_in_dim3A_3918, %select_n3A_3892 : vector<160x128xi1>, vector<160x128xf32>
    %get3A_3920 = arith.constant 0 : index
    %get3A_3921 = arith.constant 0 : index
    %get3A_3922 = arith.constant 52 : index
    %get3A_3923 = memref.load %arg1[%get3A_3920, %get3A_3921, %get3A_3922] : memref<1x1x250xf32, #tpu.memory_space<smem>>
    %broadcast_in_dim3A_3924 = vector.broadcast %get3A_3923 : f32 to vector<160x128xf32>
    %select_n3A_3925 = arith.select %eq3A_3907, %broadcast_in_dim3A_3924, %select_n3A_3898 : vector<160x128xi1>, vector<160x128xf32>
    %get3A_3926 = arith.constant 0 : index
    %get3A_3927 = arith.constant 0 : index
    %get3A_3928 = arith.constant 53 : index
    %get3A_3929 = memref.load %arg1[%get3A_3926, %get3A_3927, %get3A_3928] : memref<1x1x250xf32, #tpu.memory_space<smem>>
    %broadcast_in_dim3A_3930 = vector.broadcast %get3A_3929 : f32 to vector<160x128xf32>
    %select_n3A_3931 = arith.select %eq3A_3907, %broadcast_in_dim3A_3930, %select_n3A_3904 : vector<160x128xi1>, vector<160x128xf32>
    %eq3A_3932 = arith.constant 11 : i32
    %eq3A_3933 = vector.broadcast %eq3A_3932 : i32 to vector<160x128xi32>
    %eq3A_3934 = arith.cmpi eq, %select_n3A_3632, %eq3A_3933 : vector<160x128xi32>
    %get3A_3935 = arith.constant 0 : index
    %get3A_3936 = arith.constant 0 : index
    %get3A_3937 = arith.constant 55 : index
    %get3A_3938 = memref.load %arg1[%get3A_3935, %get3A_3936, %get3A_3937] : memref<1x1x250xf32, #tpu.memory_space<smem>>
    %broadcast_in_dim3A_3939 = vector.broadcast %get3A_3938 : f32 to vector<160x128xf32>
    %select_n3A_3940 = arith.select %eq3A_3934, %broadcast_in_dim3A_3939, %select_n3A_3913 : vector<160x128xi1>, vector<160x128xf32>
    %get3A_3941 = arith.constant 0 : index
    %get3A_3942 = arith.constant 0 : index
    %get3A_3943 = arith.constant 56 : index
    %get3A_3944 = memref.load %arg1[%get3A_3941, %get3A_3942, %get3A_3943] : memref<1x1x250xf32, #tpu.memory_space<smem>>
    %broadcast_in_dim3A_3945 = vector.broadcast %get3A_3944 : f32 to vector<160x128xf32>
    %select_n3A_3946 = arith.select %eq3A_3934, %broadcast_in_dim3A_3945, %select_n3A_3919 : vector<160x128xi1>, vector<160x128xf32>
    %get3A_3947 = arith.constant 0 : index
    %get3A_3948 = arith.constant 0 : index
    %get3A_3949 = arith.constant 57 : index
    %get3A_3950 = memref.load %arg1[%get3A_3947, %get3A_3948, %get3A_3949] : memref<1x1x250xf32, #tpu.memory_space<smem>>
    %broadcast_in_dim3A_3951 = vector.broadcast %get3A_3950 : f32 to vector<160x128xf32>
    %select_n3A_3952 = arith.select %eq3A_3934, %broadcast_in_dim3A_3951, %select_n3A_3925 : vector<160x128xi1>, vector<160x128xf32>
    %get3A_3953 = arith.constant 0 : index
    %get3A_3954 = arith.constant 0 : index
    %get3A_3955 = arith.constant 58 : index
    %get3A_3956 = memref.load %arg1[%get3A_3953, %get3A_3954, %get3A_3955] : memref<1x1x250xf32, #tpu.memory_space<smem>>
    %broadcast_in_dim3A_3957 = vector.broadcast %get3A_3956 : f32 to vector<160x128xf32>
    %select_n3A_3958 = arith.select %eq3A_3934, %broadcast_in_dim3A_3957, %select_n3A_3931 : vector<160x128xi1>, vector<160x128xf32>
    %eq3A_3959 = arith.constant 12 : i32
    %eq3A_3960 = vector.broadcast %eq3A_3959 : i32 to vector<160x128xi32>
    %eq3A_3961 = arith.cmpi eq, %select_n3A_3632, %eq3A_3960 : vector<160x128xi32>
    %get3A_3962 = arith.constant 0 : index
    %get3A_3963 = arith.constant 0 : index
    %get3A_3964 = arith.constant 60 : index
    %get3A_3965 = memref.load %arg1[%get3A_3962, %get3A_3963, %get3A_3964] : memref<1x1x250xf32, #tpu.memory_space<smem>>
    %broadcast_in_dim3A_3966 = vector.broadcast %get3A_3965 : f32 to vector<160x128xf32>
    %select_n3A_3967 = arith.select %eq3A_3961, %broadcast_in_dim3A_3966, %select_n3A_3940 : vector<160x128xi1>, vector<160x128xf32>
    %get3A_3968 = arith.constant 0 : index
    %get3A_3969 = arith.constant 0 : index
    %get3A_3970 = arith.constant 61 : index
    %get3A_3971 = memref.load %arg1[%get3A_3968, %get3A_3969, %get3A_3970] : memref<1x1x250xf32, #tpu.memory_space<smem>>
    %broadcast_in_dim3A_3972 = vector.broadcast %get3A_3971 : f32 to vector<160x128xf32>
    %select_n3A_3973 = arith.select %eq3A_3961, %broadcast_in_dim3A_3972, %select_n3A_3946 : vector<160x128xi1>, vector<160x128xf32>
    %get3A_3974 = arith.constant 0 : index
    %get3A_3975 = arith.constant 0 : index
    %get3A_3976 = arith.constant 62 : index
    %get3A_3977 = memref.load %arg1[%get3A_3974, %get3A_3975, %get3A_3976] : memref<1x1x250xf32, #tpu.memory_space<smem>>
    %broadcast_in_dim3A_3978 = vector.broadcast %get3A_3977 : f32 to vector<160x128xf32>
    %select_n3A_3979 = arith.select %eq3A_3961, %broadcast_in_dim3A_3978, %select_n3A_3952 : vector<160x128xi1>, vector<160x128xf32>
    %get3A_3980 = arith.constant 0 : index
    %get3A_3981 = arith.constant 0 : index
    %get3A_3982 = arith.constant 63 : index
    %get3A_3983 = memref.load %arg1[%get3A_3980, %get3A_3981, %get3A_3982] : memref<1x1x250xf32, #tpu.memory_space<smem>>
    %broadcast_in_dim3A_3984 = vector.broadcast %get3A_3983 : f32 to vector<160x128xf32>
    %select_n3A_3985 = arith.select %eq3A_3961, %broadcast_in_dim3A_3984, %select_n3A_3958 : vector<160x128xi1>, vector<160x128xf32>
    %eq3A_3986 = arith.constant 13 : i32
    %eq3A_3987 = vector.broadcast %eq3A_3986 : i32 to vector<160x128xi32>
    %eq3A_3988 = arith.cmpi eq, %select_n3A_3632, %eq3A_3987 : vector<160x128xi32>
    %get3A_3989 = arith.constant 0 : index
    %get3A_3990 = arith.constant 0 : index
    %get3A_3991 = arith.constant 65 : index
    %get3A_3992 = memref.load %arg1[%get3A_3989, %get3A_3990, %get3A_3991] : memref<1x1x250xf32, #tpu.memory_space<smem>>
    %broadcast_in_dim3A_3993 = vector.broadcast %get3A_3992 : f32 to vector<160x128xf32>
    %select_n3A_3994 = arith.select %eq3A_3988, %broadcast_in_dim3A_3993, %select_n3A_3967 : vector<160x128xi1>, vector<160x128xf32>
    %get3A_3995 = arith.constant 0 : index
    %get3A_3996 = arith.constant 0 : index
    %get3A_3997 = arith.constant 66 : index
    %get3A_3998 = memref.load %arg1[%get3A_3995, %get3A_3996, %get3A_3997] : memref<1x1x250xf32, #tpu.memory_space<smem>>
    %broadcast_in_dim3A_3999 = vector.broadcast %get3A_3998 : f32 to vector<160x128xf32>
    %select_n3A_4000 = arith.select %eq3A_3988, %broadcast_in_dim3A_3999, %select_n3A_3973 : vector<160x128xi1>, vector<160x128xf32>
    %get3A_4001 = arith.constant 0 : index
    %get3A_4002 = arith.constant 0 : index
    %get3A_4003 = arith.constant 67 : index
    %get3A_4004 = memref.load %arg1[%get3A_4001, %get3A_4002, %get3A_4003] : memref<1x1x250xf32, #tpu.memory_space<smem>>
    %broadcast_in_dim3A_4005 = vector.broadcast %get3A_4004 : f32 to vector<160x128xf32>
    %select_n3A_4006 = arith.select %eq3A_3988, %broadcast_in_dim3A_4005, %select_n3A_3979 : vector<160x128xi1>, vector<160x128xf32>
    %get3A_4007 = arith.constant 0 : index
    %get3A_4008 = arith.constant 0 : index
    %get3A_4009 = arith.constant 68 : index
    %get3A_4010 = memref.load %arg1[%get3A_4007, %get3A_4008, %get3A_4009] : memref<1x1x250xf32, #tpu.memory_space<smem>>
    %broadcast_in_dim3A_4011 = vector.broadcast %get3A_4010 : f32 to vector<160x128xf32>
    %select_n3A_4012 = arith.select %eq3A_3988, %broadcast_in_dim3A_4011, %select_n3A_3985 : vector<160x128xi1>, vector<160x128xf32>
    %eq3A_4013 = arith.constant 14 : i32
    %eq3A_4014 = vector.broadcast %eq3A_4013 : i32 to vector<160x128xi32>
    %eq3A_4015 = arith.cmpi eq, %select_n3A_3632, %eq3A_4014 : vector<160x128xi32>
    %get3A_4016 = arith.constant 0 : index
    %get3A_4017 = arith.constant 0 : index
    %get3A_4018 = arith.constant 70 : index
    %get3A_4019 = memref.load %arg1[%get3A_4016, %get3A_4017, %get3A_4018] : memref<1x1x250xf32, #tpu.memory_space<smem>>
    %broadcast_in_dim3A_4020 = vector.broadcast %get3A_4019 : f32 to vector<160x128xf32>
    %select_n3A_4021 = arith.select %eq3A_4015, %broadcast_in_dim3A_4020, %select_n3A_3994 : vector<160x128xi1>, vector<160x128xf32>
    %get3A_4022 = arith.constant 0 : index
    %get3A_4023 = arith.constant 0 : index
    %get3A_4024 = arith.constant 71 : index
    %get3A_4025 = memref.load %arg1[%get3A_4022, %get3A_4023, %get3A_4024] : memref<1x1x250xf32, #tpu.memory_space<smem>>
    %broadcast_in_dim3A_4026 = vector.broadcast %get3A_4025 : f32 to vector<160x128xf32>
    %select_n3A_4027 = arith.select %eq3A_4015, %broadcast_in_dim3A_4026, %select_n3A_4000 : vector<160x128xi1>, vector<160x128xf32>
    %get3A_4028 = arith.constant 0 : index
    %get3A_4029 = arith.constant 0 : index
    %get3A_4030 = arith.constant 72 : index
    %get3A_4031 = memref.load %arg1[%get3A_4028, %get3A_4029, %get3A_4030] : memref<1x1x250xf32, #tpu.memory_space<smem>>
    %broadcast_in_dim3A_4032 = vector.broadcast %get3A_4031 : f32 to vector<160x128xf32>
    %select_n3A_4033 = arith.select %eq3A_4015, %broadcast_in_dim3A_4032, %select_n3A_4006 : vector<160x128xi1>, vector<160x128xf32>
    %get3A_4034 = arith.constant 0 : index
    %get3A_4035 = arith.constant 0 : index
    %get3A_4036 = arith.constant 73 : index
    %get3A_4037 = memref.load %arg1[%get3A_4034, %get3A_4035, %get3A_4036] : memref<1x1x250xf32, #tpu.memory_space<smem>>
    %broadcast_in_dim3A_4038 = vector.broadcast %get3A_4037 : f32 to vector<160x128xf32>
    %select_n3A_4039 = arith.select %eq3A_4015, %broadcast_in_dim3A_4038, %select_n3A_4012 : vector<160x128xi1>, vector<160x128xf32>
    %eq3A_4040 = arith.constant 15 : i32
    %eq3A_4041 = vector.broadcast %eq3A_4040 : i32 to vector<160x128xi32>
    %eq3A_4042 = arith.cmpi eq, %select_n3A_3632, %eq3A_4041 : vector<160x128xi32>
    %get3A_4043 = arith.constant 0 : index
    %get3A_4044 = arith.constant 0 : index
    %get3A_4045 = arith.constant 75 : index
    %get3A_4046 = memref.load %arg1[%get3A_4043, %get3A_4044, %get3A_4045] : memref<1x1x250xf32, #tpu.memory_space<smem>>
    %broadcast_in_dim3A_4047 = vector.broadcast %get3A_4046 : f32 to vector<160x128xf32>
    %select_n3A_4048 = arith.select %eq3A_4042, %broadcast_in_dim3A_4047, %select_n3A_4021 : vector<160x128xi1>, vector<160x128xf32>
    %get3A_4049 = arith.constant 0 : index
    %get3A_4050 = arith.constant 0 : index
    %get3A_4051 = arith.constant 76 : index
    %get3A_4052 = memref.load %arg1[%get3A_4049, %get3A_4050, %get3A_4051] : memref<1x1x250xf32, #tpu.memory_space<smem>>
    %broadcast_in_dim3A_4053 = vector.broadcast %get3A_4052 : f32 to vector<160x128xf32>
    %select_n3A_4054 = arith.select %eq3A_4042, %broadcast_in_dim3A_4053, %select_n3A_4027 : vector<160x128xi1>, vector<160x128xf32>
    %get3A_4055 = arith.constant 0 : index
    %get3A_4056 = arith.constant 0 : index
    %get3A_4057 = arith.constant 77 : index
    %get3A_4058 = memref.load %arg1[%get3A_4055, %get3A_4056, %get3A_4057] : memref<1x1x250xf32, #tpu.memory_space<smem>>
    %broadcast_in_dim3A_4059 = vector.broadcast %get3A_4058 : f32 to vector<160x128xf32>
    %select_n3A_4060 = arith.select %eq3A_4042, %broadcast_in_dim3A_4059, %select_n3A_4033 : vector<160x128xi1>, vector<160x128xf32>
    %get3A_4061 = arith.constant 0 : index
    %get3A_4062 = arith.constant 0 : index
    %get3A_4063 = arith.constant 78 : index
    %get3A_4064 = memref.load %arg1[%get3A_4061, %get3A_4062, %get3A_4063] : memref<1x1x250xf32, #tpu.memory_space<smem>>
    %broadcast_in_dim3A_4065 = vector.broadcast %get3A_4064 : f32 to vector<160x128xf32>
    %select_n3A_4066 = arith.select %eq3A_4042, %broadcast_in_dim3A_4065, %select_n3A_4039 : vector<160x128xi1>, vector<160x128xf32>
    %eq3A_4067 = arith.constant 16 : i32
    %eq3A_4068 = vector.broadcast %eq3A_4067 : i32 to vector<160x128xi32>
    %eq3A_4069 = arith.cmpi eq, %select_n3A_3632, %eq3A_4068 : vector<160x128xi32>
    %get3A_4070 = arith.constant 0 : index
    %get3A_4071 = arith.constant 0 : index
    %get3A_4072 = arith.constant 80 : index
    %get3A_4073 = memref.load %arg1[%get3A_4070, %get3A_4071, %get3A_4072] : memref<1x1x250xf32, #tpu.memory_space<smem>>
    %broadcast_in_dim3A_4074 = vector.broadcast %get3A_4073 : f32 to vector<160x128xf32>
    %select_n3A_4075 = arith.select %eq3A_4069, %broadcast_in_dim3A_4074, %select_n3A_4048 : vector<160x128xi1>, vector<160x128xf32>
    %get3A_4076 = arith.constant 0 : index
    %get3A_4077 = arith.constant 0 : index
    %get3A_4078 = arith.constant 81 : index
    %get3A_4079 = memref.load %arg1[%get3A_4076, %get3A_4077, %get3A_4078] : memref<1x1x250xf32, #tpu.memory_space<smem>>
    %broadcast_in_dim3A_4080 = vector.broadcast %get3A_4079 : f32 to vector<160x128xf32>
    %select_n3A_4081 = arith.select %eq3A_4069, %broadcast_in_dim3A_4080, %select_n3A_4054 : vector<160x128xi1>, vector<160x128xf32>
    %get3A_4082 = arith.constant 0 : index
    %get3A_4083 = arith.constant 0 : index
    %get3A_4084 = arith.constant 82 : index
    %get3A_4085 = memref.load %arg1[%get3A_4082, %get3A_4083, %get3A_4084] : memref<1x1x250xf32, #tpu.memory_space<smem>>
    %broadcast_in_dim3A_4086 = vector.broadcast %get3A_4085 : f32 to vector<160x128xf32>
    %select_n3A_4087 = arith.select %eq3A_4069, %broadcast_in_dim3A_4086, %select_n3A_4060 : vector<160x128xi1>, vector<160x128xf32>
    %get3A_4088 = arith.constant 0 : index
    %get3A_4089 = arith.constant 0 : index
    %get3A_4090 = arith.constant 83 : index
    %get3A_4091 = memref.load %arg1[%get3A_4088, %get3A_4089, %get3A_4090] : memref<1x1x250xf32, #tpu.memory_space<smem>>
    %broadcast_in_dim3A_4092 = vector.broadcast %get3A_4091 : f32 to vector<160x128xf32>
    %select_n3A_4093 = arith.select %eq3A_4069, %broadcast_in_dim3A_4092, %select_n3A_4066 : vector<160x128xi1>, vector<160x128xf32>
    %eq3A_4094 = arith.constant 17 : i32
    %eq3A_4095 = vector.broadcast %eq3A_4094 : i32 to vector<160x128xi32>
    %eq3A_4096 = arith.cmpi eq, %select_n3A_3632, %eq3A_4095 : vector<160x128xi32>
    %get3A_4097 = arith.constant 0 : index
    %get3A_4098 = arith.constant 0 : index
    %get3A_4099 = arith.constant 85 : index
    %get3A_4100 = memref.load %arg1[%get3A_4097, %get3A_4098, %get3A_4099] : memref<1x1x250xf32, #tpu.memory_space<smem>>
    %broadcast_in_dim3A_4101 = vector.broadcast %get3A_4100 : f32 to vector<160x128xf32>
    %select_n3A_4102 = arith.select %eq3A_4096, %broadcast_in_dim3A_4101, %select_n3A_4075 : vector<160x128xi1>, vector<160x128xf32>
    %get3A_4103 = arith.constant 0 : index
    %get3A_4104 = arith.constant 0 : index
    %get3A_4105 = arith.constant 86 : index
    %get3A_4106 = memref.load %arg1[%get3A_4103, %get3A_4104, %get3A_4105] : memref<1x1x250xf32, #tpu.memory_space<smem>>
    %broadcast_in_dim3A_4107 = vector.broadcast %get3A_4106 : f32 to vector<160x128xf32>
    %select_n3A_4108 = arith.select %eq3A_4096, %broadcast_in_dim3A_4107, %select_n3A_4081 : vector<160x128xi1>, vector<160x128xf32>
    %get3A_4109 = arith.constant 0 : index
    %get3A_4110 = arith.constant 0 : index
    %get3A_4111 = arith.constant 87 : index
    %get3A_4112 = memref.load %arg1[%get3A_4109, %get3A_4110, %get3A_4111] : memref<1x1x250xf32, #tpu.memory_space<smem>>
    %broadcast_in_dim3A_4113 = vector.broadcast %get3A_4112 : f32 to vector<160x128xf32>
    %select_n3A_4114 = arith.select %eq3A_4096, %broadcast_in_dim3A_4113, %select_n3A_4087 : vector<160x128xi1>, vector<160x128xf32>
    %get3A_4115 = arith.constant 0 : index
    %get3A_4116 = arith.constant 0 : index
    %get3A_4117 = arith.constant 88 : index
    %get3A_4118 = memref.load %arg1[%get3A_4115, %get3A_4116, %get3A_4117] : memref<1x1x250xf32, #tpu.memory_space<smem>>
    %broadcast_in_dim3A_4119 = vector.broadcast %get3A_4118 : f32 to vector<160x128xf32>
    %select_n3A_4120 = arith.select %eq3A_4096, %broadcast_in_dim3A_4119, %select_n3A_4093 : vector<160x128xi1>, vector<160x128xf32>
    %eq3A_4121 = arith.constant 18 : i32
    %eq3A_4122 = vector.broadcast %eq3A_4121 : i32 to vector<160x128xi32>
    %eq3A_4123 = arith.cmpi eq, %select_n3A_3632, %eq3A_4122 : vector<160x128xi32>
    %get3A_4124 = arith.constant 0 : index
    %get3A_4125 = arith.constant 0 : index
    %get3A_4126 = arith.constant 90 : index
    %get3A_4127 = memref.load %arg1[%get3A_4124, %get3A_4125, %get3A_4126] : memref<1x1x250xf32, #tpu.memory_space<smem>>
    %broadcast_in_dim3A_4128 = vector.broadcast %get3A_4127 : f32 to vector<160x128xf32>
    %select_n3A_4129 = arith.select %eq3A_4123, %broadcast_in_dim3A_4128, %select_n3A_4102 : vector<160x128xi1>, vector<160x128xf32>
    %get3A_4130 = arith.constant 0 : index
    %get3A_4131 = arith.constant 0 : index
    %get3A_4132 = arith.constant 91 : index
    %get3A_4133 = memref.load %arg1[%get3A_4130, %get3A_4131, %get3A_4132] : memref<1x1x250xf32, #tpu.memory_space<smem>>
    %broadcast_in_dim3A_4134 = vector.broadcast %get3A_4133 : f32 to vector<160x128xf32>
    %select_n3A_4135 = arith.select %eq3A_4123, %broadcast_in_dim3A_4134, %select_n3A_4108 : vector<160x128xi1>, vector<160x128xf32>
    %get3A_4136 = arith.constant 0 : index
    %get3A_4137 = arith.constant 0 : index
    %get3A_4138 = arith.constant 92 : index
    %get3A_4139 = memref.load %arg1[%get3A_4136, %get3A_4137, %get3A_4138] : memref<1x1x250xf32, #tpu.memory_space<smem>>
    %broadcast_in_dim3A_4140 = vector.broadcast %get3A_4139 : f32 to vector<160x128xf32>
    %select_n3A_4141 = arith.select %eq3A_4123, %broadcast_in_dim3A_4140, %select_n3A_4114 : vector<160x128xi1>, vector<160x128xf32>
    %get3A_4142 = arith.constant 0 : index
    %get3A_4143 = arith.constant 0 : index
    %get3A_4144 = arith.constant 93 : index
    %get3A_4145 = memref.load %arg1[%get3A_4142, %get3A_4143, %get3A_4144] : memref<1x1x250xf32, #tpu.memory_space<smem>>
    %broadcast_in_dim3A_4146 = vector.broadcast %get3A_4145 : f32 to vector<160x128xf32>
    %select_n3A_4147 = arith.select %eq3A_4123, %broadcast_in_dim3A_4146, %select_n3A_4120 : vector<160x128xi1>, vector<160x128xf32>
    %eq3A_4148 = arith.constant 19 : i32
    %eq3A_4149 = vector.broadcast %eq3A_4148 : i32 to vector<160x128xi32>
    %eq3A_4150 = arith.cmpi eq, %select_n3A_3632, %eq3A_4149 : vector<160x128xi32>
    %get3A_4151 = arith.constant 0 : index
    %get3A_4152 = arith.constant 0 : index
    %get3A_4153 = arith.constant 95 : index
    %get3A_4154 = memref.load %arg1[%get3A_4151, %get3A_4152, %get3A_4153] : memref<1x1x250xf32, #tpu.memory_space<smem>>
    %broadcast_in_dim3A_4155 = vector.broadcast %get3A_4154 : f32 to vector<160x128xf32>
    %select_n3A_4156 = arith.select %eq3A_4150, %broadcast_in_dim3A_4155, %select_n3A_4129 : vector<160x128xi1>, vector<160x128xf32>
    %get3A_4157 = arith.constant 0 : index
    %get3A_4158 = arith.constant 0 : index
    %get3A_4159 = arith.constant 96 : index
    %get3A_4160 = memref.load %arg1[%get3A_4157, %get3A_4158, %get3A_4159] : memref<1x1x250xf32, #tpu.memory_space<smem>>
    %broadcast_in_dim3A_4161 = vector.broadcast %get3A_4160 : f32 to vector<160x128xf32>
    %select_n3A_4162 = arith.select %eq3A_4150, %broadcast_in_dim3A_4161, %select_n3A_4135 : vector<160x128xi1>, vector<160x128xf32>
    %get3A_4163 = arith.constant 0 : index
    %get3A_4164 = arith.constant 0 : index
    %get3A_4165 = arith.constant 97 : index
    %get3A_4166 = memref.load %arg1[%get3A_4163, %get3A_4164, %get3A_4165] : memref<1x1x250xf32, #tpu.memory_space<smem>>
    %broadcast_in_dim3A_4167 = vector.broadcast %get3A_4166 : f32 to vector<160x128xf32>
    %select_n3A_4168 = arith.select %eq3A_4150, %broadcast_in_dim3A_4167, %select_n3A_4141 : vector<160x128xi1>, vector<160x128xf32>
    %get3A_4169 = arith.constant 0 : index
    %get3A_4170 = arith.constant 0 : index
    %get3A_4171 = arith.constant 98 : index
    %get3A_4172 = memref.load %arg1[%get3A_4169, %get3A_4170, %get3A_4171] : memref<1x1x250xf32, #tpu.memory_space<smem>>
    %broadcast_in_dim3A_4173 = vector.broadcast %get3A_4172 : f32 to vector<160x128xf32>
    %select_n3A_4174 = arith.select %eq3A_4150, %broadcast_in_dim3A_4173, %select_n3A_4147 : vector<160x128xi1>, vector<160x128xf32>
    %eq3A_4175 = arith.constant 20 : i32
    %eq3A_4176 = vector.broadcast %eq3A_4175 : i32 to vector<160x128xi32>
    %eq3A_4177 = arith.cmpi eq, %select_n3A_3632, %eq3A_4176 : vector<160x128xi32>
    %get3A_4178 = arith.constant 0 : index
    %get3A_4179 = arith.constant 0 : index
    %get3A_4180 = arith.constant 100 : index
    %get3A_4181 = memref.load %arg1[%get3A_4178, %get3A_4179, %get3A_4180] : memref<1x1x250xf32, #tpu.memory_space<smem>>
    %broadcast_in_dim3A_4182 = vector.broadcast %get3A_4181 : f32 to vector<160x128xf32>
    %select_n3A_4183 = arith.select %eq3A_4177, %broadcast_in_dim3A_4182, %select_n3A_4156 : vector<160x128xi1>, vector<160x128xf32>
    %get3A_4184 = arith.constant 0 : index
    %get3A_4185 = arith.constant 0 : index
    %get3A_4186 = arith.constant 101 : index
    %get3A_4187 = memref.load %arg1[%get3A_4184, %get3A_4185, %get3A_4186] : memref<1x1x250xf32, #tpu.memory_space<smem>>
    %broadcast_in_dim3A_4188 = vector.broadcast %get3A_4187 : f32 to vector<160x128xf32>
    %select_n3A_4189 = arith.select %eq3A_4177, %broadcast_in_dim3A_4188, %select_n3A_4162 : vector<160x128xi1>, vector<160x128xf32>
    %get3A_4190 = arith.constant 0 : index
    %get3A_4191 = arith.constant 0 : index
    %get3A_4192 = arith.constant 102 : index
    %get3A_4193 = memref.load %arg1[%get3A_4190, %get3A_4191, %get3A_4192] : memref<1x1x250xf32, #tpu.memory_space<smem>>
    %broadcast_in_dim3A_4194 = vector.broadcast %get3A_4193 : f32 to vector<160x128xf32>
    %select_n3A_4195 = arith.select %eq3A_4177, %broadcast_in_dim3A_4194, %select_n3A_4168 : vector<160x128xi1>, vector<160x128xf32>
    %get3A_4196 = arith.constant 0 : index
    %get3A_4197 = arith.constant 0 : index
    %get3A_4198 = arith.constant 103 : index
    %get3A_4199 = memref.load %arg1[%get3A_4196, %get3A_4197, %get3A_4198] : memref<1x1x250xf32, #tpu.memory_space<smem>>
    %broadcast_in_dim3A_4200 = vector.broadcast %get3A_4199 : f32 to vector<160x128xf32>
    %select_n3A_4201 = arith.select %eq3A_4177, %broadcast_in_dim3A_4200, %select_n3A_4174 : vector<160x128xi1>, vector<160x128xf32>
    %eq3A_4202 = arith.constant 21 : i32
    %eq3A_4203 = vector.broadcast %eq3A_4202 : i32 to vector<160x128xi32>
    %eq3A_4204 = arith.cmpi eq, %select_n3A_3632, %eq3A_4203 : vector<160x128xi32>
    %get3A_4205 = arith.constant 0 : index
    %get3A_4206 = arith.constant 0 : index
    %get3A_4207 = arith.constant 105 : index
    %get3A_4208 = memref.load %arg1[%get3A_4205, %get3A_4206, %get3A_4207] : memref<1x1x250xf32, #tpu.memory_space<smem>>
    %broadcast_in_dim3A_4209 = vector.broadcast %get3A_4208 : f32 to vector<160x128xf32>
    %select_n3A_4210 = arith.select %eq3A_4204, %broadcast_in_dim3A_4209, %select_n3A_4183 : vector<160x128xi1>, vector<160x128xf32>
    %get3A_4211 = arith.constant 0 : index
    %get3A_4212 = arith.constant 0 : index
    %get3A_4213 = arith.constant 106 : index
    %get3A_4214 = memref.load %arg1[%get3A_4211, %get3A_4212, %get3A_4213] : memref<1x1x250xf32, #tpu.memory_space<smem>>
    %broadcast_in_dim3A_4215 = vector.broadcast %get3A_4214 : f32 to vector<160x128xf32>
    %select_n3A_4216 = arith.select %eq3A_4204, %broadcast_in_dim3A_4215, %select_n3A_4189 : vector<160x128xi1>, vector<160x128xf32>
    %get3A_4217 = arith.constant 0 : index
    %get3A_4218 = arith.constant 0 : index
    %get3A_4219 = arith.constant 107 : index
    %get3A_4220 = memref.load %arg1[%get3A_4217, %get3A_4218, %get3A_4219] : memref<1x1x250xf32, #tpu.memory_space<smem>>
    %broadcast_in_dim3A_4221 = vector.broadcast %get3A_4220 : f32 to vector<160x128xf32>
    %select_n3A_4222 = arith.select %eq3A_4204, %broadcast_in_dim3A_4221, %select_n3A_4195 : vector<160x128xi1>, vector<160x128xf32>
    %get3A_4223 = arith.constant 0 : index
    %get3A_4224 = arith.constant 0 : index
    %get3A_4225 = arith.constant 108 : index
    %get3A_4226 = memref.load %arg1[%get3A_4223, %get3A_4224, %get3A_4225] : memref<1x1x250xf32, #tpu.memory_space<smem>>
    %broadcast_in_dim3A_4227 = vector.broadcast %get3A_4226 : f32 to vector<160x128xf32>
    %select_n3A_4228 = arith.select %eq3A_4204, %broadcast_in_dim3A_4227, %select_n3A_4201 : vector<160x128xi1>, vector<160x128xf32>
    %eq3A_4229 = arith.constant 22 : i32
    %eq3A_4230 = vector.broadcast %eq3A_4229 : i32 to vector<160x128xi32>
    %eq3A_4231 = arith.cmpi eq, %select_n3A_3632, %eq3A_4230 : vector<160x128xi32>
    %get3A_4232 = arith.constant 0 : index
    %get3A_4233 = arith.constant 0 : index
    %get3A_4234 = arith.constant 110 : index
    %get3A_4235 = memref.load %arg1[%get3A_4232, %get3A_4233, %get3A_4234] : memref<1x1x250xf32, #tpu.memory_space<smem>>
    %broadcast_in_dim3A_4236 = vector.broadcast %get3A_4235 : f32 to vector<160x128xf32>
    %select_n3A_4237 = arith.select %eq3A_4231, %broadcast_in_dim3A_4236, %select_n3A_4210 : vector<160x128xi1>, vector<160x128xf32>
    %get3A_4238 = arith.constant 0 : index
    %get3A_4239 = arith.constant 0 : index
    %get3A_4240 = arith.constant 111 : index
    %get3A_4241 = memref.load %arg1[%get3A_4238, %get3A_4239, %get3A_4240] : memref<1x1x250xf32, #tpu.memory_space<smem>>
    %broadcast_in_dim3A_4242 = vector.broadcast %get3A_4241 : f32 to vector<160x128xf32>
    %select_n3A_4243 = arith.select %eq3A_4231, %broadcast_in_dim3A_4242, %select_n3A_4216 : vector<160x128xi1>, vector<160x128xf32>
    %get3A_4244 = arith.constant 0 : index
    %get3A_4245 = arith.constant 0 : index
    %get3A_4246 = arith.constant 112 : index
    %get3A_4247 = memref.load %arg1[%get3A_4244, %get3A_4245, %get3A_4246] : memref<1x1x250xf32, #tpu.memory_space<smem>>
    %broadcast_in_dim3A_4248 = vector.broadcast %get3A_4247 : f32 to vector<160x128xf32>
    %select_n3A_4249 = arith.select %eq3A_4231, %broadcast_in_dim3A_4248, %select_n3A_4222 : vector<160x128xi1>, vector<160x128xf32>
    %get3A_4250 = arith.constant 0 : index
    %get3A_4251 = arith.constant 0 : index
    %get3A_4252 = arith.constant 113 : index
    %get3A_4253 = memref.load %arg1[%get3A_4250, %get3A_4251, %get3A_4252] : memref<1x1x250xf32, #tpu.memory_space<smem>>
    %broadcast_in_dim3A_4254 = vector.broadcast %get3A_4253 : f32 to vector<160x128xf32>
    %select_n3A_4255 = arith.select %eq3A_4231, %broadcast_in_dim3A_4254, %select_n3A_4228 : vector<160x128xi1>, vector<160x128xf32>
    %eq3A_4256 = arith.constant 23 : i32
    %eq3A_4257 = vector.broadcast %eq3A_4256 : i32 to vector<160x128xi32>
    %eq3A_4258 = arith.cmpi eq, %select_n3A_3632, %eq3A_4257 : vector<160x128xi32>
    %get3A_4259 = arith.constant 0 : index
    %get3A_4260 = arith.constant 0 : index
    %get3A_4261 = arith.constant 115 : index
    %get3A_4262 = memref.load %arg1[%get3A_4259, %get3A_4260, %get3A_4261] : memref<1x1x250xf32, #tpu.memory_space<smem>>
    %broadcast_in_dim3A_4263 = vector.broadcast %get3A_4262 : f32 to vector<160x128xf32>
    %select_n3A_4264 = arith.select %eq3A_4258, %broadcast_in_dim3A_4263, %select_n3A_4237 : vector<160x128xi1>, vector<160x128xf32>
    %get3A_4265 = arith.constant 0 : index
    %get3A_4266 = arith.constant 0 : index
    %get3A_4267 = arith.constant 116 : index
    %get3A_4268 = memref.load %arg1[%get3A_4265, %get3A_4266, %get3A_4267] : memref<1x1x250xf32, #tpu.memory_space<smem>>
    %broadcast_in_dim3A_4269 = vector.broadcast %get3A_4268 : f32 to vector<160x128xf32>
    %select_n3A_4270 = arith.select %eq3A_4258, %broadcast_in_dim3A_4269, %select_n3A_4243 : vector<160x128xi1>, vector<160x128xf32>
    %get3A_4271 = arith.constant 0 : index
    %get3A_4272 = arith.constant 0 : index
    %get3A_4273 = arith.constant 117 : index
    %get3A_4274 = memref.load %arg1[%get3A_4271, %get3A_4272, %get3A_4273] : memref<1x1x250xf32, #tpu.memory_space<smem>>
    %broadcast_in_dim3A_4275 = vector.broadcast %get3A_4274 : f32 to vector<160x128xf32>
    %select_n3A_4276 = arith.select %eq3A_4258, %broadcast_in_dim3A_4275, %select_n3A_4249 : vector<160x128xi1>, vector<160x128xf32>
    %get3A_4277 = arith.constant 0 : index
    %get3A_4278 = arith.constant 0 : index
    %get3A_4279 = arith.constant 118 : index
    %get3A_4280 = memref.load %arg1[%get3A_4277, %get3A_4278, %get3A_4279] : memref<1x1x250xf32, #tpu.memory_space<smem>>
    %broadcast_in_dim3A_4281 = vector.broadcast %get3A_4280 : f32 to vector<160x128xf32>
    %select_n3A_4282 = arith.select %eq3A_4258, %broadcast_in_dim3A_4281, %select_n3A_4255 : vector<160x128xi1>, vector<160x128xf32>
    %eq3A_4283 = arith.constant 24 : i32
    %eq3A_4284 = vector.broadcast %eq3A_4283 : i32 to vector<160x128xi32>
    %eq3A_4285 = arith.cmpi eq, %select_n3A_3632, %eq3A_4284 : vector<160x128xi32>
    %get3A_4286 = arith.constant 0 : index
    %get3A_4287 = arith.constant 0 : index
    %get3A_4288 = arith.constant 120 : index
    %get3A_4289 = memref.load %arg1[%get3A_4286, %get3A_4287, %get3A_4288] : memref<1x1x250xf32, #tpu.memory_space<smem>>
    %broadcast_in_dim3A_4290 = vector.broadcast %get3A_4289 : f32 to vector<160x128xf32>
    %select_n3A_4291 = arith.select %eq3A_4285, %broadcast_in_dim3A_4290, %select_n3A_4264 : vector<160x128xi1>, vector<160x128xf32>
    %get3A_4292 = arith.constant 0 : index
    %get3A_4293 = arith.constant 0 : index
    %get3A_4294 = arith.constant 121 : index
    %get3A_4295 = memref.load %arg1[%get3A_4292, %get3A_4293, %get3A_4294] : memref<1x1x250xf32, #tpu.memory_space<smem>>
    %broadcast_in_dim3A_4296 = vector.broadcast %get3A_4295 : f32 to vector<160x128xf32>
    %select_n3A_4297 = arith.select %eq3A_4285, %broadcast_in_dim3A_4296, %select_n3A_4270 : vector<160x128xi1>, vector<160x128xf32>
    %get3A_4298 = arith.constant 0 : index
    %get3A_4299 = arith.constant 0 : index
    %get3A_4300 = arith.constant 122 : index
    %get3A_4301 = memref.load %arg1[%get3A_4298, %get3A_4299, %get3A_4300] : memref<1x1x250xf32, #tpu.memory_space<smem>>
    %broadcast_in_dim3A_4302 = vector.broadcast %get3A_4301 : f32 to vector<160x128xf32>
    %select_n3A_4303 = arith.select %eq3A_4285, %broadcast_in_dim3A_4302, %select_n3A_4276 : vector<160x128xi1>, vector<160x128xf32>
    %get3A_4304 = arith.constant 0 : index
    %get3A_4305 = arith.constant 0 : index
    %get3A_4306 = arith.constant 123 : index
    %get3A_4307 = memref.load %arg1[%get3A_4304, %get3A_4305, %get3A_4306] : memref<1x1x250xf32, #tpu.memory_space<smem>>
    %broadcast_in_dim3A_4308 = vector.broadcast %get3A_4307 : f32 to vector<160x128xf32>
    %select_n3A_4309 = arith.select %eq3A_4285, %broadcast_in_dim3A_4308, %select_n3A_4282 : vector<160x128xi1>, vector<160x128xf32>
    %eq3A_4310 = arith.constant 25 : i32
    %eq3A_4311 = vector.broadcast %eq3A_4310 : i32 to vector<160x128xi32>
    %eq3A_4312 = arith.cmpi eq, %select_n3A_3632, %eq3A_4311 : vector<160x128xi32>
    %get3A_4313 = arith.constant 0 : index
    %get3A_4314 = arith.constant 0 : index
    %get3A_4315 = arith.constant 125 : index
    %get3A_4316 = memref.load %arg1[%get3A_4313, %get3A_4314, %get3A_4315] : memref<1x1x250xf32, #tpu.memory_space<smem>>
    %broadcast_in_dim3A_4317 = vector.broadcast %get3A_4316 : f32 to vector<160x128xf32>
    %select_n3A_4318 = arith.select %eq3A_4312, %broadcast_in_dim3A_4317, %select_n3A_4291 : vector<160x128xi1>, vector<160x128xf32>
    %get3A_4319 = arith.constant 0 : index
    %get3A_4320 = arith.constant 0 : index
    %get3A_4321 = arith.constant 126 : index
    %get3A_4322 = memref.load %arg1[%get3A_4319, %get3A_4320, %get3A_4321] : memref<1x1x250xf32, #tpu.memory_space<smem>>
    %broadcast_in_dim3A_4323 = vector.broadcast %get3A_4322 : f32 to vector<160x128xf32>
    %select_n3A_4324 = arith.select %eq3A_4312, %broadcast_in_dim3A_4323, %select_n3A_4297 : vector<160x128xi1>, vector<160x128xf32>
    %get3A_4325 = arith.constant 0 : index
    %get3A_4326 = arith.constant 0 : index
    %get3A_4327 = arith.constant 127 : index
    %get3A_4328 = memref.load %arg1[%get3A_4325, %get3A_4326, %get3A_4327] : memref<1x1x250xf32, #tpu.memory_space<smem>>
    %broadcast_in_dim3A_4329 = vector.broadcast %get3A_4328 : f32 to vector<160x128xf32>
    %select_n3A_4330 = arith.select %eq3A_4312, %broadcast_in_dim3A_4329, %select_n3A_4303 : vector<160x128xi1>, vector<160x128xf32>
    %get3A_4331 = arith.constant 0 : index
    %get3A_4332 = arith.constant 0 : index
    %get3A_4333 = arith.constant 128 : index
    %get3A_4334 = memref.load %arg1[%get3A_4331, %get3A_4332, %get3A_4333] : memref<1x1x250xf32, #tpu.memory_space<smem>>
    %broadcast_in_dim3A_4335 = vector.broadcast %get3A_4334 : f32 to vector<160x128xf32>
    %select_n3A_4336 = arith.select %eq3A_4312, %broadcast_in_dim3A_4335, %select_n3A_4309 : vector<160x128xi1>, vector<160x128xf32>
    %eq3A_4337 = arith.constant 26 : i32
    %eq3A_4338 = vector.broadcast %eq3A_4337 : i32 to vector<160x128xi32>
    %eq3A_4339 = arith.cmpi eq, %select_n3A_3632, %eq3A_4338 : vector<160x128xi32>
    %get3A_4340 = arith.constant 0 : index
    %get3A_4341 = arith.constant 0 : index
    %get3A_4342 = arith.constant 130 : index
    %get3A_4343 = memref.load %arg1[%get3A_4340, %get3A_4341, %get3A_4342] : memref<1x1x250xf32, #tpu.memory_space<smem>>
    %broadcast_in_dim3A_4344 = vector.broadcast %get3A_4343 : f32 to vector<160x128xf32>
    %select_n3A_4345 = arith.select %eq3A_4339, %broadcast_in_dim3A_4344, %select_n3A_4318 : vector<160x128xi1>, vector<160x128xf32>
    %get3A_4346 = arith.constant 0 : index
    %get3A_4347 = arith.constant 0 : index
    %get3A_4348 = arith.constant 131 : index
    %get3A_4349 = memref.load %arg1[%get3A_4346, %get3A_4347, %get3A_4348] : memref<1x1x250xf32, #tpu.memory_space<smem>>
    %broadcast_in_dim3A_4350 = vector.broadcast %get3A_4349 : f32 to vector<160x128xf32>
    %select_n3A_4351 = arith.select %eq3A_4339, %broadcast_in_dim3A_4350, %select_n3A_4324 : vector<160x128xi1>, vector<160x128xf32>
    %get3A_4352 = arith.constant 0 : index
    %get3A_4353 = arith.constant 0 : index
    %get3A_4354 = arith.constant 132 : index
    %get3A_4355 = memref.load %arg1[%get3A_4352, %get3A_4353, %get3A_4354] : memref<1x1x250xf32, #tpu.memory_space<smem>>
    %broadcast_in_dim3A_4356 = vector.broadcast %get3A_4355 : f32 to vector<160x128xf32>
    %select_n3A_4357 = arith.select %eq3A_4339, %broadcast_in_dim3A_4356, %select_n3A_4330 : vector<160x128xi1>, vector<160x128xf32>
    %get3A_4358 = arith.constant 0 : index
    %get3A_4359 = arith.constant 0 : index
    %get3A_4360 = arith.constant 133 : index
    %get3A_4361 = memref.load %arg1[%get3A_4358, %get3A_4359, %get3A_4360] : memref<1x1x250xf32, #tpu.memory_space<smem>>
    %broadcast_in_dim3A_4362 = vector.broadcast %get3A_4361 : f32 to vector<160x128xf32>
    %select_n3A_4363 = arith.select %eq3A_4339, %broadcast_in_dim3A_4362, %select_n3A_4336 : vector<160x128xi1>, vector<160x128xf32>
    %eq3A_4364 = arith.constant 27 : i32
    %eq3A_4365 = vector.broadcast %eq3A_4364 : i32 to vector<160x128xi32>
    %eq3A_4366 = arith.cmpi eq, %select_n3A_3632, %eq3A_4365 : vector<160x128xi32>
    %get3A_4367 = arith.constant 0 : index
    %get3A_4368 = arith.constant 0 : index
    %get3A_4369 = arith.constant 135 : index
    %get3A_4370 = memref.load %arg1[%get3A_4367, %get3A_4368, %get3A_4369] : memref<1x1x250xf32, #tpu.memory_space<smem>>
    %broadcast_in_dim3A_4371 = vector.broadcast %get3A_4370 : f32 to vector<160x128xf32>
    %select_n3A_4372 = arith.select %eq3A_4366, %broadcast_in_dim3A_4371, %select_n3A_4345 : vector<160x128xi1>, vector<160x128xf32>
    %get3A_4373 = arith.constant 0 : index
    %get3A_4374 = arith.constant 0 : index
    %get3A_4375 = arith.constant 136 : index
    %get3A_4376 = memref.load %arg1[%get3A_4373, %get3A_4374, %get3A_4375] : memref<1x1x250xf32, #tpu.memory_space<smem>>
    %broadcast_in_dim3A_4377 = vector.broadcast %get3A_4376 : f32 to vector<160x128xf32>
    %select_n3A_4378 = arith.select %eq3A_4366, %broadcast_in_dim3A_4377, %select_n3A_4351 : vector<160x128xi1>, vector<160x128xf32>
    %get3A_4379 = arith.constant 0 : index
    %get3A_4380 = arith.constant 0 : index
    %get3A_4381 = arith.constant 137 : index
    %get3A_4382 = memref.load %arg1[%get3A_4379, %get3A_4380, %get3A_4381] : memref<1x1x250xf32, #tpu.memory_space<smem>>
    %broadcast_in_dim3A_4383 = vector.broadcast %get3A_4382 : f32 to vector<160x128xf32>
    %select_n3A_4384 = arith.select %eq3A_4366, %broadcast_in_dim3A_4383, %select_n3A_4357 : vector<160x128xi1>, vector<160x128xf32>
    %get3A_4385 = arith.constant 0 : index
    %get3A_4386 = arith.constant 0 : index
    %get3A_4387 = arith.constant 138 : index
    %get3A_4388 = memref.load %arg1[%get3A_4385, %get3A_4386, %get3A_4387] : memref<1x1x250xf32, #tpu.memory_space<smem>>
    %broadcast_in_dim3A_4389 = vector.broadcast %get3A_4388 : f32 to vector<160x128xf32>
    %select_n3A_4390 = arith.select %eq3A_4366, %broadcast_in_dim3A_4389, %select_n3A_4363 : vector<160x128xi1>, vector<160x128xf32>
    %eq3A_4391 = arith.constant 28 : i32
    %eq3A_4392 = vector.broadcast %eq3A_4391 : i32 to vector<160x128xi32>
    %eq3A_4393 = arith.cmpi eq, %select_n3A_3632, %eq3A_4392 : vector<160x128xi32>
    %get3A_4394 = arith.constant 0 : index
    %get3A_4395 = arith.constant 0 : index
    %get3A_4396 = arith.constant 140 : index
    %get3A_4397 = memref.load %arg1[%get3A_4394, %get3A_4395, %get3A_4396] : memref<1x1x250xf32, #tpu.memory_space<smem>>
    %broadcast_in_dim3A_4398 = vector.broadcast %get3A_4397 : f32 to vector<160x128xf32>
    %select_n3A_4399 = arith.select %eq3A_4393, %broadcast_in_dim3A_4398, %select_n3A_4372 : vector<160x128xi1>, vector<160x128xf32>
    %get3A_4400 = arith.constant 0 : index
    %get3A_4401 = arith.constant 0 : index
    %get3A_4402 = arith.constant 141 : index
    %get3A_4403 = memref.load %arg1[%get3A_4400, %get3A_4401, %get3A_4402] : memref<1x1x250xf32, #tpu.memory_space<smem>>
    %broadcast_in_dim3A_4404 = vector.broadcast %get3A_4403 : f32 to vector<160x128xf32>
    %select_n3A_4405 = arith.select %eq3A_4393, %broadcast_in_dim3A_4404, %select_n3A_4378 : vector<160x128xi1>, vector<160x128xf32>
    %get3A_4406 = arith.constant 0 : index
    %get3A_4407 = arith.constant 0 : index
    %get3A_4408 = arith.constant 142 : index
    %get3A_4409 = memref.load %arg1[%get3A_4406, %get3A_4407, %get3A_4408] : memref<1x1x250xf32, #tpu.memory_space<smem>>
    %broadcast_in_dim3A_4410 = vector.broadcast %get3A_4409 : f32 to vector<160x128xf32>
    %select_n3A_4411 = arith.select %eq3A_4393, %broadcast_in_dim3A_4410, %select_n3A_4384 : vector<160x128xi1>, vector<160x128xf32>
    %get3A_4412 = arith.constant 0 : index
    %get3A_4413 = arith.constant 0 : index
    %get3A_4414 = arith.constant 143 : index
    %get3A_4415 = memref.load %arg1[%get3A_4412, %get3A_4413, %get3A_4414] : memref<1x1x250xf32, #tpu.memory_space<smem>>
    %broadcast_in_dim3A_4416 = vector.broadcast %get3A_4415 : f32 to vector<160x128xf32>
    %select_n3A_4417 = arith.select %eq3A_4393, %broadcast_in_dim3A_4416, %select_n3A_4390 : vector<160x128xi1>, vector<160x128xf32>
    %eq3A_4418 = arith.constant 29 : i32
    %eq3A_4419 = vector.broadcast %eq3A_4418 : i32 to vector<160x128xi32>
    %eq3A_4420 = arith.cmpi eq, %select_n3A_3632, %eq3A_4419 : vector<160x128xi32>
    %get3A_4421 = arith.constant 0 : index
    %get3A_4422 = arith.constant 0 : index
    %get3A_4423 = arith.constant 145 : index
    %get3A_4424 = memref.load %arg1[%get3A_4421, %get3A_4422, %get3A_4423] : memref<1x1x250xf32, #tpu.memory_space<smem>>
    %broadcast_in_dim3A_4425 = vector.broadcast %get3A_4424 : f32 to vector<160x128xf32>
    %select_n3A_4426 = arith.select %eq3A_4420, %broadcast_in_dim3A_4425, %select_n3A_4399 : vector<160x128xi1>, vector<160x128xf32>
    %get3A_4427 = arith.constant 0 : index
    %get3A_4428 = arith.constant 0 : index
    %get3A_4429 = arith.constant 146 : index
    %get3A_4430 = memref.load %arg1[%get3A_4427, %get3A_4428, %get3A_4429] : memref<1x1x250xf32, #tpu.memory_space<smem>>
    %broadcast_in_dim3A_4431 = vector.broadcast %get3A_4430 : f32 to vector<160x128xf32>
    %select_n3A_4432 = arith.select %eq3A_4420, %broadcast_in_dim3A_4431, %select_n3A_4405 : vector<160x128xi1>, vector<160x128xf32>
    %get3A_4433 = arith.constant 0 : index
    %get3A_4434 = arith.constant 0 : index
    %get3A_4435 = arith.constant 147 : index
    %get3A_4436 = memref.load %arg1[%get3A_4433, %get3A_4434, %get3A_4435] : memref<1x1x250xf32, #tpu.memory_space<smem>>
    %broadcast_in_dim3A_4437 = vector.broadcast %get3A_4436 : f32 to vector<160x128xf32>
    %select_n3A_4438 = arith.select %eq3A_4420, %broadcast_in_dim3A_4437, %select_n3A_4411 : vector<160x128xi1>, vector<160x128xf32>
    %get3A_4439 = arith.constant 0 : index
    %get3A_4440 = arith.constant 0 : index
    %get3A_4441 = arith.constant 148 : index
    %get3A_4442 = memref.load %arg1[%get3A_4439, %get3A_4440, %get3A_4441] : memref<1x1x250xf32, #tpu.memory_space<smem>>
    %broadcast_in_dim3A_4443 = vector.broadcast %get3A_4442 : f32 to vector<160x128xf32>
    %select_n3A_4444 = arith.select %eq3A_4420, %broadcast_in_dim3A_4443, %select_n3A_4417 : vector<160x128xi1>, vector<160x128xf32>
    %eq3A_4445 = arith.constant 30 : i32
    %eq3A_4446 = vector.broadcast %eq3A_4445 : i32 to vector<160x128xi32>
    %eq3A_4447 = arith.cmpi eq, %select_n3A_3632, %eq3A_4446 : vector<160x128xi32>
    %get3A_4448 = arith.constant 0 : index
    %get3A_4449 = arith.constant 0 : index
    %get3A_4450 = arith.constant 150 : index
    %get3A_4451 = memref.load %arg1[%get3A_4448, %get3A_4449, %get3A_4450] : memref<1x1x250xf32, #tpu.memory_space<smem>>
    %broadcast_in_dim3A_4452 = vector.broadcast %get3A_4451 : f32 to vector<160x128xf32>
    %select_n3A_4453 = arith.select %eq3A_4447, %broadcast_in_dim3A_4452, %select_n3A_4426 : vector<160x128xi1>, vector<160x128xf32>
    %get3A_4454 = arith.constant 0 : index
    %get3A_4455 = arith.constant 0 : index
    %get3A_4456 = arith.constant 151 : index
    %get3A_4457 = memref.load %arg1[%get3A_4454, %get3A_4455, %get3A_4456] : memref<1x1x250xf32, #tpu.memory_space<smem>>
    %broadcast_in_dim3A_4458 = vector.broadcast %get3A_4457 : f32 to vector<160x128xf32>
    %select_n3A_4459 = arith.select %eq3A_4447, %broadcast_in_dim3A_4458, %select_n3A_4432 : vector<160x128xi1>, vector<160x128xf32>
    %get3A_4460 = arith.constant 0 : index
    %get3A_4461 = arith.constant 0 : index
    %get3A_4462 = arith.constant 152 : index
    %get3A_4463 = memref.load %arg1[%get3A_4460, %get3A_4461, %get3A_4462] : memref<1x1x250xf32, #tpu.memory_space<smem>>
    %broadcast_in_dim3A_4464 = vector.broadcast %get3A_4463 : f32 to vector<160x128xf32>
    %select_n3A_4465 = arith.select %eq3A_4447, %broadcast_in_dim3A_4464, %select_n3A_4438 : vector<160x128xi1>, vector<160x128xf32>
    %get3A_4466 = arith.constant 0 : index
    %get3A_4467 = arith.constant 0 : index
    %get3A_4468 = arith.constant 153 : index
    %get3A_4469 = memref.load %arg1[%get3A_4466, %get3A_4467, %get3A_4468] : memref<1x1x250xf32, #tpu.memory_space<smem>>
    %broadcast_in_dim3A_4470 = vector.broadcast %get3A_4469 : f32 to vector<160x128xf32>
    %select_n3A_4471 = arith.select %eq3A_4447, %broadcast_in_dim3A_4470, %select_n3A_4444 : vector<160x128xi1>, vector<160x128xf32>
    %eq3A_4472 = arith.constant 31 : i32
    %eq3A_4473 = vector.broadcast %eq3A_4472 : i32 to vector<160x128xi32>
    %eq3A_4474 = arith.cmpi eq, %select_n3A_3632, %eq3A_4473 : vector<160x128xi32>
    %get3A_4475 = arith.constant 0 : index
    %get3A_4476 = arith.constant 0 : index
    %get3A_4477 = arith.constant 155 : index
    %get3A_4478 = memref.load %arg1[%get3A_4475, %get3A_4476, %get3A_4477] : memref<1x1x250xf32, #tpu.memory_space<smem>>
    %broadcast_in_dim3A_4479 = vector.broadcast %get3A_4478 : f32 to vector<160x128xf32>
    %select_n3A_4480 = arith.select %eq3A_4474, %broadcast_in_dim3A_4479, %select_n3A_4453 : vector<160x128xi1>, vector<160x128xf32>
    %get3A_4481 = arith.constant 0 : index
    %get3A_4482 = arith.constant 0 : index
    %get3A_4483 = arith.constant 156 : index
    %get3A_4484 = memref.load %arg1[%get3A_4481, %get3A_4482, %get3A_4483] : memref<1x1x250xf32, #tpu.memory_space<smem>>
    %broadcast_in_dim3A_4485 = vector.broadcast %get3A_4484 : f32 to vector<160x128xf32>
    %select_n3A_4486 = arith.select %eq3A_4474, %broadcast_in_dim3A_4485, %select_n3A_4459 : vector<160x128xi1>, vector<160x128xf32>
    %get3A_4487 = arith.constant 0 : index
    %get3A_4488 = arith.constant 0 : index
    %get3A_4489 = arith.constant 157 : index
    %get3A_4490 = memref.load %arg1[%get3A_4487, %get3A_4488, %get3A_4489] : memref<1x1x250xf32, #tpu.memory_space<smem>>
    %broadcast_in_dim3A_4491 = vector.broadcast %get3A_4490 : f32 to vector<160x128xf32>
    %select_n3A_4492 = arith.select %eq3A_4474, %broadcast_in_dim3A_4491, %select_n3A_4465 : vector<160x128xi1>, vector<160x128xf32>
    %get3A_4493 = arith.constant 0 : index
    %get3A_4494 = arith.constant 0 : index
    %get3A_4495 = arith.constant 158 : index
    %get3A_4496 = memref.load %arg1[%get3A_4493, %get3A_4494, %get3A_4495] : memref<1x1x250xf32, #tpu.memory_space<smem>>
    %broadcast_in_dim3A_4497 = vector.broadcast %get3A_4496 : f32 to vector<160x128xf32>
    %select_n3A_4498 = arith.select %eq3A_4474, %broadcast_in_dim3A_4497, %select_n3A_4471 : vector<160x128xi1>, vector<160x128xf32>
    %eq3A_4499 = arith.constant 32 : i32
    %eq3A_4500 = vector.broadcast %eq3A_4499 : i32 to vector<160x128xi32>
    %eq3A_4501 = arith.cmpi eq, %select_n3A_3632, %eq3A_4500 : vector<160x128xi32>
    %get3A_4502 = arith.constant 0 : index
    %get3A_4503 = arith.constant 0 : index
    %get3A_4504 = arith.constant 160 : index
    %get3A_4505 = memref.load %arg1[%get3A_4502, %get3A_4503, %get3A_4504] : memref<1x1x250xf32, #tpu.memory_space<smem>>
    %broadcast_in_dim3A_4506 = vector.broadcast %get3A_4505 : f32 to vector<160x128xf32>
    %select_n3A_4507 = arith.select %eq3A_4501, %broadcast_in_dim3A_4506, %select_n3A_4480 : vector<160x128xi1>, vector<160x128xf32>
    %get3A_4508 = arith.constant 0 : index
    %get3A_4509 = arith.constant 0 : index
    %get3A_4510 = arith.constant 161 : index
    %get3A_4511 = memref.load %arg1[%get3A_4508, %get3A_4509, %get3A_4510] : memref<1x1x250xf32, #tpu.memory_space<smem>>
    %broadcast_in_dim3A_4512 = vector.broadcast %get3A_4511 : f32 to vector<160x128xf32>
    %select_n3A_4513 = arith.select %eq3A_4501, %broadcast_in_dim3A_4512, %select_n3A_4486 : vector<160x128xi1>, vector<160x128xf32>
    %get3A_4514 = arith.constant 0 : index
    %get3A_4515 = arith.constant 0 : index
    %get3A_4516 = arith.constant 162 : index
    %get3A_4517 = memref.load %arg1[%get3A_4514, %get3A_4515, %get3A_4516] : memref<1x1x250xf32, #tpu.memory_space<smem>>
    %broadcast_in_dim3A_4518 = vector.broadcast %get3A_4517 : f32 to vector<160x128xf32>
    %select_n3A_4519 = arith.select %eq3A_4501, %broadcast_in_dim3A_4518, %select_n3A_4492 : vector<160x128xi1>, vector<160x128xf32>
    %get3A_4520 = arith.constant 0 : index
    %get3A_4521 = arith.constant 0 : index
    %get3A_4522 = arith.constant 163 : index
    %get3A_4523 = memref.load %arg1[%get3A_4520, %get3A_4521, %get3A_4522] : memref<1x1x250xf32, #tpu.memory_space<smem>>
    %broadcast_in_dim3A_4524 = vector.broadcast %get3A_4523 : f32 to vector<160x128xf32>
    %select_n3A_4525 = arith.select %eq3A_4501, %broadcast_in_dim3A_4524, %select_n3A_4498 : vector<160x128xi1>, vector<160x128xf32>
    %eq3A_4526 = arith.constant 33 : i32
    %eq3A_4527 = vector.broadcast %eq3A_4526 : i32 to vector<160x128xi32>
    %eq3A_4528 = arith.cmpi eq, %select_n3A_3632, %eq3A_4527 : vector<160x128xi32>
    %get3A_4529 = arith.constant 0 : index
    %get3A_4530 = arith.constant 0 : index
    %get3A_4531 = arith.constant 165 : index
    %get3A_4532 = memref.load %arg1[%get3A_4529, %get3A_4530, %get3A_4531] : memref<1x1x250xf32, #tpu.memory_space<smem>>
    %broadcast_in_dim3A_4533 = vector.broadcast %get3A_4532 : f32 to vector<160x128xf32>
    %select_n3A_4534 = arith.select %eq3A_4528, %broadcast_in_dim3A_4533, %select_n3A_4507 : vector<160x128xi1>, vector<160x128xf32>
    %get3A_4535 = arith.constant 0 : index
    %get3A_4536 = arith.constant 0 : index
    %get3A_4537 = arith.constant 166 : index
    %get3A_4538 = memref.load %arg1[%get3A_4535, %get3A_4536, %get3A_4537] : memref<1x1x250xf32, #tpu.memory_space<smem>>
    %broadcast_in_dim3A_4539 = vector.broadcast %get3A_4538 : f32 to vector<160x128xf32>
    %select_n3A_4540 = arith.select %eq3A_4528, %broadcast_in_dim3A_4539, %select_n3A_4513 : vector<160x128xi1>, vector<160x128xf32>
    %get3A_4541 = arith.constant 0 : index
    %get3A_4542 = arith.constant 0 : index
    %get3A_4543 = arith.constant 167 : index
    %get3A_4544 = memref.load %arg1[%get3A_4541, %get3A_4542, %get3A_4543] : memref<1x1x250xf32, #tpu.memory_space<smem>>
    %broadcast_in_dim3A_4545 = vector.broadcast %get3A_4544 : f32 to vector<160x128xf32>
    %select_n3A_4546 = arith.select %eq3A_4528, %broadcast_in_dim3A_4545, %select_n3A_4519 : vector<160x128xi1>, vector<160x128xf32>
    %get3A_4547 = arith.constant 0 : index
    %get3A_4548 = arith.constant 0 : index
    %get3A_4549 = arith.constant 168 : index
    %get3A_4550 = memref.load %arg1[%get3A_4547, %get3A_4548, %get3A_4549] : memref<1x1x250xf32, #tpu.memory_space<smem>>
    %broadcast_in_dim3A_4551 = vector.broadcast %get3A_4550 : f32 to vector<160x128xf32>
    %select_n3A_4552 = arith.select %eq3A_4528, %broadcast_in_dim3A_4551, %select_n3A_4525 : vector<160x128xi1>, vector<160x128xf32>
    %eq3A_4553 = arith.constant 34 : i32
    %eq3A_4554 = vector.broadcast %eq3A_4553 : i32 to vector<160x128xi32>
    %eq3A_4555 = arith.cmpi eq, %select_n3A_3632, %eq3A_4554 : vector<160x128xi32>
    %get3A_4556 = arith.constant 0 : index
    %get3A_4557 = arith.constant 0 : index
    %get3A_4558 = arith.constant 170 : index
    %get3A_4559 = memref.load %arg1[%get3A_4556, %get3A_4557, %get3A_4558] : memref<1x1x250xf32, #tpu.memory_space<smem>>
    %broadcast_in_dim3A_4560 = vector.broadcast %get3A_4559 : f32 to vector<160x128xf32>
    %select_n3A_4561 = arith.select %eq3A_4555, %broadcast_in_dim3A_4560, %select_n3A_4534 : vector<160x128xi1>, vector<160x128xf32>
    %get3A_4562 = arith.constant 0 : index
    %get3A_4563 = arith.constant 0 : index
    %get3A_4564 = arith.constant 171 : index
    %get3A_4565 = memref.load %arg1[%get3A_4562, %get3A_4563, %get3A_4564] : memref<1x1x250xf32, #tpu.memory_space<smem>>
    %broadcast_in_dim3A_4566 = vector.broadcast %get3A_4565 : f32 to vector<160x128xf32>
    %select_n3A_4567 = arith.select %eq3A_4555, %broadcast_in_dim3A_4566, %select_n3A_4540 : vector<160x128xi1>, vector<160x128xf32>
    %get3A_4568 = arith.constant 0 : index
    %get3A_4569 = arith.constant 0 : index
    %get3A_4570 = arith.constant 172 : index
    %get3A_4571 = memref.load %arg1[%get3A_4568, %get3A_4569, %get3A_4570] : memref<1x1x250xf32, #tpu.memory_space<smem>>
    %broadcast_in_dim3A_4572 = vector.broadcast %get3A_4571 : f32 to vector<160x128xf32>
    %select_n3A_4573 = arith.select %eq3A_4555, %broadcast_in_dim3A_4572, %select_n3A_4546 : vector<160x128xi1>, vector<160x128xf32>
    %get3A_4574 = arith.constant 0 : index
    %get3A_4575 = arith.constant 0 : index
    %get3A_4576 = arith.constant 173 : index
    %get3A_4577 = memref.load %arg1[%get3A_4574, %get3A_4575, %get3A_4576] : memref<1x1x250xf32, #tpu.memory_space<smem>>
    %broadcast_in_dim3A_4578 = vector.broadcast %get3A_4577 : f32 to vector<160x128xf32>
    %select_n3A_4579 = arith.select %eq3A_4555, %broadcast_in_dim3A_4578, %select_n3A_4552 : vector<160x128xi1>, vector<160x128xf32>
    %eq3A_4580 = arith.constant 35 : i32
    %eq3A_4581 = vector.broadcast %eq3A_4580 : i32 to vector<160x128xi32>
    %eq3A_4582 = arith.cmpi eq, %select_n3A_3632, %eq3A_4581 : vector<160x128xi32>
    %get3A_4583 = arith.constant 0 : index
    %get3A_4584 = arith.constant 0 : index
    %get3A_4585 = arith.constant 175 : index
    %get3A_4586 = memref.load %arg1[%get3A_4583, %get3A_4584, %get3A_4585] : memref<1x1x250xf32, #tpu.memory_space<smem>>
    %broadcast_in_dim3A_4587 = vector.broadcast %get3A_4586 : f32 to vector<160x128xf32>
    %select_n3A_4588 = arith.select %eq3A_4582, %broadcast_in_dim3A_4587, %select_n3A_4561 : vector<160x128xi1>, vector<160x128xf32>
    %get3A_4589 = arith.constant 0 : index
    %get3A_4590 = arith.constant 0 : index
    %get3A_4591 = arith.constant 176 : index
    %get3A_4592 = memref.load %arg1[%get3A_4589, %get3A_4590, %get3A_4591] : memref<1x1x250xf32, #tpu.memory_space<smem>>
    %broadcast_in_dim3A_4593 = vector.broadcast %get3A_4592 : f32 to vector<160x128xf32>
    %select_n3A_4594 = arith.select %eq3A_4582, %broadcast_in_dim3A_4593, %select_n3A_4567 : vector<160x128xi1>, vector<160x128xf32>
    %get3A_4595 = arith.constant 0 : index
    %get3A_4596 = arith.constant 0 : index
    %get3A_4597 = arith.constant 177 : index
    %get3A_4598 = memref.load %arg1[%get3A_4595, %get3A_4596, %get3A_4597] : memref<1x1x250xf32, #tpu.memory_space<smem>>
    %broadcast_in_dim3A_4599 = vector.broadcast %get3A_4598 : f32 to vector<160x128xf32>
    %select_n3A_4600 = arith.select %eq3A_4582, %broadcast_in_dim3A_4599, %select_n3A_4573 : vector<160x128xi1>, vector<160x128xf32>
    %get3A_4601 = arith.constant 0 : index
    %get3A_4602 = arith.constant 0 : index
    %get3A_4603 = arith.constant 178 : index
    %get3A_4604 = memref.load %arg1[%get3A_4601, %get3A_4602, %get3A_4603] : memref<1x1x250xf32, #tpu.memory_space<smem>>
    %broadcast_in_dim3A_4605 = vector.broadcast %get3A_4604 : f32 to vector<160x128xf32>
    %select_n3A_4606 = arith.select %eq3A_4582, %broadcast_in_dim3A_4605, %select_n3A_4579 : vector<160x128xi1>, vector<160x128xf32>
    %eq3A_4607 = arith.constant 36 : i32
    %eq3A_4608 = vector.broadcast %eq3A_4607 : i32 to vector<160x128xi32>
    %eq3A_4609 = arith.cmpi eq, %select_n3A_3632, %eq3A_4608 : vector<160x128xi32>
    %get3A_4610 = arith.constant 0 : index
    %get3A_4611 = arith.constant 0 : index
    %get3A_4612 = arith.constant 180 : index
    %get3A_4613 = memref.load %arg1[%get3A_4610, %get3A_4611, %get3A_4612] : memref<1x1x250xf32, #tpu.memory_space<smem>>
    %broadcast_in_dim3A_4614 = vector.broadcast %get3A_4613 : f32 to vector<160x128xf32>
    %select_n3A_4615 = arith.select %eq3A_4609, %broadcast_in_dim3A_4614, %select_n3A_4588 : vector<160x128xi1>, vector<160x128xf32>
    %get3A_4616 = arith.constant 0 : index
    %get3A_4617 = arith.constant 0 : index
    %get3A_4618 = arith.constant 181 : index
    %get3A_4619 = memref.load %arg1[%get3A_4616, %get3A_4617, %get3A_4618] : memref<1x1x250xf32, #tpu.memory_space<smem>>
    %broadcast_in_dim3A_4620 = vector.broadcast %get3A_4619 : f32 to vector<160x128xf32>
    %select_n3A_4621 = arith.select %eq3A_4609, %broadcast_in_dim3A_4620, %select_n3A_4594 : vector<160x128xi1>, vector<160x128xf32>
    %get3A_4622 = arith.constant 0 : index
    %get3A_4623 = arith.constant 0 : index
    %get3A_4624 = arith.constant 182 : index
    %get3A_4625 = memref.load %arg1[%get3A_4622, %get3A_4623, %get3A_4624] : memref<1x1x250xf32, #tpu.memory_space<smem>>
    %broadcast_in_dim3A_4626 = vector.broadcast %get3A_4625 : f32 to vector<160x128xf32>
    %select_n3A_4627 = arith.select %eq3A_4609, %broadcast_in_dim3A_4626, %select_n3A_4600 : vector<160x128xi1>, vector<160x128xf32>
    %get3A_4628 = arith.constant 0 : index
    %get3A_4629 = arith.constant 0 : index
    %get3A_4630 = arith.constant 183 : index
    %get3A_4631 = memref.load %arg1[%get3A_4628, %get3A_4629, %get3A_4630] : memref<1x1x250xf32, #tpu.memory_space<smem>>
    %broadcast_in_dim3A_4632 = vector.broadcast %get3A_4631 : f32 to vector<160x128xf32>
    %select_n3A_4633 = arith.select %eq3A_4609, %broadcast_in_dim3A_4632, %select_n3A_4606 : vector<160x128xi1>, vector<160x128xf32>
    %eq3A_4634 = arith.constant 37 : i32
    %eq3A_4635 = vector.broadcast %eq3A_4634 : i32 to vector<160x128xi32>
    %eq3A_4636 = arith.cmpi eq, %select_n3A_3632, %eq3A_4635 : vector<160x128xi32>
    %get3A_4637 = arith.constant 0 : index
    %get3A_4638 = arith.constant 0 : index
    %get3A_4639 = arith.constant 185 : index
    %get3A_4640 = memref.load %arg1[%get3A_4637, %get3A_4638, %get3A_4639] : memref<1x1x250xf32, #tpu.memory_space<smem>>
    %broadcast_in_dim3A_4641 = vector.broadcast %get3A_4640 : f32 to vector<160x128xf32>
    %select_n3A_4642 = arith.select %eq3A_4636, %broadcast_in_dim3A_4641, %select_n3A_4615 : vector<160x128xi1>, vector<160x128xf32>
    %get3A_4643 = arith.constant 0 : index
    %get3A_4644 = arith.constant 0 : index
    %get3A_4645 = arith.constant 186 : index
    %get3A_4646 = memref.load %arg1[%get3A_4643, %get3A_4644, %get3A_4645] : memref<1x1x250xf32, #tpu.memory_space<smem>>
    %broadcast_in_dim3A_4647 = vector.broadcast %get3A_4646 : f32 to vector<160x128xf32>
    %select_n3A_4648 = arith.select %eq3A_4636, %broadcast_in_dim3A_4647, %select_n3A_4621 : vector<160x128xi1>, vector<160x128xf32>
    %get3A_4649 = arith.constant 0 : index
    %get3A_4650 = arith.constant 0 : index
    %get3A_4651 = arith.constant 187 : index
    %get3A_4652 = memref.load %arg1[%get3A_4649, %get3A_4650, %get3A_4651] : memref<1x1x250xf32, #tpu.memory_space<smem>>
    %broadcast_in_dim3A_4653 = vector.broadcast %get3A_4652 : f32 to vector<160x128xf32>
    %select_n3A_4654 = arith.select %eq3A_4636, %broadcast_in_dim3A_4653, %select_n3A_4627 : vector<160x128xi1>, vector<160x128xf32>
    %get3A_4655 = arith.constant 0 : index
    %get3A_4656 = arith.constant 0 : index
    %get3A_4657 = arith.constant 188 : index
    %get3A_4658 = memref.load %arg1[%get3A_4655, %get3A_4656, %get3A_4657] : memref<1x1x250xf32, #tpu.memory_space<smem>>
    %broadcast_in_dim3A_4659 = vector.broadcast %get3A_4658 : f32 to vector<160x128xf32>
    %select_n3A_4660 = arith.select %eq3A_4636, %broadcast_in_dim3A_4659, %select_n3A_4633 : vector<160x128xi1>, vector<160x128xf32>
    %eq3A_4661 = arith.constant 38 : i32
    %eq3A_4662 = vector.broadcast %eq3A_4661 : i32 to vector<160x128xi32>
    %eq3A_4663 = arith.cmpi eq, %select_n3A_3632, %eq3A_4662 : vector<160x128xi32>
    %get3A_4664 = arith.constant 0 : index
    %get3A_4665 = arith.constant 0 : index
    %get3A_4666 = arith.constant 190 : index
    %get3A_4667 = memref.load %arg1[%get3A_4664, %get3A_4665, %get3A_4666] : memref<1x1x250xf32, #tpu.memory_space<smem>>
    %broadcast_in_dim3A_4668 = vector.broadcast %get3A_4667 : f32 to vector<160x128xf32>
    %select_n3A_4669 = arith.select %eq3A_4663, %broadcast_in_dim3A_4668, %select_n3A_4642 : vector<160x128xi1>, vector<160x128xf32>
    %get3A_4670 = arith.constant 0 : index
    %get3A_4671 = arith.constant 0 : index
    %get3A_4672 = arith.constant 191 : index
    %get3A_4673 = memref.load %arg1[%get3A_4670, %get3A_4671, %get3A_4672] : memref<1x1x250xf32, #tpu.memory_space<smem>>
    %broadcast_in_dim3A_4674 = vector.broadcast %get3A_4673 : f32 to vector<160x128xf32>
    %select_n3A_4675 = arith.select %eq3A_4663, %broadcast_in_dim3A_4674, %select_n3A_4648 : vector<160x128xi1>, vector<160x128xf32>
    %get3A_4676 = arith.constant 0 : index
    %get3A_4677 = arith.constant 0 : index
    %get3A_4678 = arith.constant 192 : index
    %get3A_4679 = memref.load %arg1[%get3A_4676, %get3A_4677, %get3A_4678] : memref<1x1x250xf32, #tpu.memory_space<smem>>
    %broadcast_in_dim3A_4680 = vector.broadcast %get3A_4679 : f32 to vector<160x128xf32>
    %select_n3A_4681 = arith.select %eq3A_4663, %broadcast_in_dim3A_4680, %select_n3A_4654 : vector<160x128xi1>, vector<160x128xf32>
    %get3A_4682 = arith.constant 0 : index
    %get3A_4683 = arith.constant 0 : index
    %get3A_4684 = arith.constant 193 : index
    %get3A_4685 = memref.load %arg1[%get3A_4682, %get3A_4683, %get3A_4684] : memref<1x1x250xf32, #tpu.memory_space<smem>>
    %broadcast_in_dim3A_4686 = vector.broadcast %get3A_4685 : f32 to vector<160x128xf32>
    %select_n3A_4687 = arith.select %eq3A_4663, %broadcast_in_dim3A_4686, %select_n3A_4660 : vector<160x128xi1>, vector<160x128xf32>
    %eq3A_4688 = arith.constant 39 : i32
    %eq3A_4689 = vector.broadcast %eq3A_4688 : i32 to vector<160x128xi32>
    %eq3A_4690 = arith.cmpi eq, %select_n3A_3632, %eq3A_4689 : vector<160x128xi32>
    %get3A_4691 = arith.constant 0 : index
    %get3A_4692 = arith.constant 0 : index
    %get3A_4693 = arith.constant 195 : index
    %get3A_4694 = memref.load %arg1[%get3A_4691, %get3A_4692, %get3A_4693] : memref<1x1x250xf32, #tpu.memory_space<smem>>
    %broadcast_in_dim3A_4695 = vector.broadcast %get3A_4694 : f32 to vector<160x128xf32>
    %select_n3A_4696 = arith.select %eq3A_4690, %broadcast_in_dim3A_4695, %select_n3A_4669 : vector<160x128xi1>, vector<160x128xf32>
    %get3A_4697 = arith.constant 0 : index
    %get3A_4698 = arith.constant 0 : index
    %get3A_4699 = arith.constant 196 : index
    %get3A_4700 = memref.load %arg1[%get3A_4697, %get3A_4698, %get3A_4699] : memref<1x1x250xf32, #tpu.memory_space<smem>>
    %broadcast_in_dim3A_4701 = vector.broadcast %get3A_4700 : f32 to vector<160x128xf32>
    %select_n3A_4702 = arith.select %eq3A_4690, %broadcast_in_dim3A_4701, %select_n3A_4675 : vector<160x128xi1>, vector<160x128xf32>
    %get3A_4703 = arith.constant 0 : index
    %get3A_4704 = arith.constant 0 : index
    %get3A_4705 = arith.constant 197 : index
    %get3A_4706 = memref.load %arg1[%get3A_4703, %get3A_4704, %get3A_4705] : memref<1x1x250xf32, #tpu.memory_space<smem>>
    %broadcast_in_dim3A_4707 = vector.broadcast %get3A_4706 : f32 to vector<160x128xf32>
    %select_n3A_4708 = arith.select %eq3A_4690, %broadcast_in_dim3A_4707, %select_n3A_4681 : vector<160x128xi1>, vector<160x128xf32>
    %get3A_4709 = arith.constant 0 : index
    %get3A_4710 = arith.constant 0 : index
    %get3A_4711 = arith.constant 198 : index
    %get3A_4712 = memref.load %arg1[%get3A_4709, %get3A_4710, %get3A_4711] : memref<1x1x250xf32, #tpu.memory_space<smem>>
    %broadcast_in_dim3A_4713 = vector.broadcast %get3A_4712 : f32 to vector<160x128xf32>
    %select_n3A_4714 = arith.select %eq3A_4690, %broadcast_in_dim3A_4713, %select_n3A_4687 : vector<160x128xi1>, vector<160x128xf32>
    %eq3A_4715 = arith.constant 40 : i32
    %eq3A_4716 = vector.broadcast %eq3A_4715 : i32 to vector<160x128xi32>
    %eq3A_4717 = arith.cmpi eq, %select_n3A_3632, %eq3A_4716 : vector<160x128xi32>
    %get3A_4718 = arith.constant 0 : index
    %get3A_4719 = arith.constant 0 : index
    %get3A_4720 = arith.constant 200 : index
    %get3A_4721 = memref.load %arg1[%get3A_4718, %get3A_4719, %get3A_4720] : memref<1x1x250xf32, #tpu.memory_space<smem>>
    %broadcast_in_dim3A_4722 = vector.broadcast %get3A_4721 : f32 to vector<160x128xf32>
    %select_n3A_4723 = arith.select %eq3A_4717, %broadcast_in_dim3A_4722, %select_n3A_4696 : vector<160x128xi1>, vector<160x128xf32>
    %get3A_4724 = arith.constant 0 : index
    %get3A_4725 = arith.constant 0 : index
    %get3A_4726 = arith.constant 201 : index
    %get3A_4727 = memref.load %arg1[%get3A_4724, %get3A_4725, %get3A_4726] : memref<1x1x250xf32, #tpu.memory_space<smem>>
    %broadcast_in_dim3A_4728 = vector.broadcast %get3A_4727 : f32 to vector<160x128xf32>
    %select_n3A_4729 = arith.select %eq3A_4717, %broadcast_in_dim3A_4728, %select_n3A_4702 : vector<160x128xi1>, vector<160x128xf32>
    %get3A_4730 = arith.constant 0 : index
    %get3A_4731 = arith.constant 0 : index
    %get3A_4732 = arith.constant 202 : index
    %get3A_4733 = memref.load %arg1[%get3A_4730, %get3A_4731, %get3A_4732] : memref<1x1x250xf32, #tpu.memory_space<smem>>
    %broadcast_in_dim3A_4734 = vector.broadcast %get3A_4733 : f32 to vector<160x128xf32>
    %select_n3A_4735 = arith.select %eq3A_4717, %broadcast_in_dim3A_4734, %select_n3A_4708 : vector<160x128xi1>, vector<160x128xf32>
    %get3A_4736 = arith.constant 0 : index
    %get3A_4737 = arith.constant 0 : index
    %get3A_4738 = arith.constant 203 : index
    %get3A_4739 = memref.load %arg1[%get3A_4736, %get3A_4737, %get3A_4738] : memref<1x1x250xf32, #tpu.memory_space<smem>>
    %broadcast_in_dim3A_4740 = vector.broadcast %get3A_4739 : f32 to vector<160x128xf32>
    %select_n3A_4741 = arith.select %eq3A_4717, %broadcast_in_dim3A_4740, %select_n3A_4714 : vector<160x128xi1>, vector<160x128xf32>
    %eq3A_4742 = arith.constant 41 : i32
    %eq3A_4743 = vector.broadcast %eq3A_4742 : i32 to vector<160x128xi32>
    %eq3A_4744 = arith.cmpi eq, %select_n3A_3632, %eq3A_4743 : vector<160x128xi32>
    %get3A_4745 = arith.constant 0 : index
    %get3A_4746 = arith.constant 0 : index
    %get3A_4747 = arith.constant 205 : index
    %get3A_4748 = memref.load %arg1[%get3A_4745, %get3A_4746, %get3A_4747] : memref<1x1x250xf32, #tpu.memory_space<smem>>
    %broadcast_in_dim3A_4749 = vector.broadcast %get3A_4748 : f32 to vector<160x128xf32>
    %select_n3A_4750 = arith.select %eq3A_4744, %broadcast_in_dim3A_4749, %select_n3A_4723 : vector<160x128xi1>, vector<160x128xf32>
    %get3A_4751 = arith.constant 0 : index
    %get3A_4752 = arith.constant 0 : index
    %get3A_4753 = arith.constant 206 : index
    %get3A_4754 = memref.load %arg1[%get3A_4751, %get3A_4752, %get3A_4753] : memref<1x1x250xf32, #tpu.memory_space<smem>>
    %broadcast_in_dim3A_4755 = vector.broadcast %get3A_4754 : f32 to vector<160x128xf32>
    %select_n3A_4756 = arith.select %eq3A_4744, %broadcast_in_dim3A_4755, %select_n3A_4729 : vector<160x128xi1>, vector<160x128xf32>
    %get3A_4757 = arith.constant 0 : index
    %get3A_4758 = arith.constant 0 : index
    %get3A_4759 = arith.constant 207 : index
    %get3A_4760 = memref.load %arg1[%get3A_4757, %get3A_4758, %get3A_4759] : memref<1x1x250xf32, #tpu.memory_space<smem>>
    %broadcast_in_dim3A_4761 = vector.broadcast %get3A_4760 : f32 to vector<160x128xf32>
    %select_n3A_4762 = arith.select %eq3A_4744, %broadcast_in_dim3A_4761, %select_n3A_4735 : vector<160x128xi1>, vector<160x128xf32>
    %get3A_4763 = arith.constant 0 : index
    %get3A_4764 = arith.constant 0 : index
    %get3A_4765 = arith.constant 208 : index
    %get3A_4766 = memref.load %arg1[%get3A_4763, %get3A_4764, %get3A_4765] : memref<1x1x250xf32, #tpu.memory_space<smem>>
    %broadcast_in_dim3A_4767 = vector.broadcast %get3A_4766 : f32 to vector<160x128xf32>
    %select_n3A_4768 = arith.select %eq3A_4744, %broadcast_in_dim3A_4767, %select_n3A_4741 : vector<160x128xi1>, vector<160x128xf32>
    %eq3A_4769 = arith.constant 42 : i32
    %eq3A_4770 = vector.broadcast %eq3A_4769 : i32 to vector<160x128xi32>
    %eq3A_4771 = arith.cmpi eq, %select_n3A_3632, %eq3A_4770 : vector<160x128xi32>
    %get3A_4772 = arith.constant 0 : index
    %get3A_4773 = arith.constant 0 : index
    %get3A_4774 = arith.constant 210 : index
    %get3A_4775 = memref.load %arg1[%get3A_4772, %get3A_4773, %get3A_4774] : memref<1x1x250xf32, #tpu.memory_space<smem>>
    %broadcast_in_dim3A_4776 = vector.broadcast %get3A_4775 : f32 to vector<160x128xf32>
    %select_n3A_4777 = arith.select %eq3A_4771, %broadcast_in_dim3A_4776, %select_n3A_4750 : vector<160x128xi1>, vector<160x128xf32>
    %get3A_4778 = arith.constant 0 : index
    %get3A_4779 = arith.constant 0 : index
    %get3A_4780 = arith.constant 211 : index
    %get3A_4781 = memref.load %arg1[%get3A_4778, %get3A_4779, %get3A_4780] : memref<1x1x250xf32, #tpu.memory_space<smem>>
    %broadcast_in_dim3A_4782 = vector.broadcast %get3A_4781 : f32 to vector<160x128xf32>
    %select_n3A_4783 = arith.select %eq3A_4771, %broadcast_in_dim3A_4782, %select_n3A_4756 : vector<160x128xi1>, vector<160x128xf32>
    %get3A_4784 = arith.constant 0 : index
    %get3A_4785 = arith.constant 0 : index
    %get3A_4786 = arith.constant 212 : index
    %get3A_4787 = memref.load %arg1[%get3A_4784, %get3A_4785, %get3A_4786] : memref<1x1x250xf32, #tpu.memory_space<smem>>
    %broadcast_in_dim3A_4788 = vector.broadcast %get3A_4787 : f32 to vector<160x128xf32>
    %select_n3A_4789 = arith.select %eq3A_4771, %broadcast_in_dim3A_4788, %select_n3A_4762 : vector<160x128xi1>, vector<160x128xf32>
    %get3A_4790 = arith.constant 0 : index
    %get3A_4791 = arith.constant 0 : index
    %get3A_4792 = arith.constant 213 : index
    %get3A_4793 = memref.load %arg1[%get3A_4790, %get3A_4791, %get3A_4792] : memref<1x1x250xf32, #tpu.memory_space<smem>>
    %broadcast_in_dim3A_4794 = vector.broadcast %get3A_4793 : f32 to vector<160x128xf32>
    %select_n3A_4795 = arith.select %eq3A_4771, %broadcast_in_dim3A_4794, %select_n3A_4768 : vector<160x128xi1>, vector<160x128xf32>
    %eq3A_4796 = arith.constant 43 : i32
    %eq3A_4797 = vector.broadcast %eq3A_4796 : i32 to vector<160x128xi32>
    %eq3A_4798 = arith.cmpi eq, %select_n3A_3632, %eq3A_4797 : vector<160x128xi32>
    %get3A_4799 = arith.constant 0 : index
    %get3A_4800 = arith.constant 0 : index
    %get3A_4801 = arith.constant 215 : index
    %get3A_4802 = memref.load %arg1[%get3A_4799, %get3A_4800, %get3A_4801] : memref<1x1x250xf32, #tpu.memory_space<smem>>
    %broadcast_in_dim3A_4803 = vector.broadcast %get3A_4802 : f32 to vector<160x128xf32>
    %select_n3A_4804 = arith.select %eq3A_4798, %broadcast_in_dim3A_4803, %select_n3A_4777 : vector<160x128xi1>, vector<160x128xf32>
    %get3A_4805 = arith.constant 0 : index
    %get3A_4806 = arith.constant 0 : index
    %get3A_4807 = arith.constant 216 : index
    %get3A_4808 = memref.load %arg1[%get3A_4805, %get3A_4806, %get3A_4807] : memref<1x1x250xf32, #tpu.memory_space<smem>>
    %broadcast_in_dim3A_4809 = vector.broadcast %get3A_4808 : f32 to vector<160x128xf32>
    %select_n3A_4810 = arith.select %eq3A_4798, %broadcast_in_dim3A_4809, %select_n3A_4783 : vector<160x128xi1>, vector<160x128xf32>
    %get3A_4811 = arith.constant 0 : index
    %get3A_4812 = arith.constant 0 : index
    %get3A_4813 = arith.constant 217 : index
    %get3A_4814 = memref.load %arg1[%get3A_4811, %get3A_4812, %get3A_4813] : memref<1x1x250xf32, #tpu.memory_space<smem>>
    %broadcast_in_dim3A_4815 = vector.broadcast %get3A_4814 : f32 to vector<160x128xf32>
    %select_n3A_4816 = arith.select %eq3A_4798, %broadcast_in_dim3A_4815, %select_n3A_4789 : vector<160x128xi1>, vector<160x128xf32>
    %get3A_4817 = arith.constant 0 : index
    %get3A_4818 = arith.constant 0 : index
    %get3A_4819 = arith.constant 218 : index
    %get3A_4820 = memref.load %arg1[%get3A_4817, %get3A_4818, %get3A_4819] : memref<1x1x250xf32, #tpu.memory_space<smem>>
    %broadcast_in_dim3A_4821 = vector.broadcast %get3A_4820 : f32 to vector<160x128xf32>
    %select_n3A_4822 = arith.select %eq3A_4798, %broadcast_in_dim3A_4821, %select_n3A_4795 : vector<160x128xi1>, vector<160x128xf32>
    %eq3A_4823 = arith.constant 44 : i32
    %eq3A_4824 = vector.broadcast %eq3A_4823 : i32 to vector<160x128xi32>
    %eq3A_4825 = arith.cmpi eq, %select_n3A_3632, %eq3A_4824 : vector<160x128xi32>
    %get3A_4826 = arith.constant 0 : index
    %get3A_4827 = arith.constant 0 : index
    %get3A_4828 = arith.constant 220 : index
    %get3A_4829 = memref.load %arg1[%get3A_4826, %get3A_4827, %get3A_4828] : memref<1x1x250xf32, #tpu.memory_space<smem>>
    %broadcast_in_dim3A_4830 = vector.broadcast %get3A_4829 : f32 to vector<160x128xf32>
    %select_n3A_4831 = arith.select %eq3A_4825, %broadcast_in_dim3A_4830, %select_n3A_4804 : vector<160x128xi1>, vector<160x128xf32>
    %get3A_4832 = arith.constant 0 : index
    %get3A_4833 = arith.constant 0 : index
    %get3A_4834 = arith.constant 221 : index
    %get3A_4835 = memref.load %arg1[%get3A_4832, %get3A_4833, %get3A_4834] : memref<1x1x250xf32, #tpu.memory_space<smem>>
    %broadcast_in_dim3A_4836 = vector.broadcast %get3A_4835 : f32 to vector<160x128xf32>
    %select_n3A_4837 = arith.select %eq3A_4825, %broadcast_in_dim3A_4836, %select_n3A_4810 : vector<160x128xi1>, vector<160x128xf32>
    %get3A_4838 = arith.constant 0 : index
    %get3A_4839 = arith.constant 0 : index
    %get3A_4840 = arith.constant 222 : index
    %get3A_4841 = memref.load %arg1[%get3A_4838, %get3A_4839, %get3A_4840] : memref<1x1x250xf32, #tpu.memory_space<smem>>
    %broadcast_in_dim3A_4842 = vector.broadcast %get3A_4841 : f32 to vector<160x128xf32>
    %select_n3A_4843 = arith.select %eq3A_4825, %broadcast_in_dim3A_4842, %select_n3A_4816 : vector<160x128xi1>, vector<160x128xf32>
    %get3A_4844 = arith.constant 0 : index
    %get3A_4845 = arith.constant 0 : index
    %get3A_4846 = arith.constant 223 : index
    %get3A_4847 = memref.load %arg1[%get3A_4844, %get3A_4845, %get3A_4846] : memref<1x1x250xf32, #tpu.memory_space<smem>>
    %broadcast_in_dim3A_4848 = vector.broadcast %get3A_4847 : f32 to vector<160x128xf32>
    %select_n3A_4849 = arith.select %eq3A_4825, %broadcast_in_dim3A_4848, %select_n3A_4822 : vector<160x128xi1>, vector<160x128xf32>
    %eq3A_4850 = arith.constant 45 : i32
    %eq3A_4851 = vector.broadcast %eq3A_4850 : i32 to vector<160x128xi32>
    %eq3A_4852 = arith.cmpi eq, %select_n3A_3632, %eq3A_4851 : vector<160x128xi32>
    %get3A_4853 = arith.constant 0 : index
    %get3A_4854 = arith.constant 0 : index
    %get3A_4855 = arith.constant 225 : index
    %get3A_4856 = memref.load %arg1[%get3A_4853, %get3A_4854, %get3A_4855] : memref<1x1x250xf32, #tpu.memory_space<smem>>
    %broadcast_in_dim3A_4857 = vector.broadcast %get3A_4856 : f32 to vector<160x128xf32>
    %select_n3A_4858 = arith.select %eq3A_4852, %broadcast_in_dim3A_4857, %select_n3A_4831 : vector<160x128xi1>, vector<160x128xf32>
    %get3A_4859 = arith.constant 0 : index
    %get3A_4860 = arith.constant 0 : index
    %get3A_4861 = arith.constant 226 : index
    %get3A_4862 = memref.load %arg1[%get3A_4859, %get3A_4860, %get3A_4861] : memref<1x1x250xf32, #tpu.memory_space<smem>>
    %broadcast_in_dim3A_4863 = vector.broadcast %get3A_4862 : f32 to vector<160x128xf32>
    %select_n3A_4864 = arith.select %eq3A_4852, %broadcast_in_dim3A_4863, %select_n3A_4837 : vector<160x128xi1>, vector<160x128xf32>
    %get3A_4865 = arith.constant 0 : index
    %get3A_4866 = arith.constant 0 : index
    %get3A_4867 = arith.constant 227 : index
    %get3A_4868 = memref.load %arg1[%get3A_4865, %get3A_4866, %get3A_4867] : memref<1x1x250xf32, #tpu.memory_space<smem>>
    %broadcast_in_dim3A_4869 = vector.broadcast %get3A_4868 : f32 to vector<160x128xf32>
    %select_n3A_4870 = arith.select %eq3A_4852, %broadcast_in_dim3A_4869, %select_n3A_4843 : vector<160x128xi1>, vector<160x128xf32>
    %get3A_4871 = arith.constant 0 : index
    %get3A_4872 = arith.constant 0 : index
    %get3A_4873 = arith.constant 228 : index
    %get3A_4874 = memref.load %arg1[%get3A_4871, %get3A_4872, %get3A_4873] : memref<1x1x250xf32, #tpu.memory_space<smem>>
    %broadcast_in_dim3A_4875 = vector.broadcast %get3A_4874 : f32 to vector<160x128xf32>
    %select_n3A_4876 = arith.select %eq3A_4852, %broadcast_in_dim3A_4875, %select_n3A_4849 : vector<160x128xi1>, vector<160x128xf32>
    %eq3A_4877 = arith.constant 46 : i32
    %eq3A_4878 = vector.broadcast %eq3A_4877 : i32 to vector<160x128xi32>
    %eq3A_4879 = arith.cmpi eq, %select_n3A_3632, %eq3A_4878 : vector<160x128xi32>
    %get3A_4880 = arith.constant 0 : index
    %get3A_4881 = arith.constant 0 : index
    %get3A_4882 = arith.constant 230 : index
    %get3A_4883 = memref.load %arg1[%get3A_4880, %get3A_4881, %get3A_4882] : memref<1x1x250xf32, #tpu.memory_space<smem>>
    %broadcast_in_dim3A_4884 = vector.broadcast %get3A_4883 : f32 to vector<160x128xf32>
    %select_n3A_4885 = arith.select %eq3A_4879, %broadcast_in_dim3A_4884, %select_n3A_4858 : vector<160x128xi1>, vector<160x128xf32>
    %get3A_4886 = arith.constant 0 : index
    %get3A_4887 = arith.constant 0 : index
    %get3A_4888 = arith.constant 231 : index
    %get3A_4889 = memref.load %arg1[%get3A_4886, %get3A_4887, %get3A_4888] : memref<1x1x250xf32, #tpu.memory_space<smem>>
    %broadcast_in_dim3A_4890 = vector.broadcast %get3A_4889 : f32 to vector<160x128xf32>
    %select_n3A_4891 = arith.select %eq3A_4879, %broadcast_in_dim3A_4890, %select_n3A_4864 : vector<160x128xi1>, vector<160x128xf32>
    %get3A_4892 = arith.constant 0 : index
    %get3A_4893 = arith.constant 0 : index
    %get3A_4894 = arith.constant 232 : index
    %get3A_4895 = memref.load %arg1[%get3A_4892, %get3A_4893, %get3A_4894] : memref<1x1x250xf32, #tpu.memory_space<smem>>
    %broadcast_in_dim3A_4896 = vector.broadcast %get3A_4895 : f32 to vector<160x128xf32>
    %select_n3A_4897 = arith.select %eq3A_4879, %broadcast_in_dim3A_4896, %select_n3A_4870 : vector<160x128xi1>, vector<160x128xf32>
    %get3A_4898 = arith.constant 0 : index
    %get3A_4899 = arith.constant 0 : index
    %get3A_4900 = arith.constant 233 : index
    %get3A_4901 = memref.load %arg1[%get3A_4898, %get3A_4899, %get3A_4900] : memref<1x1x250xf32, #tpu.memory_space<smem>>
    %broadcast_in_dim3A_4902 = vector.broadcast %get3A_4901 : f32 to vector<160x128xf32>
    %select_n3A_4903 = arith.select %eq3A_4879, %broadcast_in_dim3A_4902, %select_n3A_4876 : vector<160x128xi1>, vector<160x128xf32>
    %eq3A_4904 = arith.constant 47 : i32
    %eq3A_4905 = vector.broadcast %eq3A_4904 : i32 to vector<160x128xi32>
    %eq3A_4906 = arith.cmpi eq, %select_n3A_3632, %eq3A_4905 : vector<160x128xi32>
    %get3A_4907 = arith.constant 0 : index
    %get3A_4908 = arith.constant 0 : index
    %get3A_4909 = arith.constant 235 : index
    %get3A_4910 = memref.load %arg1[%get3A_4907, %get3A_4908, %get3A_4909] : memref<1x1x250xf32, #tpu.memory_space<smem>>
    %broadcast_in_dim3A_4911 = vector.broadcast %get3A_4910 : f32 to vector<160x128xf32>
    %select_n3A_4912 = arith.select %eq3A_4906, %broadcast_in_dim3A_4911, %select_n3A_4885 : vector<160x128xi1>, vector<160x128xf32>
    %get3A_4913 = arith.constant 0 : index
    %get3A_4914 = arith.constant 0 : index
    %get3A_4915 = arith.constant 236 : index
    %get3A_4916 = memref.load %arg1[%get3A_4913, %get3A_4914, %get3A_4915] : memref<1x1x250xf32, #tpu.memory_space<smem>>
    %broadcast_in_dim3A_4917 = vector.broadcast %get3A_4916 : f32 to vector<160x128xf32>
    %select_n3A_4918 = arith.select %eq3A_4906, %broadcast_in_dim3A_4917, %select_n3A_4891 : vector<160x128xi1>, vector<160x128xf32>
    %get3A_4919 = arith.constant 0 : index
    %get3A_4920 = arith.constant 0 : index
    %get3A_4921 = arith.constant 237 : index
    %get3A_4922 = memref.load %arg1[%get3A_4919, %get3A_4920, %get3A_4921] : memref<1x1x250xf32, #tpu.memory_space<smem>>
    %broadcast_in_dim3A_4923 = vector.broadcast %get3A_4922 : f32 to vector<160x128xf32>
    %select_n3A_4924 = arith.select %eq3A_4906, %broadcast_in_dim3A_4923, %select_n3A_4897 : vector<160x128xi1>, vector<160x128xf32>
    %get3A_4925 = arith.constant 0 : index
    %get3A_4926 = arith.constant 0 : index
    %get3A_4927 = arith.constant 238 : index
    %get3A_4928 = memref.load %arg1[%get3A_4925, %get3A_4926, %get3A_4927] : memref<1x1x250xf32, #tpu.memory_space<smem>>
    %broadcast_in_dim3A_4929 = vector.broadcast %get3A_4928 : f32 to vector<160x128xf32>
    %select_n3A_4930 = arith.select %eq3A_4906, %broadcast_in_dim3A_4929, %select_n3A_4903 : vector<160x128xi1>, vector<160x128xf32>
    %eq3A_4931 = arith.constant 48 : i32
    %eq3A_4932 = vector.broadcast %eq3A_4931 : i32 to vector<160x128xi32>
    %eq3A_4933 = arith.cmpi eq, %select_n3A_3632, %eq3A_4932 : vector<160x128xi32>
    %get3A_4934 = arith.constant 0 : index
    %get3A_4935 = arith.constant 0 : index
    %get3A_4936 = arith.constant 240 : index
    %get3A_4937 = memref.load %arg1[%get3A_4934, %get3A_4935, %get3A_4936] : memref<1x1x250xf32, #tpu.memory_space<smem>>
    %broadcast_in_dim3A_4938 = vector.broadcast %get3A_4937 : f32 to vector<160x128xf32>
    %select_n3A_4939 = arith.select %eq3A_4933, %broadcast_in_dim3A_4938, %select_n3A_4912 : vector<160x128xi1>, vector<160x128xf32>
    %get3A_4940 = arith.constant 0 : index
    %get3A_4941 = arith.constant 0 : index
    %get3A_4942 = arith.constant 241 : index
    %get3A_4943 = memref.load %arg1[%get3A_4940, %get3A_4941, %get3A_4942] : memref<1x1x250xf32, #tpu.memory_space<smem>>
    %broadcast_in_dim3A_4944 = vector.broadcast %get3A_4943 : f32 to vector<160x128xf32>
    %select_n3A_4945 = arith.select %eq3A_4933, %broadcast_in_dim3A_4944, %select_n3A_4918 : vector<160x128xi1>, vector<160x128xf32>
    %get3A_4946 = arith.constant 0 : index
    %get3A_4947 = arith.constant 0 : index
    %get3A_4948 = arith.constant 242 : index
    %get3A_4949 = memref.load %arg1[%get3A_4946, %get3A_4947, %get3A_4948] : memref<1x1x250xf32, #tpu.memory_space<smem>>
    %broadcast_in_dim3A_4950 = vector.broadcast %get3A_4949 : f32 to vector<160x128xf32>
    %select_n3A_4951 = arith.select %eq3A_4933, %broadcast_in_dim3A_4950, %select_n3A_4924 : vector<160x128xi1>, vector<160x128xf32>
    %get3A_4952 = arith.constant 0 : index
    %get3A_4953 = arith.constant 0 : index
    %get3A_4954 = arith.constant 243 : index
    %get3A_4955 = memref.load %arg1[%get3A_4952, %get3A_4953, %get3A_4954] : memref<1x1x250xf32, #tpu.memory_space<smem>>
    %broadcast_in_dim3A_4956 = vector.broadcast %get3A_4955 : f32 to vector<160x128xf32>
    %select_n3A_4957 = arith.select %eq3A_4933, %broadcast_in_dim3A_4956, %select_n3A_4930 : vector<160x128xi1>, vector<160x128xf32>
    %eq3A_4958 = arith.constant 49 : i32
    %eq3A_4959 = vector.broadcast %eq3A_4958 : i32 to vector<160x128xi32>
    %eq3A_4960 = arith.cmpi eq, %select_n3A_3632, %eq3A_4959 : vector<160x128xi32>
    %get3A_4961 = arith.constant 0 : index
    %get3A_4962 = arith.constant 0 : index
    %get3A_4963 = arith.constant 245 : index
    %get3A_4964 = memref.load %arg1[%get3A_4961, %get3A_4962, %get3A_4963] : memref<1x1x250xf32, #tpu.memory_space<smem>>
    %broadcast_in_dim3A_4965 = vector.broadcast %get3A_4964 : f32 to vector<160x128xf32>
    %select_n3A_4966 = arith.select %eq3A_4960, %broadcast_in_dim3A_4965, %select_n3A_4939 : vector<160x128xi1>, vector<160x128xf32>
    %get3A_4967 = arith.constant 0 : index
    %get3A_4968 = arith.constant 0 : index
    %get3A_4969 = arith.constant 246 : index
    %get3A_4970 = memref.load %arg1[%get3A_4967, %get3A_4968, %get3A_4969] : memref<1x1x250xf32, #tpu.memory_space<smem>>
    %broadcast_in_dim3A_4971 = vector.broadcast %get3A_4970 : f32 to vector<160x128xf32>
    %select_n3A_4972 = arith.select %eq3A_4960, %broadcast_in_dim3A_4971, %select_n3A_4945 : vector<160x128xi1>, vector<160x128xf32>
    %get3A_4973 = arith.constant 0 : index
    %get3A_4974 = arith.constant 0 : index
    %get3A_4975 = arith.constant 247 : index
    %get3A_4976 = memref.load %arg1[%get3A_4973, %get3A_4974, %get3A_4975] : memref<1x1x250xf32, #tpu.memory_space<smem>>
    %broadcast_in_dim3A_4977 = vector.broadcast %get3A_4976 : f32 to vector<160x128xf32>
    %select_n3A_4978 = arith.select %eq3A_4960, %broadcast_in_dim3A_4977, %select_n3A_4951 : vector<160x128xi1>, vector<160x128xf32>
    %get3A_4979 = arith.constant 0 : index
    %get3A_4980 = arith.constant 0 : index
    %get3A_4981 = arith.constant 248 : index
    %get3A_4982 = memref.load %arg1[%get3A_4979, %get3A_4980, %get3A_4981] : memref<1x1x250xf32, #tpu.memory_space<smem>>
    %broadcast_in_dim3A_4983 = vector.broadcast %get3A_4982 : f32 to vector<160x128xf32>
    %select_n3A_4984 = arith.select %eq3A_4960, %broadcast_in_dim3A_4983, %select_n3A_4957 : vector<160x128xi1>, vector<160x128xf32>
    %ge3A = arith.constant 5.000000e-01 : f32
    %ge3A_4985 = vector.broadcast %ge3A : f32 to vector<160x128xf32>
    %ge3A_4986 = arith.cmpf oge, %select_n3A_3629, %ge3A_4985 : vector<160x128xf32>
    %add3A_4987 = arith.addf %select_n3A_4966, %select_n3A_4978 : vector<160x128xf32>
    %div3A_4988 = arith.constant 2.000000e+00 : f32
    %div3A_4989 = vector.broadcast %div3A_4988 : f32 to vector<160x128xf32>
    %div3A_4990 = arith.divf %add3A_4987, %div3A_4989 : vector<160x128xf32>
    %sub3A_4991 = arith.subf %div3A_4990, %get3A_6 : vector<160x128xf32>
    %mul3A_4992 = arith.constant 1.000000e-01 : f32
    %mul3A_4993 = vector.broadcast %mul3A_4992 : f32 to vector<160x128xf32>
    %mul3A_4994 = arith.mulf %mul3A_4993, %get3A_16 : vector<160x128xf32>
    %div3A_4995 = arith.divf %sub3A_4991, %mul3A_4994 : vector<160x128xf32>
    %add3A_4996 = arith.addf %select_n3A_4972, %select_n3A_4984 : vector<160x128xf32>
    %div3A_4997 = arith.constant 2.000000e+00 : f32
    %div3A_4998 = vector.broadcast %div3A_4997 : f32 to vector<160x128xf32>
    %div3A_4999 = arith.divf %add3A_4996, %div3A_4998 : vector<160x128xf32>
    %sub3A_5000 = arith.subf %div3A_4999, %get3A_11 : vector<160x128xf32>
    %mul3A_5001 = arith.constant 1.000000e-01 : f32
    %mul3A_5002 = vector.broadcast %mul3A_5001 : f32 to vector<160x128xf32>
    %mul3A_5003 = arith.mulf %mul3A_5002, %get3A_21 : vector<160x128xf32>
    %div3A_5004 = arith.divf %sub3A_5000, %mul3A_5003 : vector<160x128xf32>
    %sub3A_5005 = arith.subf %select_n3A_4978, %select_n3A_4966 : vector<160x128xf32>
    %div3A_5006 = arith.divf %sub3A_5005, %get3A_16 : vector<160x128xf32>
    %log3A = math.log %div3A_5006 : vector<160x128xf32>
    %div3A_5007 = arith.constant 2.000000e-01 : f32
    %div3A_5008 = vector.broadcast %div3A_5007 : f32 to vector<160x128xf32>
    %div3A_5009 = arith.divf %log3A, %div3A_5008 : vector<160x128xf32>
    %sub3A_5010 = arith.subf %select_n3A_4984, %select_n3A_4972 : vector<160x128xf32>
    %div3A_5011 = arith.divf %sub3A_5010, %get3A_21 : vector<160x128xf32>
    %log3A_5012 = math.log %div3A_5011 : vector<160x128xf32>
    %div3A_5013 = arith.constant 2.000000e-01 : f32
    %div3A_5014 = vector.broadcast %div3A_5013 : f32 to vector<160x128xf32>
    %div3A_5015 = arith.divf %log3A_5012, %div3A_5014 : vector<160x128xf32>
    %get3A_5016 = arith.constant 0 : index
    %get3A_5017 = arith.constant 0 : index
    %get3A_5018 = arith.constant 0 : index
    %get3A_5019 = arith.constant 0 : index
    %get3A_5020 = vector.load %arg2[%get3A_5016, %get3A_5017, %get3A_5018, %get3A_5019] : memref<1x3x160x128xf32, #tpu.memory_space<vmem>>, vector<1x1x160x128xf32>
    %get3A_5021 = vector.shape_cast %get3A_5020 : vector<1x1x160x128xf32> to vector<160x128xf32>
    %get3A_5022 = arith.constant 0 : index
    %get3A_5023 = arith.constant 1 : index
    %get3A_5024 = arith.constant 0 : index
    %get3A_5025 = arith.constant 0 : index
    %get3A_5026 = vector.load %arg2[%get3A_5022, %get3A_5023, %get3A_5024, %get3A_5025] : memref<1x3x160x128xf32, #tpu.memory_space<vmem>>, vector<1x1x160x128xf32>
    %get3A_5027 = vector.shape_cast %get3A_5026 : vector<1x1x160x128xf32> to vector<160x128xf32>
    %get3A_5028 = arith.constant 0 : index
    %get3A_5029 = arith.constant 2 : index
    %get3A_5030 = arith.constant 0 : index
    %get3A_5031 = arith.constant 0 : index
    %get3A_5032 = vector.load %arg2[%get3A_5028, %get3A_5029, %get3A_5030, %get3A_5031] : memref<1x3x160x128xf32, #tpu.memory_space<vmem>>, vector<1x1x160x128xf32>
    %get3A_5033 = vector.shape_cast %get3A_5032 : vector<1x1x160x128xf32> to vector<160x128xf32>
    %sub3A_5034 = arith.subf %get3A_5021, %div3A_4995 : vector<160x128xf32>
    %abs3A = math.absf %sub3A_5034 : vector<160x128xf32>
    %lt3A = arith.constant 1.000000e+00 : f32
    %lt3A_5035 = vector.broadcast %lt3A : f32 to vector<160x128xf32>
    %lt3A_5036 = arith.cmpf olt, %abs3A, %lt3A_5035 : vector<160x128xf32>
    %mul3A_5037 = arith.constant 5.000000e-01 : f32
    %mul3A_5038 = vector.broadcast %mul3A_5037 : f32 to vector<160x128xf32>
    %mul3A_5039 = arith.mulf %mul3A_5038, %sub3A_5034 : vector<160x128xf32>
    %mul3A_5040 = arith.mulf %mul3A_5039, %sub3A_5034 : vector<160x128xf32>
    %sub3A_5041 = arith.constant 5.000000e-01 : f32
    %sub3A_5042 = vector.broadcast %sub3A_5041 : f32 to vector<160x128xf32>
    %sub3A_5043 = arith.subf %abs3A, %sub3A_5042 : vector<160x128xf32>
    %select_n3A_5044 = arith.select %lt3A_5036, %mul3A_5040, %sub3A_5043 : vector<160x128xi1>, vector<160x128xf32>
    %sub3A_5045 = arith.subf %get3A_5027, %div3A_5004 : vector<160x128xf32>
    %abs3A_5046 = math.absf %sub3A_5045 : vector<160x128xf32>
    %lt3A_5047 = arith.constant 1.000000e+00 : f32
    %lt3A_5048 = vector.broadcast %lt3A_5047 : f32 to vector<160x128xf32>
    %lt3A_5049 = arith.cmpf olt, %abs3A_5046, %lt3A_5048 : vector<160x128xf32>
    %mul3A_5050 = arith.constant 5.000000e-01 : f32
    %mul3A_5051 = vector.broadcast %mul3A_5050 : f32 to vector<160x128xf32>
    %mul3A_5052 = arith.mulf %mul3A_5051, %sub3A_5045 : vector<160x128xf32>
    %mul3A_5053 = arith.mulf %mul3A_5052, %sub3A_5045 : vector<160x128xf32>
    %sub3A_5054 = arith.constant 5.000000e-01 : f32
    %sub3A_5055 = vector.broadcast %sub3A_5054 : f32 to vector<160x128xf32>
    %sub3A_5056 = arith.subf %abs3A_5046, %sub3A_5055 : vector<160x128xf32>
    %select_n3A_5057 = arith.select %lt3A_5049, %mul3A_5053, %sub3A_5056 : vector<160x128xi1>, vector<160x128xf32>
    %add3A_5058 = arith.addf %select_n3A_5044, %select_n3A_5057 : vector<160x128xf32>
    %sub3A_5059 = arith.subf %get3A_5033, %div3A_5009 : vector<160x128xf32>
    %abs3A_5060 = math.absf %sub3A_5059 : vector<160x128xf32>
    %lt3A_5061 = arith.constant 1.000000e+00 : f32
    %lt3A_5062 = vector.broadcast %lt3A_5061 : f32 to vector<160x128xf32>
    %lt3A_5063 = arith.cmpf olt, %abs3A_5060, %lt3A_5062 : vector<160x128xf32>
    %mul3A_5064 = arith.constant 5.000000e-01 : f32
    %mul3A_5065 = vector.broadcast %mul3A_5064 : f32 to vector<160x128xf32>
    %mul3A_5066 = arith.mulf %mul3A_5065, %sub3A_5059 : vector<160x128xf32>
    %mul3A_5067 = arith.mulf %mul3A_5066, %sub3A_5059 : vector<160x128xf32>
    %sub3A_5068 = arith.constant 5.000000e-01 : f32
    %sub3A_5069 = vector.broadcast %sub3A_5068 : f32 to vector<160x128xf32>
    %sub3A_5070 = arith.subf %abs3A_5060, %sub3A_5069 : vector<160x128xf32>
    %select_n3A_5071 = arith.select %lt3A_5063, %mul3A_5067, %sub3A_5070 : vector<160x128xi1>, vector<160x128xf32>
    %add3A_5072 = arith.addf %add3A_5058, %select_n3A_5071 : vector<160x128xf32>
    %sub3A_5073 = arith.subf %get3A_5033, %div3A_5015 : vector<160x128xf32>
    %abs3A_5074 = math.absf %sub3A_5073 : vector<160x128xf32>
    %lt3A_5075 = arith.constant 1.000000e+00 : f32
    %lt3A_5076 = vector.broadcast %lt3A_5075 : f32 to vector<160x128xf32>
    %lt3A_5077 = arith.cmpf olt, %abs3A_5074, %lt3A_5076 : vector<160x128xf32>
    %mul3A_5078 = arith.constant 5.000000e-01 : f32
    %mul3A_5079 = vector.broadcast %mul3A_5078 : f32 to vector<160x128xf32>
    %mul3A_5080 = arith.mulf %mul3A_5079, %sub3A_5073 : vector<160x128xf32>
    %mul3A_5081 = arith.mulf %mul3A_5080, %sub3A_5073 : vector<160x128xf32>
    %sub3A_5082 = arith.constant 5.000000e-01 : f32
    %sub3A_5083 = vector.broadcast %sub3A_5082 : f32 to vector<160x128xf32>
    %sub3A_5084 = arith.subf %abs3A_5074, %sub3A_5083 : vector<160x128xf32>
    %select_n3A_5085 = arith.select %lt3A_5077, %mul3A_5081, %sub3A_5084 : vector<160x128xi1>, vector<160x128xf32>
    %add3A_5086 = arith.addf %add3A_5072, %select_n3A_5085 : vector<160x128xf32>
    %jit3A_5087 = arith.constant 0.000000e+00 : f32
    %broadcast_in_dim3A_5088 = vector.broadcast %jit3A_5087 : f32 to vector<160x128xf32>
    %select_n3A_5089 = arith.select %ge3A_4986, %add3A_5086, %broadcast_in_dim3A_5088 : vector<160x128xi1>, vector<160x128xf32>
    %reduce_sum3A = vector.shape_cast %select_n3A_5089 : vector<160x128xf32> to vector<1x160x128xf32>
    %reduce_sum3A_5090 = arith.constant dense<0.000000e+00> : vector<1xf32>
    %reduce_sum3A_5091 = vector.multi_reduction <add>, %reduce_sum3A, %reduce_sum3A_5090 [1, 2] : vector<1x160x128xf32> to vector<1xf32>
    %reduce_sum3A_5092 = vector.shape_cast %reduce_sum3A_5091 : vector<1xf32> to vector<1x1x1xf32>
    %reduce_sum3A_5093 = vector.extract %reduce_sum3A_5092[0, 0, 0] : f32 from vector<1x1x1xf32>
    %get3A_5094 = arith.constant 0 : index
    %get3A_5095 = arith.constant 0 : index
    %get3A_5096 = arith.constant 0 : index
    %get3A_5097 = arith.constant 0 : index
    %get3A_5098 = vector.load %arg3[%get3A_5094, %get3A_5095, %get3A_5096, %get3A_5097] : memref<1x2x160x128xf32, #tpu.memory_space<vmem>>, vector<1x1x160x128xf32>
    %get3A_5099 = vector.shape_cast %get3A_5098 : vector<1x1x160x128xf32> to vector<160x128xf32>
    %get3A_5100 = arith.constant 0 : index
    %get3A_5101 = arith.constant 1 : index
    %get3A_5102 = arith.constant 0 : index
    %get3A_5103 = arith.constant 0 : index
    %get3A_5104 = vector.load %arg3[%get3A_5100, %get3A_5101, %get3A_5102, %get3A_5103] : memref<1x2x160x128xf32, #tpu.memory_space<vmem>>, vector<1x1x160x128xf32>
    %get3A_5105 = vector.shape_cast %get3A_5104 : vector<1x1x160x128xf32> to vector<160x128xf32>
    %max3A_5106 = arith.maximumf %get3A_5099, %get3A_5105 : vector<160x128xf32>
    %sub3A_5107 = arith.subf %get3A_5099, %max3A_5106 : vector<160x128xf32>
    %exp3A = math.exp %sub3A_5107 : vector<160x128xf32>
    %sub3A_5108 = arith.subf %get3A_5105, %max3A_5106 : vector<160x128xf32>
    %exp3A_5109 = math.exp %sub3A_5108 : vector<160x128xf32>
    %add3A_5110 = arith.addf %exp3A, %exp3A_5109 : vector<160x128xf32>
    %log3A_5111 = math.log %add3A_5110 : vector<160x128xf32>
    %add3A_5112 = arith.addf %log3A_5111, %max3A_5106 : vector<160x128xf32>
    %select_n3A_5113 = arith.select %ge3A_4986, %get3A_5105, %get3A_5099 : vector<160x128xi1>, vector<160x128xf32>
    %sub3A_5114 = arith.subf %add3A_5112, %select_n3A_5113 : vector<160x128xf32>
    %jit3A_5115 = arith.constant 1 : i32
    %jit3A_5116 = arith.constant 0 : i32
    %broadcast_in_dim3A_5117 = vector.broadcast %jit3A_5115 : i32 to vector<160x128xi32>
    %broadcast_in_dim3A_5118 = vector.broadcast %jit3A_5116 : i32 to vector<160x128xi32>
    %select_n3A_5119 = arith.select %ge3A_4986, %broadcast_in_dim3A_5117, %broadcast_in_dim3A_5118 : vector<160x128xi1>, vector<160x128xi32>
    %reduce_sum3A_5120 = vector.shape_cast %select_n3A_5119 : vector<160x128xi32> to vector<1x160x128xi32>
    %reduce_sum3A_5121 = arith.constant dense<0> : vector<1xi32>
    %reduce_sum3A_5122 = vector.multi_reduction <add>, %reduce_sum3A_5120, %reduce_sum3A_5121 [1, 2] : vector<1x160x128xi32> to vector<1xi32>
    %reduce_sum3A_5123 = vector.shape_cast %reduce_sum3A_5122 : vector<1xi32> to vector<1x1x1xi32>
    %reduce_sum3A_5124 = vector.extract %reduce_sum3A_5123[0, 0, 0] : i32 from vector<1x1x1xi32>
    %jit3A_5125 = arith.constant 0.000000e+00 : f32
    %broadcast_in_dim3A_5126 = vector.broadcast %jit3A_5125 : f32 to vector<160x128xf32>
    %select_n3A_5127 = arith.select %ge3A_4986, %sub3A_5114, %broadcast_in_dim3A_5126 : vector<160x128xi1>, vector<160x128xf32>
    %reduce_sum3A_5128 = vector.shape_cast %select_n3A_5127 : vector<160x128xf32> to vector<1x160x128xf32>
    %reduce_sum3A_5129 = arith.constant dense<0.000000e+00> : vector<1xf32>
    %reduce_sum3A_5130 = vector.multi_reduction <add>, %reduce_sum3A_5128, %reduce_sum3A_5129 [1, 2] : vector<1x160x128xf32> to vector<1xf32>
    %reduce_sum3A_5131 = vector.shape_cast %reduce_sum3A_5130 : vector<1xf32> to vector<1x1x1xf32>
    %reduce_sum3A_5132 = vector.extract %reduce_sum3A_5131[0, 0, 0] : f32 from vector<1x1x1xf32>
    %lt3A_5133 = arith.constant 20000 : i32
    %lt3A_5134 = vector.broadcast %lt3A_5133 : i32 to vector<160x128xi32>
    %lt3A_5135 = arith.cmpi slt, %add3A, %lt3A_5134 : vector<160x128xi32>
    %not3A = arith.constant dense<true> : vector<160x128xi1>
    %not3A_5136 = arith.xori %lt3A_5135, %not3A : vector<160x128xi1>
    %or3A = arith.ori %ge3A_4986, %not3A_5136 : vector<160x128xi1>
    %jit3A_5137 = arith.constant 0.000000e+00 : f32
    %broadcast_in_dim3A_5138 = vector.broadcast %jit3A_5137 : f32 to vector<160x128xf32>
    %select_n3A_5139 = arith.select %or3A, %broadcast_in_dim3A_5138, %sub3A_5114 : vector<160x128xi1>, vector<160x128xf32>
    %reshape3A = vector.shape_cast %select_n3A_5139 : vector<160x128xf32> to vector<1x160x128xf32>
    %swap3A_5140 = arith.constant 0 : index
    %swap3A_5141 = arith.constant 0 : index
    %swap3A_5142 = arith.constant 0 : index
    %swap3A_5143 = vector.load %arg6[%swap3A_5140, %swap3A_5141, %swap3A_5142] : memref<1x160x128xf32, #tpu.memory_space<vmem>>, vector<1x160x128xf32>
    tpu.vector_store %arg6[%swap3A_5140, %swap3A_5141, %swap3A_5142], %reshape3A {strides = array<i32>} : memref<1x160x128xf32, #tpu.memory_space<vmem>>, vector<1x160x128xf32>,
    %iota3A_5144 = tpu.iota {dimensions = array<i32: 0>} : vector<8x128xi32>
    %iota3A_5145 = tpu.iota {dimensions = array<i32: 1>} : vector<8x128xi32>
    %eq3A_5146 = arith.constant 0 : i32
    %eq3A_5147 = vector.broadcast %eq3A_5146 : i32 to vector<8x128xi32>
    %eq3A_5148 = arith.cmpi eq, %iota3A_5144, %eq3A_5147 : vector<8x128xi32>
    %eq3A_5149 = arith.constant 0 : i32
    %eq3A_5150 = vector.broadcast %eq3A_5149 : i32 to vector<8x128xi32>
    %eq3A_5151 = arith.cmpi eq, %iota3A_5145, %eq3A_5150 : vector<8x128xi32>
    %and3A = arith.andi %eq3A_5148, %eq3A_5151 : vector<8x128xi1>
    %jit3A_5152 = arith.constant 0.000000e+00 : f32
    %broadcast_in_dim3A_5153 = vector.broadcast %reduce_sum3A_5093 : f32 to vector<8x128xf32>
    %broadcast_in_dim3A_5154 = vector.broadcast %jit3A_5152 : f32 to vector<8x128xf32>
    %select_n3A_5155 = arith.select %and3A, %broadcast_in_dim3A_5153, %broadcast_in_dim3A_5154 : vector<8x128xi1>, vector<8x128xf32>
    %eq3A_5156 = arith.constant 0 : i32
    %eq3A_5157 = vector.broadcast %eq3A_5156 : i32 to vector<8x128xi32>
    %eq3A_5158 = arith.cmpi eq, %iota3A_5144, %eq3A_5157 : vector<8x128xi32>
    %eq3A_5159 = arith.constant 1 : i32
    %eq3A_5160 = vector.broadcast %eq3A_5159 : i32 to vector<8x128xi32>
    %eq3A_5161 = arith.cmpi eq, %iota3A_5145, %eq3A_5160 : vector<8x128xi32>
    %and3A_5162 = arith.andi %eq3A_5158, %eq3A_5161 : vector<8x128xi1>
    %jit3A_5163 = arith.constant 0.000000e+00 : f32
    %broadcast_in_dim3A_5164 = vector.broadcast %reduce_sum3A_5132 : f32 to vector<8x128xf32>
    %broadcast_in_dim3A_5165 = vector.broadcast %jit3A_5163 : f32 to vector<8x128xf32>
    %select_n3A_5166 = arith.select %and3A_5162, %broadcast_in_dim3A_5164, %broadcast_in_dim3A_5165 : vector<8x128xi1>, vector<8x128xf32>
    %add3A_5167 = arith.addf %select_n3A_5155, %select_n3A_5166 : vector<8x128xf32>
    %eq3A_5168 = arith.constant 0 : i32
    %eq3A_5169 = vector.broadcast %eq3A_5168 : i32 to vector<8x128xi32>
    %eq3A_5170 = arith.cmpi eq, %iota3A_5144, %eq3A_5169 : vector<8x128xi32>
    %eq3A_5171 = arith.constant 2 : i32
    %eq3A_5172 = vector.broadcast %eq3A_5171 : i32 to vector<8x128xi32>
    %eq3A_5173 = arith.cmpi eq, %iota3A_5145, %eq3A_5172 : vector<8x128xi32>
    %and3A_5174 = arith.andi %eq3A_5170, %eq3A_5173 : vector<8x128xi1>
    %convert_element_type3A = arith.sitofp %reduce_sum3A_5124 : i32 to f32
    %jit3A_5175 = arith.constant 0.000000e+00 : f32
    %broadcast_in_dim3A_5176 = vector.broadcast %convert_element_type3A : f32 to vector<8x128xf32>
    %broadcast_in_dim3A_5177 = vector.broadcast %jit3A_5175 : f32 to vector<8x128xf32>
    %select_n3A_5178 = arith.select %and3A_5174, %broadcast_in_dim3A_5176, %broadcast_in_dim3A_5177 : vector<8x128xi1>, vector<8x128xf32>
    %add3A_5179 = arith.addf %add3A_5167, %select_n3A_5178 : vector<8x128xf32>
    %eq3A_5180 = arith.constant 1 : i32
    %eq3A_5181 = vector.broadcast %eq3A_5180 : i32 to vector<8x128xi32>
    %eq3A_5182 = arith.cmpi eq, %iota3A_5144, %eq3A_5181 : vector<8x128xi32>
    %eq3A_5183 = vector.broadcast %arg0 : i32 to vector<8x128xi32>
    %eq3A_5184 = arith.cmpi eq, %iota3A_5145, %eq3A_5183 : vector<8x128xi32>
    %and3A_5185 = arith.andi %eq3A_5182, %eq3A_5184 : vector<8x128xi1>
    %convert_element_type3A_5186 = arith.sitofp %reduce_sum3A_5124 : i32 to f32
    %jit3A_5187 = arith.constant 0.000000e+00 : f32
    %broadcast_in_dim3A_5188 = vector.broadcast %convert_element_type3A_5186 : f32 to vector<8x128xf32>
    %broadcast_in_dim3A_5189 = vector.broadcast %jit3A_5187 : f32 to vector<8x128xf32>
    %select_n3A_5190 = arith.select %and3A_5185, %broadcast_in_dim3A_5188, %broadcast_in_dim3A_5189 : vector<8x128xi1>, vector<8x128xf32>
    %add3A_5191 = arith.addf %add3A_5179, %select_n3A_5190 : vector<8x128xf32>
    %eq3A_5192 = arith.constant 0 : i32
    %eq3A_5193 = arith.cmpi eq, %arg0, %eq3A_5192 : i32
    %convert_element_type3A_5194 = arith.extui %eq3A_5193 : i1 to i32
    %cond3A = arith.constant 0 : i32
    %cond3A_5195 = arith.cmpi ne, %convert_element_type3A_5194, %cond3A : i32
    scf.if %cond3A_5195 {
      %broadcast_in_dim3A_5203 = arith.constant 0.000000e+00 : f32
      %broadcast_in_dim3A_5204 = vector.broadcast %broadcast_in_dim3A_5203 : f32 to vector<8x128xf32>
      %swap3A_5205 = arith.constant 0 : index
      %swap3A_5206 = arith.constant 0 : index
      %swap3A_5207 = vector.load %arg5[%swap3A_5205, %swap3A_5206] : memref<8x128xf32, #tpu.memory_space<vmem>>, vector<8x128xf32>
      tpu.vector_store %arg5[%swap3A_5205, %swap3A_5206], %broadcast_in_dim3A_5204 {strides = array<i32>} : memref<8x128xf32, #tpu.memory_space<vmem>>, vector<8x128xf32>,
    } else {
    }
    %get3A_5196 = arith.constant 0 : index
    %get3A_5197 = arith.constant 0 : index
    %get3A_5198 = vector.load %arg5[%get3A_5196, %get3A_5197] : memref<8x128xf32, #tpu.memory_space<vmem>>, vector<8x128xf32>
    %add3A_5199 = arith.addf %get3A_5198, %add3A_5191 : vector<8x128xf32>
    %swap3A_5200 = arith.constant 0 : index
    %swap3A_5201 = arith.constant 0 : index
    %swap3A_5202 = vector.load %arg5[%swap3A_5200, %swap3A_5201] : memref<8x128xf32, #tpu.memory_space<vmem>>, vector<8x128xf32>
    tpu.vector_store %arg5[%swap3A_5200, %swap3A_5201], %add3A_5199 {strides = array<i32>} : memref<8x128xf32, #tpu.memory_space<vmem>>, vector<8x128xf32>,
    return
  }
  func.func @transform_0(%arg0: i32) -> (i32, i32, i32) {
    %c0_i32 = arith.constant 0 : i32
    %c0_i32_0 = arith.constant 0 : i32
    %c0_i32_1 = arith.constant 0 : i32
    return %arg0, %c0_i32, %c0_i32_0 : i32, i32, i32
  }
  func.func @transform_1(%arg0: i32) -> (i32, i32, i32, i32) {
    %c0_i32 = arith.constant 0 : i32
    %c0_i32_0 = arith.constant 0 : i32
    %c0_i32_1 = arith.constant 0 : i32
    %c0_i32_2 = arith.constant 0 : i32
    return %arg0, %c0_i32, %c0_i32_0, %c0_i32_1 : i32, i32, i32, i32
  }
  func.func @transform_2(%arg0: i32) -> (i32, i32, i32, i32) {
    %c0_i32 = arith.constant 0 : i32
    %c0_i32_0 = arith.constant 0 : i32
    %c0_i32_1 = arith.constant 0 : i32
    %c0_i32_2 = arith.constant 0 : i32
    return %arg0, %c0_i32, %c0_i32_0, %c0_i32_1 : i32, i32, i32, i32
  }
  func.func @transform_3(%arg0: i32) -> (i32, i32, i32) {
    %c0_i32 = arith.constant 0 : i32
    %c0_i32_0 = arith.constant 0 : i32
    %c0_i32_1 = arith.constant 0 : i32
    %c0_i32_2 = arith.constant 0 : i32
    return %c0_i32, %c0_i32_0, %c0_i32_1 : i32, i32, i32
  }
  func.func @transform_4(%arg0: i32) -> (i32, i32) {
    %c0_i32 = arith.constant 0 : i32
    %c0_i32_0 = arith.constant 0 : i32
    %c0_i32_1 = arith.constant 0 : i32
    return %c0_i32, %c0_i32_0 : i32, i32
  }
  func.func @transform_5(%arg0: i32) -> (i32, i32, i32) {
    %c0_i32 = arith.constant 0 : i32
    %c0_i32_0 = arith.constant 0 : i32
    %c0_i32_1 = arith.constant 0 : i32
    return %arg0, %c0_i32, %c0_i32_0 : i32, i32, i32
  }
}

</mosaic_0001>

<sc_bundles>
// kernel: kernel.4.cloned.1.call-start
scs
__scs_entry_jumppad:
0x0: {  	(pc) =	sbr.rel $0x88, $3  }
0x1: {  	(tag) =	ssettag $0x0;
	lr =	simm.s32 $0x1  }
0x2: {  	[smem:$0x3F9D] =	sst lr;
	_ =	strace $0xD0000000  }
0x3: {  	_ = 	snop  }
0x4: {  	_ = 	snop  }
0x5: {  	_ = 	snop  }
0x6: {  	_ = 	snop  }
0x7: {  	_ = 	snop  }
__scs_overlays_trampoline_lowered:
0x8: {  	[smem:$0x3FAC] =	sst s0  }
0x9: {  	[smem:$0x3FAD] =	sst s1  }
0xa: {  	[smem:$0x3FAE] =	sst s2  }
0xb: {  	[smem:$0x3FAF] =	sst s3  }
0xc: {  	[smem:$0x3FB0] =	sst s4  }
0xd: {  	[smem:$0x3FB1] =	sst s5  }
0xe: {  	[smem:$0x3FB2] =	sst s6  }
0xf: {  	[smem:$0x3FB3] =	sst s7  }
0x10: {  	[smem:$0x3FB4] =	sst s8  }
0x11: {  	[smem:$0x3FB5] =	sst s9;
	s0 =	simm.s32 @!p0 $0x0  }
0x12: {  	s1 =	sld [smem:$0x3F9B];
	s0 =	simm.s32 @p0 $0x1  }
0x13: {  	[smem:$0x3FB6] =	sst s0;
	s0 =	simm.s32 @!p1 $0x0  }
0x14: {  	s2 =	sld [smem:$0x3F9A];
	s0 =	simm.s32 @p1 $0x1  }
0x15: {  	[smem:$0x3FB7] =	sst s0;
	s0 =	simm.s32 @!p2 $0x0  }
0x16: {  	s3 =	sld [smem:$0x3FDB];
	s0 =	simm.s32 @p2 $0x1  }
0x17: {  	s4 =	simm.s32 $0x1BF5;
	[smem:$0x3FB9] =	sst s0  }
0x18: {  	s0 =	sld [smem:$0x3F9C];
	_ =	swait.ge [sflag:s4], $0x0  }
0x19: {  	s7 =	sld [smem:$0x3F9D]  }
0x1a: {  	s8 =	sadd.s32 $0xFFFFE003, lr  }
0x1b: {  	s9 =	sadd.s32 $0xFFFFFEF7, lr;
	s5 =	simm.s32 $0xFFFFFFFF;
	p2 =	slt.u32 s8, $0xFFFFF086  }
0x1c: {  	p1 =	slt.u32 s9, $0xF7A;
	s5 =	simm.s32 @!p2 $0x0  }
0x1d: {  	s5 =	simm.s32 @p1 $0x1;
	p0 =	seq.s32 s7, s2  }
0x1e: {  	s7 =	smul.u32 @!p0 $0xF7A, s2;
	p2 =	seq.s32 @!p0 s5, $0x0  }
0x1f: {  	s9 =	smul.u32 $0xF7A, s1;
	s8 =	simm.s32 @!p0 $0x1BF5;
	p2 =	por !p2, p0  }
0x20: {  	[sflag:s8] =	ssyncset.s32 @!p0 $0xFFFFF086;
	s6 =	sadd.s32 @!p0 s3, s7;
	s7 =	simm.s32 @!p0 $0x108  }
0x21: {  	s3 =	sadd.s32 s3, s9;
	s6 =	sadd.s32 @!p0 $0x88, s6;
	s7 =	simm.s32 @p2 $0x1082  }
0x22: {  	[simem:s7], [sflag:s8] =	dma.local @!p0 [hbm:s6], $0xF7A  }
0x23: {  	s9 =	sor.u32 $0xD0000000, s2;
	s6 =	simm.s32 $0x108;
	_ =	swait.ge @!p0 [sflag:s8], $0x0  }
0x24: {  	s3 =	sadd.s32 $0x88, s3;
	s6 =	simm.s32 @!p1 $0x1082;
	[sflag:s4] =	ssyncset.s32 $0xFFFFF086  }
0x25: {  	[simem:s6], [sflag:s4] =	dma.local [hbm:s3], $0xF7A  }
0x26: {  	[smem:$0x3F9D] =	sst s1;
	(tag) =	ssettag s2;
	_ =	strace s9  }
0x27: {  	s1 =	sld [smem:$0x3FAD]  }
0x28: {  	s2 =	sld [smem:$0x3FAE]  }
0x29: {  	s4 =	sld [smem:$0x3FB0]  }
0x2a: {  	p0 =	seq.s32 s5, $0x0;
	s5 =	sld [smem:$0x3FB1]  }
0x2b: {  	s6 =	sld [smem:$0x3FB2]  }
0x2c: {  	s7 =	sld [smem:$0x3FB3]  }
0x2d: {  	s3 =	simm.s32 $0x108;
	s8 =	sld [smem:$0x3FB4]  }
0x2e: {  	s3 =	simm.s32 @!p0 $0x1082;
	s9 =	sld [smem:$0x3FB5]  }
0x2f: {  	lr =	sadd.s32 s0, s3;
	s0 =	sld [smem:$0x3FAC]  }
0x30: {  	s3 =	sld [smem:$0x3FAF]  }
0x31: {  	[smem:$0x3FB8] =	sst s10  }
0x32: {  	s10 =	sld [smem:$0x3FB6];
	_ =	sdelay $0x3  }
0x33: {  	p0 =	seq.s32 s10, $0x1;
	s10 =	sld [smem:$0x3FB8];
	_ =	sdelay $0x3  }
0x34: {  	[smem:$0x3FB8] =	sst s10  }
0x35: {  	s10 =	sld [smem:$0x3FB7];
	_ =	sdelay $0x3  }
0x36: {  	p1 =	seq.s32 s10, $0x1;
	s10 =	sld [smem:$0x3FB8];
	_ =	sdelay $0x3  }
0x37: {  	[smem:$0x3FB8] =	sst s10  }
0x38: {  	s10 =	sld [smem:$0x3FB9]  }
0x39: {  	_ = 	snop;
	(pc) =	sbr.ind lr, $3  }
0x3a: {  	_ = 	snop  }
0x3b: {  	_ = 	snop  }
0x3c: {  	p2 =	seq.s32 s10, $0x1;
	s10 =	sld [smem:$0x3FB8]  }
0x3d: {  	_ =	shalt  }
0x3e: {  	_ =	shalt  }
0x3f: {  	_ =	shalt  }
0x40: {  	_ =	shalt  }
0x41: {  	_ =	shalt  }
0x42: {  	_ =	shalt  }
0x43: {  	_ =	shalt  }
0x44: {  	_ =	shalt  }
0x45: {  	_ =	shalt  }
0x46: {  	_ =	shalt  }
0x47: {  	_ =	shalt  }
0x48: {  	_ =	shalt  }
0x49: {  	_ =	shalt  }
0x4a: {  	_ =	shalt  }
0x4b: {  	_ =	shalt  }
0x4c: {  	_ =	shalt  }
0x4d: {  	_ =	shalt  }
0x4e: {  	_ =	shalt  }
0x4f: {  	_ =	shalt  }
0x50: {  	_ =	shalt  }
0x51: {  	_ =	shalt  }
0x52: {  	_ =	shalt  }
0x53: {  	_ =	shalt  }
0x54: {  	_ =	shalt  }
0x55: {  	_ =	shalt  }
0x56: {  	_ =	shalt  }
0x57: {  	_ =	shalt  }
0x58: {  	_ =	shalt  }
0x59: {  	_ =	shalt  }
0x5a: {  	_ =	shalt  }
0x5b: {  	_ =	shalt  }
0x5c: {  	_ =	shalt  }
0x5d: {  	_ =	shalt  }
0x5e: {  	_ =	shalt  }
0x5f: {  	_ =	shalt  }
0x60: {  	_ =	shalt  }
0x61: {  	_ =	shalt  }
0x62: {  	_ =	shalt  }
0x63: {  	_ =	shalt  }
0x64: {  	_ =	shalt  }
0x65: {  	_ =	shalt  }
0x66: {  	_ =	shalt  }
0x67: {  	_ =	shalt  }
0x68: {  	_ =	shalt  }
0x69: {  	_ =	shalt  }
0x6a: {  	_ =	shalt  }
0x6b: {  	_ =	shalt  }
0x6c: {  	_ =	shalt  }
0x6d: {  	_ =	shalt  }
0x6e: {  	_ =	shalt  }
0x6f: {  	_ =	shalt  }
0x70: {  	_ =	shalt  }
0x71: {  	_ =	shalt  }
0x72: {  	_ =	shalt  }
0x73: {  	_ =	shalt  }
0x74: {  	_ =	shalt  }
0x75: {  	_ =	shalt  }
0x76: {  	_ =	shalt  }
0x77: {  	_ =	shalt  }
0x78: {  	_ =	shalt  }
0x79: {  	_ =	shalt  }
0x7a: {  	_ =	shalt  }
0x7b: {  	_ =	shalt  }
0x7c: {  	_ =	shalt  }
0x7d: {  	_ =	shalt  }
0x7e: {  	_ =	shalt  }
0x7f: {  	_ =	shalt  }
0x80: {  	_ =	shalt  }
0x81: {  	_ =	shalt  }
0x82: {  	_ =	shalt  }
0x83: {  	_ =	shalt  }
0x84: {  	_ =	shalt  }
0x85: {  	_ =	shalt  }
0x86: {  	_ =	shalt  }
0x87: {  	_ =	shalt  }
.Lfunc_end0:
.L_simem_size_0:
called_computation_lowered:
.L_overlay_start_0:
0x88: {  	s2 =	sld [smem:$0x3FD9]  }
0x89: {  	s3 =	sld [smem:$0x3FFE];
	_ =	sdelay $0x1  }
0x8a: {  	s1 =	srdreg.scid  }
0x8b: {  	s0 =	sand.u32 $0x1, s1  }
0x8c: {  	s16 =	sshll.u32 s0, $0xA;
	s2 =	sadd.s32 s3, s2  }
0x8d: {  	s2 =	sadd.s32 s2, s16  }
0x8e: {  	[smem:$0x3FC4] =	sst s2  }
0x8f: {  	_ = 	snop  }
0x90: {  	(tm) =	ssettm $0x1  }
0x91: {  	s17 =	sld [smem:$0x3FFB];
	_ =	sdelay $0x3  }
0x92: {  	_ =	strace s17  }
0x93: {  	s2 =	sld [smem:$0x3FFC];
	_ =	sdelay $0x3  }
0x94: {  	_ =	strace s2  }
0x95: {  	s2 =	sld [smem:$0x3FFD];
	_ =	sdelay $0x3  }
0x96: {  	_ =	strace s2  }
0x97: {  	_ =	strace $0x8FFFFFFF  }
0x98: {  	s18 =	sld [smem:$0x3FDB];
	_ =	sdelay $0x1  }
0x99: {  	s19 =	simm.s32 $_scs_section_size  }
0x9a: {  	s4 =	simm.s32 $_size__tile_overlayer_lowered;
	s5 =	simm.s32 $_tile_overlayer_lowered  }
0x9b: {  	s22 =	simm.s32 $0x1BFF;
	s21 =	sshll.u32 s5, $0x1;
	s2 =	sadd.s32 s19, s18  }
0x9c: {  	s6 =	simm.s32 $0x0;
	s20 =	sshll.u32 s4, $0x1;
	s4 =	sadd.s32 s21, s2  }
0x9d: {  	[timem:s6], [sflag:s22] =	dma.local [hbm:s4], s20  }
0x9e: {  	_ =	swait.ge [sflag:s22], s20  }
0x9f: {  	s3 =	ssub.s32 $0x0, s20;
	[sflag:s22] =	ssyncset.done $0x0  }
0xa0: {  	[sflag:s22] =	ssyncadd.s32 s3;
	_ =	sdelay $0x1  }
0xa1: {  	s23 =	simm.s32 $0x1B8B  }
0xa2: {  	_ =	swait.ge [sflag:s23], $0x1  }
0xa3: {  	[sflag:s23] =	ssyncset.done $0x0  }
0xa4: {  	s25 =	simm.s32 $0x1B8E;
	s24 =	sld [smem:$0x3FFE];
	[sflag:s23] =	ssyncadd.s32 $0xFFFFFFFF  }
0xa5: {  	s26 =	simm.s32 $execute0_lowered;
	[smem:$0x3FD2] =	sst s25  }
0xa6: {  	s4 =	sshll.u32 s26, $0x1;
	_ =	strace $0x80000046;
	[dreg:$0x1] =	wrdreg $0xFFFFFFFF  }
0xa7: {  	s28 =	simm.s32 $_size_execute0_lowered;
	s2 =	sadd.s32 s2, s4;
	[dreg:$0x0] =	wrdreg $0x0  }
0xa8: {  	s4 =	sshll.u32 s28, $0x1;
	[dreg:$0x2] =	wrdreg s2  }
0xa9: {  	[dreg:$0x3] =	wrdreg s4  }
0xaa: {  	[dreg:$0x4] =	wrdreg $0xC0  }
0xab: {  	_ =	task [dreg:s6], $0x5FFFF  }
0xac: {  	[dreg:$0x1] =	wrdreg $0xFFFFFFFF  }
0xad: {  	[dreg:$0x0] =	wrdreg $0x60  }
0xae: {  	[dreg:$0x2] =	wrdreg s24  }
0xaf: {  	[dreg:$0x3] =	wrdreg $0x9  }
0xb0: {  	_ =	task.clear_ibuf [dreg:s6], $0x4FFFF;
	_ =	strace $0x90000046  }
0xb1: {  	s29 =	simm.s32 $0x9;
	_ =	strace $0x80000048  }
0xb2: {  	_ =	swait.ge [sflag:s29], $0x1  }
0xb3: {  	[sflag:s29] =	ssyncadd.s32 $0xFFFFFFFF  }
0xb4: {  	_ =	strace $0x90000048  }
0xb5: {  	_ =	sfence  }
0xb6: {  	s30 =	sld [smem:$0x0];
	_ =	sdelay $0x2  }
0xb7: {  	s31 =	sshll.u32 s1, $0xD;
	s1 =	sshrl.u32 s1, $0x2  }
0xb8: {  	s3 =	sand.u32 $0x4000, s31;
	s1 =	sadd.s32 s1, s30  }
0xb9: {  	s0 =	sor.u32 s3, s0;
	s1 =	sshll.u32 s1, $0x11  }
0xba: {  	s0 =	sor.u32 s1, s0  }
0xbb: {  	s0 =	sadd.s32 $0x8F2B, s0  }
0xbc: {  	[sflag:s0] =	ssyncadd.remote.s32 $0x1  }
0xbd: {  	_ =	sfence.sel $0xFFFF  }
0xbe: {  	[dreg:$0x0] =	wrdreg $0xFFFFFFFF;
	(pc) =	sbr.abs _section_cstart, $3  }
0xbf: {  	[dreg:$0x1] =	wrdreg $0xFFFFFFFF  }
0xc0: {  	_ =	task.clear_ibuf [dreg:s6], $0x2FFFF;
	_ =	strace $0x9FFFFFFF  }
0xc1: {  	(tm) =	ssettm $0x7FFFFFFF  }
tec
execute0_lowered:
.L_overlay_start_1:
0x0: {  	(tag) =	ssettag $0x1  }
0x1: {  	s1 =	stileid.u32  }
0x2: {  	p0 =	sgt.u32 s1, $0x7  }
.Ltmp0:
0x3: {  	_ = 	snop;
	(pc) =	sbr.rel @p0 .LBB2_9-.Ltmp0, $4  }
0x4: {  	_ = 	snop  }
0x5: {  	s7 =	rddreg [dreg:$0x0];
	s2 =	simm.s32 $0x0  }
0x6: {  	[smem:$0x7FF] =	sst s2  }
0x7: {  	s0 =	rddreg [dreg:$0x1];
	_ =	strace $0x80000047  }
0x8: {  	s3 =	srdreg.scid;
	s4 =	sshll.u32 s1, $0x1  }
0x9: {  	s5 =	sshrl.u32 s1, $0x2;
	s12 =	simm.s32 $0x5000;
	s13 =	simm.s32 $0xA000  }
0xa: {  	s14 =	simm.s32 $0x40000000;
	s15 =	simm.s32 $0xA100;
	s3 =	sand.u32 $0x1, s3  }
0xb: {  	s16 =	simm.s32 $0xA200;
	s17 =	simm.s32 $0x0;
	s4 =	sor.u32 s3, s4  }
0xc: {  	s8 =	smul.u32 $0x28000, s5;
	s5 =	sshll.u32 s5, $0xA;
	s6 =	sshll.u32 s4, $0x7  }
0xd: {  	s10 =	ssub.s32 $0x2, s3;
	s4 =	sshll.u32 s4, $0x5;
	s6 =	sand.u32 $0x380, s6  }
0xe: {  	s31 =	sshrl.u32 s10, $0x1;
	s8 =	sor.u32 s8, s6;
	s5 =	sor.u32 s5, s6  }
0xf: {  	s29 =	sadd.s32 s4, s7;
	s8 =	sshrl.u32 s8, $0x3;
	s30 =	sshrl.u32 s5, $0x3  }
0x10: {  	s5 =	sadd.s32 $0x14200, s29;
	s9 =	sadd.s32 s8, s7;
	s11 =	sadd.s32 s30, s7  }
0x11: {  	s7 =	sadd.s32 s7, s8;
	s3 =	sadd.s32 $0xA000, s9;
	s4 =	sadd.s32 $0x14000, s11  }
0x12: {  	s9 =	ssub.s32 s10, s31;
	s6 =	sadd.s32 $0x14400, s11;
	s10 =	simm.s32 $0x400  }
0x13: {  	v0 =	vimm.s32 $0x0;
	v1 =	vimm.f32 $0.0e+00;
	s11 =	simm.s32 $0x1;
	s8 =	smax.u32 s9, $0x1;
	s9 =	simm.s32 $0x80  }
.LBB2_2:
0x14: {  	s18 =	simm.s32 $0x0  }
0x15: {  	[tilespmem:s18], [sflag:$0x1] =	stream.strided.gather [hbm4b:s7+s9], $0x5000, s10, s9, $0x38;
	[tilespmem:$0xA280] =	vst v63  }
0x16: {  	_ =	swait.ge [sflag:s11], $0x5000  }
0x17: {  	[sflag:s11] =	ssyncset.done $0x0  }
0x18: {  	[sflag:s11] =	ssyncadd.s32 $0xFFFFB000  }
0x19: {  	[tilespmem:s12], [sflag:$0x1] =	stream.strided.gather [hbm4b:s3+s9], $0x5000, s10, s9, $0x38;
	[tilespmem:$0xA280] =	vst v63  }
0x1a: {  	_ =	swait.ge [sflag:s11], $0x5000  }
0x1b: {  	[sflag:s11] =	ssyncset.done $0x0  }
0x1c: {  	[sflag:s11] =	ssyncadd.s32 $0xFFFFB000  }
0x1d: {  	[tilespmem:s13], [sflag:$0x1] =	stream.linear.gather [hbm4b:s4+s18], $0x80, $0x38;
	[tilespmem:$0xA280] =	vst v63  }
0x1e: {  	_ =	swait.ge [sflag:s11], $0x80  }
0x1f: {  	[sflag:s11] =	ssyncset.done $0x0  }
0x20: {  	[sflag:s11] =	ssyncadd.s32 $0xFFFFFF80  }
0x21: {  	v2 =	vimm.s32 $0x0;
	v3 =	vld [tilespmem:$0xA000]  }
.LBB2_3:
0x22: {  	s20 =	simm.s32 $0x5040  }
0x23: {  	v6 =	vld [tilespmem:s20+$0xFFFFFFC0]  }
0x24: {  	v8 =	vld [tilespmem:s20+$0xFFFFFFD0]  }
0x25: {  	v9 =	vld [tilespmem:s20+$0xFFFFFFE0]  }
0x26: {  	s19 =	sshrl.u32 s14, s18;
	v7 =	vld [tilespmem:s20+$0xFFFFFFF0]  }
0x27: {  	v4 =	vadd.s32 s19, v2;
	v5 =	vld [tilespmem:s20+$0x0]  }
0x28: {  	vm0 =	vge.s32 v6, v4;
	v6 =	vld [tilespmem:s20+$0x10]  }
0x29: {  	v10 =	vimm.s32 $0x0;
	v11 =	vsel vm0, $0x1, v0;
	vm0 =	vge.s32 v8, v4;
	v8 =	vld [tilespmem:s20+$0x20]  }
0x2a: {  	s19 =	simm.s32 $0x0;
	v10 =	vadd.s32 v11, v10;
	v11 =	vsel vm0, $0x1, v0;
	vm0 =	vge.s32 v9, v4;
	v9 =	vld [tilespmem:s20+$0x30];
	s20 =	simm.s32 $0x50C0  }
.LBB2_4:
0x2b: {  	v12 =	vld [tilespmem:s20+$0xFFFFFFC0];
	s19 =	sadd.s32 $0x8, s19;
	v10 =	vadd.s32 v11, v10;
	v11 =	vsel vm0, $0x1, v0;
	vm0 =	vge.s32 v7, v4  }
0x2c: {  	v13 =	vld [tilespmem:s20+$0xFFFFFFD0];
	p0 =	slt.u32 s19, $0x4F8;
	v7 =	vadd.s32 v11, v10;
	v10 =	vsel vm0, $0x1, v0;
	vm0 =	vge.s32 v5, v4  }
0x2d: {  	v14 =	vld [tilespmem:s20+$0xFFFFFFE0];
	v5 =	vadd.s32 v10, v7;
	v10 =	vsel vm0, $0x1, v0;
	vm0 =	vge.s32 v6, v4  }
.Ltmp1:
0x2e: {  	v7 =	vld [tilespmem:s20+$0xFFFFFFF0];
	v6 =	vadd.s32 v10, v5;
	v10 =	vsel vm0, $0x1, v0;
	vm0 =	vge.s32 v8, v4;
	(pc) =	sbr.rel @p0 .LBB2_4-.Ltmp1, $4  }
0x2f: {  	v5 =	vld [tilespmem:s20+$0x0];
	v8 =	vadd.s32 v10, v6;
	v10 =	vsel vm0, $0x1, v0;
	vm0 =	vge.s32 v9, v4  }
0x30: {  	vm1 =	vge.s32 v12, v4;
	v6 =	vld [tilespmem:s20+$0x10];
	v9 =	vadd.s32 v10, v8;
	v10 =	vsel vm0, $0x1, v0  }
0x31: {  	v11 =	vsel vm1, $0x1, v0;
	vm0 =	vge.s32 v13, v4;
	v8 =	vld [tilespmem:s20+$0x20];
	v9 =	vadd.s32 v10, v9  }
0x32: {  	v10 =	vadd.s32 v11, v9;
	v11 =	vsel vm0, $0x1, v0;
	vm0 =	vge.s32 v14, v4;
	v9 =	vld [tilespmem:s20+$0x30];
	s20 =	sadd.s32 $0x80, s20  }
0x33: {  	v10 =	vadd.s32 v11, v10;
	v54 =	vsel vm0, $0x1, v0;
	vm10 =	vge.s32 v7, v4  }
0x34: {  	v55 =	vadd.s32 v54, v10;
	v56 =	vsel vm10, $0x1, v0;
	vm11 =	vge.s32 v5, v4  }
0x35: {  	v5 =	vadd.s32 v56, v55;
	v57 =	vsel vm11, $0x1, v0;
	vm12 =	vge.s32 v6, v4  }
0x36: {  	v5 =	vadd.s32 v57, v5;
	v6 =	vsel vm12, $0x1, v0;
	vm13 =	vge.s32 v8, v4  }
0x37: {  	v5 =	vadd.s32 v6, v5;
	v58 =	vsel vm13, $0x1, v0;
	vm14 =	vge.s32 v9, v4  }
0x38: {  	v5 =	vadd.s32 v58, v5;
	v59 =	vsel vm14, $0x1, v0  }
0x39: {  	v5 =	vadd.s32 v59, v5  }
0x3a: {  	[tilespmem:$0xA080] =	vst v5  }
0x3b: {  	[tilespmem:$0xA090] =	vst v5  }
0x3c: {  	v60 =	vld [tilespmem:$0xA088];
	_ =	sdelay $0x4  }
0x3d: {  	v5 =	vadd.s32 v5, v60  }
0x3e: {  	[tilespmem:$0xA080] =	vst v5  }
0x3f: {  	[tilespmem:$0xA090] =	vst v5  }
0x40: {  	v61 =	vld [tilespmem:$0xA084];
	_ =	sdelay $0x4  }
0x41: {  	v5 =	vadd.s32 v5, v61  }
0x42: {  	[tilespmem:$0xA080] =	vst v5  }
0x43: {  	[tilespmem:$0xA090] =	vst v5  }
0x44: {  	v62 =	vld [tilespmem:$0xA082];
	_ =	sdelay $0x4  }
0x45: {  	v5 =	vadd.s32 v5, v62  }
0x46: {  	[tilespmem:$0xA080] =	vst v5  }
0x47: {  	[tilespmem:$0xA090] =	vst v5  }
0x48: {  	v63 =	vld [tilespmem:$0xA081]  }
0x49: {  	s18 =	sadd.s32 $0x1, s18  }
0x4a: {  	p0 =	sne.s32 s18, $0x1F  }
.Ltmp2:
0x4b: {  	_ = 	snop;
	(pc) =	sbr.rel @p0 .LBB2_3-.Ltmp2, $4  }
0x4c: {  	_ = 	snop  }
0x4d: {  	v5 =	vadd.s32 v5, v63  }
0x4e: {  	vm15 =	vlt.s32 v5, v3  }
0x4f: {  	v2 =	vsel vm15, v2, v4  }
0x50: {  	s19 =	simm.s32 $0x5040  }
0x51: {  	s18 =	simm.s32 $0x40;
	v3 =	vld [tilespmem:s19+$0xFFFFFFC0]  }
0x52: {  	v4 =	vld [tilespmem:s18+$0xFFFFFFC0]  }
0x53: {  	v5 =	vld [tilespmem:s19+$0xFFFFFFD0]  }
0x54: {  	v6 =	vld [tilespmem:s18+$0xFFFFFFD0]  }
0x55: {  	v7 =	vld [tilespmem:s19+$0xFFFFFFE0]  }
0x56: {  	vm0 =	vgt.s32 v3, v2;
	v3 =	vld [tilespmem:s18+$0xFFFFFFE0]  }
0x57: {  	v8 =	vimm.f32 $0.0e+00;
	v10 =	vld [tilespmem:s19+$0xFFFFFFF0];
	v4 =	vnsel vm0, $0x0, v4;
	v9 =	vsel vm0, $0x3F800000, v1  }
0x58: {  	vm0 =	vgt.s32 v5, v2;
	v4 =	vadd.f32 v4, v8;
	v8 =	vadd.f32 v9, v8;
	v9 =	vld [tilespmem:s18+$0xFFFFFFF0]  }
0x59: {  	v11 =	vld [tilespmem:s19+$0x0];
	v5 =	vnsel vm0, $0x0, v6;
	v6 =	vsel vm0, $0x3F800000, v1  }
0x5a: {  	vm0 =	vgt.s32 v7, v2;
	v7 =	vld [tilespmem:s18+$0x0];
	v4 =	vadd.f32 v5, v4;
	v5 =	vadd.f32 v6, v8  }
0x5b: {  	v12 =	vld [tilespmem:s19+$0x10];
	v6 =	vsel vm0, $0x3F800000, v1;
	v3 =	vnsel vm0, $0x0, v3  }
0x5c: {  	vm0 =	vgt.s32 v10, v2;
	v4 =	vadd.f32 v3, v4;
	v6 =	vadd.f32 v6, v5;
	v5 =	vld [tilespmem:s18+$0x10]  }
0x5d: {  	v3 =	vld [tilespmem:s19+$0x20];
	v8 =	vnsel vm0, $0x0, v9;
	v9 =	vsel vm0, $0x3F800000, v1  }
0x5e: {  	vm0 =	vgt.s32 v11, v2;
	v8 =	vadd.f32 v8, v4;
	v10 =	vadd.f32 v9, v6;
	v6 =	vld [tilespmem:s18+$0x20]  }
0x5f: {  	v7 =	vnsel vm0, $0x0, v7;
	v11 =	vsel vm0, $0x3F800000, v1;
	v4 =	vld [tilespmem:s19+$0x30]  }
0x60: {  	s20 =	simm.s32 $0x50C0;
	s19 =	simm.s32 $0x0;
	vm0 =	vgt.s32 v12, v2;
	v9 =	vadd.f32 v7, v8;
	v8 =	vadd.f32 v11, v10;
	v7 =	vld [tilespmem:s18+$0x30]  }
.LBB2_7:
0x61: {  	v10 =	vld [tilespmem:s20+$0xFFFFFFC0];
	s19 =	sadd.s32 $0x8, s19;
	v5 =	vnsel vm0, $0x0, v5;
	v11 =	vsel vm0, $0x3F800000, v1;
	s18 =	sadd.s32 $0x80, s18  }
0x62: {  	v12 =	vld [tilespmem:s18+$0xFFFFFFC0];
	p0 =	slt.u32 s19, $0x4F8;
	v5 =	vadd.f32 v5, v9;
	v8 =	vadd.f32 v11, v8;
	vm0 =	vgt.s32 v3, v2  }
0x63: {  	v3 =	vld [tilespmem:s20+$0xFFFFFFD0];
	v6 =	vnsel vm0, $0x0, v6;
	v9 =	vsel vm0, $0x3F800000, v1  }
0x64: {  	v11 =	vld [tilespmem:s18+$0xFFFFFFD0];
	v5 =	vadd.f32 v6, v5;
	v6 =	vadd.f32 v9, v8;
	vm0 =	vgt.s32 v4, v2  }
0x65: {  	v4 =	vld [tilespmem:s20+$0xFFFFFFE0];
	v7 =	vnsel vm0, $0x0, v7;
	v8 =	vsel vm0, $0x3F800000, v1  }
0x66: {  	vm0 =	vgt.s32 v10, v2;
	v9 =	vld [tilespmem:s18+$0xFFFFFFE0];
	v5 =	vadd.f32 v7, v5;
	v6 =	vadd.f32 v8, v6  }
0x67: {  	v7 =	vnsel vm0, $0x0, v12;
	v8 =	vsel vm0, $0x3F800000, v1;
	v10 =	vld [tilespmem:s20+$0xFFFFFFF0]  }
0x68: {  	v5 =	vadd.f32 v7, v5;
	v6 =	vadd.f32 v8, v6;
	vm0 =	vgt.s32 v3, v2;
	v3 =	vld [tilespmem:s18+$0xFFFFFFF0]  }
0x69: {  	v7 =	vnsel vm0, $0x0, v11;
	v8 =	vsel vm0, $0x3F800000, v1;
	v11 =	vld [tilespmem:s20+$0x0]  }
0x6a: {  	v5 =	vadd.f32 v7, v5;
	v6 =	vadd.f32 v8, v6;
	vm0 =	vgt.s32 v4, v2;
	v4 =	vld [tilespmem:s18+$0x0]  }
0x6b: {  	v7 =	vnsel vm0, $0x0, v9;
	v8 =	vsel vm0, $0x3F800000, v1;
	v12 =	vld [tilespmem:s20+$0x10]  }
.Ltmp3:
0x6c: {  	v7 =	vadd.f32 v7, v5;
	v6 =	vadd.f32 v8, v6;
	vm0 =	vgt.s32 v10, v2;
	v5 =	vld [tilespmem:s18+$0x10];
	(pc) =	sbr.rel @p0 .LBB2_7-.Ltmp3, $4  }
0x6d: {  	v8 =	vnsel vm0, $0x0, v3;
	v9 =	vsel vm0, $0x3F800000, v1;
	v3 =	vld [tilespmem:s20+$0x20]  }
0x6e: {  	v7 =	vadd.f32 v8, v7;
	v8 =	vadd.f32 v9, v6;
	vm0 =	vgt.s32 v11, v2;
	v6 =	vld [tilespmem:s18+$0x20]  }
0x6f: {  	v9 =	vnsel vm0, $0x0, v4;
	v10 =	vsel vm0, $0x3F800000, v1;
	v4 =	vld [tilespmem:s20+$0x30]  }
0x70: {  	s20 =	sadd.s32 $0x80, s20;
	v9 =	vadd.f32 v9, v7;
	v8 =	vadd.f32 v10, v8;
	vm0 =	vgt.s32 v12, v2;
	v7 =	vld [tilespmem:s18+$0x30]  }
0x71: {  	v5 =	vnsel vm0, $0x0, v5  }
0x72: {  	v10 =	vsel vm0, $0x3F800000, v1;
	v5 =	vadd.f32 v5, v9;
	vm14 =	vgt.s32 v3, v2  }
0x73: {  	v3 =	vadd.f32 v10, v8;
	v6 =	vnsel vm14, $0x0, v6  }
0x74: {  	v62 =	vsel vm14, $0x3F800000, v1;
	v5 =	vadd.f32 v6, v5;
	vm15 =	vgt.s32 v4, v2  }
0x75: {  	v3 =	vadd.f32 v62, v3;
	v4 =	vnsel vm15, $0x0, v7  }
0x76: {  	v63 =	vsel vm15, $0x3F800000, v1;
	v4 =	vadd.f32 v4, v5  }
0x77: {  	[tilespmem:$0xA200] =	vst v2;
	v3 =	vadd.f32 v63, v3  }
0x78: {  	[tilespmem:$0xA100] =	vst v4  }
0x79: {  	[tilespmem:$0xA180] =	vst v3  }
0x7a: {  	[hbm4b:s5+s2] =	stream.linear.scatter [tilespmem:s15], [sflag:$0x1], $0x100, $0x38;
	[tilespmem:$0xA280] =	vst v63  }
0x7b: {  	s17 =	sadd.s32 $0x1, s17;
	_ =	swait.ge [sflag:s11], $0x100  }
0x7c: {  	p0 =	sne.s32 s17, s8;
	[sflag:s11] =	ssyncset.done $0x0  }
.Ltmp4:
0x7d: {  	[sflag:s11] =	ssyncadd.s32 $0xFFFFFF00;
	(pc) =	sbr.rel @p0 .LBB2_2-.Ltmp4, $4  }
0x7e: {  	[hbm4b:s6+s2] =	stream.linear.scatter [tilespmem:s16], [sflag:$0x1], $0x80, $0x38;
	[tilespmem:$0xA280] =	vst v63  }
0x7f: {  	_ =	swait.ge [sflag:s11], $0x80  }
0x80: {  	[sflag:s11] =	ssyncset.done $0x0  }
0x81: {  	[sflag:s11] =	ssyncadd.s32 $0xFFFFFF80  }
.LBB2_9:
0x82: {  	_ =	sfence.sel $0x180000  }
0x83: {  	[bflag:$0x0] =	sbarrier.arrive $0xFFFF  }
0x84: {  	p0 =	sne.s32 s1, $0x0;
	_ =	strace $0x90000047  }
0x85: {  	s0 =	sadd.s32 @!p0 $0x100000, s0;
	[bflag:$0x2] =	sbarrier.arrive $0xFFFF  }
0x86: {  	[sflag:s0] =	ssyncadd.tile.s32 @!p0 $0x1;
	_ =	shalt  }
.Lfunc_end2:
_tile_overlayer_lowered:
.L_overlay_start_2:
0x87: {  	(tag) =	ssettag $0x2  }
0x88: {  	s0 =	rddreg [dreg:$0x0];
	s2 =	stileid.u32  }
0x89: {  	s1 =	rddreg [dreg:$0x1];
	p0 =	sne.s32 s2, $0x0  }
0x8a: {  	s3 =	rddreg [dreg:$0x2];
	[bflag:$0x3] =	sbarrier.arrive $0xFFFF;
	s2 =	simm.s32 @!p0 $0x1C01  }
0x8b: {  	[timem:s3], [sflag:s2] =	dma.local @!p0 [hbm:s0], s1  }
0x8c: {  	s0 =	simm.s32 @!p0 $0x1  }
0x8d: {  	_ =	swait.ge @!p0 [sflag:s0], s1  }
0x8e: {  	s1 =	ssub.s32 @!p0 $0x0, s1;
	[sflag:s0] =	ssyncset.done @!p0 $0x0  }
0x8f: {  	[sflag:s0] =	ssyncadd.s32 @!p0 s1  }
0x90: {  	[bflag:$0x3] =	sbarrier.arrive $0xFFFF  }
0x91: {  	_ =	shalt  }

</sc_bundles>
